<compile_context>
chip_gen: v7x
topology: tpu7x:2x2x1
jax: 0.10.2.dev20260603
libtpu: 0.0.44.dev20260713+nightly
codegen_flags: <defaults>
</compile_context>

<pallas_src>
import jax
import jax.numpy as jnp
from jax import lax
from jax.experimental import pallas as pl
from jax.experimental.pallas import tpu as pltpu
from jax.experimental.pallas import tpu_sc as plsc

N = 10000
E = 320000
D = 128
H = 4
C = 32
NEG_SLOPE = 0.2
BN_EPS = 1e-5

_ROWS = 400
_NW = 32
_EP = 331776
_BAA = 128
_NBA = _EP // (_NW * _BAA)
_BC = 128
_NBC = _EP // (_NW * _BC)
_BB = 128
_NBB = _EP // (_NW * _BB)
_NPAD = N + 16
_NTAB = 10240
_TROWS = _NTAB // 16
_SC_MESH = dict(core_axis_name="c", subcore_axis_name="s")
_SC_PARAMS = pltpu.CompilerParams(needs_layout_passes=False)


def _pass_a_body(src_hbm, dst_hbm, xl_hbm, xr_hbm, att_hbm,
                 alpha_hbm, tmax_hbm,
                 att_v, sidx, didx, xlrows, xrrows, abuf, sem1, sem2):
    wid = lax.axis_index("s") * 2 + lax.axis_index("c")
    pltpu.sync_copy(att_hbm, att_v)
    lanes = lax.iota(jnp.int32, 16)
    rbase = lanes >> 2
    cbase = (lanes & 3) << 5
    att_c = [plsc.load_gather(att_v, [cbase + c]) for c in range(C)]

    def batch_body(b, mx):
        base = (wid * _NBA + b) * _BAA
        pltpu.sync_copy(src_hbm.at[pl.ds(base, _BAA)], sidx)
        pltpu.sync_copy(dst_hbm.at[pl.ds(base, _BAA)], didx)
        cp1 = pltpu.async_copy(xl_hbm.at[sidx], xlrows, sem1)
        cp2 = pltpu.async_copy(xr_hbm.at[didx], xrrows, sem2)
        cp1.wait()
        cp2.wait()

        def group_body(g, mx):
            row = rbase + g * 4
            acc = jnp.zeros((16,), jnp.float32)
            for c in range(C):
                col = cbase + c
                v = (plsc.load_gather(xlrows, [row, col])
                     + plsc.load_gather(xrrows, [row, col]))
                t = jnp.maximum(v, v * NEG_SLOPE)
                acc = acc + t * att_c[c]
            abuf[pl.ds(g * 16, 16)] = acc
            return jnp.maximum(mx, acc)

        mx = lax.fori_loop(0, _BAA // 4, group_body, mx)
        pltpu.sync_copy(abuf, alpha_hbm.at[pl.ds(base * 4, _BAA * 4)])
        return mx

    mx = lax.fori_loop(0, _NBA, batch_body,
                       jnp.full((16,), -3e38, jnp.float32))
    abuf[pl.ds(0, 16)] = mx
    pltpu.sync_copy(abuf.at[pl.ds(0, 16)], tmax_hbm.at[pl.ds(wid * 16, 16)])


def _pass_a(src, dst, xl, xr_pad, att_flat):
    return pl.kernel(
        _pass_a_body,
        out_type=[
            jax.ShapeDtypeStruct((_EP * 4,), jnp.float32),
            jax.ShapeDtypeStruct((_NW * 16,), jnp.float32),
        ],
        mesh=plsc.VectorSubcoreMesh(**_SC_MESH),
        compiler_params=_SC_PARAMS,
        scratch_types=[
            pltpu.VMEM((H * C,), jnp.float32),
            pltpu.VMEM((_BAA,), jnp.int32),
            pltpu.VMEM((_BAA,), jnp.int32),
            pltpu.VMEM((_BAA, D), jnp.float32),
            pltpu.VMEM((_BAA, D), jnp.float32),
            pltpu.VMEM((_BAA * 4,), jnp.float32),
            pltpu.SemaphoreType.DMA,
            pltpu.SemaphoreType.DMA,
        ],
    )(src, dst, xl, xr_pad, att_flat)


def _pass_b_body(dst_hbm, alpha_hbm, gmax_hbm, paytpl_hbm, zrows_hbm,
                 den_hbm,
                 gv, didx, abuf, pay, den_sh, sem):
    cid = lax.axis_index("c")
    sid = lax.axis_index("s")
    wid = sid * 2 + cid
    pltpu.sync_copy(gmax_hbm, gv)
    pltpu.sync_copy(paytpl_hbm, pay)
    pltpu.sync_copy(zrows_hbm, den_sh.at[pl.ds(sid * _TROWS, _TROWS)])
    plsc.subcore_barrier()
    lanes = lax.iota(jnp.int32, 16)
    rbase = lanes >> 2
    cols = lanes & 3
    g = gv[...]

    def batch_body(b, _):
        base = (wid * _NBB + b) * _BB
        pltpu.sync_copy(dst_hbm.at[pl.ds(base, _BB)], didx)
        pltpu.sync_copy(alpha_hbm.at[pl.ds(base * 4, _BB * 4)], abuf)
        for j in range(_BB // 4):
            a = abuf[pl.ds(j * 16, 16)]
            p = jnp.exp(a - g)
            plsc.store_scatter(pay, [rbase + 4 * j, cols], p)
        pltpu.sync_copy(pay, den_sh.at[didx], add=True)
        return 0

    lax.fori_loop(0, _NBB, batch_body, 0)
    plsc.subcore_barrier()
    pltpu.sync_copy(den_sh.at[pl.ds(sid * _TROWS, _TROWS)],
                    den_hbm.at[cid, pl.ds(sid * _TROWS, _TROWS)])


def _pass_b(dst, alpha_flat, gmax16, paytpl, zrows):
    return pl.kernel(
        _pass_b_body,
        out_type=[jax.ShapeDtypeStruct((2, _NTAB, D), jnp.float32)],
        mesh=plsc.VectorSubcoreMesh(**_SC_MESH),
        compiler_params=_SC_PARAMS,
        scratch_types=[
            pltpu.VMEM((16,), jnp.float32),
            pltpu.VMEM((_BB,), jnp.int32),
            pltpu.VMEM((_BB * 4,), jnp.float32),
            pltpu.VMEM((_BB, D), jnp.float32),
            pltpu.VMEM_SHARED((_NTAB, D), jnp.float32),
            pltpu.SemaphoreType.DMA,
        ],
    )(dst, alpha_flat, gmax16, paytpl, zrows)[0]


def _pass_c1_body(src_hbm, dst_hbm, alpha_hbm, gmax_hbm, xl_hbm, zrows_hbm,
                  acc_hbm,
                  gv, sidx, didx, abuf, wbuf, xlrows, contrib, acc_sh, sem):
    cid = lax.axis_index("c")
    sid = lax.axis_index("s")
    wid = sid * 2 + cid
    pltpu.sync_copy(gmax_hbm, gv)
    pltpu.sync_copy(zrows_hbm, acc_sh.at[pl.ds(sid * _TROWS, _TROWS)])
    plsc.subcore_barrier()
    g = gv[...]

    def batch_body(b, _):
        base = (wid * _NBC + b) * _BC
        pltpu.sync_copy(src_hbm.at[pl.ds(base, _BC)], sidx)
        pltpu.sync_copy(dst_hbm.at[pl.ds(base, _BC)], didx)
        pltpu.sync_copy(alpha_hbm.at[pl.ds(base * 4, _BC * 4)], abuf)
        cp = pltpu.async_copy(xl_hbm.at[sidx], xlrows, sem)
        for j in range(_BC // 4):
            a = abuf[pl.ds(j * 16, 16)]
            wbuf[pl.ds(j * 16, 16)] = jnp.exp(a - g)
        cp.wait()

        def edge_body(e, _):
            for jh in range(4):
                wsp = plsc.load_gather(
                    wbuf, [jnp.full((16,), e * 4 + jh, jnp.int32)])
                for k in range(2):
                    j = jh * 2 + k
                    xlv = xlrows[e, pl.ds(j * 16, 16)]
                    contrib[e, pl.ds(j * 16, 16)] = xlv * wsp
            return 0

        lax.fori_loop(0, _BC, edge_body, 0)
        pltpu.sync_copy(contrib, acc_sh.at[didx], add=True)
        return 0

    lax.fori_loop(0, _NBC, batch_body, 0)
    plsc.subcore_barrier()
    pltpu.sync_copy(acc_sh.at[pl.ds(sid * _TROWS, _TROWS)],
                    acc_hbm.at[cid, pl.ds(sid * _TROWS, _TROWS)])


def _pass_c1(src, dst, alpha_flat, gmax16, xl, zrows):
    return pl.kernel(
        _pass_c1_body,
        out_type=[jax.ShapeDtypeStruct((2, _NTAB, D), jnp.float32)],
        mesh=plsc.VectorSubcoreMesh(**_SC_MESH),
        compiler_params=_SC_PARAMS,
        scratch_types=[
            pltpu.VMEM((16,), jnp.float32),
            pltpu.VMEM((_BC,), jnp.int32),
            pltpu.VMEM((_BC,), jnp.int32),
            pltpu.VMEM((_BC * 4,), jnp.float32),
            pltpu.VMEM((_BC * 4,), jnp.float32),
            pltpu.VMEM((_BC, D), jnp.float32),
            pltpu.VMEM((_BC, D), jnp.float32),
            pltpu.VMEM_SHARED((_NTAB, D), jnp.float32),
            pltpu.SemaphoreType.DMA,
        ],
    )(src, dst, alpha_flat, gmax16, xl, zrows)[0]


def _pass_c2_body(src_hbm, dst_hbm, xws_hbm, zrows_hbm,
                  acc_hbm,
                  sidx_a, didx_a, sidx_b, didx_b, bufa, bufb, acc_sh,
                  sema, semb):
    cid = lax.axis_index("c")
    sid = lax.axis_index("s")
    wid = sid * 2 + cid
    pltpu.sync_copy(zrows_hbm, acc_sh.at[pl.ds(sid * _TROWS, _TROWS)])
    plsc.subcore_barrier()

    def load_idx(b, s_ref, d_ref):
        base = (wid * _NBA + b) * _BAA
        pltpu.sync_copy(src_hbm.at[pl.ds(base, _BAA)], s_ref)
        pltpu.sync_copy(dst_hbm.at[pl.ds(base, _BAA)], d_ref)

    load_idx(0, sidx_a, didx_a)
    pltpu.async_copy(xws_hbm.at[sidx_a], bufa, sema)

    def pair_body(i, _):
        load_idx(2 * i + 1, sidx_b, didx_b)
        cpb = pltpu.async_copy(xws_hbm.at[sidx_b], bufb, semb)
        pltpu.make_async_copy(xws_hbm.at[sidx_a], bufa, sema).wait()
        pltpu.sync_copy(bufa, acc_sh.at[didx_a], add=True)
        load_idx(2 * i + 2, sidx_a, didx_a)
        pltpu.async_copy(xws_hbm.at[sidx_a], bufa, sema)
        cpb.wait()
        pltpu.sync_copy(bufb, acc_sh.at[didx_b], add=True)
        return 0

    lax.fori_loop(0, (_NBA - 1) // 2, pair_body, 0)
    pltpu.make_async_copy(xws_hbm.at[sidx_a], bufa, sema).wait()
    pltpu.sync_copy(bufa, acc_sh.at[didx_a], add=True)
    plsc.subcore_barrier()
    pltpu.sync_copy(acc_sh.at[pl.ds(sid * _TROWS, _TROWS)],
                    acc_hbm.at[cid, pl.ds(sid * _TROWS, _TROWS)])


def _pass_c2(src, dst, xws, zrows):
    return pl.kernel(
        _pass_c2_body,
        out_type=[jax.ShapeDtypeStruct((2, _NTAB, D), jnp.float32)],
        mesh=plsc.VectorSubcoreMesh(**_SC_MESH),
        compiler_params=_SC_PARAMS,
        scratch_types=[
            pltpu.VMEM((_BAA,), jnp.int32),
            pltpu.VMEM((_BAA,), jnp.int32),
            pltpu.VMEM((_BAA,), jnp.int32),
            pltpu.VMEM((_BAA,), jnp.int32),
            pltpu.VMEM((_BAA, D), jnp.float32),
            pltpu.VMEM((_BAA, D), jnp.float32),
            pltpu.VMEM_SHARED((_NTAB, D), jnp.float32),
            pltpu.SemaphoreType.DMA,
            pltpu.SemaphoreType.DMA,
        ],
    )(src, dst, xws, zrows)[0]


def _wtab_body(d0_ref, d1_ref, xw_ref, w_ref, xws_ref):
    d = d0_ref[...] + d1_ref[...]
    invd = 1.0 / (d[:, :4] + 1e-16)
    deg = d[:, 4:5]
    dinv = jnp.where(deg > 0, jax.lax.rsqrt(jnp.maximum(deg, 1e-30)), 0.0)
    w_ref[...] = jnp.concatenate(
        [invd, dinv, jnp.zeros((d.shape[0], 11), jnp.float32)], axis=1)
    xws_ref[...] = xw_ref[...] * dinv


def _wtab(den, xw_pad):
    blk = 640
    row16 = pl.BlockSpec((blk, 16), lambda i: (i, 0))
    rowd = pl.BlockSpec((blk, D), lambda i: (i, 0))
    return pl.pallas_call(
        _wtab_body,
        grid=(_NTAB // blk,),
        in_specs=[pl.BlockSpec((blk, D), lambda i: (i, 0)),
                  pl.BlockSpec((blk, D), lambda i: (i, 0)),
                  rowd],
        out_specs=[row16, rowd],
        out_shape=[jax.ShapeDtypeStruct((_NTAB, 16), jnp.float32),
                   jax.ShapeDtypeStruct((_NTAB, D), jnp.float32)],
    )(den[0], den[1], xw_pad)


def _proj_body(x_ref, w_ref, xl_ref, xr_ref, xw_ref):
    y = jnp.dot(x_ref[...], w_ref[...], preferred_element_type=jnp.float32)
    xl_ref[...] = y[:, :D]
    xr_ref[...] = y[:, D:2 * D]
    xw_ref[...] = y[:, 2 * D:]


def _projections(x, W_l, W_r, W_gcn):
    wcat = jnp.concatenate([W_l, W_r, W_gcn], axis=1)
    grid = N // _ROWS
    row = pl.BlockSpec((_ROWS, D), lambda i: (i, 0))
    return pl.pallas_call(
        _proj_body,
        grid=(grid,),
        in_specs=[row, pl.BlockSpec((D, 3 * D), lambda i: (0, 0))],
        out_specs=[row, row, row],
        out_shape=[jax.ShapeDtypeStruct((N, D), jnp.float32)] * 3,
    )(x, wcat)


def _final_body(a0_ref, a1_ref, b0_ref, b1_ref, x_ref, w_ref,
                scale_ref, shift_ref, o_ref):
    rows = a0_ref.shape[0]
    w = w_ref[...]
    winv = jnp.reshape(
        jnp.broadcast_to(w[:, :4, None], (rows, 4, C)), (rows, D))
    dinv = w[:, 4:5]
    gat = (a0_ref[...] + a1_ref[...]) * winv
    gcn = (b0_ref[...] + b1_ref[...]) * dinv
    y = (gat + gcn + x_ref[...]) * scale_ref[...] + shift_ref[...]
    o_ref[...] = jnp.where(y > 0, y, jnp.exp(jnp.minimum(y, 0.0)) - 1.0)


def _final(acc_a, acc_b, x, wtab, scale, shift):
    grid = N // _ROWS
    row = pl.BlockSpec((_ROWS, D), lambda i: (i, 0))
    row16 = pl.BlockSpec((_ROWS, 16), lambda i: (i, 0))
    vec = pl.BlockSpec((1, D), lambda i: (0, 0))
    return pl.pallas_call(
        _final_body,
        grid=(grid,),
        in_specs=[row, row, row, row, row, row16, vec, vec],
        out_specs=row,
        out_shape=jax.ShapeDtypeStruct((N, D), jnp.float32),
    )(acc_a[0, :N], acc_a[1, :N], acc_b[0, :N], acc_b[1, :N], x,
      wtab[:N], scale.reshape(1, D), shift.reshape(1, D))


def kernel(x, edge_index, W_l, W_r, att, b_gat, W_gcn, b_gcn, gamma, beta):
    ne = E + N
    loops = jnp.arange(N, dtype=jnp.int32)
    src = jnp.concatenate([edge_index[0].astype(jnp.int32), loops,
                           jnp.zeros((_EP - ne,), jnp.int32)])
    dst = jnp.concatenate([edge_index[1].astype(jnp.int32), loops,
                           jnp.full((_EP - ne,), N, jnp.int32)])

    xl, xr, xw = _projections(x, W_l, W_r, W_gcn)
    zpad = jnp.zeros((_NPAD - N, D), jnp.float32)
    xr_pad = jnp.concatenate([xr, zpad])

    alpha_flat, tmax = _pass_a(src, dst, xl, xr_pad, att.reshape(H * C))
    gmax16 = jnp.full((16,), jnp.max(tmax), jnp.float32)

    paytpl = jnp.zeros((_BB, D), jnp.float32).at[:, 4].set(1.0)
    zrows = jnp.zeros((_TROWS, D), jnp.float32)
    den = _pass_b(dst, alpha_flat, gmax16, paytpl, zrows)

    xw_tab = jnp.concatenate([xw, jnp.zeros((_NTAB - N, D), jnp.float32)])
    wtab, xws_tab = _wtab(den, xw_tab)
    xws = xws_tab[:_NPAD]

    acc_a = _pass_c1(src, dst, alpha_flat, gmax16, xl, zrows)
    acc_b = _pass_c2(src, dst, xws, zrows)

    scale = gamma * jax.lax.rsqrt(jnp.float32(1.0 + BN_EPS))
    shift = (b_gat + b_gcn) * scale + beta
    return _final(acc_a, acc_b, x, wtab, scale, shift)

# --- scband reference (transcript-rebuilt; emitter-appended) ---
"""Pipeline reference for scband-graph-block-52158082842829 (READ-ONLY COPY).

The authoritative reference and input builder live on the scoring server;
editing this copy changes nothing except your own understanding.
"""

import jax, jax.numpy as jnp
import numpy as np

N = 10000
E = 320000
D = 128
H = 4
C = 32  # out_dim // heads
NEG_SLOPE = 0.2
BN_EPS = 1e-5


def setup_inputs(seed: int = 0) -> dict:
    key = jax.random.key(seed)
    ks = jax.random.split(key, 12)
    x = jax.random.normal(ks[0], (N, D), dtype=jnp.float32)
    edge_index = jax.random.randint(ks[1], (2, E), 0, N).astype(jnp.int64)
    s = 1.0 / np.sqrt(D)
    W_l = jax.random.normal(ks[2], (D, H * C), dtype=jnp.float32) * s
    W_r = jax.random.normal(ks[3], (D, H * C), dtype=jnp.float32) * s
    att = jax.random.normal(ks[4], (H, C), dtype=jnp.float32) * (1.0 / np.sqrt(C))
    b_gat = jnp.zeros((H * C,), dtype=jnp.float32)
    W_gcn = jax.random.normal(ks[5], (D, D), dtype=jnp.float32) * s
    b_gcn = jnp.zeros((D,), dtype=jnp.float32)
    gamma = jnp.ones((D,), dtype=jnp.float32)
    beta = jnp.zeros((D,), dtype=jnp.float32)
    return {"x": x, "edge_index": edge_index, "W_l": W_l, "W_r": W_r,
            "att": att, "b_gat": b_gat, "W_gcn": W_gcn, "b_gcn": b_gcn,
            "gamma": gamma, "beta": beta}


def _forward(x, src, dst, W_l, W_r, att, b_gat, W_gcn, b_gcn, gamma, beta):
    n = x.shape[0]
    # ---- GATv2Conv (heads=H, out per head=C, concat=True, self-loops added) ----
    xl = (x @ W_l).reshape(n, H, C)
    xr = (x @ W_r).reshape(n, H, C)
    e = xl[src] + xr[dst]                      # [E', H, C]
    e = jax.nn.leaky_relu(e, NEG_SLOPE)
    alpha = jnp.einsum('ehc,hc->eh', e, att)    # [E', H]
    amax = jax.ops.segment_max(alpha, dst, num_segments=n)
    alpha = jnp.exp(alpha - amax[dst])
    denom = jax.ops.segment_sum(alpha, dst, num_segments=n)
    alpha = alpha / (denom[dst] + 1e-16)
    msg = xl[src] * alpha[..., None]            # [E', H, C]
    gat_out = jax.ops.segment_sum(msg, dst, num_segments=n).reshape(n, H * C) + b_gat
    # ---- GCNConv (normalize=True, self-loops added) ----
    xw = x @ W_gcn
    ones = jnp.ones_like(src, dtype=x.dtype)
    deg = jax.ops.segment_sum(ones, dst, num_segments=n)
    dinv = jnp.where(deg > 0, jax.lax.rsqrt(deg), 0.0)
    norm = dinv[src] * dinv[dst]
    gcn_out = jax.ops.segment_sum(xw[src] * norm[:, None], dst, num_segments=n) + b_gcn
    # ---- combine + residual (Identity since in_dim == out_dim) ----
    out = gat_out + gcn_out + x
    # ---- BatchNorm1d (eval mode: running_mean=0, running_var=1) ----
    out = gamma * out / jnp.sqrt(1.0 + BN_EPS) + beta
    # ---- ELU; dropout is identity in eval ----
    out = jax.nn.elu(out)
    return out


def reference(x, edge_index, W_l, W_r, att, b_gat, W_gcn, b_gcn, gamma, beta):
    n = x.shape[0]
    loops = jnp.arange(n, dtype=edge_index.dtype)
    src = jnp.concatenate([edge_index[0], loops])
    dst = jnp.concatenate([edge_index[1], loops])
    return _forward(x, src, dst, W_l, W_r, att, b_gat, W_gcn, b_gcn, gamma, beta)

if __name__ == "__main__":
    import jax
    _d = setup_inputs()
    print(jax.jit(kernel)(*tuple(_d.values())))

</pallas_src>

<mosaic_0001>
#map = affine_map<(d0, d1) -> (0)>
#map1 = affine_map<(d0, d1) -> (0, 0)>
#map2 = affine_map<(d0, d1) -> (0, 0, 0)>
module attributes {stable_mosaic.version = 14 : i64} {
  func.func @_pass_c1_body(%arg0: i32, %arg1: i32, %arg2: memref<331776xi32, #tpu.memory_space<hbm>>, %arg3: memref<331776xi32, #tpu.memory_space<hbm>>, %arg4: memref<1327104xf32, #tpu.memory_space<hbm>>, %arg5: memref<16xf32, #tpu.memory_space<hbm>>, %arg6: memref<10000x128xf32, #tpu.memory_space<hbm>>, %arg7: memref<640x128xf32, #tpu.memory_space<hbm>>, %arg8: memref<2x10240x128xf32, #tpu.memory_space<hbm>>, %arg9: memref<16xf32, #tpu.memory_space<vmem>>, %arg10: memref<128xi32, #tpu.memory_space<vmem>>, %arg11: memref<128xi32, #tpu.memory_space<vmem>>, %arg12: memref<512xf32, #tpu.memory_space<vmem>>, %arg13: memref<512xf32, #tpu.memory_space<vmem>>, %arg14: memref<128x128xf32, #tpu.memory_space<vmem>>, %arg15: memref<128x128xf32, #tpu.memory_space<vmem>>, %arg16: memref<10240x128xf32, #tpu.memory_space<vmem_shared>>, %arg17: memref<!tpu.dma_semaphore, #tpu.memory_space<semaphore_mem>>) attributes {dimension_semantics = [#tpu.dimension_semantics<core_parallel>, #tpu.dimension_semantics<subcore_parallel>], iteration_bounds = array<i64: 2, 16>, scalar_prefetch = 0 : i64, scratch_operands = 9 : i64, tpu.core_type = #tpu.core_type<sc_vector_subcore>, window_params = [{transform_indices = #map}, {transform_indices = #map}, {transform_indices = #map}, {transform_indices = #map}, {transform_indices = #map1}, {transform_indices = #map1}, {transform_indices = #map2}]} {
    %mul3A = arith.constant 2 : i32
    %mul3A_0 = arith.muli %arg1, %mul3A : i32
    %add3A = arith.addi %mul3A_0, %arg0 : i32
    "tpu.region"() ({
      %run_scoped3A = tpu.sem_alloc : memref<!tpu.dma_semaphore, #tpu.memory_space<semaphore_mem>>
      tpu.enqueue_dma source(%arg5 : memref<16xf32, #tpu.memory_space<hbm>>) target(%arg9 : memref<16xf32, #tpu.memory_space<vmem>>) target_semaphore(%run_scoped3A : memref<!tpu.dma_semaphore, #tpu.memory_space<semaphore_mem>>)
      tpu.wait_dma2 semaphore(%run_scoped3A : memref<!tpu.dma_semaphore, #tpu.memory_space<semaphore_mem>>) src(%arg5 : memref<16xf32, #tpu.memory_space<hbm>>) dst(%arg9 : memref<16xf32, #tpu.memory_space<vmem>>)
      tpu.yield
    }) : () -> ()
    %mul3A_1 = arith.constant 640 : i32
    %mul3A_2 = arith.muli %arg1, %mul3A_1 : i32
    "tpu.region"() ({
      %run_scoped3A = tpu.sem_alloc : memref<!tpu.dma_semaphore, #tpu.memory_space<semaphore_mem>>
      %dma_start3A = arith.constant 0 : i32
      %dma_start3A_15 = tpu.memref_slice %arg16[%mul3A_2, %dma_start3A] : memref<10240x128xf32, #tpu.memory_space<vmem_shared>> -> memref<640x128xf32, #tpu.memory_space<vmem_shared>>
      tpu.enqueue_dma source(%arg7 : memref<640x128xf32, #tpu.memory_space<hbm>>) target(%dma_start3A_15 : memref<640x128xf32, #tpu.memory_space<vmem_shared>>) target_semaphore(%run_scoped3A : memref<!tpu.dma_semaphore, #tpu.memory_space<semaphore_mem>>)
      %dma_wait3A = arith.constant 0 : i32
      %dma_wait3A_16 = tpu.memref_slice %arg16[%mul3A_2, %dma_wait3A] : memref<10240x128xf32, #tpu.memory_space<vmem_shared>> -> memref<640x128xf32, #tpu.memory_space<vmem_shared>>
      tpu.wait_dma2 semaphore(%run_scoped3A : memref<!tpu.dma_semaphore, #tpu.memory_space<semaphore_mem>>) src(%arg7 : memref<640x128xf32, #tpu.memory_space<hbm>>) dst(%dma_wait3A_16 : memref<640x128xf32, #tpu.memory_space<vmem_shared>>)
      tpu.yield
    }) : () -> ()
    %barrier3A = arith.constant 0 : index
    tpu.barrier barrier_id(%barrier3A)
    %get3A = arith.constant 0 : index
    %get3A_3 = tpu.vector_load %arg9[%get3A] {strides = array<i32>} : memref<16xf32, #tpu.memory_space<vmem>>, vector<16xf32>,
    %scan3A = arith.constant 0 : i32
    %scan3A_4 = arith.constant 0 : i32
    %scan3A_5 = arith.constant 81 : i32
    %scan3A_6 = arith.addi %scan3A_4, %scan3A_5 : i32
    %scan3A_7 = arith.constant 1 : i32
    %scan3A_8 = scf.for %scan3A_15 = %scan3A_4 to %scan3A_6 step %scan3A_7 iter_args(%scan3A_16 = %scan3A) -> (i32)  : i32 {
      %mul3A_17 = arith.constant 81 : i32
      %mul3A_18 = arith.muli %add3A, %mul3A_17 : i32
      %add3A_19 = arith.addi %mul3A_18, %scan3A_15 : i32
      %mul3A_20 = arith.constant 128 : i32
      %mul3A_21 = arith.muli %add3A_19, %mul3A_20 : i32
      "tpu.region"() ({
        %run_scoped3A = tpu.sem_alloc : memref<!tpu.dma_semaphore, #tpu.memory_space<semaphore_mem>>
        %dma_start3A_225 = tpu.memref_slice %arg2[%mul3A_21] : memref<331776xi32, #tpu.memory_space<hbm>> -> memref<128xi32, #tpu.memory_space<hbm>>
        %dma_start3A_226 = tpu.memref_slice %arg2[%mul3A_21] : memref<331776xi32, #tpu.memory_space<hbm>> -> memref<128xi32, #tpu.memory_space<hbm>>
        tpu.enqueue_dma source(%dma_start3A_226 : memref<128xi32, #tpu.memory_space<hbm>>) target(%arg10 : memref<128xi32, #tpu.memory_space<vmem>>) target_semaphore(%run_scoped3A : memref<!tpu.dma_semaphore, #tpu.memory_space<semaphore_mem>>)
        %dma_wait3A_227 = tpu.memref_slice %arg2[%mul3A_21] : memref<331776xi32, #tpu.memory_space<hbm>> -> memref<128xi32, #tpu.memory_space<hbm>>
        %dma_wait3A_228 = tpu.memref_slice %arg2[%mul3A_21] : memref<331776xi32, #tpu.memory_space<hbm>> -> memref<128xi32, #tpu.memory_space<hbm>>
        tpu.wait_dma2 semaphore(%run_scoped3A : memref<!tpu.dma_semaphore, #tpu.memory_space<semaphore_mem>>) src(%dma_wait3A_228 : memref<128xi32, #tpu.memory_space<hbm>>) dst(%arg10 : memref<128xi32, #tpu.memory_space<vmem>>)
        tpu.yield
      }) : () -> ()
      "tpu.region"() ({
        %run_scoped3A = tpu.sem_alloc : memref<!tpu.dma_semaphore, #tpu.memory_space<semaphore_mem>>
        %dma_start3A_225 = tpu.memref_slice %arg3[%mul3A_21] : memref<331776xi32, #tpu.memory_space<hbm>> -> memref<128xi32, #tpu.memory_space<hbm>>
        %dma_start3A_226 = tpu.memref_slice %arg3[%mul3A_21] : memref<331776xi32, #tpu.memory_space<hbm>> -> memref<128xi32, #tpu.memory_space<hbm>>
        tpu.enqueue_dma source(%dma_start3A_226 : memref<128xi32, #tpu.memory_space<hbm>>) target(%arg11 : memref<128xi32, #tpu.memory_space<vmem>>) target_semaphore(%run_scoped3A : memref<!tpu.dma_semaphore, #tpu.memory_space<semaphore_mem>>)
        %dma_wait3A_227 = tpu.memref_slice %arg3[%mul3A_21] : memref<331776xi32, #tpu.memory_space<hbm>> -> memref<128xi32, #tpu.memory_space<hbm>>
        %dma_wait3A_228 = tpu.memref_slice %arg3[%mul3A_21] : memref<331776xi32, #tpu.memory_space<hbm>> -> memref<128xi32, #tpu.memory_space<hbm>>
        tpu.wait_dma2 semaphore(%run_scoped3A : memref<!tpu.dma_semaphore, #tpu.memory_space<semaphore_mem>>) src(%dma_wait3A_228 : memref<128xi32, #tpu.memory_space<hbm>>) dst(%arg11 : memref<128xi32, #tpu.memory_space<vmem>>)
        tpu.yield
      }) : () -> ()
      %mul3A_22 = arith.constant 4 : i32
      %mul3A_23 = arith.muli %mul3A_21, %mul3A_22 : i32
      "tpu.region"() ({
        %run_scoped3A = tpu.sem_alloc : memref<!tpu.dma_semaphore, #tpu.memory_space<semaphore_mem>>
        %dma_start3A_225 = tpu.memref_slice %arg4[%mul3A_23] : memref<1327104xf32, #tpu.memory_space<hbm>> -> memref<512xf32, #tpu.memory_space<hbm>>
        %dma_start3A_226 = tpu.memref_slice %arg4[%mul3A_23] : memref<1327104xf32, #tpu.memory_space<hbm>> -> memref<512xf32, #tpu.memory_space<hbm>>
        tpu.enqueue_dma source(%dma_start3A_226 : memref<512xf32, #tpu.memory_space<hbm>>) target(%arg12 : memref<512xf32, #tpu.memory_space<vmem>>) target_semaphore(%run_scoped3A : memref<!tpu.dma_semaphore, #tpu.memory_space<semaphore_mem>>)
        %dma_wait3A_227 = tpu.memref_slice %arg4[%mul3A_23] : memref<1327104xf32, #tpu.memory_space<hbm>> -> memref<512xf32, #tpu.memory_space<hbm>>
        %dma_wait3A_228 = tpu.memref_slice %arg4[%mul3A_23] : memref<1327104xf32, #tpu.memory_space<hbm>> -> memref<512xf32, #tpu.memory_space<hbm>>
        tpu.wait_dma2 semaphore(%run_scoped3A : memref<!tpu.dma_semaphore, #tpu.memory_space<semaphore_mem>>) src(%dma_wait3A_228 : memref<512xf32, #tpu.memory_space<hbm>>) dst(%arg12 : memref<512xf32, #tpu.memory_space<vmem>>)
        tpu.yield
      }) : () -> ()
      %dma_start3A = arith.constant 0 : i32
      %dma_start3A_24 = arith.constant 0 : i32
      %dma_start3A_25 = tpu.memref_slice %arg6[%dma_start3A, %dma_start3A_24] : memref<10000x128xf32, #tpu.memory_space<hbm>> -> memref<10000x128xf32, #tpu.memory_space<hbm>>
      tpu.enqueue_indirect_dma source(%dma_start3A_25 : memref<10000x128xf32, #tpu.memory_space<hbm>>) target(%arg14 : memref<128x128xf32, #tpu.memory_space<vmem>>) offsets(%arg10 : memref<128xi32, #tpu.memory_space<vmem>>) semaphore(%arg17 : memref<!tpu.dma_semaphore, #tpu.memory_space<semaphore_mem>>)
      %get3A_26 = arith.constant 0 : index
      %get3A_27 = tpu.vector_load %arg12[%get3A_26] {strides = array<i32>} : memref<512xf32, #tpu.memory_space<vmem>>, vector<16xf32>,
      %sub3A = arith.subf %get3A_27, %get3A_3 : vector<16xf32>
      %exp3A = math.exp %sub3A : vector<16xf32>
      %swap3A = arith.constant 0 : index
      %swap3A_28 = tpu.vector_load %arg13[%swap3A] {strides = array<i32>} : memref<512xf32, #tpu.memory_space<vmem>>, vector<16xf32>,
      tpu.vector_store %arg13[%swap3A], %exp3A {strides = array<i32>} : memref<512xf32, #tpu.memory_space<vmem>>, vector<16xf32>,
      %get3A_29 = arith.constant 16 : index
      %get3A_30 = tpu.vector_load %arg12[%get3A_29] {strides = array<i32>} : memref<512xf32, #tpu.memory_space<vmem>>, vector<16xf32>,
      %sub3A_31 = arith.subf %get3A_30, %get3A_3 : vector<16xf32>
      %exp3A_32 = math.exp %sub3A_31 : vector<16xf32>
      %swap3A_33 = arith.constant 16 : index
      %swap3A_34 = tpu.vector_load %arg13[%swap3A_33] {strides = array<i32>} : memref<512xf32, #tpu.memory_space<vmem>>, vector<16xf32>,
      tpu.vector_store %arg13[%swap3A_33], %exp3A_32 {strides = array<i32>} : memref<512xf32, #tpu.memory_space<vmem>>, vector<16xf32>,
      %get3A_35 = arith.constant 32 : index
      %get3A_36 = tpu.vector_load %arg12[%get3A_35] {strides = array<i32>} : memref<512xf32, #tpu.memory_space<vmem>>, vector<16xf32>,
      %sub3A_37 = arith.subf %get3A_36, %get3A_3 : vector<16xf32>
      %exp3A_38 = math.exp %sub3A_37 : vector<16xf32>
      %swap3A_39 = arith.constant 32 : index
      %swap3A_40 = tpu.vector_load %arg13[%swap3A_39] {strides = array<i32>} : memref<512xf32, #tpu.memory_space<vmem>>, vector<16xf32>,
      tpu.vector_store %arg13[%swap3A_39], %exp3A_38 {strides = array<i32>} : memref<512xf32, #tpu.memory_space<vmem>>, vector<16xf32>,
      %get3A_41 = arith.constant 48 : index
      %get3A_42 = tpu.vector_load %arg12[%get3A_41] {strides = array<i32>} : memref<512xf32, #tpu.memory_space<vmem>>, vector<16xf32>,
      %sub3A_43 = arith.subf %get3A_42, %get3A_3 : vector<16xf32>
      %exp3A_44 = math.exp %sub3A_43 : vector<16xf32>
      %swap3A_45 = arith.constant 48 : index
      %swap3A_46 = tpu.vector_load %arg13[%swap3A_45] {strides = array<i32>} : memref<512xf32, #tpu.memory_space<vmem>>, vector<16xf32>,
      tpu.vector_store %arg13[%swap3A_45], %exp3A_44 {strides = array<i32>} : memref<512xf32, #tpu.memory_space<vmem>>, vector<16xf32>,
      %get3A_47 = arith.constant 64 : index
      %get3A_48 = tpu.vector_load %arg12[%get3A_47] {strides = array<i32>} : memref<512xf32, #tpu.memory_space<vmem>>, vector<16xf32>,
      %sub3A_49 = arith.subf %get3A_48, %get3A_3 : vector<16xf32>
      %exp3A_50 = math.exp %sub3A_49 : vector<16xf32>
      %swap3A_51 = arith.constant 64 : index
      %swap3A_52 = tpu.vector_load %arg13[%swap3A_51] {strides = array<i32>} : memref<512xf32, #tpu.memory_space<vmem>>, vector<16xf32>,
      tpu.vector_store %arg13[%swap3A_51], %exp3A_50 {strides = array<i32>} : memref<512xf32, #tpu.memory_space<vmem>>, vector<16xf32>,
      %get3A_53 = arith.constant 80 : index
      %get3A_54 = tpu.vector_load %arg12[%get3A_53] {strides = array<i32>} : memref<512xf32, #tpu.memory_space<vmem>>, vector<16xf32>,
      %sub3A_55 = arith.subf %get3A_54, %get3A_3 : vector<16xf32>
      %exp3A_56 = math.exp %sub3A_55 : vector<16xf32>
      %swap3A_57 = arith.constant 80 : index
      %swap3A_58 = tpu.vector_load %arg13[%swap3A_57] {strides = array<i32>} : memref<512xf32, #tpu.memory_space<vmem>>, vector<16xf32>,
      tpu.vector_store %arg13[%swap3A_57], %exp3A_56 {strides = array<i32>} : memref<512xf32, #tpu.memory_space<vmem>>, vector<16xf32>,
      %get3A_59 = arith.constant 96 : index
      %get3A_60 = tpu.vector_load %arg12[%get3A_59] {strides = array<i32>} : memref<512xf32, #tpu.memory_space<vmem>>, vector<16xf32>,
      %sub3A_61 = arith.subf %get3A_60, %get3A_3 : vector<16xf32>
      %exp3A_62 = math.exp %sub3A_61 : vector<16xf32>
      %swap3A_63 = arith.constant 96 : index
      %swap3A_64 = tpu.vector_load %arg13[%swap3A_63] {strides = array<i32>} : memref<512xf32, #tpu.memory_space<vmem>>, vector<16xf32>,
      tpu.vector_store %arg13[%swap3A_63], %exp3A_62 {strides = array<i32>} : memref<512xf32, #tpu.memory_space<vmem>>, vector<16xf32>,
      %get3A_65 = arith.constant 112 : index
      %get3A_66 = tpu.vector_load %arg12[%get3A_65] {strides = array<i32>} : memref<512xf32, #tpu.memory_space<vmem>>, vector<16xf32>,
      %sub3A_67 = arith.subf %get3A_66, %get3A_3 : vector<16xf32>
      %exp3A_68 = math.exp %sub3A_67 : vector<16xf32>
      %swap3A_69 = arith.constant 112 : index
      %swap3A_70 = tpu.vector_load %arg13[%swap3A_69] {strides = array<i32>} : memref<512xf32, #tpu.memory_space<vmem>>, vector<16xf32>,
      tpu.vector_store %arg13[%swap3A_69], %exp3A_68 {strides = array<i32>} : memref<512xf32, #tpu.memory_space<vmem>>, vector<16xf32>,
      %get3A_71 = arith.constant 128 : index
      %get3A_72 = tpu.vector_load %arg12[%get3A_71] {strides = array<i32>} : memref<512xf32, #tpu.memory_space<vmem>>, vector<16xf32>,
      %sub3A_73 = arith.subf %get3A_72, %get3A_3 : vector<16xf32>
      %exp3A_74 = math.exp %sub3A_73 : vector<16xf32>
      %swap3A_75 = arith.constant 128 : index
      %swap3A_76 = tpu.vector_load %arg13[%swap3A_75] {strides = array<i32>} : memref<512xf32, #tpu.memory_space<vmem>>, vector<16xf32>,
      tpu.vector_store %arg13[%swap3A_75], %exp3A_74 {strides = array<i32>} : memref<512xf32, #tpu.memory_space<vmem>>, vector<16xf32>,
      %get3A_77 = arith.constant 144 : index
      %get3A_78 = tpu.vector_load %arg12[%get3A_77] {strides = array<i32>} : memref<512xf32, #tpu.memory_space<vmem>>, vector<16xf32>,
      %sub3A_79 = arith.subf %get3A_78, %get3A_3 : vector<16xf32>
      %exp3A_80 = math.exp %sub3A_79 : vector<16xf32>
      %swap3A_81 = arith.constant 144 : index
      %swap3A_82 = tpu.vector_load %arg13[%swap3A_81] {strides = array<i32>} : memref<512xf32, #tpu.memory_space<vmem>>, vector<16xf32>,
      tpu.vector_store %arg13[%swap3A_81], %exp3A_80 {strides = array<i32>} : memref<512xf32, #tpu.memory_space<vmem>>, vector<16xf32>,
      %get3A_83 = arith.constant 160 : index
      %get3A_84 = tpu.vector_load %arg12[%get3A_83] {strides = array<i32>} : memref<512xf32, #tpu.memory_space<vmem>>, vector<16xf32>,
      %sub3A_85 = arith.subf %get3A_84, %get3A_3 : vector<16xf32>
      %exp3A_86 = math.exp %sub3A_85 : vector<16xf32>
      %swap3A_87 = arith.constant 160 : index
      %swap3A_88 = tpu.vector_load %arg13[%swap3A_87] {strides = array<i32>} : memref<512xf32, #tpu.memory_space<vmem>>, vector<16xf32>,
      tpu.vector_store %arg13[%swap3A_87], %exp3A_86 {strides = array<i32>} : memref<512xf32, #tpu.memory_space<vmem>>, vector<16xf32>,
      %get3A_89 = arith.constant 176 : index
      %get3A_90 = tpu.vector_load %arg12[%get3A_89] {strides = array<i32>} : memref<512xf32, #tpu.memory_space<vmem>>, vector<16xf32>,
      %sub3A_91 = arith.subf %get3A_90, %get3A_3 : vector<16xf32>
      %exp3A_92 = math.exp %sub3A_91 : vector<16xf32>
      %swap3A_93 = arith.constant 176 : index
      %swap3A_94 = tpu.vector_load %arg13[%swap3A_93] {strides = array<i32>} : memref<512xf32, #tpu.memory_space<vmem>>, vector<16xf32>,
      tpu.vector_store %arg13[%swap3A_93], %exp3A_92 {strides = array<i32>} : memref<512xf32, #tpu.memory_space<vmem>>, vector<16xf32>,
      %get3A_95 = arith.constant 192 : index
      %get3A_96 = tpu.vector_load %arg12[%get3A_95] {strides = array<i32>} : memref<512xf32, #tpu.memory_space<vmem>>, vector<16xf32>,
      %sub3A_97 = arith.subf %get3A_96, %get3A_3 : vector<16xf32>
      %exp3A_98 = math.exp %sub3A_97 : vector<16xf32>
      %swap3A_99 = arith.constant 192 : index
      %swap3A_100 = tpu.vector_load %arg13[%swap3A_99] {strides = array<i32>} : memref<512xf32, #tpu.memory_space<vmem>>, vector<16xf32>,
      tpu.vector_store %arg13[%swap3A_99], %exp3A_98 {strides = array<i32>} : memref<512xf32, #tpu.memory_space<vmem>>, vector<16xf32>,
      %get3A_101 = arith.constant 208 : index
      %get3A_102 = tpu.vector_load %arg12[%get3A_101] {strides = array<i32>} : memref<512xf32, #tpu.memory_space<vmem>>, vector<16xf32>,
      %sub3A_103 = arith.subf %get3A_102, %get3A_3 : vector<16xf32>
      %exp3A_104 = math.exp %sub3A_103 : vector<16xf32>
      %swap3A_105 = arith.constant 208 : index
      %swap3A_106 = tpu.vector_load %arg13[%swap3A_105] {strides = array<i32>} : memref<512xf32, #tpu.memory_space<vmem>>, vector<16xf32>,
      tpu.vector_store %arg13[%swap3A_105], %exp3A_104 {strides = array<i32>} : memref<512xf32, #tpu.memory_space<vmem>>, vector<16xf32>,
      %get3A_107 = arith.constant 224 : index
      %get3A_108 = tpu.vector_load %arg12[%get3A_107] {strides = array<i32>} : memref<512xf32, #tpu.memory_space<vmem>>, vector<16xf32>,
      %sub3A_109 = arith.subf %get3A_108, %get3A_3 : vector<16xf32>
      %exp3A_110 = math.exp %sub3A_109 : vector<16xf32>
      %swap3A_111 = arith.constant 224 : index
      %swap3A_112 = tpu.vector_load %arg13[%swap3A_111] {strides = array<i32>} : memref<512xf32, #tpu.memory_space<vmem>>, vector<16xf32>,
      tpu.vector_store %arg13[%swap3A_111], %exp3A_110 {strides = array<i32>} : memref<512xf32, #tpu.memory_space<vmem>>, vector<16xf32>,
      %get3A_113 = arith.constant 240 : index
      %get3A_114 = tpu.vector_load %arg12[%get3A_113] {strides = array<i32>} : memref<512xf32, #tpu.memory_space<vmem>>, vector<16xf32>,
      %sub3A_115 = arith.subf %get3A_114, %get3A_3 : vector<16xf32>
      %exp3A_116 = math.exp %sub3A_115 : vector<16xf32>
      %swap3A_117 = arith.constant 240 : index
      %swap3A_118 = tpu.vector_load %arg13[%swap3A_117] {strides = array<i32>} : memref<512xf32, #tpu.memory_space<vmem>>, vector<16xf32>,
      tpu.vector_store %arg13[%swap3A_117], %exp3A_116 {strides = array<i32>} : memref<512xf32, #tpu.memory_space<vmem>>, vector<16xf32>,
      %get3A_119 = arith.constant 256 : index
      %get3A_120 = tpu.vector_load %arg12[%get3A_119] {strides = array<i32>} : memref<512xf32, #tpu.memory_space<vmem>>, vector<16xf32>,
      %sub3A_121 = arith.subf %get3A_120, %get3A_3 : vector<16xf32>
      %exp3A_122 = math.exp %sub3A_121 : vector<16xf32>
      %swap3A_123 = arith.constant 256 : index
      %swap3A_124 = tpu.vector_load %arg13[%swap3A_123] {strides = array<i32>} : memref<512xf32, #tpu.memory_space<vmem>>, vector<16xf32>,
      tpu.vector_store %arg13[%swap3A_123], %exp3A_122 {strides = array<i32>} : memref<512xf32, #tpu.memory_space<vmem>>, vector<16xf32>,
      %get3A_125 = arith.constant 272 : index
      %get3A_126 = tpu.vector_load %arg12[%get3A_125] {strides = array<i32>} : memref<512xf32, #tpu.memory_space<vmem>>, vector<16xf32>,
      %sub3A_127 = arith.subf %get3A_126, %get3A_3 : vector<16xf32>
      %exp3A_128 = math.exp %sub3A_127 : vector<16xf32>
      %swap3A_129 = arith.constant 272 : index
      %swap3A_130 = tpu.vector_load %arg13[%swap3A_129] {strides = array<i32>} : memref<512xf32, #tpu.memory_space<vmem>>, vector<16xf32>,
      tpu.vector_store %arg13[%swap3A_129], %exp3A_128 {strides = array<i32>} : memref<512xf32, #tpu.memory_space<vmem>>, vector<16xf32>,
      %get3A_131 = arith.constant 288 : index
      %get3A_132 = tpu.vector_load %arg12[%get3A_131] {strides = array<i32>} : memref<512xf32, #tpu.memory_space<vmem>>, vector<16xf32>,
      %sub3A_133 = arith.subf %get3A_132, %get3A_3 : vector<16xf32>
      %exp3A_134 = math.exp %sub3A_133 : vector<16xf32>
      %swap3A_135 = arith.constant 288 : index
      %swap3A_136 = tpu.vector_load %arg13[%swap3A_135] {strides = array<i32>} : memref<512xf32, #tpu.memory_space<vmem>>, vector<16xf32>,
      tpu.vector_store %arg13[%swap3A_135], %exp3A_134 {strides = array<i32>} : memref<512xf32, #tpu.memory_space<vmem>>, vector<16xf32>,
      %get3A_137 = arith.constant 304 : index
      %get3A_138 = tpu.vector_load %arg12[%get3A_137] {strides = array<i32>} : memref<512xf32, #tpu.memory_space<vmem>>, vector<16xf32>,
      %sub3A_139 = arith.subf %get3A_138, %get3A_3 : vector<16xf32>
      %exp3A_140 = math.exp %sub3A_139 : vector<16xf32>
      %swap3A_141 = arith.constant 304 : index
      %swap3A_142 = tpu.vector_load %arg13[%swap3A_141] {strides = array<i32>} : memref<512xf32, #tpu.memory_space<vmem>>, vector<16xf32>,
      tpu.vector_store %arg13[%swap3A_141], %exp3A_140 {strides = array<i32>} : memref<512xf32, #tpu.memory_space<vmem>>, vector<16xf32>,
      %get3A_143 = arith.constant 320 : index
      %get3A_144 = tpu.vector_load %arg12[%get3A_143] {strides = array<i32>} : memref<512xf32, #tpu.memory_space<vmem>>, vector<16xf32>,
      %sub3A_145 = arith.subf %get3A_144, %get3A_3 : vector<16xf32>
      %exp3A_146 = math.exp %sub3A_145 : vector<16xf32>
      %swap3A_147 = arith.constant 320 : index
      %swap3A_148 = tpu.vector_load %arg13[%swap3A_147] {strides = array<i32>} : memref<512xf32, #tpu.memory_space<vmem>>, vector<16xf32>,
      tpu.vector_store %arg13[%swap3A_147], %exp3A_146 {strides = array<i32>} : memref<512xf32, #tpu.memory_space<vmem>>, vector<16xf32>,
      %get3A_149 = arith.constant 336 : index
      %get3A_150 = tpu.vector_load %arg12[%get3A_149] {strides = array<i32>} : memref<512xf32, #tpu.memory_space<vmem>>, vector<16xf32>,
      %sub3A_151 = arith.subf %get3A_150, %get3A_3 : vector<16xf32>
      %exp3A_152 = math.exp %sub3A_151 : vector<16xf32>
      %swap3A_153 = arith.constant 336 : index
      %swap3A_154 = tpu.vector_load %arg13[%swap3A_153] {strides = array<i32>} : memref<512xf32, #tpu.memory_space<vmem>>, vector<16xf32>,
      tpu.vector_store %arg13[%swap3A_153], %exp3A_152 {strides = array<i32>} : memref<512xf32, #tpu.memory_space<vmem>>, vector<16xf32>,
      %get3A_155 = arith.constant 352 : index
      %get3A_156 = tpu.vector_load %arg12[%get3A_155] {strides = array<i32>} : memref<512xf32, #tpu.memory_space<vmem>>, vector<16xf32>,
      %sub3A_157 = arith.subf %get3A_156, %get3A_3 : vector<16xf32>
      %exp3A_158 = math.exp %sub3A_157 : vector<16xf32>
      %swap3A_159 = arith.constant 352 : index
      %swap3A_160 = tpu.vector_load %arg13[%swap3A_159] {strides = array<i32>} : memref<512xf32, #tpu.memory_space<vmem>>, vector<16xf32>,
      tpu.vector_store %arg13[%swap3A_159], %exp3A_158 {strides = array<i32>} : memref<512xf32, #tpu.memory_space<vmem>>, vector<16xf32>,
      %get3A_161 = arith.constant 368 : index
      %get3A_162 = tpu.vector_load %arg12[%get3A_161] {strides = array<i32>} : memref<512xf32, #tpu.memory_space<vmem>>, vector<16xf32>,
      %sub3A_163 = arith.subf %get3A_162, %get3A_3 : vector<16xf32>
      %exp3A_164 = math.exp %sub3A_163 : vector<16xf32>
      %swap3A_165 = arith.constant 368 : index
      %swap3A_166 = tpu.vector_load %arg13[%swap3A_165] {strides = array<i32>} : memref<512xf32, #tpu.memory_space<vmem>>, vector<16xf32>,
      tpu.vector_store %arg13[%swap3A_165], %exp3A_164 {strides = array<i32>} : memref<512xf32, #tpu.memory_space<vmem>>, vector<16xf32>,
      %get3A_167 = arith.constant 384 : index
      %get3A_168 = tpu.vector_load %arg12[%get3A_167] {strides = array<i32>} : memref<512xf32, #tpu.memory_space<vmem>>, vector<16xf32>,
      %sub3A_169 = arith.subf %get3A_168, %get3A_3 : vector<16xf32>
      %exp3A_170 = math.exp %sub3A_169 : vector<16xf32>
      %swap3A_171 = arith.constant 384 : index
      %swap3A_172 = tpu.vector_load %arg13[%swap3A_171] {strides = array<i32>} : memref<512xf32, #tpu.memory_space<vmem>>, vector<16xf32>,
      tpu.vector_store %arg13[%swap3A_171], %exp3A_170 {strides = array<i32>} : memref<512xf32, #tpu.memory_space<vmem>>, vector<16xf32>,
      %get3A_173 = arith.constant 400 : index
      %get3A_174 = tpu.vector_load %arg12[%get3A_173] {strides = array<i32>} : memref<512xf32, #tpu.memory_space<vmem>>, vector<16xf32>,
      %sub3A_175 = arith.subf %get3A_174, %get3A_3 : vector<16xf32>
      %exp3A_176 = math.exp %sub3A_175 : vector<16xf32>
      %swap3A_177 = arith.constant 400 : index
      %swap3A_178 = tpu.vector_load %arg13[%swap3A_177] {strides = array<i32>} : memref<512xf32, #tpu.memory_space<vmem>>, vector<16xf32>,
      tpu.vector_store %arg13[%swap3A_177], %exp3A_176 {strides = array<i32>} : memref<512xf32, #tpu.memory_space<vmem>>, vector<16xf32>,
      %get3A_179 = arith.constant 416 : index
      %get3A_180 = tpu.vector_load %arg12[%get3A_179] {strides = array<i32>} : memref<512xf32, #tpu.memory_space<vmem>>, vector<16xf32>,
      %sub3A_181 = arith.subf %get3A_180, %get3A_3 : vector<16xf32>
      %exp3A_182 = math.exp %sub3A_181 : vector<16xf32>
      %swap3A_183 = arith.constant 416 : index
      %swap3A_184 = tpu.vector_load %arg13[%swap3A_183] {strides = array<i32>} : memref<512xf32, #tpu.memory_space<vmem>>, vector<16xf32>,
      tpu.vector_store %arg13[%swap3A_183], %exp3A_182 {strides = array<i32>} : memref<512xf32, #tpu.memory_space<vmem>>, vector<16xf32>,
      %get3A_185 = arith.constant 432 : index
      %get3A_186 = tpu.vector_load %arg12[%get3A_185] {strides = array<i32>} : memref<512xf32, #tpu.memory_space<vmem>>, vector<16xf32>,
      %sub3A_187 = arith.subf %get3A_186, %get3A_3 : vector<16xf32>
      %exp3A_188 = math.exp %sub3A_187 : vector<16xf32>
      %swap3A_189 = arith.constant 432 : index
      %swap3A_190 = tpu.vector_load %arg13[%swap3A_189] {strides = array<i32>} : memref<512xf32, #tpu.memory_space<vmem>>, vector<16xf32>,
      tpu.vector_store %arg13[%swap3A_189], %exp3A_188 {strides = array<i32>} : memref<512xf32, #tpu.memory_space<vmem>>, vector<16xf32>,
      %get3A_191 = arith.constant 448 : index
      %get3A_192 = tpu.vector_load %arg12[%get3A_191] {strides = array<i32>} : memref<512xf32, #tpu.memory_space<vmem>>, vector<16xf32>,
      %sub3A_193 = arith.subf %get3A_192, %get3A_3 : vector<16xf32>
      %exp3A_194 = math.exp %sub3A_193 : vector<16xf32>
      %swap3A_195 = arith.constant 448 : index
      %swap3A_196 = tpu.vector_load %arg13[%swap3A_195] {strides = array<i32>} : memref<512xf32, #tpu.memory_space<vmem>>, vector<16xf32>,
      tpu.vector_store %arg13[%swap3A_195], %exp3A_194 {strides = array<i32>} : memref<512xf32, #tpu.memory_space<vmem>>, vector<16xf32>,
      %get3A_197 = arith.constant 464 : index
      %get3A_198 = tpu.vector_load %arg12[%get3A_197] {strides = array<i32>} : memref<512xf32, #tpu.memory_space<vmem>>, vector<16xf32>,
      %sub3A_199 = arith.subf %get3A_198, %get3A_3 : vector<16xf32>
      %exp3A_200 = math.exp %sub3A_199 : vector<16xf32>
      %swap3A_201 = arith.constant 464 : index
      %swap3A_202 = tpu.vector_load %arg13[%swap3A_201] {strides = array<i32>} : memref<512xf32, #tpu.memory_space<vmem>>, vector<16xf32>,
      tpu.vector_store %arg13[%swap3A_201], %exp3A_200 {strides = array<i32>} : memref<512xf32, #tpu.memory_space<vmem>>, vector<16xf32>,
      %get3A_203 = arith.constant 480 : index
      %get3A_204 = tpu.vector_load %arg12[%get3A_203] {strides = array<i32>} : memref<512xf32, #tpu.memory_space<vmem>>, vector<16xf32>,
      %sub3A_205 = arith.subf %get3A_204, %get3A_3 : vector<16xf32>
      %exp3A_206 = math.exp %sub3A_205 : vector<16xf32>
      %swap3A_207 = arith.constant 480 : index
      %swap3A_208 = tpu.vector_load %arg13[%swap3A_207] {strides = array<i32>} : memref<512xf32, #tpu.memory_space<vmem>>, vector<16xf32>,
      tpu.vector_store %arg13[%swap3A_207], %exp3A_206 {strides = array<i32>} : memref<512xf32, #tpu.memory_space<vmem>>, vector<16xf32>,
      %get3A_209 = arith.constant 496 : index
      %get3A_210 = tpu.vector_load %arg12[%get3A_209] {strides = array<i32>} : memref<512xf32, #tpu.memory_space<vmem>>, vector<16xf32>,
      %sub3A_211 = arith.subf %get3A_210, %get3A_3 : vector<16xf32>
      %exp3A_212 = math.exp %sub3A_211 : vector<16xf32>
      %swap3A_213 = arith.constant 496 : index
      %swap3A_214 = tpu.vector_load %arg13[%swap3A_213] {strides = array<i32>} : memref<512xf32, #tpu.memory_space<vmem>>, vector<16xf32>,
      tpu.vector_store %arg13[%swap3A_213], %exp3A_212 {strides = array<i32>} : memref<512xf32, #tpu.memory_space<vmem>>, vector<16xf32>,
      %dma_wait3A = arith.constant 0 : i32
      %dma_wait3A_215 = arith.constant 0 : i32
      %dma_wait3A_216 = tpu.memref_slice %arg6[%dma_wait3A, %dma_wait3A_215] : memref<10000x128xf32, #tpu.memory_space<hbm>> -> memref<10000x128xf32, #tpu.memory_space<hbm>>
      tpu.wait_indirect_dma semaphore(%arg17 : memref<!tpu.dma_semaphore, #tpu.memory_space<semaphore_mem>>) src(%dma_wait3A_216 : memref<10000x128xf32, #tpu.memory_space<hbm>>) dst(%arg14 : memref<128x128xf32, #tpu.memory_space<vmem>>)
      %scan3A_217 = arith.constant 0 : i32
      %scan3A_218 = arith.constant 0 : i32
      %scan3A_219 = arith.constant 128 : i32
      %scan3A_220 = arith.addi %scan3A_218, %scan3A_219 : i32
      %scan3A_221 = arith.constant 1 : i32
      %scan3A_222 = scf.for %scan3A_225 = %scan3A_218 to %scan3A_220 step %scan3A_221 iter_args(%scan3A_226 = %scan3A_217) -> (i32)  : i32 {
        %mul3A_227 = arith.constant 4 : i32
        %mul3A_228 = arith.muli %scan3A_225, %mul3A_227 : i32
        %add3A_229 = arith.constant 0 : i32
        %add3A_230 = arith.addi %mul3A_228, %add3A_229 : i32
        %broadcast_in_dim3A = vector.broadcast %add3A_230 : i32 to vector<16xi32>
        %gather3A = tpu.vector_load_idx %arg13[%broadcast_in_dim3A] : memref<512xf32, #tpu.memory_space<vmem>>[vector<16xi32>], vector<16xf32>,
        %get3A_231 = arith.index_cast %scan3A_225 : i32 to index
        %get3A_232 = arith.constant 0 : index
        %get3A_233 = tpu.vector_load %arg14[%get3A_231, %get3A_232] {strides = array<i32>} : memref<128x128xf32, #tpu.memory_space<vmem>>, vector<16xf32>,
        %mul3A_234 = arith.mulf %get3A_233, %gather3A : vector<16xf32>
        %swap3A_235 = arith.index_cast %scan3A_225 : i32 to index
        %swap3A_236 = arith.constant 0 : index
        %swap3A_237 = tpu.vector_load %arg15[%swap3A_235, %swap3A_236] {strides = array<i32>} : memref<128x128xf32, #tpu.memory_space<vmem>>, vector<16xf32>,
        tpu.vector_store %arg15[%swap3A_235, %swap3A_236], %mul3A_234 {strides = array<i32>} : memref<128x128xf32, #tpu.memory_space<vmem>>, vector<16xf32>,
        %get3A_238 = arith.index_cast %scan3A_225 : i32 to index
        %get3A_239 = arith.constant 16 : index
        %get3A_240 = tpu.vector_load %arg14[%get3A_238, %get3A_239] {strides = array<i32>} : memref<128x128xf32, #tpu.memory_space<vmem>>, vector<16xf32>,
        %mul3A_241 = arith.mulf %get3A_240, %gather3A : vector<16xf32>
        %swap3A_242 = arith.index_cast %scan3A_225 : i32 to index
        %swap3A_243 = arith.constant 16 : index
        %swap3A_244 = tpu.vector_load %arg15[%swap3A_242, %swap3A_243] {strides = array<i32>} : memref<128x128xf32, #tpu.memory_space<vmem>>, vector<16xf32>,
        tpu.vector_store %arg15[%swap3A_242, %swap3A_243], %mul3A_241 {strides = array<i32>} : memref<128x128xf32, #tpu.memory_space<vmem>>, vector<16xf32>,
        %mul3A_245 = arith.constant 4 : i32
        %mul3A_246 = arith.muli %scan3A_225, %mul3A_245 : i32
        %add3A_247 = arith.constant 1 : i32
        %add3A_248 = arith.addi %mul3A_246, %add3A_247 : i32
        %broadcast_in_dim3A_249 = vector.broadcast %add3A_248 : i32 to vector<16xi32>
        %gather3A_250 = tpu.vector_load_idx %arg13[%broadcast_in_dim3A_249] : memref<512xf32, #tpu.memory_space<vmem>>[vector<16xi32>], vector<16xf32>,
        %get3A_251 = arith.index_cast %scan3A_225 : i32 to index
        %get3A_252 = arith.constant 32 : index
        %get3A_253 = tpu.vector_load %arg14[%get3A_251, %get3A_252] {strides = array<i32>} : memref<128x128xf32, #tpu.memory_space<vmem>>, vector<16xf32>,
        %mul3A_254 = arith.mulf %get3A_253, %gather3A_250 : vector<16xf32>
        %swap3A_255 = arith.index_cast %scan3A_225 : i32 to index
        %swap3A_256 = arith.constant 32 : index
        %swap3A_257 = tpu.vector_load %arg15[%swap3A_255, %swap3A_256] {strides = array<i32>} : memref<128x128xf32, #tpu.memory_space<vmem>>, vector<16xf32>,
        tpu.vector_store %arg15[%swap3A_255, %swap3A_256], %mul3A_254 {strides = array<i32>} : memref<128x128xf32, #tpu.memory_space<vmem>>, vector<16xf32>,
        %get3A_258 = arith.index_cast %scan3A_225 : i32 to index
        %get3A_259 = arith.constant 48 : index
        %get3A_260 = tpu.vector_load %arg14[%get3A_258, %get3A_259] {strides = array<i32>} : memref<128x128xf32, #tpu.memory_space<vmem>>, vector<16xf32>,
        %mul3A_261 = arith.mulf %get3A_260, %gather3A_250 : vector<16xf32>
        %swap3A_262 = arith.index_cast %scan3A_225 : i32 to index
        %swap3A_263 = arith.constant 48 : index
        %swap3A_264 = tpu.vector_load %arg15[%swap3A_262, %swap3A_263] {strides = array<i32>} : memref<128x128xf32, #tpu.memory_space<vmem>>, vector<16xf32>,
        tpu.vector_store %arg15[%swap3A_262, %swap3A_263], %mul3A_261 {strides = array<i32>} : memref<128x128xf32, #tpu.memory_space<vmem>>, vector<16xf32>,
        %mul3A_265 = arith.constant 4 : i32
        %mul3A_266 = arith.muli %scan3A_225, %mul3A_265 : i32
        %add3A_267 = arith.constant 2 : i32
        %add3A_268 = arith.addi %mul3A_266, %add3A_267 : i32
        %broadcast_in_dim3A_269 = vector.broadcast %add3A_268 : i32 to vector<16xi32>
        %gather3A_270 = tpu.vector_load_idx %arg13[%broadcast_in_dim3A_269] : memref<512xf32, #tpu.memory_space<vmem>>[vector<16xi32>], vector<16xf32>,
        %get3A_271 = arith.index_cast %scan3A_225 : i32 to index
        %get3A_272 = arith.constant 64 : index
        %get3A_273 = tpu.vector_load %arg14[%get3A_271, %get3A_272] {strides = array<i32>} : memref<128x128xf32, #tpu.memory_space<vmem>>, vector<16xf32>,
        %mul3A_274 = arith.mulf %get3A_273, %gather3A_270 : vector<16xf32>
        %swap3A_275 = arith.index_cast %scan3A_225 : i32 to index
        %swap3A_276 = arith.constant 64 : index
        %swap3A_277 = tpu.vector_load %arg15[%swap3A_275, %swap3A_276] {strides = array<i32>} : memref<128x128xf32, #tpu.memory_space<vmem>>, vector<16xf32>,
        tpu.vector_store %arg15[%swap3A_275, %swap3A_276], %mul3A_274 {strides = array<i32>} : memref<128x128xf32, #tpu.memory_space<vmem>>, vector<16xf32>,
        %get3A_278 = arith.index_cast %scan3A_225 : i32 to index
        %get3A_279 = arith.constant 80 : index
        %get3A_280 = tpu.vector_load %arg14[%get3A_278, %get3A_279] {strides = array<i32>} : memref<128x128xf32, #tpu.memory_space<vmem>>, vector<16xf32>,
        %mul3A_281 = arith.mulf %get3A_280, %gather3A_270 : vector<16xf32>
        %swap3A_282 = arith.index_cast %scan3A_225 : i32 to index
        %swap3A_283 = arith.constant 80 : index
        %swap3A_284 = tpu.vector_load %arg15[%swap3A_282, %swap3A_283] {strides = array<i32>} : memref<128x128xf32, #tpu.memory_space<vmem>>, vector<16xf32>,
        tpu.vector_store %arg15[%swap3A_282, %swap3A_283], %mul3A_281 {strides = array<i32>} : memref<128x128xf32, #tpu.memory_space<vmem>>, vector<16xf32>,
        %mul3A_285 = arith.constant 4 : i32
        %mul3A_286 = arith.muli %scan3A_225, %mul3A_285 : i32
        %add3A_287 = arith.constant 3 : i32
        %add3A_288 = arith.addi %mul3A_286, %add3A_287 : i32
        %broadcast_in_dim3A_289 = vector.broadcast %add3A_288 : i32 to vector<16xi32>
        %gather3A_290 = tpu.vector_load_idx %arg13[%broadcast_in_dim3A_289] : memref<512xf32, #tpu.memory_space<vmem>>[vector<16xi32>], vector<16xf32>,
        %get3A_291 = arith.index_cast %scan3A_225 : i32 to index
        %get3A_292 = arith.constant 96 : index
        %get3A_293 = tpu.vector_load %arg14[%get3A_291, %get3A_292] {strides = array<i32>} : memref<128x128xf32, #tpu.memory_space<vmem>>, vector<16xf32>,
        %mul3A_294 = arith.mulf %get3A_293, %gather3A_290 : vector<16xf32>
        %swap3A_295 = arith.index_cast %scan3A_225 : i32 to index
        %swap3A_296 = arith.constant 96 : index
        %swap3A_297 = tpu.vector_load %arg15[%swap3A_295, %swap3A_296] {strides = array<i32>} : memref<128x128xf32, #tpu.memory_space<vmem>>, vector<16xf32>,
        tpu.vector_store %arg15[%swap3A_295, %swap3A_296], %mul3A_294 {strides = array<i32>} : memref<128x128xf32, #tpu.memory_space<vmem>>, vector<16xf32>,
        %get3A_298 = arith.index_cast %scan3A_225 : i32 to index
        %get3A_299 = arith.constant 112 : index
        %get3A_300 = tpu.vector_load %arg14[%get3A_298, %get3A_299] {strides = array<i32>} : memref<128x128xf32, #tpu.memory_space<vmem>>, vector<16xf32>,
        %mul3A_301 = arith.mulf %get3A_300, %gather3A_290 : vector<16xf32>
        %swap3A_302 = arith.index_cast %scan3A_225 : i32 to index
        %swap3A_303 = arith.constant 112 : index
        %swap3A_304 = tpu.vector_load %arg15[%swap3A_302, %swap3A_303] {strides = array<i32>} : memref<128x128xf32, #tpu.memory_space<vmem>>, vector<16xf32>,
        tpu.vector_store %arg15[%swap3A_302, %swap3A_303], %mul3A_301 {strides = array<i32>} : memref<128x128xf32, #tpu.memory_space<vmem>>, vector<16xf32>,
        %scan3A_305 = arith.constant 0 : i32
        scf.yield %scan3A_305 : i32
      }
      %scan3A_223 = arith.constant 128 : i32
      "tpu.region"() ({
        %run_scoped3A = tpu.sem_alloc : memref<!tpu.dma_semaphore, #tpu.memory_space<semaphore_mem>>
        %dma_start3A_225 = arith.constant 0 : i32
        %dma_start3A_226 = arith.constant 0 : i32
        %dma_start3A_227 = tpu.memref_slice %arg16[%dma_start3A_225, %dma_start3A_226] : memref<10240x128xf32, #tpu.memory_space<vmem_shared>> -> memref<10240x128xf32, #tpu.memory_space<vmem_shared>>
        tpu.enqueue_indirect_dma source(%arg15 : memref<128x128xf32, #tpu.memory_space<vmem>>) target(%dma_start3A_227 : memref<10240x128xf32, #tpu.memory_space<vmem_shared>>) offsets(%arg11 : memref<128xi32, #tpu.memory_space<vmem>>) semaphore(%run_scoped3A : memref<!tpu.dma_semaphore, #tpu.memory_space<semaphore_mem>>) {add = true}
        %dma_wait3A_228 = arith.constant 0 : i32
        %dma_wait3A_229 = arith.constant 0 : i32
        %dma_wait3A_230 = tpu.memref_slice %arg16[%dma_wait3A_228, %dma_wait3A_229] : memref<10240x128xf32, #tpu.memory_space<vmem_shared>> -> memref<10240x128xf32, #tpu.memory_space<vmem_shared>>
        tpu.wait_indirect_dma semaphore(%run_scoped3A : memref<!tpu.dma_semaphore, #tpu.memory_space<semaphore_mem>>) src(%arg15 : memref<128x128xf32, #tpu.memory_space<vmem>>) dst(%dma_wait3A_230 : memref<10240x128xf32, #tpu.memory_space<vmem_shared>>)
        tpu.yield
      }) : () -> ()
      %scan3A_224 = arith.constant 0 : i32
      scf.yield %scan3A_224 : i32
    }
    %scan3A_9 = arith.constant 81 : i32
    %barrier3A_10 = arith.constant 0 : index
    tpu.barrier barrier_id(%barrier3A_10)
    %mul3A_11 = arith.constant 640 : i32
    %mul3A_12 = arith.muli %arg1, %mul3A_11 : i32
    %mul3A_13 = arith.constant 640 : i32
    %mul3A_14 = arith.muli %arg1, %mul3A_13 : i32
    "tpu.region"() ({
      %run_scoped3A = tpu.sem_alloc : memref<!tpu.dma_semaphore, #tpu.memory_space<semaphore_mem>>
      %dma_start3A = arith.constant 0 : i32
      %dma_start3A_15 = tpu.memref_slice %arg8[%arg0, %mul3A_14, %dma_start3A] : memref<2x10240x128xf32, #tpu.memory_space<hbm>> -> memref<1x640x128xf32, #tpu.memory_space<hbm>>
      %dma_start3A_16 = tpu.memref_squeeze %dma_start3A_15 : memref<1x640x128xf32, #tpu.memory_space<hbm>> -> memref<640x128xf32, #tpu.memory_space<hbm>>
      %dma_start3A_17 = arith.constant 0 : i32
      %dma_start3A_18 = tpu.memref_slice %arg16[%mul3A_12, %dma_start3A_17] : memref<10240x128xf32, #tpu.memory_space<vmem_shared>> -> memref<640x128xf32, #tpu.memory_space<vmem_shared>>
      tpu.enqueue_dma source(%dma_start3A_18 : memref<640x128xf32, #tpu.memory_space<vmem_shared>>) target(%dma_start3A_16 : memref<640x128xf32, #tpu.memory_space<hbm>>) target_semaphore(%run_scoped3A : memref<!tpu.dma_semaphore, #tpu.memory_space<semaphore_mem>>)
      %dma_wait3A = arith.constant 0 : i32
      %dma_wait3A_19 = tpu.memref_slice %arg8[%arg0, %mul3A_14, %dma_wait3A] : memref<2x10240x128xf32, #tpu.memory_space<hbm>> -> memref<1x640x128xf32, #tpu.memory_space<hbm>>
      %dma_wait3A_20 = tpu.memref_squeeze %dma_wait3A_19 : memref<1x640x128xf32, #tpu.memory_space<hbm>> -> memref<640x128xf32, #tpu.memory_space<hbm>>
      %dma_wait3A_21 = arith.constant 0 : i32
      %dma_wait3A_22 = tpu.memref_slice %arg16[%mul3A_12, %dma_wait3A_21] : memref<10240x128xf32, #tpu.memory_space<vmem_shared>> -> memref<640x128xf32, #tpu.memory_space<vmem_shared>>
      tpu.wait_dma2 semaphore(%run_scoped3A : memref<!tpu.dma_semaphore, #tpu.memory_space<semaphore_mem>>) src(%dma_wait3A_22 : memref<640x128xf32, #tpu.memory_space<vmem_shared>>) dst(%dma_wait3A_20 : memref<640x128xf32, #tpu.memory_space<hbm>>)
      tpu.yield
    }) : () -> ()
    return
  }
}

#map = affine_map<(d0, d1) -> (0)>
#map1 = affine_map<(d0, d1) -> (0, 0)>
module attributes {stable_mosaic.version = 14 : i64} {
  func.func @_pass_a_body(%arg0: i32, %arg1: i32, %arg2: memref<331776xi32, #tpu.memory_space<hbm>>, %arg3: memref<331776xi32, #tpu.memory_space<hbm>>, %arg4: memref<10000x128xf32, #tpu.memory_space<hbm>>, %arg5: memref<10016x128xf32, #tpu.memory_space<hbm>>, %arg6: memref<128xf32, #tpu.memory_space<hbm>>, %arg7: memref<1327104xf32, #tpu.memory_space<hbm>>, %arg8: memref<512xf32, #tpu.memory_space<hbm>>, %arg9: memref<128xf32, #tpu.memory_space<vmem>>, %arg10: memref<128xi32, #tpu.memory_space<vmem>>, %arg11: memref<128xi32, #tpu.memory_space<vmem>>, %arg12: memref<128x128xf32, #tpu.memory_space<vmem>>, %arg13: memref<128x128xf32, #tpu.memory_space<vmem>>, %arg14: memref<512xf32, #tpu.memory_space<vmem>>, %arg15: memref<!tpu.dma_semaphore, #tpu.memory_space<semaphore_mem>>, %arg16: memref<!tpu.dma_semaphore, #tpu.memory_space<semaphore_mem>>) attributes {dimension_semantics = [#tpu.dimension_semantics<core_parallel>, #tpu.dimension_semantics<subcore_parallel>], iteration_bounds = array<i64: 2, 16>, scalar_prefetch = 0 : i64, scratch_operands = 8 : i64, tpu.core_type = #tpu.core_type<sc_vector_subcore>, window_params = [{transform_indices = #map}, {transform_indices = #map}, {transform_indices = #map1}, {transform_indices = #map1}, {transform_indices = #map}, {transform_indices = #map}, {transform_indices = #map}]} {
    %mul3A = arith.constant 2 : i32
    %mul3A_0 = arith.muli %arg1, %mul3A : i32
    %add3A = arith.addi %mul3A_0, %arg0 : i32
    "tpu.region"() ({
      %run_scoped3A = tpu.sem_alloc : memref<!tpu.dma_semaphore, #tpu.memory_space<semaphore_mem>>
      tpu.enqueue_dma source(%arg6 : memref<128xf32, #tpu.memory_space<hbm>>) target(%arg9 : memref<128xf32, #tpu.memory_space<vmem>>) target_semaphore(%run_scoped3A : memref<!tpu.dma_semaphore, #tpu.memory_space<semaphore_mem>>)
      tpu.wait_dma2 semaphore(%run_scoped3A : memref<!tpu.dma_semaphore, #tpu.memory_space<semaphore_mem>>) src(%arg6 : memref<128xf32, #tpu.memory_space<hbm>>) dst(%arg9 : memref<128xf32, #tpu.memory_space<vmem>>)
      tpu.yield
    }) : () -> ()
    %iota3A = tpu.iota {dimensions = array<i32: 0>} : vector<16xi32>
    %shift_right_arithmetic3A = arith.constant 2 : i32
    %shift_right_arithmetic3A_1 = vector.broadcast %shift_right_arithmetic3A : i32 to vector<16xi32>
    %shift_right_arithmetic3A_2 = arith.shrsi %iota3A, %shift_right_arithmetic3A_1 : vector<16xi32>
    %and3A = arith.constant 3 : i32
    %and3A_3 = vector.broadcast %and3A : i32 to vector<16xi32>
    %and3A_4 = arith.andi %iota3A, %and3A_3 : vector<16xi32>
    %shift_left3A = arith.constant 5 : i32
    %shift_left3A_5 = vector.broadcast %shift_left3A : i32 to vector<16xi32>
    %shift_left3A_6 = arith.shli %and3A_4, %shift_left3A_5 : vector<16xi32>
    %add3A_7 = arith.constant 0 : i32
    %add3A_8 = vector.broadcast %add3A_7 : i32 to vector<16xi32>
    %add3A_9 = arith.addi %shift_left3A_6, %add3A_8 : vector<16xi32>
    %gather3A = tpu.vector_load_idx %arg9[%add3A_9] : memref<128xf32, #tpu.memory_space<vmem>>[vector<16xi32>], vector<16xf32>,
    %add3A_10 = arith.constant 1 : i32
    %add3A_11 = vector.broadcast %add3A_10 : i32 to vector<16xi32>
    %add3A_12 = arith.addi %shift_left3A_6, %add3A_11 : vector<16xi32>
    %gather3A_13 = tpu.vector_load_idx %arg9[%add3A_12] : memref<128xf32, #tpu.memory_space<vmem>>[vector<16xi32>], vector<16xf32>,
    %add3A_14 = arith.constant 2 : i32
    %add3A_15 = vector.broadcast %add3A_14 : i32 to vector<16xi32>
    %add3A_16 = arith.addi %shift_left3A_6, %add3A_15 : vector<16xi32>
    %gather3A_17 = tpu.vector_load_idx %arg9[%add3A_16] : memref<128xf32, #tpu.memory_space<vmem>>[vector<16xi32>], vector<16xf32>,
    %add3A_18 = arith.constant 3 : i32
    %add3A_19 = vector.broadcast %add3A_18 : i32 to vector<16xi32>
    %add3A_20 = arith.addi %shift_left3A_6, %add3A_19 : vector<16xi32>
    %gather3A_21 = tpu.vector_load_idx %arg9[%add3A_20] : memref<128xf32, #tpu.memory_space<vmem>>[vector<16xi32>], vector<16xf32>,
    %add3A_22 = arith.constant 4 : i32
    %add3A_23 = vector.broadcast %add3A_22 : i32 to vector<16xi32>
    %add3A_24 = arith.addi %shift_left3A_6, %add3A_23 : vector<16xi32>
    %gather3A_25 = tpu.vector_load_idx %arg9[%add3A_24] : memref<128xf32, #tpu.memory_space<vmem>>[vector<16xi32>], vector<16xf32>,
    %add3A_26 = arith.constant 5 : i32
    %add3A_27 = vector.broadcast %add3A_26 : i32 to vector<16xi32>
    %add3A_28 = arith.addi %shift_left3A_6, %add3A_27 : vector<16xi32>
    %gather3A_29 = tpu.vector_load_idx %arg9[%add3A_28] : memref<128xf32, #tpu.memory_space<vmem>>[vector<16xi32>], vector<16xf32>,
    %add3A_30 = arith.constant 6 : i32
    %add3A_31 = vector.broadcast %add3A_30 : i32 to vector<16xi32>
    %add3A_32 = arith.addi %shift_left3A_6, %add3A_31 : vector<16xi32>
    %gather3A_33 = tpu.vector_load_idx %arg9[%add3A_32] : memref<128xf32, #tpu.memory_space<vmem>>[vector<16xi32>], vector<16xf32>,
    %add3A_34 = arith.constant 7 : i32
    %add3A_35 = vector.broadcast %add3A_34 : i32 to vector<16xi32>
    %add3A_36 = arith.addi %shift_left3A_6, %add3A_35 : vector<16xi32>
    %gather3A_37 = tpu.vector_load_idx %arg9[%add3A_36] : memref<128xf32, #tpu.memory_space<vmem>>[vector<16xi32>], vector<16xf32>,
    %add3A_38 = arith.constant 8 : i32
    %add3A_39 = vector.broadcast %add3A_38 : i32 to vector<16xi32>
    %add3A_40 = arith.addi %shift_left3A_6, %add3A_39 : vector<16xi32>
    %gather3A_41 = tpu.vector_load_idx %arg9[%add3A_40] : memref<128xf32, #tpu.memory_space<vmem>>[vector<16xi32>], vector<16xf32>,
    %add3A_42 = arith.constant 9 : i32
    %add3A_43 = vector.broadcast %add3A_42 : i32 to vector<16xi32>
    %add3A_44 = arith.addi %shift_left3A_6, %add3A_43 : vector<16xi32>
    %gather3A_45 = tpu.vector_load_idx %arg9[%add3A_44] : memref<128xf32, #tpu.memory_space<vmem>>[vector<16xi32>], vector<16xf32>,
    %add3A_46 = arith.constant 10 : i32
    %add3A_47 = vector.broadcast %add3A_46 : i32 to vector<16xi32>
    %add3A_48 = arith.addi %shift_left3A_6, %add3A_47 : vector<16xi32>
    %gather3A_49 = tpu.vector_load_idx %arg9[%add3A_48] : memref<128xf32, #tpu.memory_space<vmem>>[vector<16xi32>], vector<16xf32>,
    %add3A_50 = arith.constant 11 : i32
    %add3A_51 = vector.broadcast %add3A_50 : i32 to vector<16xi32>
    %add3A_52 = arith.addi %shift_left3A_6, %add3A_51 : vector<16xi32>
    %gather3A_53 = tpu.vector_load_idx %arg9[%add3A_52] : memref<128xf32, #tpu.memory_space<vmem>>[vector<16xi32>], vector<16xf32>,
    %add3A_54 = arith.constant 12 : i32
    %add3A_55 = vector.broadcast %add3A_54 : i32 to vector<16xi32>
    %add3A_56 = arith.addi %shift_left3A_6, %add3A_55 : vector<16xi32>
    %gather3A_57 = tpu.vector_load_idx %arg9[%add3A_56] : memref<128xf32, #tpu.memory_space<vmem>>[vector<16xi32>], vector<16xf32>,
    %add3A_58 = arith.constant 13 : i32
    %add3A_59 = vector.broadcast %add3A_58 : i32 to vector<16xi32>
    %add3A_60 = arith.addi %shift_left3A_6, %add3A_59 : vector<16xi32>
    %gather3A_61 = tpu.vector_load_idx %arg9[%add3A_60] : memref<128xf32, #tpu.memory_space<vmem>>[vector<16xi32>], vector<16xf32>,
    %add3A_62 = arith.constant 14 : i32
    %add3A_63 = vector.broadcast %add3A_62 : i32 to vector<16xi32>
    %add3A_64 = arith.addi %shift_left3A_6, %add3A_63 : vector<16xi32>
    %gather3A_65 = tpu.vector_load_idx %arg9[%add3A_64] : memref<128xf32, #tpu.memory_space<vmem>>[vector<16xi32>], vector<16xf32>,
    %add3A_66 = arith.constant 15 : i32
    %add3A_67 = vector.broadcast %add3A_66 : i32 to vector<16xi32>
    %add3A_68 = arith.addi %shift_left3A_6, %add3A_67 : vector<16xi32>
    %gather3A_69 = tpu.vector_load_idx %arg9[%add3A_68] : memref<128xf32, #tpu.memory_space<vmem>>[vector<16xi32>], vector<16xf32>,
    %add3A_70 = arith.constant 16 : i32
    %add3A_71 = vector.broadcast %add3A_70 : i32 to vector<16xi32>
    %add3A_72 = arith.addi %shift_left3A_6, %add3A_71 : vector<16xi32>
    %gather3A_73 = tpu.vector_load_idx %arg9[%add3A_72] : memref<128xf32, #tpu.memory_space<vmem>>[vector<16xi32>], vector<16xf32>,
    %add3A_74 = arith.constant 17 : i32
    %add3A_75 = vector.broadcast %add3A_74 : i32 to vector<16xi32>
    %add3A_76 = arith.addi %shift_left3A_6, %add3A_75 : vector<16xi32>
    %gather3A_77 = tpu.vector_load_idx %arg9[%add3A_76] : memref<128xf32, #tpu.memory_space<vmem>>[vector<16xi32>], vector<16xf32>,
    %add3A_78 = arith.constant 18 : i32
    %add3A_79 = vector.broadcast %add3A_78 : i32 to vector<16xi32>
    %add3A_80 = arith.addi %shift_left3A_6, %add3A_79 : vector<16xi32>
    %gather3A_81 = tpu.vector_load_idx %arg9[%add3A_80] : memref<128xf32, #tpu.memory_space<vmem>>[vector<16xi32>], vector<16xf32>,
    %add3A_82 = arith.constant 19 : i32
    %add3A_83 = vector.broadcast %add3A_82 : i32 to vector<16xi32>
    %add3A_84 = arith.addi %shift_left3A_6, %add3A_83 : vector<16xi32>
    %gather3A_85 = tpu.vector_load_idx %arg9[%add3A_84] : memref<128xf32, #tpu.memory_space<vmem>>[vector<16xi32>], vector<16xf32>,
    %add3A_86 = arith.constant 20 : i32
    %add3A_87 = vector.broadcast %add3A_86 : i32 to vector<16xi32>
    %add3A_88 = arith.addi %shift_left3A_6, %add3A_87 : vector<16xi32>
    %gather3A_89 = tpu.vector_load_idx %arg9[%add3A_88] : memref<128xf32, #tpu.memory_space<vmem>>[vector<16xi32>], vector<16xf32>,
    %add3A_90 = arith.constant 21 : i32
    %add3A_91 = vector.broadcast %add3A_90 : i32 to vector<16xi32>
    %add3A_92 = arith.addi %shift_left3A_6, %add3A_91 : vector<16xi32>
    %gather3A_93 = tpu.vector_load_idx %arg9[%add3A_92] : memref<128xf32, #tpu.memory_space<vmem>>[vector<16xi32>], vector<16xf32>,
    %add3A_94 = arith.constant 22 : i32
    %add3A_95 = vector.broadcast %add3A_94 : i32 to vector<16xi32>
    %add3A_96 = arith.addi %shift_left3A_6, %add3A_95 : vector<16xi32>
    %gather3A_97 = tpu.vector_load_idx %arg9[%add3A_96] : memref<128xf32, #tpu.memory_space<vmem>>[vector<16xi32>], vector<16xf32>,
    %add3A_98 = arith.constant 23 : i32
    %add3A_99 = vector.broadcast %add3A_98 : i32 to vector<16xi32>
    %add3A_100 = arith.addi %shift_left3A_6, %add3A_99 : vector<16xi32>
    %gather3A_101 = tpu.vector_load_idx %arg9[%add3A_100] : memref<128xf32, #tpu.memory_space<vmem>>[vector<16xi32>], vector<16xf32>,
    %add3A_102 = arith.constant 24 : i32
    %add3A_103 = vector.broadcast %add3A_102 : i32 to vector<16xi32>
    %add3A_104 = arith.addi %shift_left3A_6, %add3A_103 : vector<16xi32>
    %gather3A_105 = tpu.vector_load_idx %arg9[%add3A_104] : memref<128xf32, #tpu.memory_space<vmem>>[vector<16xi32>], vector<16xf32>,
    %add3A_106 = arith.constant 25 : i32
    %add3A_107 = vector.broadcast %add3A_106 : i32 to vector<16xi32>
    %add3A_108 = arith.addi %shift_left3A_6, %add3A_107 : vector<16xi32>
    %gather3A_109 = tpu.vector_load_idx %arg9[%add3A_108] : memref<128xf32, #tpu.memory_space<vmem>>[vector<16xi32>], vector<16xf32>,
    %add3A_110 = arith.constant 26 : i32
    %add3A_111 = vector.broadcast %add3A_110 : i32 to vector<16xi32>
    %add3A_112 = arith.addi %shift_left3A_6, %add3A_111 : vector<16xi32>
    %gather3A_113 = tpu.vector_load_idx %arg9[%add3A_112] : memref<128xf32, #tpu.memory_space<vmem>>[vector<16xi32>], vector<16xf32>,
    %add3A_114 = arith.constant 27 : i32
    %add3A_115 = vector.broadcast %add3A_114 : i32 to vector<16xi32>
    %add3A_116 = arith.addi %shift_left3A_6, %add3A_115 : vector<16xi32>
    %gather3A_117 = tpu.vector_load_idx %arg9[%add3A_116] : memref<128xf32, #tpu.memory_space<vmem>>[vector<16xi32>], vector<16xf32>,
    %add3A_118 = arith.constant 28 : i32
    %add3A_119 = vector.broadcast %add3A_118 : i32 to vector<16xi32>
    %add3A_120 = arith.addi %shift_left3A_6, %add3A_119 : vector<16xi32>
    %gather3A_121 = tpu.vector_load_idx %arg9[%add3A_120] : memref<128xf32, #tpu.memory_space<vmem>>[vector<16xi32>], vector<16xf32>,
    %add3A_122 = arith.constant 29 : i32
    %add3A_123 = vector.broadcast %add3A_122 : i32 to vector<16xi32>
    %add3A_124 = arith.addi %shift_left3A_6, %add3A_123 : vector<16xi32>
    %gather3A_125 = tpu.vector_load_idx %arg9[%add3A_124] : memref<128xf32, #tpu.memory_space<vmem>>[vector<16xi32>], vector<16xf32>,
    %add3A_126 = arith.constant 30 : i32
    %add3A_127 = vector.broadcast %add3A_126 : i32 to vector<16xi32>
    %add3A_128 = arith.addi %shift_left3A_6, %add3A_127 : vector<16xi32>
    %gather3A_129 = tpu.vector_load_idx %arg9[%add3A_128] : memref<128xf32, #tpu.memory_space<vmem>>[vector<16xi32>], vector<16xf32>,
    %add3A_130 = arith.constant 31 : i32
    %add3A_131 = vector.broadcast %add3A_130 : i32 to vector<16xi32>
    %add3A_132 = arith.addi %shift_left3A_6, %add3A_131 : vector<16xi32>
    %gather3A_133 = tpu.vector_load_idx %arg9[%add3A_132] : memref<128xf32, #tpu.memory_space<vmem>>[vector<16xi32>], vector<16xf32>,
    %broadcast_in_dim3A = arith.constant -3.000000e+38 : f32
    %broadcast_in_dim3A_134 = vector.broadcast %broadcast_in_dim3A : f32 to vector<16xf32>
    %scan3A = arith.constant 0 : i32
    %scan3A_135 = arith.constant 81 : i32
    %scan3A_136 = arith.addi %scan3A, %scan3A_135 : i32
    %scan3A_137 = arith.constant 1 : i32
    %scan3A_138 = scf.for %scan3A_143 = %scan3A to %scan3A_136 step %scan3A_137 iter_args(%scan3A_144 = %broadcast_in_dim3A_134) -> (vector<16xf32>)  : i32 {
      %mul3A_145 = arith.constant 81 : i32
      %mul3A_146 = arith.muli %add3A, %mul3A_145 : i32
      %add3A_147 = arith.addi %mul3A_146, %scan3A_143 : i32
      %mul3A_148 = arith.constant 128 : i32
      %mul3A_149 = arith.muli %add3A_147, %mul3A_148 : i32
      "tpu.region"() ({
        %run_scoped3A = tpu.sem_alloc : memref<!tpu.dma_semaphore, #tpu.memory_space<semaphore_mem>>
        %dma_start3A_168 = tpu.memref_slice %arg2[%mul3A_149] : memref<331776xi32, #tpu.memory_space<hbm>> -> memref<128xi32, #tpu.memory_space<hbm>>
        %dma_start3A_169 = tpu.memref_slice %arg2[%mul3A_149] : memref<331776xi32, #tpu.memory_space<hbm>> -> memref<128xi32, #tpu.memory_space<hbm>>
        tpu.enqueue_dma source(%dma_start3A_169 : memref<128xi32, #tpu.memory_space<hbm>>) target(%arg10 : memref<128xi32, #tpu.memory_space<vmem>>) target_semaphore(%run_scoped3A : memref<!tpu.dma_semaphore, #tpu.memory_space<semaphore_mem>>)
        %dma_wait3A_170 = tpu.memref_slice %arg2[%mul3A_149] : memref<331776xi32, #tpu.memory_space<hbm>> -> memref<128xi32, #tpu.memory_space<hbm>>
        %dma_wait3A_171 = tpu.memref_slice %arg2[%mul3A_149] : memref<331776xi32, #tpu.memory_space<hbm>> -> memref<128xi32, #tpu.memory_space<hbm>>
        tpu.wait_dma2 semaphore(%run_scoped3A : memref<!tpu.dma_semaphore, #tpu.memory_space<semaphore_mem>>) src(%dma_wait3A_171 : memref<128xi32, #tpu.memory_space<hbm>>) dst(%arg10 : memref<128xi32, #tpu.memory_space<vmem>>)
        tpu.yield
      }) : () -> ()
      "tpu.region"() ({
        %run_scoped3A = tpu.sem_alloc : memref<!tpu.dma_semaphore, #tpu.memory_space<semaphore_mem>>
        %dma_start3A_168 = tpu.memref_slice %arg3[%mul3A_149] : memref<331776xi32, #tpu.memory_space<hbm>> -> memref<128xi32, #tpu.memory_space<hbm>>
        %dma_start3A_169 = tpu.memref_slice %arg3[%mul3A_149] : memref<331776xi32, #tpu.memory_space<hbm>> -> memref<128xi32, #tpu.memory_space<hbm>>
        tpu.enqueue_dma source(%dma_start3A_169 : memref<128xi32, #tpu.memory_space<hbm>>) target(%arg11 : memref<128xi32, #tpu.memory_space<vmem>>) target_semaphore(%run_scoped3A : memref<!tpu.dma_semaphore, #tpu.memory_space<semaphore_mem>>)
        %dma_wait3A_170 = tpu.memref_slice %arg3[%mul3A_149] : memref<331776xi32, #tpu.memory_space<hbm>> -> memref<128xi32, #tpu.memory_space<hbm>>
        %dma_wait3A_171 = tpu.memref_slice %arg3[%mul3A_149] : memref<331776xi32, #tpu.memory_space<hbm>> -> memref<128xi32, #tpu.memory_space<hbm>>
        tpu.wait_dma2 semaphore(%run_scoped3A : memref<!tpu.dma_semaphore, #tpu.memory_space<semaphore_mem>>) src(%dma_wait3A_171 : memref<128xi32, #tpu.memory_space<hbm>>) dst(%arg11 : memref<128xi32, #tpu.memory_space<vmem>>)
        tpu.yield
      }) : () -> ()
      %dma_start3A = arith.constant 0 : i32
      %dma_start3A_150 = arith.constant 0 : i32
      %dma_start3A_151 = tpu.memref_slice %arg4[%dma_start3A, %dma_start3A_150] : memref<10000x128xf32, #tpu.memory_space<hbm>> -> memref<10000x128xf32, #tpu.memory_space<hbm>>
      tpu.enqueue_indirect_dma source(%dma_start3A_151 : memref<10000x128xf32, #tpu.memory_space<hbm>>) target(%arg12 : memref<128x128xf32, #tpu.memory_space<vmem>>) offsets(%arg10 : memref<128xi32, #tpu.memory_space<vmem>>) semaphore(%arg15 : memref<!tpu.dma_semaphore, #tpu.memory_space<semaphore_mem>>)
      %dma_start3A_152 = arith.constant 0 : i32
      %dma_start3A_153 = arith.constant 0 : i32
      %dma_start3A_154 = tpu.memref_slice %arg5[%dma_start3A_152, %dma_start3A_153] : memref<10016x128xf32, #tpu.memory_space<hbm>> -> memref<10016x128xf32, #tpu.memory_space<hbm>>
      tpu.enqueue_indirect_dma source(%dma_start3A_154 : memref<10016x128xf32, #tpu.memory_space<hbm>>) target(%arg13 : memref<128x128xf32, #tpu.memory_space<vmem>>) offsets(%arg11 : memref<128xi32, #tpu.memory_space<vmem>>) semaphore(%arg16 : memref<!tpu.dma_semaphore, #tpu.memory_space<semaphore_mem>>)
      %dma_wait3A = arith.constant 0 : i32
      %dma_wait3A_155 = arith.constant 0 : i32
      %dma_wait3A_156 = tpu.memref_slice %arg4[%dma_wait3A, %dma_wait3A_155] : memref<10000x128xf32, #tpu.memory_space<hbm>> -> memref<10000x128xf32, #tpu.memory_space<hbm>>
      tpu.wait_indirect_dma semaphore(%arg15 : memref<!tpu.dma_semaphore, #tpu.memory_space<semaphore_mem>>) src(%dma_wait3A_156 : memref<10000x128xf32, #tpu.memory_space<hbm>>) dst(%arg12 : memref<128x128xf32, #tpu.memory_space<vmem>>)
      %dma_wait3A_157 = arith.constant 0 : i32
      %dma_wait3A_158 = arith.constant 0 : i32
      %dma_wait3A_159 = tpu.memref_slice %arg5[%dma_wait3A_157, %dma_wait3A_158] : memref<10016x128xf32, #tpu.memory_space<hbm>> -> memref<10016x128xf32, #tpu.memory_space<hbm>>
      tpu.wait_indirect_dma semaphore(%arg16 : memref<!tpu.dma_semaphore, #tpu.memory_space<semaphore_mem>>) src(%dma_wait3A_159 : memref<10016x128xf32, #tpu.memory_space<hbm>>) dst(%arg13 : memref<128x128xf32, #tpu.memory_space<vmem>>)
      %scan3A_160 = arith.constant 0 : i32
      %scan3A_161 = arith.constant 32 : i32
      %scan3A_162 = arith.addi %scan3A_160, %scan3A_161 : i32
      %scan3A_163 = arith.constant 1 : i32
      %scan3A_164 = scf.for %scan3A_168 = %scan3A_160 to %scan3A_162 step %scan3A_163 iter_args(%scan3A_169 = %scan3A_144) -> (vector<16xf32>)  : i32 {
        %mul3A_170 = arith.constant 4 : i32
        %mul3A_171 = arith.muli %scan3A_168, %mul3A_170 : i32
        %add3A_172 = vector.broadcast %mul3A_171 : i32 to vector<16xi32>
        %add3A_173 = arith.addi %shift_right_arithmetic3A_2, %add3A_172 : vector<16xi32>
        %broadcast_in_dim3A_174 = arith.constant 0.000000e+00 : f32
        %broadcast_in_dim3A_175 = vector.broadcast %broadcast_in_dim3A_174 : f32 to vector<16xf32>
        %add3A_176 = arith.constant 0 : i32
        %add3A_177 = vector.broadcast %add3A_176 : i32 to vector<16xi32>
        %add3A_178 = arith.addi %shift_left3A_6, %add3A_177 : vector<16xi32>
        %gather3A_179 = tpu.vector_load_idx %arg12[%add3A_173, %add3A_178] : memref<128x128xf32, #tpu.memory_space<vmem>>[vector<16xi32>, vector<16xi32>], vector<16xf32>,
        %gather3A_180 = tpu.vector_load_idx %arg13[%add3A_173, %add3A_178] : memref<128x128xf32, #tpu.memory_space<vmem>>[vector<16xi32>, vector<16xi32>], vector<16xf32>,
        %add3A_181 = arith.addf %gather3A_179, %gather3A_180 : vector<16xf32>
        %mul3A_182 = arith.constant 2.000000e-01 : f32
        %mul3A_183 = vector.broadcast %mul3A_182 : f32 to vector<16xf32>
        %mul3A_184 = arith.mulf %add3A_181, %mul3A_183 : vector<16xf32>
        %max3A = arith.maximumf %add3A_181, %mul3A_184 : vector<16xf32>
        %mul3A_185 = arith.mulf %max3A, %gather3A : vector<16xf32>
        %add3A_186 = arith.addf %broadcast_in_dim3A_175, %mul3A_185 : vector<16xf32>
        %add3A_187 = arith.constant 1 : i32
        %add3A_188 = vector.broadcast %add3A_187 : i32 to vector<16xi32>
        %add3A_189 = arith.addi %shift_left3A_6, %add3A_188 : vector<16xi32>
        %gather3A_190 = tpu.vector_load_idx %arg12[%add3A_173, %add3A_189] : memref<128x128xf32, #tpu.memory_space<vmem>>[vector<16xi32>, vector<16xi32>], vector<16xf32>,
        %gather3A_191 = tpu.vector_load_idx %arg13[%add3A_173, %add3A_189] : memref<128x128xf32, #tpu.memory_space<vmem>>[vector<16xi32>, vector<16xi32>], vector<16xf32>,
        %add3A_192 = arith.addf %gather3A_190, %gather3A_191 : vector<16xf32>
        %mul3A_193 = arith.constant 2.000000e-01 : f32
        %mul3A_194 = vector.broadcast %mul3A_193 : f32 to vector<16xf32>
        %mul3A_195 = arith.mulf %add3A_192, %mul3A_194 : vector<16xf32>
        %max3A_196 = arith.maximumf %add3A_192, %mul3A_195 : vector<16xf32>
        %mul3A_197 = arith.mulf %max3A_196, %gather3A_13 : vector<16xf32>
        %add3A_198 = arith.addf %add3A_186, %mul3A_197 : vector<16xf32>
        %add3A_199 = arith.constant 2 : i32
        %add3A_200 = vector.broadcast %add3A_199 : i32 to vector<16xi32>
        %add3A_201 = arith.addi %shift_left3A_6, %add3A_200 : vector<16xi32>
        %gather3A_202 = tpu.vector_load_idx %arg12[%add3A_173, %add3A_201] : memref<128x128xf32, #tpu.memory_space<vmem>>[vector<16xi32>, vector<16xi32>], vector<16xf32>,
        %gather3A_203 = tpu.vector_load_idx %arg13[%add3A_173, %add3A_201] : memref<128x128xf32, #tpu.memory_space<vmem>>[vector<16xi32>, vector<16xi32>], vector<16xf32>,
        %add3A_204 = arith.addf %gather3A_202, %gather3A_203 : vector<16xf32>
        %mul3A_205 = arith.constant 2.000000e-01 : f32
        %mul3A_206 = vector.broadcast %mul3A_205 : f32 to vector<16xf32>
        %mul3A_207 = arith.mulf %add3A_204, %mul3A_206 : vector<16xf32>
        %max3A_208 = arith.maximumf %add3A_204, %mul3A_207 : vector<16xf32>
        %mul3A_209 = arith.mulf %max3A_208, %gather3A_17 : vector<16xf32>
        %add3A_210 = arith.addf %add3A_198, %mul3A_209 : vector<16xf32>
        %add3A_211 = arith.constant 3 : i32
        %add3A_212 = vector.broadcast %add3A_211 : i32 to vector<16xi32>
        %add3A_213 = arith.addi %shift_left3A_6, %add3A_212 : vector<16xi32>
        %gather3A_214 = tpu.vector_load_idx %arg12[%add3A_173, %add3A_213] : memref<128x128xf32, #tpu.memory_space<vmem>>[vector<16xi32>, vector<16xi32>], vector<16xf32>,
        %gather3A_215 = tpu.vector_load_idx %arg13[%add3A_173, %add3A_213] : memref<128x128xf32, #tpu.memory_space<vmem>>[vector<16xi32>, vector<16xi32>], vector<16xf32>,
        %add3A_216 = arith.addf %gather3A_214, %gather3A_215 : vector<16xf32>
        %mul3A_217 = arith.constant 2.000000e-01 : f32
        %mul3A_218 = vector.broadcast %mul3A_217 : f32 to vector<16xf32>
        %mul3A_219 = arith.mulf %add3A_216, %mul3A_218 : vector<16xf32>
        %max3A_220 = arith.maximumf %add3A_216, %mul3A_219 : vector<16xf32>
        %mul3A_221 = arith.mulf %max3A_220, %gather3A_21 : vector<16xf32>
        %add3A_222 = arith.addf %add3A_210, %mul3A_221 : vector<16xf32>
        %add3A_223 = arith.constant 4 : i32
        %add3A_224 = vector.broadcast %add3A_223 : i32 to vector<16xi32>
        %add3A_225 = arith.addi %shift_left3A_6, %add3A_224 : vector<16xi32>
        %gather3A_226 = tpu.vector_load_idx %arg12[%add3A_173, %add3A_225] : memref<128x128xf32, #tpu.memory_space<vmem>>[vector<16xi32>, vector<16xi32>], vector<16xf32>,
        %gather3A_227 = tpu.vector_load_idx %arg13[%add3A_173, %add3A_225] : memref<128x128xf32, #tpu.memory_space<vmem>>[vector<16xi32>, vector<16xi32>], vector<16xf32>,
        %add3A_228 = arith.addf %gather3A_226, %gather3A_227 : vector<16xf32>
        %mul3A_229 = arith.constant 2.000000e-01 : f32
        %mul3A_230 = vector.broadcast %mul3A_229 : f32 to vector<16xf32>
        %mul3A_231 = arith.mulf %add3A_228, %mul3A_230 : vector<16xf32>
        %max3A_232 = arith.maximumf %add3A_228, %mul3A_231 : vector<16xf32>
        %mul3A_233 = arith.mulf %max3A_232, %gather3A_25 : vector<16xf32>
        %add3A_234 = arith.addf %add3A_222, %mul3A_233 : vector<16xf32>
        %add3A_235 = arith.constant 5 : i32
        %add3A_236 = vector.broadcast %add3A_235 : i32 to vector<16xi32>
        %add3A_237 = arith.addi %shift_left3A_6, %add3A_236 : vector<16xi32>
        %gather3A_238 = tpu.vector_load_idx %arg12[%add3A_173, %add3A_237] : memref<128x128xf32, #tpu.memory_space<vmem>>[vector<16xi32>, vector<16xi32>], vector<16xf32>,
        %gather3A_239 = tpu.vector_load_idx %arg13[%add3A_173, %add3A_237] : memref<128x128xf32, #tpu.memory_space<vmem>>[vector<16xi32>, vector<16xi32>], vector<16xf32>,
        %add3A_240 = arith.addf %gather3A_238, %gather3A_239 : vector<16xf32>
        %mul3A_241 = arith.constant 2.000000e-01 : f32
        %mul3A_242 = vector.broadcast %mul3A_241 : f32 to vector<16xf32>
        %mul3A_243 = arith.mulf %add3A_240, %mul3A_242 : vector<16xf32>
        %max3A_244 = arith.maximumf %add3A_240, %mul3A_243 : vector<16xf32>
        %mul3A_245 = arith.mulf %max3A_244, %gather3A_29 : vector<16xf32>
        %add3A_246 = arith.addf %add3A_234, %mul3A_245 : vector<16xf32>
        %add3A_247 = arith.constant 6 : i32
        %add3A_248 = vector.broadcast %add3A_247 : i32 to vector<16xi32>
        %add3A_249 = arith.addi %shift_left3A_6, %add3A_248 : vector<16xi32>
        %gather3A_250 = tpu.vector_load_idx %arg12[%add3A_173, %add3A_249] : memref<128x128xf32, #tpu.memory_space<vmem>>[vector<16xi32>, vector<16xi32>], vector<16xf32>,
        %gather3A_251 = tpu.vector_load_idx %arg13[%add3A_173, %add3A_249] : memref<128x128xf32, #tpu.memory_space<vmem>>[vector<16xi32>, vector<16xi32>], vector<16xf32>,
        %add3A_252 = arith.addf %gather3A_250, %gather3A_251 : vector<16xf32>
        %mul3A_253 = arith.constant 2.000000e-01 : f32
        %mul3A_254 = vector.broadcast %mul3A_253 : f32 to vector<16xf32>
        %mul3A_255 = arith.mulf %add3A_252, %mul3A_254 : vector<16xf32>
        %max3A_256 = arith.maximumf %add3A_252, %mul3A_255 : vector<16xf32>
        %mul3A_257 = arith.mulf %max3A_256, %gather3A_33 : vector<16xf32>
        %add3A_258 = arith.addf %add3A_246, %mul3A_257 : vector<16xf32>
        %add3A_259 = arith.constant 7 : i32
        %add3A_260 = vector.broadcast %add3A_259 : i32 to vector<16xi32>
        %add3A_261 = arith.addi %shift_left3A_6, %add3A_260 : vector<16xi32>
        %gather3A_262 = tpu.vector_load_idx %arg12[%add3A_173, %add3A_261] : memref<128x128xf32, #tpu.memory_space<vmem>>[vector<16xi32>, vector<16xi32>], vector<16xf32>,
        %gather3A_263 = tpu.vector_load_idx %arg13[%add3A_173, %add3A_261] : memref<128x128xf32, #tpu.memory_space<vmem>>[vector<16xi32>, vector<16xi32>], vector<16xf32>,
        %add3A_264 = arith.addf %gather3A_262, %gather3A_263 : vector<16xf32>
        %mul3A_265 = arith.constant 2.000000e-01 : f32
        %mul3A_266 = vector.broadcast %mul3A_265 : f32 to vector<16xf32>
        %mul3A_267 = arith.mulf %add3A_264, %mul3A_266 : vector<16xf32>
        %max3A_268 = arith.maximumf %add3A_264, %mul3A_267 : vector<16xf32>
        %mul3A_269 = arith.mulf %max3A_268, %gather3A_37 : vector<16xf32>
        %add3A_270 = arith.addf %add3A_258, %mul3A_269 : vector<16xf32>
        %add3A_271 = arith.constant 8 : i32
        %add3A_272 = vector.broadcast %add3A_271 : i32 to vector<16xi32>
        %add3A_273 = arith.addi %shift_left3A_6, %add3A_272 : vector<16xi32>
        %gather3A_274 = tpu.vector_load_idx %arg12[%add3A_173, %add3A_273] : memref<128x128xf32, #tpu.memory_space<vmem>>[vector<16xi32>, vector<16xi32>], vector<16xf32>,
        %gather3A_275 = tpu.vector_load_idx %arg13[%add3A_173, %add3A_273] : memref<128x128xf32, #tpu.memory_space<vmem>>[vector<16xi32>, vector<16xi32>], vector<16xf32>,
        %add3A_276 = arith.addf %gather3A_274, %gather3A_275 : vector<16xf32>
        %mul3A_277 = arith.constant 2.000000e-01 : f32
        %mul3A_278 = vector.broadcast %mul3A_277 : f32 to vector<16xf32>
        %mul3A_279 = arith.mulf %add3A_276, %mul3A_278 : vector<16xf32>
        %max3A_280 = arith.maximumf %add3A_276, %mul3A_279 : vector<16xf32>
        %mul3A_281 = arith.mulf %max3A_280, %gather3A_41 : vector<16xf32>
        %add3A_282 = arith.addf %add3A_270, %mul3A_281 : vector<16xf32>
        %add3A_283 = arith.constant 9 : i32
        %add3A_284 = vector.broadcast %add3A_283 : i32 to vector<16xi32>
        %add3A_285 = arith.addi %shift_left3A_6, %add3A_284 : vector<16xi32>
        %gather3A_286 = tpu.vector_load_idx %arg12[%add3A_173, %add3A_285] : memref<128x128xf32, #tpu.memory_space<vmem>>[vector<16xi32>, vector<16xi32>], vector<16xf32>,
        %gather3A_287 = tpu.vector_load_idx %arg13[%add3A_173, %add3A_285] : memref<128x128xf32, #tpu.memory_space<vmem>>[vector<16xi32>, vector<16xi32>], vector<16xf32>,
        %add3A_288 = arith.addf %gather3A_286, %gather3A_287 : vector<16xf32>
        %mul3A_289 = arith.constant 2.000000e-01 : f32
        %mul3A_290 = vector.broadcast %mul3A_289 : f32 to vector<16xf32>
        %mul3A_291 = arith.mulf %add3A_288, %mul3A_290 : vector<16xf32>
        %max3A_292 = arith.maximumf %add3A_288, %mul3A_291 : vector<16xf32>
        %mul3A_293 = arith.mulf %max3A_292, %gather3A_45 : vector<16xf32>
        %add3A_294 = arith.addf %add3A_282, %mul3A_293 : vector<16xf32>
        %add3A_295 = arith.constant 10 : i32
        %add3A_296 = vector.broadcast %add3A_295 : i32 to vector<16xi32>
        %add3A_297 = arith.addi %shift_left3A_6, %add3A_296 : vector<16xi32>
        %gather3A_298 = tpu.vector_load_idx %arg12[%add3A_173, %add3A_297] : memref<128x128xf32, #tpu.memory_space<vmem>>[vector<16xi32>, vector<16xi32>], vector<16xf32>,
        %gather3A_299 = tpu.vector_load_idx %arg13[%add3A_173, %add3A_297] : memref<128x128xf32, #tpu.memory_space<vmem>>[vector<16xi32>, vector<16xi32>], vector<16xf32>,
        %add3A_300 = arith.addf %gather3A_298, %gather3A_299 : vector<16xf32>
        %mul3A_301 = arith.constant 2.000000e-01 : f32
        %mul3A_302 = vector.broadcast %mul3A_301 : f32 to vector<16xf32>
        %mul3A_303 = arith.mulf %add3A_300, %mul3A_302 : vector<16xf32>
        %max3A_304 = arith.maximumf %add3A_300, %mul3A_303 : vector<16xf32>
        %mul3A_305 = arith.mulf %max3A_304, %gather3A_49 : vector<16xf32>
        %add3A_306 = arith.addf %add3A_294, %mul3A_305 : vector<16xf32>
        %add3A_307 = arith.constant 11 : i32
        %add3A_308 = vector.broadcast %add3A_307 : i32 to vector<16xi32>
        %add3A_309 = arith.addi %shift_left3A_6, %add3A_308 : vector<16xi32>
        %gather3A_310 = tpu.vector_load_idx %arg12[%add3A_173, %add3A_309] : memref<128x128xf32, #tpu.memory_space<vmem>>[vector<16xi32>, vector<16xi32>], vector<16xf32>,
        %gather3A_311 = tpu.vector_load_idx %arg13[%add3A_173, %add3A_309] : memref<128x128xf32, #tpu.memory_space<vmem>>[vector<16xi32>, vector<16xi32>], vector<16xf32>,
        %add3A_312 = arith.addf %gather3A_310, %gather3A_311 : vector<16xf32>
        %mul3A_313 = arith.constant 2.000000e-01 : f32
        %mul3A_314 = vector.broadcast %mul3A_313 : f32 to vector<16xf32>
        %mul3A_315 = arith.mulf %add3A_312, %mul3A_314 : vector<16xf32>
        %max3A_316 = arith.maximumf %add3A_312, %mul3A_315 : vector<16xf32>
        %mul3A_317 = arith.mulf %max3A_316, %gather3A_53 : vector<16xf32>
        %add3A_318 = arith.addf %add3A_306, %mul3A_317 : vector<16xf32>
        %add3A_319 = arith.constant 12 : i32
        %add3A_320 = vector.broadcast %add3A_319 : i32 to vector<16xi32>
        %add3A_321 = arith.addi %shift_left3A_6, %add3A_320 : vector<16xi32>
        %gather3A_322 = tpu.vector_load_idx %arg12[%add3A_173, %add3A_321] : memref<128x128xf32, #tpu.memory_space<vmem>>[vector<16xi32>, vector<16xi32>], vector<16xf32>,
        %gather3A_323 = tpu.vector_load_idx %arg13[%add3A_173, %add3A_321] : memref<128x128xf32, #tpu.memory_space<vmem>>[vector<16xi32>, vector<16xi32>], vector<16xf32>,
        %add3A_324 = arith.addf %gather3A_322, %gather3A_323 : vector<16xf32>
        %mul3A_325 = arith.constant 2.000000e-01 : f32
        %mul3A_326 = vector.broadcast %mul3A_325 : f32 to vector<16xf32>
        %mul3A_327 = arith.mulf %add3A_324, %mul3A_326 : vector<16xf32>
        %max3A_328 = arith.maximumf %add3A_324, %mul3A_327 : vector<16xf32>
        %mul3A_329 = arith.mulf %max3A_328, %gather3A_57 : vector<16xf32>
        %add3A_330 = arith.addf %add3A_318, %mul3A_329 : vector<16xf32>
        %add3A_331 = arith.constant 13 : i32
        %add3A_332 = vector.broadcast %add3A_331 : i32 to vector<16xi32>
        %add3A_333 = arith.addi %shift_left3A_6, %add3A_332 : vector<16xi32>
        %gather3A_334 = tpu.vector_load_idx %arg12[%add3A_173, %add3A_333] : memref<128x128xf32, #tpu.memory_space<vmem>>[vector<16xi32>, vector<16xi32>], vector<16xf32>,
        %gather3A_335 = tpu.vector_load_idx %arg13[%add3A_173, %add3A_333] : memref<128x128xf32, #tpu.memory_space<vmem>>[vector<16xi32>, vector<16xi32>], vector<16xf32>,
        %add3A_336 = arith.addf %gather3A_334, %gather3A_335 : vector<16xf32>
        %mul3A_337 = arith.constant 2.000000e-01 : f32
        %mul3A_338 = vector.broadcast %mul3A_337 : f32 to vector<16xf32>
        %mul3A_339 = arith.mulf %add3A_336, %mul3A_338 : vector<16xf32>
        %max3A_340 = arith.maximumf %add3A_336, %mul3A_339 : vector<16xf32>
        %mul3A_341 = arith.mulf %max3A_340, %gather3A_61 : vector<16xf32>
        %add3A_342 = arith.addf %add3A_330, %mul3A_341 : vector<16xf32>
        %add3A_343 = arith.constant 14 : i32
        %add3A_344 = vector.broadcast %add3A_343 : i32 to vector<16xi32>
        %add3A_345 = arith.addi %shift_left3A_6, %add3A_344 : vector<16xi32>
        %gather3A_346 = tpu.vector_load_idx %arg12[%add3A_173, %add3A_345] : memref<128x128xf32, #tpu.memory_space<vmem>>[vector<16xi32>, vector<16xi32>], vector<16xf32>,
        %gather3A_347 = tpu.vector_load_idx %arg13[%add3A_173, %add3A_345] : memref<128x128xf32, #tpu.memory_space<vmem>>[vector<16xi32>, vector<16xi32>], vector<16xf32>,
        %add3A_348 = arith.addf %gather3A_346, %gather3A_347 : vector<16xf32>
        %mul3A_349 = arith.constant 2.000000e-01 : f32
        %mul3A_350 = vector.broadcast %mul3A_349 : f32 to vector<16xf32>
        %mul3A_351 = arith.mulf %add3A_348, %mul3A_350 : vector<16xf32>
        %max3A_352 = arith.maximumf %add3A_348, %mul3A_351 : vector<16xf32>
        %mul3A_353 = arith.mulf %max3A_352, %gather3A_65 : vector<16xf32>
        %add3A_354 = arith.addf %add3A_342, %mul3A_353 : vector<16xf32>
        %add3A_355 = arith.constant 15 : i32
        %add3A_356 = vector.broadcast %add3A_355 : i32 to vector<16xi32>
        %add3A_357 = arith.addi %shift_left3A_6, %add3A_356 : vector<16xi32>
        %gather3A_358 = tpu.vector_load_idx %arg12[%add3A_173, %add3A_357] : memref<128x128xf32, #tpu.memory_space<vmem>>[vector<16xi32>, vector<16xi32>], vector<16xf32>,
        %gather3A_359 = tpu.vector_load_idx %arg13[%add3A_173, %add3A_357] : memref<128x128xf32, #tpu.memory_space<vmem>>[vector<16xi32>, vector<16xi32>], vector<16xf32>,
        %add3A_360 = arith.addf %gather3A_358, %gather3A_359 : vector<16xf32>
        %mul3A_361 = arith.constant 2.000000e-01 : f32
        %mul3A_362 = vector.broadcast %mul3A_361 : f32 to vector<16xf32>
        %mul3A_363 = arith.mulf %add3A_360, %mul3A_362 : vector<16xf32>
        %max3A_364 = arith.maximumf %add3A_360, %mul3A_363 : vector<16xf32>
        %mul3A_365 = arith.mulf %max3A_364, %gather3A_69 : vector<16xf32>
        %add3A_366 = arith.addf %add3A_354, %mul3A_365 : vector<16xf32>
        %add3A_367 = arith.constant 16 : i32
        %add3A_368 = vector.broadcast %add3A_367 : i32 to vector<16xi32>
        %add3A_369 = arith.addi %shift_left3A_6, %add3A_368 : vector<16xi32>
        %gather3A_370 = tpu.vector_load_idx %arg12[%add3A_173, %add3A_369] : memref<128x128xf32, #tpu.memory_space<vmem>>[vector<16xi32>, vector<16xi32>], vector<16xf32>,
        %gather3A_371 = tpu.vector_load_idx %arg13[%add3A_173, %add3A_369] : memref<128x128xf32, #tpu.memory_space<vmem>>[vector<16xi32>, vector<16xi32>], vector<16xf32>,
        %add3A_372 = arith.addf %gather3A_370, %gather3A_371 : vector<16xf32>
        %mul3A_373 = arith.constant 2.000000e-01 : f32
        %mul3A_374 = vector.broadcast %mul3A_373 : f32 to vector<16xf32>
        %mul3A_375 = arith.mulf %add3A_372, %mul3A_374 : vector<16xf32>
        %max3A_376 = arith.maximumf %add3A_372, %mul3A_375 : vector<16xf32>
        %mul3A_377 = arith.mulf %max3A_376, %gather3A_73 : vector<16xf32>
        %add3A_378 = arith.addf %add3A_366, %mul3A_377 : vector<16xf32>
        %add3A_379 = arith.constant 17 : i32
        %add3A_380 = vector.broadcast %add3A_379 : i32 to vector<16xi32>
        %add3A_381 = arith.addi %shift_left3A_6, %add3A_380 : vector<16xi32>
        %gather3A_382 = tpu.vector_load_idx %arg12[%add3A_173, %add3A_381] : memref<128x128xf32, #tpu.memory_space<vmem>>[vector<16xi32>, vector<16xi32>], vector<16xf32>,
        %gather3A_383 = tpu.vector_load_idx %arg13[%add3A_173, %add3A_381] : memref<128x128xf32, #tpu.memory_space<vmem>>[vector<16xi32>, vector<16xi32>], vector<16xf32>,
        %add3A_384 = arith.addf %gather3A_382, %gather3A_383 : vector<16xf32>
        %mul3A_385 = arith.constant 2.000000e-01 : f32
        %mul3A_386 = vector.broadcast %mul3A_385 : f32 to vector<16xf32>
        %mul3A_387 = arith.mulf %add3A_384, %mul3A_386 : vector<16xf32>
        %max3A_388 = arith.maximumf %add3A_384, %mul3A_387 : vector<16xf32>
        %mul3A_389 = arith.mulf %max3A_388, %gather3A_77 : vector<16xf32>
        %add3A_390 = arith.addf %add3A_378, %mul3A_389 : vector<16xf32>
        %add3A_391 = arith.constant 18 : i32
        %add3A_392 = vector.broadcast %add3A_391 : i32 to vector<16xi32>
        %add3A_393 = arith.addi %shift_left3A_6, %add3A_392 : vector<16xi32>
        %gather3A_394 = tpu.vector_load_idx %arg12[%add3A_173, %add3A_393] : memref<128x128xf32, #tpu.memory_space<vmem>>[vector<16xi32>, vector<16xi32>], vector<16xf32>,
        %gather3A_395 = tpu.vector_load_idx %arg13[%add3A_173, %add3A_393] : memref<128x128xf32, #tpu.memory_space<vmem>>[vector<16xi32>, vector<16xi32>], vector<16xf32>,
        %add3A_396 = arith.addf %gather3A_394, %gather3A_395 : vector<16xf32>
        %mul3A_397 = arith.constant 2.000000e-01 : f32
        %mul3A_398 = vector.broadcast %mul3A_397 : f32 to vector<16xf32>
        %mul3A_399 = arith.mulf %add3A_396, %mul3A_398 : vector<16xf32>
        %max3A_400 = arith.maximumf %add3A_396, %mul3A_399 : vector<16xf32>
        %mul3A_401 = arith.mulf %max3A_400, %gather3A_81 : vector<16xf32>
        %add3A_402 = arith.addf %add3A_390, %mul3A_401 : vector<16xf32>
        %add3A_403 = arith.constant 19 : i32
        %add3A_404 = vector.broadcast %add3A_403 : i32 to vector<16xi32>
        %add3A_405 = arith.addi %shift_left3A_6, %add3A_404 : vector<16xi32>
        %gather3A_406 = tpu.vector_load_idx %arg12[%add3A_173, %add3A_405] : memref<128x128xf32, #tpu.memory_space<vmem>>[vector<16xi32>, vector<16xi32>], vector<16xf32>,
        %gather3A_407 = tpu.vector_load_idx %arg13[%add3A_173, %add3A_405] : memref<128x128xf32, #tpu.memory_space<vmem>>[vector<16xi32>, vector<16xi32>], vector<16xf32>,
        %add3A_408 = arith.addf %gather3A_406, %gather3A_407 : vector<16xf32>
        %mul3A_409 = arith.constant 2.000000e-01 : f32
        %mul3A_410 = vector.broadcast %mul3A_409 : f32 to vector<16xf32>
        %mul3A_411 = arith.mulf %add3A_408, %mul3A_410 : vector<16xf32>
        %max3A_412 = arith.maximumf %add3A_408, %mul3A_411 : vector<16xf32>
        %mul3A_413 = arith.mulf %max3A_412, %gather3A_85 : vector<16xf32>
        %add3A_414 = arith.addf %add3A_402, %mul3A_413 : vector<16xf32>
        %add3A_415 = arith.constant 20 : i32
        %add3A_416 = vector.broadcast %add3A_415 : i32 to vector<16xi32>
        %add3A_417 = arith.addi %shift_left3A_6, %add3A_416 : vector<16xi32>
        %gather3A_418 = tpu.vector_load_idx %arg12[%add3A_173, %add3A_417] : memref<128x128xf32, #tpu.memory_space<vmem>>[vector<16xi32>, vector<16xi32>], vector<16xf32>,
        %gather3A_419 = tpu.vector_load_idx %arg13[%add3A_173, %add3A_417] : memref<128x128xf32, #tpu.memory_space<vmem>>[vector<16xi32>, vector<16xi32>], vector<16xf32>,
        %add3A_420 = arith.addf %gather3A_418, %gather3A_419 : vector<16xf32>
        %mul3A_421 = arith.constant 2.000000e-01 : f32
        %mul3A_422 = vector.broadcast %mul3A_421 : f32 to vector<16xf32>
        %mul3A_423 = arith.mulf %add3A_420, %mul3A_422 : vector<16xf32>
        %max3A_424 = arith.maximumf %add3A_420, %mul3A_423 : vector<16xf32>
        %mul3A_425 = arith.mulf %max3A_424, %gather3A_89 : vector<16xf32>
        %add3A_426 = arith.addf %add3A_414, %mul3A_425 : vector<16xf32>
        %add3A_427 = arith.constant 21 : i32
        %add3A_428 = vector.broadcast %add3A_427 : i32 to vector<16xi32>
        %add3A_429 = arith.addi %shift_left3A_6, %add3A_428 : vector<16xi32>
        %gather3A_430 = tpu.vector_load_idx %arg12[%add3A_173, %add3A_429] : memref<128x128xf32, #tpu.memory_space<vmem>>[vector<16xi32>, vector<16xi32>], vector<16xf32>,
        %gather3A_431 = tpu.vector_load_idx %arg13[%add3A_173, %add3A_429] : memref<128x128xf32, #tpu.memory_space<vmem>>[vector<16xi32>, vector<16xi32>], vector<16xf32>,
        %add3A_432 = arith.addf %gather3A_430, %gather3A_431 : vector<16xf32>
        %mul3A_433 = arith.constant 2.000000e-01 : f32
        %mul3A_434 = vector.broadcast %mul3A_433 : f32 to vector<16xf32>
        %mul3A_435 = arith.mulf %add3A_432, %mul3A_434 : vector<16xf32>
        %max3A_436 = arith.maximumf %add3A_432, %mul3A_435 : vector<16xf32>
        %mul3A_437 = arith.mulf %max3A_436, %gather3A_93 : vector<16xf32>
        %add3A_438 = arith.addf %add3A_426, %mul3A_437 : vector<16xf32>
        %add3A_439 = arith.constant 22 : i32
        %add3A_440 = vector.broadcast %add3A_439 : i32 to vector<16xi32>
        %add3A_441 = arith.addi %shift_left3A_6, %add3A_440 : vector<16xi32>
        %gather3A_442 = tpu.vector_load_idx %arg12[%add3A_173, %add3A_441] : memref<128x128xf32, #tpu.memory_space<vmem>>[vector<16xi32>, vector<16xi32>], vector<16xf32>,
        %gather3A_443 = tpu.vector_load_idx %arg13[%add3A_173, %add3A_441] : memref<128x128xf32, #tpu.memory_space<vmem>>[vector<16xi32>, vector<16xi32>], vector<16xf32>,
        %add3A_444 = arith.addf %gather3A_442, %gather3A_443 : vector<16xf32>
        %mul3A_445 = arith.constant 2.000000e-01 : f32
        %mul3A_446 = vector.broadcast %mul3A_445 : f32 to vector<16xf32>
        %mul3A_447 = arith.mulf %add3A_444, %mul3A_446 : vector<16xf32>
        %max3A_448 = arith.maximumf %add3A_444, %mul3A_447 : vector<16xf32>
        %mul3A_449 = arith.mulf %max3A_448, %gather3A_97 : vector<16xf32>
        %add3A_450 = arith.addf %add3A_438, %mul3A_449 : vector<16xf32>
        %add3A_451 = arith.constant 23 : i32
        %add3A_452 = vector.broadcast %add3A_451 : i32 to vector<16xi32>
        %add3A_453 = arith.addi %shift_left3A_6, %add3A_452 : vector<16xi32>
        %gather3A_454 = tpu.vector_load_idx %arg12[%add3A_173, %add3A_453] : memref<128x128xf32, #tpu.memory_space<vmem>>[vector<16xi32>, vector<16xi32>], vector<16xf32>,
        %gather3A_455 = tpu.vector_load_idx %arg13[%add3A_173, %add3A_453] : memref<128x128xf32, #tpu.memory_space<vmem>>[vector<16xi32>, vector<16xi32>], vector<16xf32>,
        %add3A_456 = arith.addf %gather3A_454, %gather3A_455 : vector<16xf32>
        %mul3A_457 = arith.constant 2.000000e-01 : f32
        %mul3A_458 = vector.broadcast %mul3A_457 : f32 to vector<16xf32>
        %mul3A_459 = arith.mulf %add3A_456, %mul3A_458 : vector<16xf32>
        %max3A_460 = arith.maximumf %add3A_456, %mul3A_459 : vector<16xf32>
        %mul3A_461 = arith.mulf %max3A_460, %gather3A_101 : vector<16xf32>
        %add3A_462 = arith.addf %add3A_450, %mul3A_461 : vector<16xf32>
        %add3A_463 = arith.constant 24 : i32
        %add3A_464 = vector.broadcast %add3A_463 : i32 to vector<16xi32>
        %add3A_465 = arith.addi %shift_left3A_6, %add3A_464 : vector<16xi32>
        %gather3A_466 = tpu.vector_load_idx %arg12[%add3A_173, %add3A_465] : memref<128x128xf32, #tpu.memory_space<vmem>>[vector<16xi32>, vector<16xi32>], vector<16xf32>,
        %gather3A_467 = tpu.vector_load_idx %arg13[%add3A_173, %add3A_465] : memref<128x128xf32, #tpu.memory_space<vmem>>[vector<16xi32>, vector<16xi32>], vector<16xf32>,
        %add3A_468 = arith.addf %gather3A_466, %gather3A_467 : vector<16xf32>
        %mul3A_469 = arith.constant 2.000000e-01 : f32
        %mul3A_470 = vector.broadcast %mul3A_469 : f32 to vector<16xf32>
        %mul3A_471 = arith.mulf %add3A_468, %mul3A_470 : vector<16xf32>
        %max3A_472 = arith.maximumf %add3A_468, %mul3A_471 : vector<16xf32>
        %mul3A_473 = arith.mulf %max3A_472, %gather3A_105 : vector<16xf32>
        %add3A_474 = arith.addf %add3A_462, %mul3A_473 : vector<16xf32>
        %add3A_475 = arith.constant 25 : i32
        %add3A_476 = vector.broadcast %add3A_475 : i32 to vector<16xi32>
        %add3A_477 = arith.addi %shift_left3A_6, %add3A_476 : vector<16xi32>
        %gather3A_478 = tpu.vector_load_idx %arg12[%add3A_173, %add3A_477] : memref<128x128xf32, #tpu.memory_space<vmem>>[vector<16xi32>, vector<16xi32>], vector<16xf32>,
        %gather3A_479 = tpu.vector_load_idx %arg13[%add3A_173, %add3A_477] : memref<128x128xf32, #tpu.memory_space<vmem>>[vector<16xi32>, vector<16xi32>], vector<16xf32>,
        %add3A_480 = arith.addf %gather3A_478, %gather3A_479 : vector<16xf32>
        %mul3A_481 = arith.constant 2.000000e-01 : f32
        %mul3A_482 = vector.broadcast %mul3A_481 : f32 to vector<16xf32>
        %mul3A_483 = arith.mulf %add3A_480, %mul3A_482 : vector<16xf32>
        %max3A_484 = arith.maximumf %add3A_480, %mul3A_483 : vector<16xf32>
        %mul3A_485 = arith.mulf %max3A_484, %gather3A_109 : vector<16xf32>
        %add3A_486 = arith.addf %add3A_474, %mul3A_485 : vector<16xf32>
        %add3A_487 = arith.constant 26 : i32
        %add3A_488 = vector.broadcast %add3A_487 : i32 to vector<16xi32>
        %add3A_489 = arith.addi %shift_left3A_6, %add3A_488 : vector<16xi32>
        %gather3A_490 = tpu.vector_load_idx %arg12[%add3A_173, %add3A_489] : memref<128x128xf32, #tpu.memory_space<vmem>>[vector<16xi32>, vector<16xi32>], vector<16xf32>,
        %gather3A_491 = tpu.vector_load_idx %arg13[%add3A_173, %add3A_489] : memref<128x128xf32, #tpu.memory_space<vmem>>[vector<16xi32>, vector<16xi32>], vector<16xf32>,
        %add3A_492 = arith.addf %gather3A_490, %gather3A_491 : vector<16xf32>
        %mul3A_493 = arith.constant 2.000000e-01 : f32
        %mul3A_494 = vector.broadcast %mul3A_493 : f32 to vector<16xf32>
        %mul3A_495 = arith.mulf %add3A_492, %mul3A_494 : vector<16xf32>
        %max3A_496 = arith.maximumf %add3A_492, %mul3A_495 : vector<16xf32>
        %mul3A_497 = arith.mulf %max3A_496, %gather3A_113 : vector<16xf32>
        %add3A_498 = arith.addf %add3A_486, %mul3A_497 : vector<16xf32>
        %add3A_499 = arith.constant 27 : i32
        %add3A_500 = vector.broadcast %add3A_499 : i32 to vector<16xi32>
        %add3A_501 = arith.addi %shift_left3A_6, %add3A_500 : vector<16xi32>
        %gather3A_502 = tpu.vector_load_idx %arg12[%add3A_173, %add3A_501] : memref<128x128xf32, #tpu.memory_space<vmem>>[vector<16xi32>, vector<16xi32>], vector<16xf32>,
        %gather3A_503 = tpu.vector_load_idx %arg13[%add3A_173, %add3A_501] : memref<128x128xf32, #tpu.memory_space<vmem>>[vector<16xi32>, vector<16xi32>], vector<16xf32>,
        %add3A_504 = arith.addf %gather3A_502, %gather3A_503 : vector<16xf32>
        %mul3A_505 = arith.constant 2.000000e-01 : f32
        %mul3A_506 = vector.broadcast %mul3A_505 : f32 to vector<16xf32>
        %mul3A_507 = arith.mulf %add3A_504, %mul3A_506 : vector<16xf32>
        %max3A_508 = arith.maximumf %add3A_504, %mul3A_507 : vector<16xf32>
        %mul3A_509 = arith.mulf %max3A_508, %gather3A_117 : vector<16xf32>
        %add3A_510 = arith.addf %add3A_498, %mul3A_509 : vector<16xf32>
        %add3A_511 = arith.constant 28 : i32
        %add3A_512 = vector.broadcast %add3A_511 : i32 to vector<16xi32>
        %add3A_513 = arith.addi %shift_left3A_6, %add3A_512 : vector<16xi32>
        %gather3A_514 = tpu.vector_load_idx %arg12[%add3A_173, %add3A_513] : memref<128x128xf32, #tpu.memory_space<vmem>>[vector<16xi32>, vector<16xi32>], vector<16xf32>,
        %gather3A_515 = tpu.vector_load_idx %arg13[%add3A_173, %add3A_513] : memref<128x128xf32, #tpu.memory_space<vmem>>[vector<16xi32>, vector<16xi32>], vector<16xf32>,
        %add3A_516 = arith.addf %gather3A_514, %gather3A_515 : vector<16xf32>
        %mul3A_517 = arith.constant 2.000000e-01 : f32
        %mul3A_518 = vector.broadcast %mul3A_517 : f32 to vector<16xf32>
        %mul3A_519 = arith.mulf %add3A_516, %mul3A_518 : vector<16xf32>
        %max3A_520 = arith.maximumf %add3A_516, %mul3A_519 : vector<16xf32>
        %mul3A_521 = arith.mulf %max3A_520, %gather3A_121 : vector<16xf32>
        %add3A_522 = arith.addf %add3A_510, %mul3A_521 : vector<16xf32>
        %add3A_523 = arith.constant 29 : i32
        %add3A_524 = vector.broadcast %add3A_523 : i32 to vector<16xi32>
        %add3A_525 = arith.addi %shift_left3A_6, %add3A_524 : vector<16xi32>
        %gather3A_526 = tpu.vector_load_idx %arg12[%add3A_173, %add3A_525] : memref<128x128xf32, #tpu.memory_space<vmem>>[vector<16xi32>, vector<16xi32>], vector<16xf32>,
        %gather3A_527 = tpu.vector_load_idx %arg13[%add3A_173, %add3A_525] : memref<128x128xf32, #tpu.memory_space<vmem>>[vector<16xi32>, vector<16xi32>], vector<16xf32>,
        %add3A_528 = arith.addf %gather3A_526, %gather3A_527 : vector<16xf32>
        %mul3A_529 = arith.constant 2.000000e-01 : f32
        %mul3A_530 = vector.broadcast %mul3A_529 : f32 to vector<16xf32>
        %mul3A_531 = arith.mulf %add3A_528, %mul3A_530 : vector<16xf32>
        %max3A_532 = arith.maximumf %add3A_528, %mul3A_531 : vector<16xf32>
        %mul3A_533 = arith.mulf %max3A_532, %gather3A_125 : vector<16xf32>
        %add3A_534 = arith.addf %add3A_522, %mul3A_533 : vector<16xf32>
        %add3A_535 = arith.constant 30 : i32
        %add3A_536 = vector.broadcast %add3A_535 : i32 to vector<16xi32>
        %add3A_537 = arith.addi %shift_left3A_6, %add3A_536 : vector<16xi32>
        %gather3A_538 = tpu.vector_load_idx %arg12[%add3A_173, %add3A_537] : memref<128x128xf32, #tpu.memory_space<vmem>>[vector<16xi32>, vector<16xi32>], vector<16xf32>,
        %gather3A_539 = tpu.vector_load_idx %arg13[%add3A_173, %add3A_537] : memref<128x128xf32, #tpu.memory_space<vmem>>[vector<16xi32>, vector<16xi32>], vector<16xf32>,
        %add3A_540 = arith.addf %gather3A_538, %gather3A_539 : vector<16xf32>
        %mul3A_541 = arith.constant 2.000000e-01 : f32
        %mul3A_542 = vector.broadcast %mul3A_541 : f32 to vector<16xf32>
        %mul3A_543 = arith.mulf %add3A_540, %mul3A_542 : vector<16xf32>
        %max3A_544 = arith.maximumf %add3A_540, %mul3A_543 : vector<16xf32>
        %mul3A_545 = arith.mulf %max3A_544, %gather3A_129 : vector<16xf32>
        %add3A_546 = arith.addf %add3A_534, %mul3A_545 : vector<16xf32>
        %add3A_547 = arith.constant 31 : i32
        %add3A_548 = vector.broadcast %add3A_547 : i32 to vector<16xi32>
        %add3A_549 = arith.addi %shift_left3A_6, %add3A_548 : vector<16xi32>
        %gather3A_550 = tpu.vector_load_idx %arg12[%add3A_173, %add3A_549] : memref<128x128xf32, #tpu.memory_space<vmem>>[vector<16xi32>, vector<16xi32>], vector<16xf32>,
        %gather3A_551 = tpu.vector_load_idx %arg13[%add3A_173, %add3A_549] : memref<128x128xf32, #tpu.memory_space<vmem>>[vector<16xi32>, vector<16xi32>], vector<16xf32>,
        %add3A_552 = arith.addf %gather3A_550, %gather3A_551 : vector<16xf32>
        %mul3A_553 = arith.constant 2.000000e-01 : f32
        %mul3A_554 = vector.broadcast %mul3A_553 : f32 to vector<16xf32>
        %mul3A_555 = arith.mulf %add3A_552, %mul3A_554 : vector<16xf32>
        %max3A_556 = arith.maximumf %add3A_552, %mul3A_555 : vector<16xf32>
        %mul3A_557 = arith.mulf %max3A_556, %gather3A_133 : vector<16xf32>
        %add3A_558 = arith.addf %add3A_546, %mul3A_557 : vector<16xf32>
        %mul3A_559 = arith.constant 16 : i32
        %mul3A_560 = arith.muli %scan3A_168, %mul3A_559 : i32
        %swap3A_561 = arith.index_cast %mul3A_560 : i32 to index
        %swap3A_562 = tpu.vector_load %arg14[%swap3A_561] {strides = array<i32>} : memref<512xf32, #tpu.memory_space<vmem>>, vector<16xf32>,
        tpu.vector_store %arg14[%swap3A_561], %add3A_558 {strides = array<i32>} : memref<512xf32, #tpu.memory_space<vmem>>, vector<16xf32>,
        %max3A_563 = arith.maximumf %scan3A_169, %add3A_558 : vector<16xf32>
        scf.yield %max3A_563 : vector<16xf32>
      }
      %scan3A_165 = arith.constant 32 : i32
      %mul3A_166 = arith.constant 4 : i32
      %mul3A_167 = arith.muli %mul3A_149, %mul3A_166 : i32
      "tpu.region"() ({
        %run_scoped3A = tpu.sem_alloc : memref<!tpu.dma_semaphore, #tpu.memory_space<semaphore_mem>>
        %dma_start3A_168 = tpu.memref_slice %arg7[%mul3A_167] : memref<1327104xf32, #tpu.memory_space<hbm>> -> memref<512xf32, #tpu.memory_space<hbm>>
        %dma_start3A_169 = tpu.memref_slice %arg7[%mul3A_167] : memref<1327104xf32, #tpu.memory_space<hbm>> -> memref<512xf32, #tpu.memory_space<hbm>>
        tpu.enqueue_dma source(%arg14 : memref<512xf32, #tpu.memory_space<vmem>>) target(%dma_start3A_169 : memref<512xf32, #tpu.memory_space<hbm>>) target_semaphore(%run_scoped3A : memref<!tpu.dma_semaphore, #tpu.memory_space<semaphore_mem>>)
        %dma_wait3A_170 = tpu.memref_slice %arg7[%mul3A_167] : memref<1327104xf32, #tpu.memory_space<hbm>> -> memref<512xf32, #tpu.memory_space<hbm>>
        %dma_wait3A_171 = tpu.memref_slice %arg7[%mul3A_167] : memref<1327104xf32, #tpu.memory_space<hbm>> -> memref<512xf32, #tpu.memory_space<hbm>>
        tpu.wait_dma2 semaphore(%run_scoped3A : memref<!tpu.dma_semaphore, #tpu.memory_space<semaphore_mem>>) src(%arg14 : memref<512xf32, #tpu.memory_space<vmem>>) dst(%dma_wait3A_171 : memref<512xf32, #tpu.memory_space<hbm>>)
        tpu.yield
      }) : () -> ()
      scf.yield %scan3A_164 : vector<16xf32>
    }
    %scan3A_139 = arith.constant 81 : i32
    %swap3A = arith.constant 0 : index
    %swap3A_140 = tpu.vector_load %arg14[%swap3A] {strides = array<i32>} : memref<512xf32, #tpu.memory_space<vmem>>, vector<16xf32>,
    tpu.vector_store %arg14[%swap3A], %scan3A_138 {strides = array<i32>} : memref<512xf32, #tpu.memory_space<vmem>>, vector<16xf32>,
    %mul3A_141 = arith.constant 16 : i32
    %mul3A_142 = arith.muli %add3A, %mul3A_141 : i32
    "tpu.region"() ({
      %run_scoped3A = tpu.sem_alloc : memref<!tpu.dma_semaphore, #tpu.memory_space<semaphore_mem>>
      %dma_start3A = arith.constant 0 : i32
      %dma_start3A_143 = tpu.memref_slice %arg14[%dma_start3A] : memref<512xf32, #tpu.memory_space<vmem>> -> memref<16xf32, #tpu.memory_space<vmem>>
      %dma_start3A_144 = tpu.memref_slice %arg8[%mul3A_142] : memref<512xf32, #tpu.memory_space<hbm>> -> memref<16xf32, #tpu.memory_space<hbm>>
      %dma_start3A_145 = tpu.memref_slice %arg8[%mul3A_142] : memref<512xf32, #tpu.memory_space<hbm>> -> memref<16xf32, #tpu.memory_space<hbm>>
      %dma_start3A_146 = arith.constant 0 : i32
      %dma_start3A_147 = tpu.memref_slice %arg14[%dma_start3A_146] : memref<512xf32, #tpu.memory_space<vmem>> -> memref<16xf32, #tpu.memory_space<vmem>>
      tpu.enqueue_dma source(%dma_start3A_147 : memref<16xf32, #tpu.memory_space<vmem>>) target(%dma_start3A_145 : memref<16xf32, #tpu.memory_space<hbm>>) target_semaphore(%run_scoped3A : memref<!tpu.dma_semaphore, #tpu.memory_space<semaphore_mem>>)
      %dma_wait3A = arith.constant 0 : i32
      %dma_wait3A_148 = tpu.memref_slice %arg14[%dma_wait3A] : memref<512xf32, #tpu.memory_space<vmem>> -> memref<16xf32, #tpu.memory_space<vmem>>
      %dma_wait3A_149 = tpu.memref_slice %arg8[%mul3A_142] : memref<512xf32, #tpu.memory_space<hbm>> -> memref<16xf32, #tpu.memory_space<hbm>>
      %dma_wait3A_150 = tpu.memref_slice %arg8[%mul3A_142] : memref<512xf32, #tpu.memory_space<hbm>> -> memref<16xf32, #tpu.memory_space<hbm>>
      %dma_wait3A_151 = arith.constant 0 : i32
      %dma_wait3A_152 = tpu.memref_slice %arg14[%dma_wait3A_151] : memref<512xf32, #tpu.memory_space<vmem>> -> memref<16xf32, #tpu.memory_space<vmem>>
      tpu.wait_dma2 semaphore(%run_scoped3A : memref<!tpu.dma_semaphore, #tpu.memory_space<semaphore_mem>>) src(%dma_wait3A_152 : memref<16xf32, #tpu.memory_space<vmem>>) dst(%dma_wait3A_150 : memref<16xf32, #tpu.memory_space<hbm>>)
      tpu.yield
    }) : () -> ()
    return
  }
}

#map = affine_map<(d0, d1) -> (0)>
#map1 = affine_map<(d0, d1) -> (0, 0)>
#map2 = affine_map<(d0, d1) -> (0, 0, 0)>
module attributes {stable_mosaic.version = 14 : i64} {
  func.func @_pass_b_body(%arg0: i32, %arg1: i32, %arg2: memref<331776xi32, #tpu.memory_space<hbm>>, %arg3: memref<1327104xf32, #tpu.memory_space<hbm>>, %arg4: memref<16xf32, #tpu.memory_space<hbm>>, %arg5: memref<128x128xf32, #tpu.memory_space<hbm>>, %arg6: memref<640x128xf32, #tpu.memory_space<hbm>>, %arg7: memref<2x10240x128xf32, #tpu.memory_space<hbm>>, %arg8: memref<16xf32, #tpu.memory_space<vmem>>, %arg9: memref<128xi32, #tpu.memory_space<vmem>>, %arg10: memref<512xf32, #tpu.memory_space<vmem>>, %arg11: memref<128x128xf32, #tpu.memory_space<vmem>>, %arg12: memref<10240x128xf32, #tpu.memory_space<vmem_shared>>, %arg13: memref<!tpu.dma_semaphore, #tpu.memory_space<semaphore_mem>>) attributes {dimension_semantics = [#tpu.dimension_semantics<core_parallel>, #tpu.dimension_semantics<subcore_parallel>], iteration_bounds = array<i64: 2, 16>, scalar_prefetch = 0 : i64, scratch_operands = 6 : i64, tpu.core_type = #tpu.core_type<sc_vector_subcore>, window_params = [{transform_indices = #map}, {transform_indices = #map}, {transform_indices = #map}, {transform_indices = #map1}, {transform_indices = #map1}, {transform_indices = #map2}]} {
    %mul3A = arith.constant 2 : i32
    %mul3A_0 = arith.muli %arg1, %mul3A : i32
    %add3A = arith.addi %mul3A_0, %arg0 : i32
    "tpu.region"() ({
      %run_scoped3A = tpu.sem_alloc : memref<!tpu.dma_semaphore, #tpu.memory_space<semaphore_mem>>
      tpu.enqueue_dma source(%arg4 : memref<16xf32, #tpu.memory_space<hbm>>) target(%arg8 : memref<16xf32, #tpu.memory_space<vmem>>) target_semaphore(%run_scoped3A : memref<!tpu.dma_semaphore, #tpu.memory_space<semaphore_mem>>)
      tpu.wait_dma2 semaphore(%run_scoped3A : memref<!tpu.dma_semaphore, #tpu.memory_space<semaphore_mem>>) src(%arg4 : memref<16xf32, #tpu.memory_space<hbm>>) dst(%arg8 : memref<16xf32, #tpu.memory_space<vmem>>)
      tpu.yield
    }) : () -> ()
    "tpu.region"() ({
      %run_scoped3A = tpu.sem_alloc : memref<!tpu.dma_semaphore, #tpu.memory_space<semaphore_mem>>
      tpu.enqueue_dma source(%arg5 : memref<128x128xf32, #tpu.memory_space<hbm>>) target(%arg11 : memref<128x128xf32, #tpu.memory_space<vmem>>) target_semaphore(%run_scoped3A : memref<!tpu.dma_semaphore, #tpu.memory_space<semaphore_mem>>)
      tpu.wait_dma2 semaphore(%run_scoped3A : memref<!tpu.dma_semaphore, #tpu.memory_space<semaphore_mem>>) src(%arg5 : memref<128x128xf32, #tpu.memory_space<hbm>>) dst(%arg11 : memref<128x128xf32, #tpu.memory_space<vmem>>)
      tpu.yield
    }) : () -> ()
    %mul3A_1 = arith.constant 640 : i32
    %mul3A_2 = arith.muli %arg1, %mul3A_1 : i32
    "tpu.region"() ({
      %run_scoped3A = tpu.sem_alloc : memref<!tpu.dma_semaphore, #tpu.memory_space<semaphore_mem>>
      %dma_start3A = arith.constant 0 : i32
      %dma_start3A_19 = tpu.memref_slice %arg12[%mul3A_2, %dma_start3A] : memref<10240x128xf32, #tpu.memory_space<vmem_shared>> -> memref<640x128xf32, #tpu.memory_space<vmem_shared>>
      tpu.enqueue_dma source(%arg6 : memref<640x128xf32, #tpu.memory_space<hbm>>) target(%dma_start3A_19 : memref<640x128xf32, #tpu.memory_space<vmem_shared>>) target_semaphore(%run_scoped3A : memref<!tpu.dma_semaphore, #tpu.memory_space<semaphore_mem>>)
      %dma_wait3A = arith.constant 0 : i32
      %dma_wait3A_20 = tpu.memref_slice %arg12[%mul3A_2, %dma_wait3A] : memref<10240x128xf32, #tpu.memory_space<vmem_shared>> -> memref<640x128xf32, #tpu.memory_space<vmem_shared>>
      tpu.wait_dma2 semaphore(%run_scoped3A : memref<!tpu.dma_semaphore, #tpu.memory_space<semaphore_mem>>) src(%arg6 : memref<640x128xf32, #tpu.memory_space<hbm>>) dst(%dma_wait3A_20 : memref<640x128xf32, #tpu.memory_space<vmem_shared>>)
      tpu.yield
    }) : () -> ()
    %barrier3A = arith.constant 0 : index
    tpu.barrier barrier_id(%barrier3A)
    %iota3A = tpu.iota {dimensions = array<i32: 0>} : vector<16xi32>
    %shift_right_arithmetic3A = arith.constant 2 : i32
    %shift_right_arithmetic3A_3 = vector.broadcast %shift_right_arithmetic3A : i32 to vector<16xi32>
    %shift_right_arithmetic3A_4 = arith.shrsi %iota3A, %shift_right_arithmetic3A_3 : vector<16xi32>
    %and3A = arith.constant 3 : i32
    %and3A_5 = vector.broadcast %and3A : i32 to vector<16xi32>
    %and3A_6 = arith.andi %iota3A, %and3A_5 : vector<16xi32>
    %get3A = arith.constant 0 : index
    %get3A_7 = tpu.vector_load %arg8[%get3A] {strides = array<i32>} : memref<16xf32, #tpu.memory_space<vmem>>, vector<16xf32>,
    %scan3A = arith.constant 0 : i32
    %scan3A_8 = arith.constant 0 : i32
    %scan3A_9 = arith.constant 81 : i32
    %scan3A_10 = arith.addi %scan3A_8, %scan3A_9 : i32
    %scan3A_11 = arith.constant 1 : i32
    %scan3A_12 = scf.for %scan3A_19 = %scan3A_8 to %scan3A_10 step %scan3A_11 iter_args(%scan3A_20 = %scan3A) -> (i32)  : i32 {
      %mul3A_21 = arith.constant 81 : i32
      %mul3A_22 = arith.muli %add3A, %mul3A_21 : i32
      %add3A_23 = arith.addi %mul3A_22, %scan3A_19 : i32
      %mul3A_24 = arith.constant 128 : i32
      %mul3A_25 = arith.muli %add3A_23, %mul3A_24 : i32
      "tpu.region"() ({
        %run_scoped3A = tpu.sem_alloc : memref<!tpu.dma_semaphore, #tpu.memory_space<semaphore_mem>>
        %dma_start3A = tpu.memref_slice %arg2[%mul3A_25] : memref<331776xi32, #tpu.memory_space<hbm>> -> memref<128xi32, #tpu.memory_space<hbm>>
        %dma_start3A_251 = tpu.memref_slice %arg2[%mul3A_25] : memref<331776xi32, #tpu.memory_space<hbm>> -> memref<128xi32, #tpu.memory_space<hbm>>
        tpu.enqueue_dma source(%dma_start3A_251 : memref<128xi32, #tpu.memory_space<hbm>>) target(%arg9 : memref<128xi32, #tpu.memory_space<vmem>>) target_semaphore(%run_scoped3A : memref<!tpu.dma_semaphore, #tpu.memory_space<semaphore_mem>>)
        %dma_wait3A = tpu.memref_slice %arg2[%mul3A_25] : memref<331776xi32, #tpu.memory_space<hbm>> -> memref<128xi32, #tpu.memory_space<hbm>>
        %dma_wait3A_252 = tpu.memref_slice %arg2[%mul3A_25] : memref<331776xi32, #tpu.memory_space<hbm>> -> memref<128xi32, #tpu.memory_space<hbm>>
        tpu.wait_dma2 semaphore(%run_scoped3A : memref<!tpu.dma_semaphore, #tpu.memory_space<semaphore_mem>>) src(%dma_wait3A_252 : memref<128xi32, #tpu.memory_space<hbm>>) dst(%arg9 : memref<128xi32, #tpu.memory_space<vmem>>)
        tpu.yield
      }) : () -> ()
      %mul3A_26 = arith.constant 4 : i32
      %mul3A_27 = arith.muli %mul3A_25, %mul3A_26 : i32
      "tpu.region"() ({
        %run_scoped3A = tpu.sem_alloc : memref<!tpu.dma_semaphore, #tpu.memory_space<semaphore_mem>>
        %dma_start3A = tpu.memref_slice %arg3[%mul3A_27] : memref<1327104xf32, #tpu.memory_space<hbm>> -> memref<512xf32, #tpu.memory_space<hbm>>
        %dma_start3A_251 = tpu.memref_slice %arg3[%mul3A_27] : memref<1327104xf32, #tpu.memory_space<hbm>> -> memref<512xf32, #tpu.memory_space<hbm>>
        tpu.enqueue_dma source(%dma_start3A_251 : memref<512xf32, #tpu.memory_space<hbm>>) target(%arg10 : memref<512xf32, #tpu.memory_space<vmem>>) target_semaphore(%run_scoped3A : memref<!tpu.dma_semaphore, #tpu.memory_space<semaphore_mem>>)
        %dma_wait3A = tpu.memref_slice %arg3[%mul3A_27] : memref<1327104xf32, #tpu.memory_space<hbm>> -> memref<512xf32, #tpu.memory_space<hbm>>
        %dma_wait3A_252 = tpu.memref_slice %arg3[%mul3A_27] : memref<1327104xf32, #tpu.memory_space<hbm>> -> memref<512xf32, #tpu.memory_space<hbm>>
        tpu.wait_dma2 semaphore(%run_scoped3A : memref<!tpu.dma_semaphore, #tpu.memory_space<semaphore_mem>>) src(%dma_wait3A_252 : memref<512xf32, #tpu.memory_space<hbm>>) dst(%arg10 : memref<512xf32, #tpu.memory_space<vmem>>)
        tpu.yield
      }) : () -> ()
      %get3A_28 = arith.constant 0 : index
      %get3A_29 = tpu.vector_load %arg10[%get3A_28] {strides = array<i32>} : memref<512xf32, #tpu.memory_space<vmem>>, vector<16xf32>,
      %sub3A = arith.subf %get3A_29, %get3A_7 : vector<16xf32>
      %exp3A = math.exp %sub3A : vector<16xf32>
      %add3A_30 = arith.constant 0 : i32
      %add3A_31 = vector.broadcast %add3A_30 : i32 to vector<16xi32>
      %add3A_32 = arith.addi %shift_right_arithmetic3A_4, %add3A_31 : vector<16xi32>
      tpu.vector_store_idx %arg11[%add3A_32, %and3A_6], %exp3A : memref<128x128xf32, #tpu.memory_space<vmem>>[vector<16xi32>, vector<16xi32>], vector<16xf32>,
      %get3A_33 = arith.constant 16 : index
      %get3A_34 = tpu.vector_load %arg10[%get3A_33] {strides = array<i32>} : memref<512xf32, #tpu.memory_space<vmem>>, vector<16xf32>,
      %sub3A_35 = arith.subf %get3A_34, %get3A_7 : vector<16xf32>
      %exp3A_36 = math.exp %sub3A_35 : vector<16xf32>
      %add3A_37 = arith.constant 4 : i32
      %add3A_38 = vector.broadcast %add3A_37 : i32 to vector<16xi32>
      %add3A_39 = arith.addi %shift_right_arithmetic3A_4, %add3A_38 : vector<16xi32>
      tpu.vector_store_idx %arg11[%add3A_39, %and3A_6], %exp3A_36 : memref<128x128xf32, #tpu.memory_space<vmem>>[vector<16xi32>, vector<16xi32>], vector<16xf32>,
      %get3A_40 = arith.constant 32 : index
      %get3A_41 = tpu.vector_load %arg10[%get3A_40] {strides = array<i32>} : memref<512xf32, #tpu.memory_space<vmem>>, vector<16xf32>,
      %sub3A_42 = arith.subf %get3A_41, %get3A_7 : vector<16xf32>
      %exp3A_43 = math.exp %sub3A_42 : vector<16xf32>
      %add3A_44 = arith.constant 8 : i32
      %add3A_45 = vector.broadcast %add3A_44 : i32 to vector<16xi32>
      %add3A_46 = arith.addi %shift_right_arithmetic3A_4, %add3A_45 : vector<16xi32>
      tpu.vector_store_idx %arg11[%add3A_46, %and3A_6], %exp3A_43 : memref<128x128xf32, #tpu.memory_space<vmem>>[vector<16xi32>, vector<16xi32>], vector<16xf32>,
      %get3A_47 = arith.constant 48 : index
      %get3A_48 = tpu.vector_load %arg10[%get3A_47] {strides = array<i32>} : memref<512xf32, #tpu.memory_space<vmem>>, vector<16xf32>,
      %sub3A_49 = arith.subf %get3A_48, %get3A_7 : vector<16xf32>
      %exp3A_50 = math.exp %sub3A_49 : vector<16xf32>
      %add3A_51 = arith.constant 12 : i32
      %add3A_52 = vector.broadcast %add3A_51 : i32 to vector<16xi32>
      %add3A_53 = arith.addi %shift_right_arithmetic3A_4, %add3A_52 : vector<16xi32>
      tpu.vector_store_idx %arg11[%add3A_53, %and3A_6], %exp3A_50 : memref<128x128xf32, #tpu.memory_space<vmem>>[vector<16xi32>, vector<16xi32>], vector<16xf32>,
      %get3A_54 = arith.constant 64 : index
      %get3A_55 = tpu.vector_load %arg10[%get3A_54] {strides = array<i32>} : memref<512xf32, #tpu.memory_space<vmem>>, vector<16xf32>,
      %sub3A_56 = arith.subf %get3A_55, %get3A_7 : vector<16xf32>
      %exp3A_57 = math.exp %sub3A_56 : vector<16xf32>
      %add3A_58 = arith.constant 16 : i32
      %add3A_59 = vector.broadcast %add3A_58 : i32 to vector<16xi32>
      %add3A_60 = arith.addi %shift_right_arithmetic3A_4, %add3A_59 : vector<16xi32>
      tpu.vector_store_idx %arg11[%add3A_60, %and3A_6], %exp3A_57 : memref<128x128xf32, #tpu.memory_space<vmem>>[vector<16xi32>, vector<16xi32>], vector<16xf32>,
      %get3A_61 = arith.constant 80 : index
      %get3A_62 = tpu.vector_load %arg10[%get3A_61] {strides = array<i32>} : memref<512xf32, #tpu.memory_space<vmem>>, vector<16xf32>,
      %sub3A_63 = arith.subf %get3A_62, %get3A_7 : vector<16xf32>
      %exp3A_64 = math.exp %sub3A_63 : vector<16xf32>
      %add3A_65 = arith.constant 20 : i32
      %add3A_66 = vector.broadcast %add3A_65 : i32 to vector<16xi32>
      %add3A_67 = arith.addi %shift_right_arithmetic3A_4, %add3A_66 : vector<16xi32>
      tpu.vector_store_idx %arg11[%add3A_67, %and3A_6], %exp3A_64 : memref<128x128xf32, #tpu.memory_space<vmem>>[vector<16xi32>, vector<16xi32>], vector<16xf32>,
      %get3A_68 = arith.constant 96 : index
      %get3A_69 = tpu.vector_load %arg10[%get3A_68] {strides = array<i32>} : memref<512xf32, #tpu.memory_space<vmem>>, vector<16xf32>,
      %sub3A_70 = arith.subf %get3A_69, %get3A_7 : vector<16xf32>
      %exp3A_71 = math.exp %sub3A_70 : vector<16xf32>
      %add3A_72 = arith.constant 24 : i32
      %add3A_73 = vector.broadcast %add3A_72 : i32 to vector<16xi32>
      %add3A_74 = arith.addi %shift_right_arithmetic3A_4, %add3A_73 : vector<16xi32>
      tpu.vector_store_idx %arg11[%add3A_74, %and3A_6], %exp3A_71 : memref<128x128xf32, #tpu.memory_space<vmem>>[vector<16xi32>, vector<16xi32>], vector<16xf32>,
      %get3A_75 = arith.constant 112 : index
      %get3A_76 = tpu.vector_load %arg10[%get3A_75] {strides = array<i32>} : memref<512xf32, #tpu.memory_space<vmem>>, vector<16xf32>,
      %sub3A_77 = arith.subf %get3A_76, %get3A_7 : vector<16xf32>
      %exp3A_78 = math.exp %sub3A_77 : vector<16xf32>
      %add3A_79 = arith.constant 28 : i32
      %add3A_80 = vector.broadcast %add3A_79 : i32 to vector<16xi32>
      %add3A_81 = arith.addi %shift_right_arithmetic3A_4, %add3A_80 : vector<16xi32>
      tpu.vector_store_idx %arg11[%add3A_81, %and3A_6], %exp3A_78 : memref<128x128xf32, #tpu.memory_space<vmem>>[vector<16xi32>, vector<16xi32>], vector<16xf32>,
      %get3A_82 = arith.constant 128 : index
      %get3A_83 = tpu.vector_load %arg10[%get3A_82] {strides = array<i32>} : memref<512xf32, #tpu.memory_space<vmem>>, vector<16xf32>,
      %sub3A_84 = arith.subf %get3A_83, %get3A_7 : vector<16xf32>
      %exp3A_85 = math.exp %sub3A_84 : vector<16xf32>
      %add3A_86 = arith.constant 32 : i32
      %add3A_87 = vector.broadcast %add3A_86 : i32 to vector<16xi32>
      %add3A_88 = arith.addi %shift_right_arithmetic3A_4, %add3A_87 : vector<16xi32>
      tpu.vector_store_idx %arg11[%add3A_88, %and3A_6], %exp3A_85 : memref<128x128xf32, #tpu.memory_space<vmem>>[vector<16xi32>, vector<16xi32>], vector<16xf32>,
      %get3A_89 = arith.constant 144 : index
      %get3A_90 = tpu.vector_load %arg10[%get3A_89] {strides = array<i32>} : memref<512xf32, #tpu.memory_space<vmem>>, vector<16xf32>,
      %sub3A_91 = arith.subf %get3A_90, %get3A_7 : vector<16xf32>
      %exp3A_92 = math.exp %sub3A_91 : vector<16xf32>
      %add3A_93 = arith.constant 36 : i32
      %add3A_94 = vector.broadcast %add3A_93 : i32 to vector<16xi32>
      %add3A_95 = arith.addi %shift_right_arithmetic3A_4, %add3A_94 : vector<16xi32>
      tpu.vector_store_idx %arg11[%add3A_95, %and3A_6], %exp3A_92 : memref<128x128xf32, #tpu.memory_space<vmem>>[vector<16xi32>, vector<16xi32>], vector<16xf32>,
      %get3A_96 = arith.constant 160 : index
      %get3A_97 = tpu.vector_load %arg10[%get3A_96] {strides = array<i32>} : memref<512xf32, #tpu.memory_space<vmem>>, vector<16xf32>,
      %sub3A_98 = arith.subf %get3A_97, %get3A_7 : vector<16xf32>
      %exp3A_99 = math.exp %sub3A_98 : vector<16xf32>
      %add3A_100 = arith.constant 40 : i32
      %add3A_101 = vector.broadcast %add3A_100 : i32 to vector<16xi32>
      %add3A_102 = arith.addi %shift_right_arithmetic3A_4, %add3A_101 : vector<16xi32>
      tpu.vector_store_idx %arg11[%add3A_102, %and3A_6], %exp3A_99 : memref<128x128xf32, #tpu.memory_space<vmem>>[vector<16xi32>, vector<16xi32>], vector<16xf32>,
      %get3A_103 = arith.constant 176 : index
      %get3A_104 = tpu.vector_load %arg10[%get3A_103] {strides = array<i32>} : memref<512xf32, #tpu.memory_space<vmem>>, vector<16xf32>,
      %sub3A_105 = arith.subf %get3A_104, %get3A_7 : vector<16xf32>
      %exp3A_106 = math.exp %sub3A_105 : vector<16xf32>
      %add3A_107 = arith.constant 44 : i32
      %add3A_108 = vector.broadcast %add3A_107 : i32 to vector<16xi32>
      %add3A_109 = arith.addi %shift_right_arithmetic3A_4, %add3A_108 : vector<16xi32>
      tpu.vector_store_idx %arg11[%add3A_109, %and3A_6], %exp3A_106 : memref<128x128xf32, #tpu.memory_space<vmem>>[vector<16xi32>, vector<16xi32>], vector<16xf32>,
      %get3A_110 = arith.constant 192 : index
      %get3A_111 = tpu.vector_load %arg10[%get3A_110] {strides = array<i32>} : memref<512xf32, #tpu.memory_space<vmem>>, vector<16xf32>,
      %sub3A_112 = arith.subf %get3A_111, %get3A_7 : vector<16xf32>
      %exp3A_113 = math.exp %sub3A_112 : vector<16xf32>
      %add3A_114 = arith.constant 48 : i32
      %add3A_115 = vector.broadcast %add3A_114 : i32 to vector<16xi32>
      %add3A_116 = arith.addi %shift_right_arithmetic3A_4, %add3A_115 : vector<16xi32>
      tpu.vector_store_idx %arg11[%add3A_116, %and3A_6], %exp3A_113 : memref<128x128xf32, #tpu.memory_space<vmem>>[vector<16xi32>, vector<16xi32>], vector<16xf32>,
      %get3A_117 = arith.constant 208 : index
      %get3A_118 = tpu.vector_load %arg10[%get3A_117] {strides = array<i32>} : memref<512xf32, #tpu.memory_space<vmem>>, vector<16xf32>,
      %sub3A_119 = arith.subf %get3A_118, %get3A_7 : vector<16xf32>
      %exp3A_120 = math.exp %sub3A_119 : vector<16xf32>
      %add3A_121 = arith.constant 52 : i32
      %add3A_122 = vector.broadcast %add3A_121 : i32 to vector<16xi32>
      %add3A_123 = arith.addi %shift_right_arithmetic3A_4, %add3A_122 : vector<16xi32>
      tpu.vector_store_idx %arg11[%add3A_123, %and3A_6], %exp3A_120 : memref<128x128xf32, #tpu.memory_space<vmem>>[vector<16xi32>, vector<16xi32>], vector<16xf32>,
      %get3A_124 = arith.constant 224 : index
      %get3A_125 = tpu.vector_load %arg10[%get3A_124] {strides = array<i32>} : memref<512xf32, #tpu.memory_space<vmem>>, vector<16xf32>,
      %sub3A_126 = arith.subf %get3A_125, %get3A_7 : vector<16xf32>
      %exp3A_127 = math.exp %sub3A_126 : vector<16xf32>
      %add3A_128 = arith.constant 56 : i32
      %add3A_129 = vector.broadcast %add3A_128 : i32 to vector<16xi32>
      %add3A_130 = arith.addi %shift_right_arithmetic3A_4, %add3A_129 : vector<16xi32>
      tpu.vector_store_idx %arg11[%add3A_130, %and3A_6], %exp3A_127 : memref<128x128xf32, #tpu.memory_space<vmem>>[vector<16xi32>, vector<16xi32>], vector<16xf32>,
      %get3A_131 = arith.constant 240 : index
      %get3A_132 = tpu.vector_load %arg10[%get3A_131] {strides = array<i32>} : memref<512xf32, #tpu.memory_space<vmem>>, vector<16xf32>,
      %sub3A_133 = arith.subf %get3A_132, %get3A_7 : vector<16xf32>
      %exp3A_134 = math.exp %sub3A_133 : vector<16xf32>
      %add3A_135 = arith.constant 60 : i32
      %add3A_136 = vector.broadcast %add3A_135 : i32 to vector<16xi32>
      %add3A_137 = arith.addi %shift_right_arithmetic3A_4, %add3A_136 : vector<16xi32>
      tpu.vector_store_idx %arg11[%add3A_137, %and3A_6], %exp3A_134 : memref<128x128xf32, #tpu.memory_space<vmem>>[vector<16xi32>, vector<16xi32>], vector<16xf32>,
      %get3A_138 = arith.constant 256 : index
      %get3A_139 = tpu.vector_load %arg10[%get3A_138] {strides = array<i32>} : memref<512xf32, #tpu.memory_space<vmem>>, vector<16xf32>,
      %sub3A_140 = arith.subf %get3A_139, %get3A_7 : vector<16xf32>
      %exp3A_141 = math.exp %sub3A_140 : vector<16xf32>
      %add3A_142 = arith.constant 64 : i32
      %add3A_143 = vector.broadcast %add3A_142 : i32 to vector<16xi32>
      %add3A_144 = arith.addi %shift_right_arithmetic3A_4, %add3A_143 : vector<16xi32>
      tpu.vector_store_idx %arg11[%add3A_144, %and3A_6], %exp3A_141 : memref<128x128xf32, #tpu.memory_space<vmem>>[vector<16xi32>, vector<16xi32>], vector<16xf32>,
      %get3A_145 = arith.constant 272 : index
      %get3A_146 = tpu.vector_load %arg10[%get3A_145] {strides = array<i32>} : memref<512xf32, #tpu.memory_space<vmem>>, vector<16xf32>,
      %sub3A_147 = arith.subf %get3A_146, %get3A_7 : vector<16xf32>
      %exp3A_148 = math.exp %sub3A_147 : vector<16xf32>
      %add3A_149 = arith.constant 68 : i32
      %add3A_150 = vector.broadcast %add3A_149 : i32 to vector<16xi32>
      %add3A_151 = arith.addi %shift_right_arithmetic3A_4, %add3A_150 : vector<16xi32>
      tpu.vector_store_idx %arg11[%add3A_151, %and3A_6], %exp3A_148 : memref<128x128xf32, #tpu.memory_space<vmem>>[vector<16xi32>, vector<16xi32>], vector<16xf32>,
      %get3A_152 = arith.constant 288 : index
      %get3A_153 = tpu.vector_load %arg10[%get3A_152] {strides = array<i32>} : memref<512xf32, #tpu.memory_space<vmem>>, vector<16xf32>,
      %sub3A_154 = arith.subf %get3A_153, %get3A_7 : vector<16xf32>
      %exp3A_155 = math.exp %sub3A_154 : vector<16xf32>
      %add3A_156 = arith.constant 72 : i32
      %add3A_157 = vector.broadcast %add3A_156 : i32 to vector<16xi32>
      %add3A_158 = arith.addi %shift_right_arithmetic3A_4, %add3A_157 : vector<16xi32>
      tpu.vector_store_idx %arg11[%add3A_158, %and3A_6], %exp3A_155 : memref<128x128xf32, #tpu.memory_space<vmem>>[vector<16xi32>, vector<16xi32>], vector<16xf32>,
      %get3A_159 = arith.constant 304 : index
      %get3A_160 = tpu.vector_load %arg10[%get3A_159] {strides = array<i32>} : memref<512xf32, #tpu.memory_space<vmem>>, vector<16xf32>,
      %sub3A_161 = arith.subf %get3A_160, %get3A_7 : vector<16xf32>
      %exp3A_162 = math.exp %sub3A_161 : vector<16xf32>
      %add3A_163 = arith.constant 76 : i32
      %add3A_164 = vector.broadcast %add3A_163 : i32 to vector<16xi32>
      %add3A_165 = arith.addi %shift_right_arithmetic3A_4, %add3A_164 : vector<16xi32>
      tpu.vector_store_idx %arg11[%add3A_165, %and3A_6], %exp3A_162 : memref<128x128xf32, #tpu.memory_space<vmem>>[vector<16xi32>, vector<16xi32>], vector<16xf32>,
      %get3A_166 = arith.constant 320 : index
      %get3A_167 = tpu.vector_load %arg10[%get3A_166] {strides = array<i32>} : memref<512xf32, #tpu.memory_space<vmem>>, vector<16xf32>,
      %sub3A_168 = arith.subf %get3A_167, %get3A_7 : vector<16xf32>
      %exp3A_169 = math.exp %sub3A_168 : vector<16xf32>
      %add3A_170 = arith.constant 80 : i32
      %add3A_171 = vector.broadcast %add3A_170 : i32 to vector<16xi32>
      %add3A_172 = arith.addi %shift_right_arithmetic3A_4, %add3A_171 : vector<16xi32>
      tpu.vector_store_idx %arg11[%add3A_172, %and3A_6], %exp3A_169 : memref<128x128xf32, #tpu.memory_space<vmem>>[vector<16xi32>, vector<16xi32>], vector<16xf32>,
      %get3A_173 = arith.constant 336 : index
      %get3A_174 = tpu.vector_load %arg10[%get3A_173] {strides = array<i32>} : memref<512xf32, #tpu.memory_space<vmem>>, vector<16xf32>,
      %sub3A_175 = arith.subf %get3A_174, %get3A_7 : vector<16xf32>
      %exp3A_176 = math.exp %sub3A_175 : vector<16xf32>
      %add3A_177 = arith.constant 84 : i32
      %add3A_178 = vector.broadcast %add3A_177 : i32 to vector<16xi32>
      %add3A_179 = arith.addi %shift_right_arithmetic3A_4, %add3A_178 : vector<16xi32>
      tpu.vector_store_idx %arg11[%add3A_179, %and3A_6], %exp3A_176 : memref<128x128xf32, #tpu.memory_space<vmem>>[vector<16xi32>, vector<16xi32>], vector<16xf32>,
      %get3A_180 = arith.constant 352 : index
      %get3A_181 = tpu.vector_load %arg10[%get3A_180] {strides = array<i32>} : memref<512xf32, #tpu.memory_space<vmem>>, vector<16xf32>,
      %sub3A_182 = arith.subf %get3A_181, %get3A_7 : vector<16xf32>
      %exp3A_183 = math.exp %sub3A_182 : vector<16xf32>
      %add3A_184 = arith.constant 88 : i32
      %add3A_185 = vector.broadcast %add3A_184 : i32 to vector<16xi32>
      %add3A_186 = arith.addi %shift_right_arithmetic3A_4, %add3A_185 : vector<16xi32>
      tpu.vector_store_idx %arg11[%add3A_186, %and3A_6], %exp3A_183 : memref<128x128xf32, #tpu.memory_space<vmem>>[vector<16xi32>, vector<16xi32>], vector<16xf32>,
      %get3A_187 = arith.constant 368 : index
      %get3A_188 = tpu.vector_load %arg10[%get3A_187] {strides = array<i32>} : memref<512xf32, #tpu.memory_space<vmem>>, vector<16xf32>,
      %sub3A_189 = arith.subf %get3A_188, %get3A_7 : vector<16xf32>
      %exp3A_190 = math.exp %sub3A_189 : vector<16xf32>
      %add3A_191 = arith.constant 92 : i32
      %add3A_192 = vector.broadcast %add3A_191 : i32 to vector<16xi32>
      %add3A_193 = arith.addi %shift_right_arithmetic3A_4, %add3A_192 : vector<16xi32>
      tpu.vector_store_idx %arg11[%add3A_193, %and3A_6], %exp3A_190 : memref<128x128xf32, #tpu.memory_space<vmem>>[vector<16xi32>, vector<16xi32>], vector<16xf32>,
      %get3A_194 = arith.constant 384 : index
      %get3A_195 = tpu.vector_load %arg10[%get3A_194] {strides = array<i32>} : memref<512xf32, #tpu.memory_space<vmem>>, vector<16xf32>,
      %sub3A_196 = arith.subf %get3A_195, %get3A_7 : vector<16xf32>
      %exp3A_197 = math.exp %sub3A_196 : vector<16xf32>
      %add3A_198 = arith.constant 96 : i32
      %add3A_199 = vector.broadcast %add3A_198 : i32 to vector<16xi32>
      %add3A_200 = arith.addi %shift_right_arithmetic3A_4, %add3A_199 : vector<16xi32>
      tpu.vector_store_idx %arg11[%add3A_200, %and3A_6], %exp3A_197 : memref<128x128xf32, #tpu.memory_space<vmem>>[vector<16xi32>, vector<16xi32>], vector<16xf32>,
      %get3A_201 = arith.constant 400 : index
      %get3A_202 = tpu.vector_load %arg10[%get3A_201] {strides = array<i32>} : memref<512xf32, #tpu.memory_space<vmem>>, vector<16xf32>,
      %sub3A_203 = arith.subf %get3A_202, %get3A_7 : vector<16xf32>
      %exp3A_204 = math.exp %sub3A_203 : vector<16xf32>
      %add3A_205 = arith.constant 100 : i32
      %add3A_206 = vector.broadcast %add3A_205 : i32 to vector<16xi32>
      %add3A_207 = arith.addi %shift_right_arithmetic3A_4, %add3A_206 : vector<16xi32>
      tpu.vector_store_idx %arg11[%add3A_207, %and3A_6], %exp3A_204 : memref<128x128xf32, #tpu.memory_space<vmem>>[vector<16xi32>, vector<16xi32>], vector<16xf32>,
      %get3A_208 = arith.constant 416 : index
      %get3A_209 = tpu.vector_load %arg10[%get3A_208] {strides = array<i32>} : memref<512xf32, #tpu.memory_space<vmem>>, vector<16xf32>,
      %sub3A_210 = arith.subf %get3A_209, %get3A_7 : vector<16xf32>
      %exp3A_211 = math.exp %sub3A_210 : vector<16xf32>
      %add3A_212 = arith.constant 104 : i32
      %add3A_213 = vector.broadcast %add3A_212 : i32 to vector<16xi32>
      %add3A_214 = arith.addi %shift_right_arithmetic3A_4, %add3A_213 : vector<16xi32>
      tpu.vector_store_idx %arg11[%add3A_214, %and3A_6], %exp3A_211 : memref<128x128xf32, #tpu.memory_space<vmem>>[vector<16xi32>, vector<16xi32>], vector<16xf32>,
      %get3A_215 = arith.constant 432 : index
      %get3A_216 = tpu.vector_load %arg10[%get3A_215] {strides = array<i32>} : memref<512xf32, #tpu.memory_space<vmem>>, vector<16xf32>,
      %sub3A_217 = arith.subf %get3A_216, %get3A_7 : vector<16xf32>
      %exp3A_218 = math.exp %sub3A_217 : vector<16xf32>
      %add3A_219 = arith.constant 108 : i32
      %add3A_220 = vector.broadcast %add3A_219 : i32 to vector<16xi32>
      %add3A_221 = arith.addi %shift_right_arithmetic3A_4, %add3A_220 : vector<16xi32>
      tpu.vector_store_idx %arg11[%add3A_221, %and3A_6], %exp3A_218 : memref<128x128xf32, #tpu.memory_space<vmem>>[vector<16xi32>, vector<16xi32>], vector<16xf32>,
      %get3A_222 = arith.constant 448 : index
      %get3A_223 = tpu.vector_load %arg10[%get3A_222] {strides = array<i32>} : memref<512xf32, #tpu.memory_space<vmem>>, vector<16xf32>,
      %sub3A_224 = arith.subf %get3A_223, %get3A_7 : vector<16xf32>
      %exp3A_225 = math.exp %sub3A_224 : vector<16xf32>
      %add3A_226 = arith.constant 112 : i32
      %add3A_227 = vector.broadcast %add3A_226 : i32 to vector<16xi32>
      %add3A_228 = arith.addi %shift_right_arithmetic3A_4, %add3A_227 : vector<16xi32>
      tpu.vector_store_idx %arg11[%add3A_228, %and3A_6], %exp3A_225 : memref<128x128xf32, #tpu.memory_space<vmem>>[vector<16xi32>, vector<16xi32>], vector<16xf32>,
      %get3A_229 = arith.constant 464 : index
      %get3A_230 = tpu.vector_load %arg10[%get3A_229] {strides = array<i32>} : memref<512xf32, #tpu.memory_space<vmem>>, vector<16xf32>,
      %sub3A_231 = arith.subf %get3A_230, %get3A_7 : vector<16xf32>
      %exp3A_232 = math.exp %sub3A_231 : vector<16xf32>
      %add3A_233 = arith.constant 116 : i32
      %add3A_234 = vector.broadcast %add3A_233 : i32 to vector<16xi32>
      %add3A_235 = arith.addi %shift_right_arithmetic3A_4, %add3A_234 : vector<16xi32>
      tpu.vector_store_idx %arg11[%add3A_235, %and3A_6], %exp3A_232 : memref<128x128xf32, #tpu.memory_space<vmem>>[vector<16xi32>, vector<16xi32>], vector<16xf32>,
      %get3A_236 = arith.constant 480 : index
      %get3A_237 = tpu.vector_load %arg10[%get3A_236] {strides = array<i32>} : memref<512xf32, #tpu.memory_space<vmem>>, vector<16xf32>,
      %sub3A_238 = arith.subf %get3A_237, %get3A_7 : vector<16xf32>
      %exp3A_239 = math.exp %sub3A_238 : vector<16xf32>
      %add3A_240 = arith.constant 120 : i32
      %add3A_241 = vector.broadcast %add3A_240 : i32 to vector<16xi32>
      %add3A_242 = arith.addi %shift_right_arithmetic3A_4, %add3A_241 : vector<16xi32>
      tpu.vector_store_idx %arg11[%add3A_242, %and3A_6], %exp3A_239 : memref<128x128xf32, #tpu.memory_space<vmem>>[vector<16xi32>, vector<16xi32>], vector<16xf32>,
      %get3A_243 = arith.constant 496 : index
      %get3A_244 = tpu.vector_load %arg10[%get3A_243] {strides = array<i32>} : memref<512xf32, #tpu.memory_space<vmem>>, vector<16xf32>,
      %sub3A_245 = arith.subf %get3A_244, %get3A_7 : vector<16xf32>
      %exp3A_246 = math.exp %sub3A_245 : vector<16xf32>
      %add3A_247 = arith.constant 124 : i32
      %add3A_248 = vector.broadcast %add3A_247 : i32 to vector<16xi32>
      %add3A_249 = arith.addi %shift_right_arithmetic3A_4, %add3A_248 : vector<16xi32>
      tpu.vector_store_idx %arg11[%add3A_249, %and3A_6], %exp3A_246 : memref<128x128xf32, #tpu.memory_space<vmem>>[vector<16xi32>, vector<16xi32>], vector<16xf32>,
      "tpu.region"() ({
        %run_scoped3A = tpu.sem_alloc : memref<!tpu.dma_semaphore, #tpu.memory_space<semaphore_mem>>
        %dma_start3A = arith.constant 0 : i32
        %dma_start3A_251 = arith.constant 0 : i32
        %dma_start3A_252 = tpu.memref_slice %arg12[%dma_start3A, %dma_start3A_251] : memref<10240x128xf32, #tpu.memory_space<vmem_shared>> -> memref<10240x128xf32, #tpu.memory_space<vmem_shared>>
        tpu.enqueue_indirect_dma source(%arg11 : memref<128x128xf32, #tpu.memory_space<vmem>>) target(%dma_start3A_252 : memref<10240x128xf32, #tpu.memory_space<vmem_shared>>) offsets(%arg9 : memref<128xi32, #tpu.memory_space<vmem>>) semaphore(%run_scoped3A : memref<!tpu.dma_semaphore, #tpu.memory_space<semaphore_mem>>) {add = true}
        %dma_wait3A = arith.constant 0 : i32
        %dma_wait3A_253 = arith.constant 0 : i32
        %dma_wait3A_254 = tpu.memref_slice %arg12[%dma_wait3A, %dma_wait3A_253] : memref<10240x128xf32, #tpu.memory_space<vmem_shared>> -> memref<10240x128xf32, #tpu.memory_space<vmem_shared>>
        tpu.wait_indirect_dma semaphore(%run_scoped3A : memref<!tpu.dma_semaphore, #tpu.memory_space<semaphore_mem>>) src(%arg11 : memref<128x128xf32, #tpu.memory_space<vmem>>) dst(%dma_wait3A_254 : memref<10240x128xf32, #tpu.memory_space<vmem_shared>>)
        tpu.yield
      }) : () -> ()
      %scan3A_250 = arith.constant 0 : i32
      scf.yield %scan3A_250 : i32
    }
    %scan3A_13 = arith.constant 81 : i32
    %barrier3A_14 = arith.constant 0 : index
    tpu.barrier barrier_id(%barrier3A_14)
    %mul3A_15 = arith.constant 640 : i32
    %mul3A_16 = arith.muli %arg1, %mul3A_15 : i32
    %mul3A_17 = arith.constant 640 : i32
    %mul3A_18 = arith.muli %arg1, %mul3A_17 : i32
    "tpu.region"() ({
      %run_scoped3A = tpu.sem_alloc : memref<!tpu.dma_semaphore, #tpu.memory_space<semaphore_mem>>
      %dma_start3A = arith.constant 0 : i32
      %dma_start3A_19 = tpu.memref_slice %arg7[%arg0, %mul3A_18, %dma_start3A] : memref<2x10240x128xf32, #tpu.memory_space<hbm>> -> memref<1x640x128xf32, #tpu.memory_space<hbm>>
      %dma_start3A_20 = tpu.memref_squeeze %dma_start3A_19 : memref<1x640x128xf32, #tpu.memory_space<hbm>> -> memref<640x128xf32, #tpu.memory_space<hbm>>
      %dma_start3A_21 = arith.constant 0 : i32
      %dma_start3A_22 = tpu.memref_slice %arg12[%mul3A_16, %dma_start3A_21] : memref<10240x128xf32, #tpu.memory_space<vmem_shared>> -> memref<640x128xf32, #tpu.memory_space<vmem_shared>>
      tpu.enqueue_dma source(%dma_start3A_22 : memref<640x128xf32, #tpu.memory_space<vmem_shared>>) target(%dma_start3A_20 : memref<640x128xf32, #tpu.memory_space<hbm>>) target_semaphore(%run_scoped3A : memref<!tpu.dma_semaphore, #tpu.memory_space<semaphore_mem>>)
      %dma_wait3A = arith.constant 0 : i32
      %dma_wait3A_23 = tpu.memref_slice %arg7[%arg0, %mul3A_18, %dma_wait3A] : memref<2x10240x128xf32, #tpu.memory_space<hbm>> -> memref<1x640x128xf32, #tpu.memory_space<hbm>>
      %dma_wait3A_24 = tpu.memref_squeeze %dma_wait3A_23 : memref<1x640x128xf32, #tpu.memory_space<hbm>> -> memref<640x128xf32, #tpu.memory_space<hbm>>
      %dma_wait3A_25 = arith.constant 0 : i32
      %dma_wait3A_26 = tpu.memref_slice %arg12[%mul3A_16, %dma_wait3A_25] : memref<10240x128xf32, #tpu.memory_space<vmem_shared>> -> memref<640x128xf32, #tpu.memory_space<vmem_shared>>
      tpu.wait_dma2 semaphore(%run_scoped3A : memref<!tpu.dma_semaphore, #tpu.memory_space<semaphore_mem>>) src(%dma_wait3A_26 : memref<640x128xf32, #tpu.memory_space<vmem_shared>>) dst(%dma_wait3A_24 : memref<640x128xf32, #tpu.memory_space<hbm>>)
      tpu.yield
    }) : () -> ()
    return
  }
}

#map = affine_map<(d0, d1) -> (0)>
#map1 = affine_map<(d0, d1) -> (0, 0)>
#map2 = affine_map<(d0, d1) -> (0, 0, 0)>
module attributes {stable_mosaic.version = 14 : i64} {
  func.func @_pass_c2_body(%arg0: i32, %arg1: i32, %arg2: memref<331776xi32, #tpu.memory_space<hbm>>, %arg3: memref<331776xi32, #tpu.memory_space<hbm>>, %arg4: memref<10016x128xf32, #tpu.memory_space<hbm>>, %arg5: memref<640x128xf32, #tpu.memory_space<hbm>>, %arg6: memref<2x10240x128xf32, #tpu.memory_space<hbm>>, %arg7: memref<128xi32, #tpu.memory_space<vmem>>, %arg8: memref<128xi32, #tpu.memory_space<vmem>>, %arg9: memref<128xi32, #tpu.memory_space<vmem>>, %arg10: memref<128xi32, #tpu.memory_space<vmem>>, %arg11: memref<128x128xf32, #tpu.memory_space<vmem>>, %arg12: memref<128x128xf32, #tpu.memory_space<vmem>>, %arg13: memref<10240x128xf32, #tpu.memory_space<vmem_shared>>, %arg14: memref<!tpu.dma_semaphore, #tpu.memory_space<semaphore_mem>>, %arg15: memref<!tpu.dma_semaphore, #tpu.memory_space<semaphore_mem>>) attributes {dimension_semantics = [#tpu.dimension_semantics<core_parallel>, #tpu.dimension_semantics<subcore_parallel>], iteration_bounds = array<i64: 2, 16>, scalar_prefetch = 0 : i64, scratch_operands = 9 : i64, tpu.core_type = #tpu.core_type<sc_vector_subcore>, window_params = [{transform_indices = #map}, {transform_indices = #map}, {transform_indices = #map1}, {transform_indices = #map1}, {transform_indices = #map2}]} {
    %mul3A = arith.constant 2 : i32
    %mul3A_0 = arith.muli %arg1, %mul3A : i32
    %add3A = arith.addi %mul3A_0, %arg0 : i32
    %mul3A_1 = arith.constant 640 : i32
    %mul3A_2 = arith.muli %arg1, %mul3A_1 : i32
    "tpu.region"() ({
      %run_scoped3A = tpu.sem_alloc : memref<!tpu.dma_semaphore, #tpu.memory_space<semaphore_mem>>
      %dma_start3A_24 = arith.constant 0 : i32
      %dma_start3A_25 = tpu.memref_slice %arg13[%mul3A_2, %dma_start3A_24] : memref<10240x128xf32, #tpu.memory_space<vmem_shared>> -> memref<640x128xf32, #tpu.memory_space<vmem_shared>>
      tpu.enqueue_dma source(%arg5 : memref<640x128xf32, #tpu.memory_space<hbm>>) target(%dma_start3A_25 : memref<640x128xf32, #tpu.memory_space<vmem_shared>>) target_semaphore(%run_scoped3A : memref<!tpu.dma_semaphore, #tpu.memory_space<semaphore_mem>>)
      %dma_wait3A_26 = arith.constant 0 : i32
      %dma_wait3A_27 = tpu.memref_slice %arg13[%mul3A_2, %dma_wait3A_26] : memref<10240x128xf32, #tpu.memory_space<vmem_shared>> -> memref<640x128xf32, #tpu.memory_space<vmem_shared>>
      tpu.wait_dma2 semaphore(%run_scoped3A : memref<!tpu.dma_semaphore, #tpu.memory_space<semaphore_mem>>) src(%arg5 : memref<640x128xf32, #tpu.memory_space<hbm>>) dst(%dma_wait3A_27 : memref<640x128xf32, #tpu.memory_space<vmem_shared>>)
      tpu.yield
    }) : () -> ()
    %barrier3A = arith.constant 0 : index
    tpu.barrier barrier_id(%barrier3A)
    %mul3A_3 = arith.constant 81 : i32
    %mul3A_4 = arith.muli %add3A, %mul3A_3 : i32
    %add3A_5 = arith.constant 0 : i32
    %add3A_6 = arith.addi %mul3A_4, %add3A_5 : i32
    %mul3A_7 = arith.constant 128 : i32
    %mul3A_8 = arith.muli %add3A_6, %mul3A_7 : i32
    "tpu.region"() ({
      %run_scoped3A = tpu.sem_alloc : memref<!tpu.dma_semaphore, #tpu.memory_space<semaphore_mem>>
      %dma_start3A_24 = tpu.memref_slice %arg2[%mul3A_8] : memref<331776xi32, #tpu.memory_space<hbm>> -> memref<128xi32, #tpu.memory_space<hbm>>
      %dma_start3A_25 = tpu.memref_slice %arg2[%mul3A_8] : memref<331776xi32, #tpu.memory_space<hbm>> -> memref<128xi32, #tpu.memory_space<hbm>>
      tpu.enqueue_dma source(%dma_start3A_25 : memref<128xi32, #tpu.memory_space<hbm>>) target(%arg7 : memref<128xi32, #tpu.memory_space<vmem>>) target_semaphore(%run_scoped3A : memref<!tpu.dma_semaphore, #tpu.memory_space<semaphore_mem>>)
      %dma_wait3A_26 = tpu.memref_slice %arg2[%mul3A_8] : memref<331776xi32, #tpu.memory_space<hbm>> -> memref<128xi32, #tpu.memory_space<hbm>>
      %dma_wait3A_27 = tpu.memref_slice %arg2[%mul3A_8] : memref<331776xi32, #tpu.memory_space<hbm>> -> memref<128xi32, #tpu.memory_space<hbm>>
      tpu.wait_dma2 semaphore(%run_scoped3A : memref<!tpu.dma_semaphore, #tpu.memory_space<semaphore_mem>>) src(%dma_wait3A_27 : memref<128xi32, #tpu.memory_space<hbm>>) dst(%arg7 : memref<128xi32, #tpu.memory_space<vmem>>)
      tpu.yield
    }) : () -> ()
    "tpu.region"() ({
      %run_scoped3A = tpu.sem_alloc : memref<!tpu.dma_semaphore, #tpu.memory_space<semaphore_mem>>
      %dma_start3A_24 = tpu.memref_slice %arg3[%mul3A_8] : memref<331776xi32, #tpu.memory_space<hbm>> -> memref<128xi32, #tpu.memory_space<hbm>>
      %dma_start3A_25 = tpu.memref_slice %arg3[%mul3A_8] : memref<331776xi32, #tpu.memory_space<hbm>> -> memref<128xi32, #tpu.memory_space<hbm>>
      tpu.enqueue_dma source(%dma_start3A_25 : memref<128xi32, #tpu.memory_space<hbm>>) target(%arg8 : memref<128xi32, #tpu.memory_space<vmem>>) target_semaphore(%run_scoped3A : memref<!tpu.dma_semaphore, #tpu.memory_space<semaphore_mem>>)
      %dma_wait3A_26 = tpu.memref_slice %arg3[%mul3A_8] : memref<331776xi32, #tpu.memory_space<hbm>> -> memref<128xi32, #tpu.memory_space<hbm>>
      %dma_wait3A_27 = tpu.memref_slice %arg3[%mul3A_8] : memref<331776xi32, #tpu.memory_space<hbm>> -> memref<128xi32, #tpu.memory_space<hbm>>
      tpu.wait_dma2 semaphore(%run_scoped3A : memref<!tpu.dma_semaphore, #tpu.memory_space<semaphore_mem>>) src(%dma_wait3A_27 : memref<128xi32, #tpu.memory_space<hbm>>) dst(%arg8 : memref<128xi32, #tpu.memory_space<vmem>>)
      tpu.yield
    }) : () -> ()
    %dma_start3A = arith.constant 0 : i32
    %dma_start3A_9 = arith.constant 0 : i32
    %dma_start3A_10 = tpu.memref_slice %arg4[%dma_start3A, %dma_start3A_9] : memref<10016x128xf32, #tpu.memory_space<hbm>> -> memref<10016x128xf32, #tpu.memory_space<hbm>>
    tpu.enqueue_indirect_dma source(%dma_start3A_10 : memref<10016x128xf32, #tpu.memory_space<hbm>>) target(%arg11 : memref<128x128xf32, #tpu.memory_space<vmem>>) offsets(%arg7 : memref<128xi32, #tpu.memory_space<vmem>>) semaphore(%arg14 : memref<!tpu.dma_semaphore, #tpu.memory_space<semaphore_mem>>)
    %scan3A = arith.constant 0 : i32
    %scan3A_11 = arith.constant 0 : i32
    %scan3A_12 = arith.constant 40 : i32
    %scan3A_13 = arith.addi %scan3A_11, %scan3A_12 : i32
    %scan3A_14 = arith.constant 1 : i32
    %scan3A_15 = scf.for %scan3A_24 = %scan3A_11 to %scan3A_13 step %scan3A_14 iter_args(%scan3A_25 = %scan3A) -> (i32)  : i32 {
      %mul3A_26 = arith.constant 2 : i32
      %mul3A_27 = arith.muli %mul3A_26, %scan3A_24 : i32
      %add3A_28 = arith.constant 1 : i32
      %add3A_29 = arith.addi %mul3A_27, %add3A_28 : i32
      %mul3A_30 = arith.constant 81 : i32
      %mul3A_31 = arith.muli %add3A, %mul3A_30 : i32
      %add3A_32 = arith.addi %mul3A_31, %add3A_29 : i32
      %mul3A_33 = arith.constant 128 : i32
      %mul3A_34 = arith.muli %add3A_32, %mul3A_33 : i32
      "tpu.region"() ({
        %run_scoped3A = tpu.sem_alloc : memref<!tpu.dma_semaphore, #tpu.memory_space<semaphore_mem>>
        %dma_start3A_57 = tpu.memref_slice %arg2[%mul3A_34] : memref<331776xi32, #tpu.memory_space<hbm>> -> memref<128xi32, #tpu.memory_space<hbm>>
        %dma_start3A_58 = tpu.memref_slice %arg2[%mul3A_34] : memref<331776xi32, #tpu.memory_space<hbm>> -> memref<128xi32, #tpu.memory_space<hbm>>
        tpu.enqueue_dma source(%dma_start3A_58 : memref<128xi32, #tpu.memory_space<hbm>>) target(%arg9 : memref<128xi32, #tpu.memory_space<vmem>>) target_semaphore(%run_scoped3A : memref<!tpu.dma_semaphore, #tpu.memory_space<semaphore_mem>>)
        %dma_wait3A_59 = tpu.memref_slice %arg2[%mul3A_34] : memref<331776xi32, #tpu.memory_space<hbm>> -> memref<128xi32, #tpu.memory_space<hbm>>
        %dma_wait3A_60 = tpu.memref_slice %arg2[%mul3A_34] : memref<331776xi32, #tpu.memory_space<hbm>> -> memref<128xi32, #tpu.memory_space<hbm>>
        tpu.wait_dma2 semaphore(%run_scoped3A : memref<!tpu.dma_semaphore, #tpu.memory_space<semaphore_mem>>) src(%dma_wait3A_60 : memref<128xi32, #tpu.memory_space<hbm>>) dst(%arg9 : memref<128xi32, #tpu.memory_space<vmem>>)
        tpu.yield
      }) : () -> ()
      "tpu.region"() ({
        %run_scoped3A = tpu.sem_alloc : memref<!tpu.dma_semaphore, #tpu.memory_space<semaphore_mem>>
        %dma_start3A_57 = tpu.memref_slice %arg3[%mul3A_34] : memref<331776xi32, #tpu.memory_space<hbm>> -> memref<128xi32, #tpu.memory_space<hbm>>
        %dma_start3A_58 = tpu.memref_slice %arg3[%mul3A_34] : memref<331776xi32, #tpu.memory_space<hbm>> -> memref<128xi32, #tpu.memory_space<hbm>>
        tpu.enqueue_dma source(%dma_start3A_58 : memref<128xi32, #tpu.memory_space<hbm>>) target(%arg10 : memref<128xi32, #tpu.memory_space<vmem>>) target_semaphore(%run_scoped3A : memref<!tpu.dma_semaphore, #tpu.memory_space<semaphore_mem>>)
        %dma_wait3A_59 = tpu.memref_slice %arg3[%mul3A_34] : memref<331776xi32, #tpu.memory_space<hbm>> -> memref<128xi32, #tpu.memory_space<hbm>>
        %dma_wait3A_60 = tpu.memref_slice %arg3[%mul3A_34] : memref<331776xi32, #tpu.memory_space<hbm>> -> memref<128xi32, #tpu.memory_space<hbm>>
        tpu.wait_dma2 semaphore(%run_scoped3A : memref<!tpu.dma_semaphore, #tpu.memory_space<semaphore_mem>>) src(%dma_wait3A_60 : memref<128xi32, #tpu.memory_space<hbm>>) dst(%arg10 : memref<128xi32, #tpu.memory_space<vmem>>)
        tpu.yield
      }) : () -> ()
      %dma_start3A_35 = arith.constant 0 : i32
      %dma_start3A_36 = arith.constant 0 : i32
      %dma_start3A_37 = tpu.memref_slice %arg4[%dma_start3A_35, %dma_start3A_36] : memref<10016x128xf32, #tpu.memory_space<hbm>> -> memref<10016x128xf32, #tpu.memory_space<hbm>>
      tpu.enqueue_indirect_dma source(%dma_start3A_37 : memref<10016x128xf32, #tpu.memory_space<hbm>>) target(%arg12 : memref<128x128xf32, #tpu.memory_space<vmem>>) offsets(%arg9 : memref<128xi32, #tpu.memory_space<vmem>>) semaphore(%arg15 : memref<!tpu.dma_semaphore, #tpu.memory_space<semaphore_mem>>)
      %dma_wait3A_38 = arith.constant 0 : i32
      %dma_wait3A_39 = arith.constant 0 : i32
      %dma_wait3A_40 = tpu.memref_slice %arg4[%dma_wait3A_38, %dma_wait3A_39] : memref<10016x128xf32, #tpu.memory_space<hbm>> -> memref<10016x128xf32, #tpu.memory_space<hbm>>
      tpu.wait_indirect_dma semaphore(%arg14 : memref<!tpu.dma_semaphore, #tpu.memory_space<semaphore_mem>>) src(%dma_wait3A_40 : memref<10016x128xf32, #tpu.memory_space<hbm>>) dst(%arg11 : memref<128x128xf32, #tpu.memory_space<vmem>>)
      "tpu.region"() ({
        %run_scoped3A = tpu.sem_alloc : memref<!tpu.dma_semaphore, #tpu.memory_space<semaphore_mem>>
        %dma_start3A_57 = arith.constant 0 : i32
        %dma_start3A_58 = arith.constant 0 : i32
        %dma_start3A_59 = tpu.memref_slice %arg13[%dma_start3A_57, %dma_start3A_58] : memref<10240x128xf32, #tpu.memory_space<vmem_shared>> -> memref<10240x128xf32, #tpu.memory_space<vmem_shared>>
        tpu.enqueue_indirect_dma source(%arg11 : memref<128x128xf32, #tpu.memory_space<vmem>>) target(%dma_start3A_59 : memref<10240x128xf32, #tpu.memory_space<vmem_shared>>) offsets(%arg8 : memref<128xi32, #tpu.memory_space<vmem>>) semaphore(%run_scoped3A : memref<!tpu.dma_semaphore, #tpu.memory_space<semaphore_mem>>) {add = true}
        %dma_wait3A_60 = arith.constant 0 : i32
        %dma_wait3A_61 = arith.constant 0 : i32
        %dma_wait3A_62 = tpu.memref_slice %arg13[%dma_wait3A_60, %dma_wait3A_61] : memref<10240x128xf32, #tpu.memory_space<vmem_shared>> -> memref<10240x128xf32, #tpu.memory_space<vmem_shared>>
        tpu.wait_indirect_dma semaphore(%run_scoped3A : memref<!tpu.dma_semaphore, #tpu.memory_space<semaphore_mem>>) src(%arg11 : memref<128x128xf32, #tpu.memory_space<vmem>>) dst(%dma_wait3A_62 : memref<10240x128xf32, #tpu.memory_space<vmem_shared>>)
        tpu.yield
      }) : () -> ()
      %mul3A_41 = arith.constant 2 : i32
      %mul3A_42 = arith.muli %mul3A_41, %scan3A_24 : i32
      %add3A_43 = arith.constant 2 : i32
      %add3A_44 = arith.addi %mul3A_42, %add3A_43 : i32
      %mul3A_45 = arith.constant 81 : i32
      %mul3A_46 = arith.muli %add3A, %mul3A_45 : i32
      %add3A_47 = arith.addi %mul3A_46, %add3A_44 : i32
      %mul3A_48 = arith.constant 128 : i32
      %mul3A_49 = arith.muli %add3A_47, %mul3A_48 : i32
      "tpu.region"() ({
        %run_scoped3A = tpu.sem_alloc : memref<!tpu.dma_semaphore, #tpu.memory_space<semaphore_mem>>
        %dma_start3A_57 = tpu.memref_slice %arg2[%mul3A_49] : memref<331776xi32, #tpu.memory_space<hbm>> -> memref<128xi32, #tpu.memory_space<hbm>>
        %dma_start3A_58 = tpu.memref_slice %arg2[%mul3A_49] : memref<331776xi32, #tpu.memory_space<hbm>> -> memref<128xi32, #tpu.memory_space<hbm>>
        tpu.enqueue_dma source(%dma_start3A_58 : memref<128xi32, #tpu.memory_space<hbm>>) target(%arg7 : memref<128xi32, #tpu.memory_space<vmem>>) target_semaphore(%run_scoped3A : memref<!tpu.dma_semaphore, #tpu.memory_space<semaphore_mem>>)
        %dma_wait3A_59 = tpu.memref_slice %arg2[%mul3A_49] : memref<331776xi32, #tpu.memory_space<hbm>> -> memref<128xi32, #tpu.memory_space<hbm>>
        %dma_wait3A_60 = tpu.memref_slice %arg2[%mul3A_49] : memref<331776xi32, #tpu.memory_space<hbm>> -> memref<128xi32, #tpu.memory_space<hbm>>
        tpu.wait_dma2 semaphore(%run_scoped3A : memref<!tpu.dma_semaphore, #tpu.memory_space<semaphore_mem>>) src(%dma_wait3A_60 : memref<128xi32, #tpu.memory_space<hbm>>) dst(%arg7 : memref<128xi32, #tpu.memory_space<vmem>>)
        tpu.yield
      }) : () -> ()
      "tpu.region"() ({
        %run_scoped3A = tpu.sem_alloc : memref<!tpu.dma_semaphore, #tpu.memory_space<semaphore_mem>>
        %dma_start3A_57 = tpu.memref_slice %arg3[%mul3A_49] : memref<331776xi32, #tpu.memory_space<hbm>> -> memref<128xi32, #tpu.memory_space<hbm>>
        %dma_start3A_58 = tpu.memref_slice %arg3[%mul3A_49] : memref<331776xi32, #tpu.memory_space<hbm>> -> memref<128xi32, #tpu.memory_space<hbm>>
        tpu.enqueue_dma source(%dma_start3A_58 : memref<128xi32, #tpu.memory_space<hbm>>) target(%arg8 : memref<128xi32, #tpu.memory_space<vmem>>) target_semaphore(%run_scoped3A : memref<!tpu.dma_semaphore, #tpu.memory_space<semaphore_mem>>)
        %dma_wait3A_59 = tpu.memref_slice %arg3[%mul3A_49] : memref<331776xi32, #tpu.memory_space<hbm>> -> memref<128xi32, #tpu.memory_space<hbm>>
        %dma_wait3A_60 = tpu.memref_slice %arg3[%mul3A_49] : memref<331776xi32, #tpu.memory_space<hbm>> -> memref<128xi32, #tpu.memory_space<hbm>>
        tpu.wait_dma2 semaphore(%run_scoped3A : memref<!tpu.dma_semaphore, #tpu.memory_space<semaphore_mem>>) src(%dma_wait3A_60 : memref<128xi32, #tpu.memory_space<hbm>>) dst(%arg8 : memref<128xi32, #tpu.memory_space<vmem>>)
        tpu.yield
      }) : () -> ()
      %dma_start3A_50 = arith.constant 0 : i32
      %dma_start3A_51 = arith.constant 0 : i32
      %dma_start3A_52 = tpu.memref_slice %arg4[%dma_start3A_50, %dma_start3A_51] : memref<10016x128xf32, #tpu.memory_space<hbm>> -> memref<10016x128xf32, #tpu.memory_space<hbm>>
      tpu.enqueue_indirect_dma source(%dma_start3A_52 : memref<10016x128xf32, #tpu.memory_space<hbm>>) target(%arg11 : memref<128x128xf32, #tpu.memory_space<vmem>>) offsets(%arg7 : memref<128xi32, #tpu.memory_space<vmem>>) semaphore(%arg14 : memref<!tpu.dma_semaphore, #tpu.memory_space<semaphore_mem>>)
      %dma_wait3A_53 = arith.constant 0 : i32
      %dma_wait3A_54 = arith.constant 0 : i32
      %dma_wait3A_55 = tpu.memref_slice %arg4[%dma_wait3A_53, %dma_wait3A_54] : memref<10016x128xf32, #tpu.memory_space<hbm>> -> memref<10016x128xf32, #tpu.memory_space<hbm>>
      tpu.wait_indirect_dma semaphore(%arg15 : memref<!tpu.dma_semaphore, #tpu.memory_space<semaphore_mem>>) src(%dma_wait3A_55 : memref<10016x128xf32, #tpu.memory_space<hbm>>) dst(%arg12 : memref<128x128xf32, #tpu.memory_space<vmem>>)
      "tpu.region"() ({
        %run_scoped3A = tpu.sem_alloc : memref<!tpu.dma_semaphore, #tpu.memory_space<semaphore_mem>>
        %dma_start3A_57 = arith.constant 0 : i32
        %dma_start3A_58 = arith.constant 0 : i32
        %dma_start3A_59 = tpu.memref_slice %arg13[%dma_start3A_57, %dma_start3A_58] : memref<10240x128xf32, #tpu.memory_space<vmem_shared>> -> memref<10240x128xf32, #tpu.memory_space<vmem_shared>>
        tpu.enqueue_indirect_dma source(%arg12 : memref<128x128xf32, #tpu.memory_space<vmem>>) target(%dma_start3A_59 : memref<10240x128xf32, #tpu.memory_space<vmem_shared>>) offsets(%arg10 : memref<128xi32, #tpu.memory_space<vmem>>) semaphore(%run_scoped3A : memref<!tpu.dma_semaphore, #tpu.memory_space<semaphore_mem>>) {add = true}
        %dma_wait3A_60 = arith.constant 0 : i32
        %dma_wait3A_61 = arith.constant 0 : i32
        %dma_wait3A_62 = tpu.memref_slice %arg13[%dma_wait3A_60, %dma_wait3A_61] : memref<10240x128xf32, #tpu.memory_space<vmem_shared>> -> memref<10240x128xf32, #tpu.memory_space<vmem_shared>>
        tpu.wait_indirect_dma semaphore(%run_scoped3A : memref<!tpu.dma_semaphore, #tpu.memory_space<semaphore_mem>>) src(%arg12 : memref<128x128xf32, #tpu.memory_space<vmem>>) dst(%dma_wait3A_62 : memref<10240x128xf32, #tpu.memory_space<vmem_shared>>)
        tpu.yield
      }) : () -> ()
      %scan3A_56 = arith.constant 0 : i32
      scf.yield %scan3A_56 : i32
    }
    %scan3A_16 = arith.constant 40 : i32
    %dma_wait3A = arith.constant 0 : i32
    %dma_wait3A_17 = arith.constant 0 : i32
    %dma_wait3A_18 = tpu.memref_slice %arg4[%dma_wait3A, %dma_wait3A_17] : memref<10016x128xf32, #tpu.memory_space<hbm>> -> memref<10016x128xf32, #tpu.memory_space<hbm>>
    tpu.wait_indirect_dma semaphore(%arg14 : memref<!tpu.dma_semaphore, #tpu.memory_space<semaphore_mem>>) src(%dma_wait3A_18 : memref<10016x128xf32, #tpu.memory_space<hbm>>) dst(%arg11 : memref<128x128xf32, #tpu.memory_space<vmem>>)
    "tpu.region"() ({
      %run_scoped3A = tpu.sem_alloc : memref<!tpu.dma_semaphore, #tpu.memory_space<semaphore_mem>>
      %dma_start3A_24 = arith.constant 0 : i32
      %dma_start3A_25 = arith.constant 0 : i32
      %dma_start3A_26 = tpu.memref_slice %arg13[%dma_start3A_24, %dma_start3A_25] : memref<10240x128xf32, #tpu.memory_space<vmem_shared>> -> memref<10240x128xf32, #tpu.memory_space<vmem_shared>>
      tpu.enqueue_indirect_dma source(%arg11 : memref<128x128xf32, #tpu.memory_space<vmem>>) target(%dma_start3A_26 : memref<10240x128xf32, #tpu.memory_space<vmem_shared>>) offsets(%arg8 : memref<128xi32, #tpu.memory_space<vmem>>) semaphore(%run_scoped3A : memref<!tpu.dma_semaphore, #tpu.memory_space<semaphore_mem>>) {add = true}
      %dma_wait3A_27 = arith.constant 0 : i32
      %dma_wait3A_28 = arith.constant 0 : i32
      %dma_wait3A_29 = tpu.memref_slice %arg13[%dma_wait3A_27, %dma_wait3A_28] : memref<10240x128xf32, #tpu.memory_space<vmem_shared>> -> memref<10240x128xf32, #tpu.memory_space<vmem_shared>>
      tpu.wait_indirect_dma semaphore(%run_scoped3A : memref<!tpu.dma_semaphore, #tpu.memory_space<semaphore_mem>>) src(%arg11 : memref<128x128xf32, #tpu.memory_space<vmem>>) dst(%dma_wait3A_29 : memref<10240x128xf32, #tpu.memory_space<vmem_shared>>)
      tpu.yield
    }) : () -> ()
    %barrier3A_19 = arith.constant 0 : index
    tpu.barrier barrier_id(%barrier3A_19)
    %mul3A_20 = arith.constant 640 : i32
    %mul3A_21 = arith.muli %arg1, %mul3A_20 : i32
    %mul3A_22 = arith.constant 640 : i32
    %mul3A_23 = arith.muli %arg1, %mul3A_22 : i32
    "tpu.region"() ({
      %run_scoped3A = tpu.sem_alloc : memref<!tpu.dma_semaphore, #tpu.memory_space<semaphore_mem>>
      %dma_start3A_24 = arith.constant 0 : i32
      %dma_start3A_25 = tpu.memref_slice %arg6[%arg0, %mul3A_23, %dma_start3A_24] : memref<2x10240x128xf32, #tpu.memory_space<hbm>> -> memref<1x640x128xf32, #tpu.memory_space<hbm>>
      %dma_start3A_26 = tpu.memref_squeeze %dma_start3A_25 : memref<1x640x128xf32, #tpu.memory_space<hbm>> -> memref<640x128xf32, #tpu.memory_space<hbm>>
      %dma_start3A_27 = arith.constant 0 : i32
      %dma_start3A_28 = tpu.memref_slice %arg13[%mul3A_21, %dma_start3A_27] : memref<10240x128xf32, #tpu.memory_space<vmem_shared>> -> memref<640x128xf32, #tpu.memory_space<vmem_shared>>
      tpu.enqueue_dma source(%dma_start3A_28 : memref<640x128xf32, #tpu.memory_space<vmem_shared>>) target(%dma_start3A_26 : memref<640x128xf32, #tpu.memory_space<hbm>>) target_semaphore(%run_scoped3A : memref<!tpu.dma_semaphore, #tpu.memory_space<semaphore_mem>>)
      %dma_wait3A_29 = arith.constant 0 : i32
      %dma_wait3A_30 = tpu.memref_slice %arg6[%arg0, %mul3A_23, %dma_wait3A_29] : memref<2x10240x128xf32, #tpu.memory_space<hbm>> -> memref<1x640x128xf32, #tpu.memory_space<hbm>>
      %dma_wait3A_31 = tpu.memref_squeeze %dma_wait3A_30 : memref<1x640x128xf32, #tpu.memory_space<hbm>> -> memref<640x128xf32, #tpu.memory_space<hbm>>
      %dma_wait3A_32 = arith.constant 0 : i32
      %dma_wait3A_33 = tpu.memref_slice %arg13[%mul3A_21, %dma_wait3A_32] : memref<10240x128xf32, #tpu.memory_space<vmem_shared>> -> memref<640x128xf32, #tpu.memory_space<vmem_shared>>
      tpu.wait_dma2 semaphore(%run_scoped3A : memref<!tpu.dma_semaphore, #tpu.memory_space<semaphore_mem>>) src(%dma_wait3A_33 : memref<640x128xf32, #tpu.memory_space<vmem_shared>>) dst(%dma_wait3A_31 : memref<640x128xf32, #tpu.memory_space<hbm>>)
      tpu.yield
    }) : () -> ()
    return
  }
}

module attributes {stable_mosaic.version = 14 : i64} {
  func.func @_proj_body(%arg0: i32, %arg1: memref<400x128xf32, #tpu.memory_space<vmem>>, %arg2: memref<128x384xf32, #tpu.memory_space<vmem>>, %arg3: memref<400x128xf32, #tpu.memory_space<vmem>>, %arg4: memref<400x128xf32, #tpu.memory_space<vmem>>, %arg5: memref<400x128xf32, #tpu.memory_space<vmem>>) attributes {dimension_semantics = [#tpu.dimension_semantics<arbitrary>], iteration_bounds = array<i64: 25>, scalar_prefetch = 0 : i64, scratch_operands = 0 : i64, tpu.core_type = #tpu.core_type<tc>, window_params = [{transform_indices = @transform_0, window_bounds = array<i64: 400, 128>}, {pipeline_mode = #tpu.pipeline_mode<synchronous>, transform_indices = @transform_1, window_bounds = array<i64: 128, 384>}, {transform_indices = @transform_2, window_bounds = array<i64: 400, 128>}, {transform_indices = @transform_3, window_bounds = array<i64: 400, 128>}, {transform_indices = @transform_4, window_bounds = array<i64: 400, 128>}]} {
    %get3A = arith.constant 0 : index
    %get3A_0 = arith.constant 0 : index
    %get3A_1 = vector.load %arg1[%get3A, %get3A_0] : memref<400x128xf32, #tpu.memory_space<vmem>>, vector<400x128xf32>
    %get3A_2 = arith.constant 0 : index
    %get3A_3 = arith.constant 0 : index
    %get3A_4 = vector.load %arg2[%get3A_2, %get3A_3] : memref<128x384xf32, #tpu.memory_space<vmem>>, vector<128x384xf32>
    %dot_general3A = arith.constant dense<0.000000e+00> : vector<400x384xf32>
    %dot_general3A_5 = tpu.matmul %get3A_1, %get3A_4, %dot_general3A {dimension_numbers = #tpu.dot_dimension_numbers<[1], [0], [0], [1], [0, 0, 1, 1], [], []>, transpose_lhs_hint = false} : vector<400x128xf32>, vector<128x384xf32>, vector<400x384xf32> -> vector<400x384xf32>
    %slice3A = vector.extract_strided_slice %dot_general3A_5 {offsets = [0, 0], sizes = [400, 128], strides = [1, 1]} : vector<400x384xf32> to vector<400x128xf32>
    %swap3A = arith.constant 0 : index
    %swap3A_6 = arith.constant 0 : index
    %swap3A_7 = vector.load %arg3[%swap3A, %swap3A_6] : memref<400x128xf32, #tpu.memory_space<vmem>>, vector<400x128xf32>
    tpu.vector_store %arg3[%swap3A, %swap3A_6], %slice3A {strides = array<i32>} : memref<400x128xf32, #tpu.memory_space<vmem>>, vector<400x128xf32>,
    %slice3A_8 = vector.extract_strided_slice %dot_general3A_5 {offsets = [0, 128], sizes = [400, 128], strides = [1, 1]} : vector<400x384xf32> to vector<400x128xf32>
    %swap3A_9 = arith.constant 0 : index
    %swap3A_10 = arith.constant 0 : index
    %swap3A_11 = vector.load %arg4[%swap3A_9, %swap3A_10] : memref<400x128xf32, #tpu.memory_space<vmem>>, vector<400x128xf32>
    tpu.vector_store %arg4[%swap3A_9, %swap3A_10], %slice3A_8 {strides = array<i32>} : memref<400x128xf32, #tpu.memory_space<vmem>>, vector<400x128xf32>,
    %slice3A_12 = vector.extract_strided_slice %dot_general3A_5 {offsets = [0, 256], sizes = [400, 128], strides = [1, 1]} : vector<400x384xf32> to vector<400x128xf32>
    %swap3A_13 = arith.constant 0 : index
    %swap3A_14 = arith.constant 0 : index
    %swap3A_15 = vector.load %arg5[%swap3A_13, %swap3A_14] : memref<400x128xf32, #tpu.memory_space<vmem>>, vector<400x128xf32>
    tpu.vector_store %arg5[%swap3A_13, %swap3A_14], %slice3A_12 {strides = array<i32>} : memref<400x128xf32, #tpu.memory_space<vmem>>, vector<400x128xf32>,
    return
  }
  func.func @transform_0(%arg0: i32) -> (i32, i32) {
    %c0_i32 = arith.constant 0 : i32
    %c0_i32_0 = arith.constant 0 : i32
    return %arg0, %c0_i32 : i32, i32
  }
  func.func @transform_1(%arg0: i32) -> (i32, i32) {
    %c0_i32 = arith.constant 0 : i32
    %c0_i32_0 = arith.constant 0 : i32
    %c0_i32_1 = arith.constant 0 : i32
    return %c0_i32, %c0_i32_0 : i32, i32
  }
  func.func @transform_2(%arg0: i32) -> (i32, i32) {
    %c0_i32 = arith.constant 0 : i32
    %c0_i32_0 = arith.constant 0 : i32
    return %arg0, %c0_i32 : i32, i32
  }
  func.func @transform_3(%arg0: i32) -> (i32, i32) {
    %c0_i32 = arith.constant 0 : i32
    %c0_i32_0 = arith.constant 0 : i32
    return %arg0, %c0_i32 : i32, i32
  }
  func.func @transform_4(%arg0: i32) -> (i32, i32) {
    %c0_i32 = arith.constant 0 : i32
    %c0_i32_0 = arith.constant 0 : i32
    return %arg0, %c0_i32 : i32, i32
  }
}

module attributes {stable_mosaic.version = 14 : i64} {
  func.func @_wtab_body(%arg0: i32, %arg1: memref<640x128xf32, #tpu.memory_space<vmem>>, %arg2: memref<640x128xf32, #tpu.memory_space<vmem>>, %arg3: memref<640x128xf32, #tpu.memory_space<vmem>>, %arg4: memref<640x16xf32, #tpu.memory_space<vmem>>, %arg5: memref<640x128xf32, #tpu.memory_space<vmem>>) attributes {dimension_semantics = [#tpu.dimension_semantics<arbitrary>], iteration_bounds = array<i64: 16>, scalar_prefetch = 0 : i64, scratch_operands = 0 : i64, tpu.core_type = #tpu.core_type<tc>, window_params = [{transform_indices = @transform_0, window_bounds = array<i64: 640, 128>}, {transform_indices = @transform_1, window_bounds = array<i64: 640, 128>}, {transform_indices = @transform_2, window_bounds = array<i64: 640, 128>}, {transform_indices = @transform_3, window_bounds = array<i64: 640, 16>}, {transform_indices = @transform_4, window_bounds = array<i64: 640, 128>}]} {
    %get3A = arith.constant 0 : index
    %get3A_0 = arith.constant 0 : index
    %get3A_1 = vector.load %arg1[%get3A, %get3A_0] : memref<640x128xf32, #tpu.memory_space<vmem>>, vector<640x128xf32>
    %get3A_2 = arith.constant 0 : index
    %get3A_3 = arith.constant 0 : index
    %get3A_4 = vector.load %arg2[%get3A_2, %get3A_3] : memref<640x128xf32, #tpu.memory_space<vmem>>, vector<640x128xf32>
    %add3A = arith.addf %get3A_1, %get3A_4 : vector<640x128xf32>
    %slice3A = vector.extract_strided_slice %add3A {offsets = [0, 0], sizes = [640, 4], strides = [1, 1]} : vector<640x128xf32> to vector<640x4xf32>
    %add3A_5 = arith.constant 1.000000e-16 : f32
    %add3A_6 = vector.broadcast %add3A_5 : f32 to vector<640x4xf32>
    %add3A_7 = arith.addf %slice3A, %add3A_6 : vector<640x4xf32>
    %div3A = arith.constant 1.000000e+00 : f32
    %div3A_8 = vector.broadcast %div3A : f32 to vector<640x4xf32>
    %div3A_9 = arith.divf %div3A_8, %add3A_7 : vector<640x4xf32>
    %slice3A_10 = vector.extract_strided_slice %add3A {offsets = [0, 4], sizes = [640, 1], strides = [1, 1]} : vector<640x128xf32> to vector<640x1xf32>
    %gt3A = arith.constant 0.000000e+00 : f32
    %gt3A_11 = vector.broadcast %gt3A : f32 to vector<640x1xf32>
    %gt3A_12 = arith.cmpf ogt, %slice3A_10, %gt3A_11 : vector<640x1xf32>
    %max3A = arith.constant 1.000000e-30 : f32
    %max3A_13 = vector.broadcast %max3A : f32 to vector<640x1xf32>
    %max3A_14 = arith.maximumf %slice3A_10, %max3A_13 : vector<640x1xf32>
    %rsqrt3A = math.rsqrt %max3A_14 : vector<640x1xf32>
    %jit3A = arith.constant 0.000000e+00 : f32
    %broadcast_in_dim3A = vector.broadcast %jit3A : f32 to vector<640x1xf32>
    %select_n3A = arith.select %gt3A_12, %rsqrt3A, %broadcast_in_dim3A : vector<640x1xi1>, vector<640x1xf32>
    %broadcast_in_dim3A_15 = arith.constant 0.000000e+00 : f32
    %broadcast_in_dim3A_16 = vector.broadcast %broadcast_in_dim3A_15 : f32 to vector<640x11xf32>
    %concatenate3A = tpu.concatenate %div3A_9, %select_n3A, %broadcast_in_dim3A_16 in 1 : vector<640x4xf32>, vector<640x1xf32>, vector<640x11xf32> -> vector<640x16xf32>
    %swap3A = arith.constant 0 : index
    %swap3A_17 = arith.constant 0 : index
    %swap3A_18 = vector.load %arg4[%swap3A, %swap3A_17] : memref<640x16xf32, #tpu.memory_space<vmem>>, vector<640x16xf32>
    tpu.vector_store %arg4[%swap3A, %swap3A_17], %concatenate3A {strides = array<i32>} : memref<640x16xf32, #tpu.memory_space<vmem>>, vector<640x16xf32>,
    %get3A_19 = arith.constant 0 : index
    %get3A_20 = arith.constant 0 : index
    %get3A_21 = vector.load %arg3[%get3A_19, %get3A_20] : memref<640x128xf32, #tpu.memory_space<vmem>>, vector<640x128xf32>
    %mul3A = vector.broadcast %select_n3A : vector<640x1xf32> to vector<640x128xf32>
    %mul3A_22 = arith.mulf %get3A_21, %mul3A : vector<640x128xf32>
    %swap3A_23 = arith.constant 0 : index
    %swap3A_24 = arith.constant 0 : index
    %swap3A_25 = vector.load %arg5[%swap3A_23, %swap3A_24] : memref<640x128xf32, #tpu.memory_space<vmem>>, vector<640x128xf32>
    tpu.vector_store %arg5[%swap3A_23, %swap3A_24], %mul3A_22 {strides = array<i32>} : memref<640x128xf32, #tpu.memory_space<vmem>>, vector<640x128xf32>,
    return
  }
  func.func @transform_0(%arg0: i32) -> (i32, i32) {
    %c0_i32 = arith.constant 0 : i32
    %c0_i32_0 = arith.constant 0 : i32
    return %arg0, %c0_i32 : i32, i32
  }
  func.func @transform_1(%arg0: i32) -> (i32, i32) {
    %c0_i32 = arith.constant 0 : i32
    %c0_i32_0 = arith.constant 0 : i32
    return %arg0, %c0_i32 : i32, i32
  }
  func.func @transform_2(%arg0: i32) -> (i32, i32) {
    %c0_i32 = arith.constant 0 : i32
    %c0_i32_0 = arith.constant 0 : i32
    return %arg0, %c0_i32 : i32, i32
  }
  func.func @transform_3(%arg0: i32) -> (i32, i32) {
    %c0_i32 = arith.constant 0 : i32
    %c0_i32_0 = arith.constant 0 : i32
    return %arg0, %c0_i32 : i32, i32
  }
  func.func @transform_4(%arg0: i32) -> (i32, i32) {
    %c0_i32 = arith.constant 0 : i32
    %c0_i32_0 = arith.constant 0 : i32
    return %arg0, %c0_i32 : i32, i32
  }
}

module attributes {stable_mosaic.version = 14 : i64} {
  func.func @_final_body(%arg0: i32, %arg1: memref<400x128xf32, #tpu.memory_space<vmem>>, %arg2: memref<400x128xf32, #tpu.memory_space<vmem>>, %arg3: memref<400x128xf32, #tpu.memory_space<vmem>>, %arg4: memref<400x128xf32, #tpu.memory_space<vmem>>, %arg5: memref<400x128xf32, #tpu.memory_space<vmem>>, %arg6: memref<400x16xf32, #tpu.memory_space<vmem>>, %arg7: memref<1x128xf32, #tpu.memory_space<vmem>>, %arg8: memref<1x128xf32, #tpu.memory_space<vmem>>, %arg9: memref<400x128xf32, #tpu.memory_space<vmem>>) attributes {dimension_semantics = [#tpu.dimension_semantics<arbitrary>], iteration_bounds = array<i64: 25>, scalar_prefetch = 0 : i64, scratch_operands = 0 : i64, tpu.core_type = #tpu.core_type<tc>, window_params = [{transform_indices = @transform_0, window_bounds = array<i64: 400, 128>}, {transform_indices = @transform_1, window_bounds = array<i64: 400, 128>}, {transform_indices = @transform_2, window_bounds = array<i64: 400, 128>}, {transform_indices = @transform_3, window_bounds = array<i64: 400, 128>}, {transform_indices = @transform_4, window_bounds = array<i64: 400, 128>}, {transform_indices = @transform_5, window_bounds = array<i64: 400, 16>}, {pipeline_mode = #tpu.pipeline_mode<synchronous>, transform_indices = @transform_6, window_bounds = array<i64: 1, 128>}, {pipeline_mode = #tpu.pipeline_mode<synchronous>, transform_indices = @transform_7, window_bounds = array<i64: 1, 128>}, {transform_indices = @transform_8, window_bounds = array<i64: 400, 128>}]} {
    %get3A = arith.constant 0 : index
    %get3A_0 = arith.constant 0 : index
    %get3A_1 = vector.load %arg6[%get3A, %get3A_0] : memref<400x16xf32, #tpu.memory_space<vmem>>, vector<400x16xf32>
    %slice3A = vector.extract_strided_slice %get3A_1 {offsets = [0, 0], sizes = [400, 4], strides = [1, 1]} : vector<400x16xf32> to vector<400x4xf32>
    %broadcast_in_dim3A = vector.shape_cast %slice3A : vector<400x4xf32> to vector<400x4x1xf32>
    %broadcast_in_dim3A_2 = vector.shape_cast %broadcast_in_dim3A : vector<400x4x1xf32> to vector<400x4x1xf32>
    %broadcast_in_dim3A_3 = vector.broadcast %broadcast_in_dim3A_2 : vector<400x4x1xf32> to vector<400x4x32xf32>
    %reshape3A = vector.shape_cast %broadcast_in_dim3A_3 : vector<400x4x32xf32> to vector<400x128xf32>
    %slice3A_4 = vector.extract_strided_slice %get3A_1 {offsets = [0, 4], sizes = [400, 1], strides = [1, 1]} : vector<400x16xf32> to vector<400x1xf32>
    %get3A_5 = arith.constant 0 : index
    %get3A_6 = arith.constant 0 : index
    %get3A_7 = vector.load %arg1[%get3A_5, %get3A_6] : memref<400x128xf32, #tpu.memory_space<vmem>>, vector<400x128xf32>
    %get3A_8 = arith.constant 0 : index
    %get3A_9 = arith.constant 0 : index
    %get3A_10 = vector.load %arg2[%get3A_8, %get3A_9] : memref<400x128xf32, #tpu.memory_space<vmem>>, vector<400x128xf32>
    %add3A = arith.addf %get3A_7, %get3A_10 : vector<400x128xf32>
    %mul3A = arith.mulf %add3A, %reshape3A : vector<400x128xf32>
    %get3A_11 = arith.constant 0 : index
    %get3A_12 = arith.constant 0 : index
    %get3A_13 = vector.load %arg3[%get3A_11, %get3A_12] : memref<400x128xf32, #tpu.memory_space<vmem>>, vector<400x128xf32>
    %get3A_14 = arith.constant 0 : index
    %get3A_15 = arith.constant 0 : index
    %get3A_16 = vector.load %arg4[%get3A_14, %get3A_15] : memref<400x128xf32, #tpu.memory_space<vmem>>, vector<400x128xf32>
    %add3A_17 = arith.addf %get3A_13, %get3A_16 : vector<400x128xf32>
    %mul3A_18 = vector.broadcast %slice3A_4 : vector<400x1xf32> to vector<400x128xf32>
    %mul3A_19 = arith.mulf %add3A_17, %mul3A_18 : vector<400x128xf32>
    %add3A_20 = arith.addf %mul3A, %mul3A_19 : vector<400x128xf32>
    %get3A_21 = arith.constant 0 : index
    %get3A_22 = arith.constant 0 : index
    %get3A_23 = vector.load %arg5[%get3A_21, %get3A_22] : memref<400x128xf32, #tpu.memory_space<vmem>>, vector<400x128xf32>
    %add3A_24 = arith.addf %add3A_20, %get3A_23 : vector<400x128xf32>
    %get3A_25 = arith.constant 0 : index
    %get3A_26 = arith.constant 0 : index
    %get3A_27 = vector.load %arg7[%get3A_25, %get3A_26] : memref<1x128xf32, #tpu.memory_space<vmem>>, vector<1x128xf32>
    %mul3A_28 = vector.broadcast %get3A_27 : vector<1x128xf32> to vector<400x128xf32>
    %mul3A_29 = arith.mulf %add3A_24, %mul3A_28 : vector<400x128xf32>
    %get3A_30 = arith.constant 0 : index
    %get3A_31 = arith.constant 0 : index
    %get3A_32 = vector.load %arg8[%get3A_30, %get3A_31] : memref<1x128xf32, #tpu.memory_space<vmem>>, vector<1x128xf32>
    %add3A_33 = vector.broadcast %get3A_32 : vector<1x128xf32> to vector<400x128xf32>
    %add3A_34 = arith.addf %mul3A_29, %add3A_33 : vector<400x128xf32>
    %gt3A = arith.constant 0.000000e+00 : f32
    %gt3A_35 = vector.broadcast %gt3A : f32 to vector<400x128xf32>
    %gt3A_36 = arith.cmpf ogt, %add3A_34, %gt3A_35 : vector<400x128xf32>
    %min3A = arith.constant 0.000000e+00 : f32
    %min3A_37 = vector.broadcast %min3A : f32 to vector<400x128xf32>
    %min3A_38 = arith.minimumf %add3A_34, %min3A_37 : vector<400x128xf32>
    %exp3A = math.exp %min3A_38 : vector<400x128xf32>
    %sub3A = arith.constant 1.000000e+00 : f32
    %sub3A_39 = vector.broadcast %sub3A : f32 to vector<400x128xf32>
    %sub3A_40 = arith.subf %exp3A, %sub3A_39 : vector<400x128xf32>
    %select_n3A = arith.select %gt3A_36, %add3A_34, %sub3A_40 : vector<400x128xi1>, vector<400x128xf32>
    %swap3A = arith.constant 0 : index
    %swap3A_41 = arith.constant 0 : index
    %swap3A_42 = vector.load %arg9[%swap3A, %swap3A_41] : memref<400x128xf32, #tpu.memory_space<vmem>>, vector<400x128xf32>
    tpu.vector_store %arg9[%swap3A, %swap3A_41], %select_n3A {strides = array<i32>} : memref<400x128xf32, #tpu.memory_space<vmem>>, vector<400x128xf32>,
    return
  }
  func.func @transform_0(%arg0: i32) -> (i32, i32) {
    %c0_i32 = arith.constant 0 : i32
    %c0_i32_0 = arith.constant 0 : i32
    return %arg0, %c0_i32 : i32, i32
  }
  func.func @transform_1(%arg0: i32) -> (i32, i32) {
    %c0_i32 = arith.constant 0 : i32
    %c0_i32_0 = arith.constant 0 : i32
    return %arg0, %c0_i32 : i32, i32
  }
  func.func @transform_2(%arg0: i32) -> (i32, i32) {
    %c0_i32 = arith.constant 0 : i32
    %c0_i32_0 = arith.constant 0 : i32
    return %arg0, %c0_i32 : i32, i32
  }
  func.func @transform_3(%arg0: i32) -> (i32, i32) {
    %c0_i32 = arith.constant 0 : i32
    %c0_i32_0 = arith.constant 0 : i32
    return %arg0, %c0_i32 : i32, i32
  }
  func.func @transform_4(%arg0: i32) -> (i32, i32) {
    %c0_i32 = arith.constant 0 : i32
    %c0_i32_0 = arith.constant 0 : i32
    return %arg0, %c0_i32 : i32, i32
  }
  func.func @transform_5(%arg0: i32) -> (i32, i32) {
    %c0_i32 = arith.constant 0 : i32
    %c0_i32_0 = arith.constant 0 : i32
    return %arg0, %c0_i32 : i32, i32
  }
  func.func @transform_6(%arg0: i32) -> (i32, i32) {
    %c0_i32 = arith.constant 0 : i32
    %c0_i32_0 = arith.constant 0 : i32
    %c0_i32_1 = arith.constant 0 : i32
    return %c0_i32, %c0_i32_0 : i32, i32
  }
  func.func @transform_7(%arg0: i32) -> (i32, i32) {
    %c0_i32 = arith.constant 0 : i32
    %c0_i32_0 = arith.constant 0 : i32
    %c0_i32_1 = arith.constant 0 : i32
    return %c0_i32, %c0_i32_0 : i32, i32
  }
  func.func @transform_8(%arg0: i32) -> (i32, i32) {
    %c0_i32 = arith.constant 0 : i32
    %c0_i32_0 = arith.constant 0 : i32
    return %arg0, %c0_i32 : i32, i32
  }
}

</mosaic_0001>

<sc_bundles>
// kernel: kernel.12.cloned.1.call-start
scs
__scs_entry_jumppad:
0x0: {  	(pc) =	sbr.rel $0x88, $3  }
0x1: {  	(tag) =	ssettag $0x0;
	lr =	simm.s32 $0x1  }
0x2: {  	[smem:$0x3F97] =	sst lr;
	_ =	strace $0xD0000000  }
0x3: {  	_ = 	snop  }
0x4: {  	_ = 	snop  }
0x5: {  	_ = 	snop  }
0x6: {  	_ = 	snop  }
0x7: {  	_ = 	snop  }
__scs_overlays_trampoline_lowered:
0x8: {  	[smem:$0x3FA6] =	sst s0  }
0x9: {  	[smem:$0x3FA7] =	sst s1  }
0xa: {  	[smem:$0x3FA8] =	sst s2  }
0xb: {  	[smem:$0x3FA9] =	sst s3  }
0xc: {  	[smem:$0x3FAA] =	sst s4  }
0xd: {  	[smem:$0x3FAB] =	sst s5  }
0xe: {  	[smem:$0x3FAC] =	sst s6  }
0xf: {  	[smem:$0x3FAD] =	sst s7  }
0x10: {  	[smem:$0x3FAE] =	sst s8  }
0x11: {  	[smem:$0x3FAF] =	sst s9;
	s0 =	simm.s32 @!p0 $0x0  }
0x12: {  	s1 =	sld [smem:$0x3F95];
	s0 =	simm.s32 @p0 $0x1  }
0x13: {  	[smem:$0x3FB0] =	sst s0;
	s0 =	simm.s32 @!p1 $0x0  }
0x14: {  	s2 =	sld [smem:$0x3F94];
	s0 =	simm.s32 @p1 $0x1  }
0x15: {  	[smem:$0x3FB1] =	sst s0;
	s0 =	simm.s32 @!p2 $0x0  }
0x16: {  	s3 =	sld [smem:$0x3FDB];
	s0 =	simm.s32 @p2 $0x1  }
0x17: {  	s4 =	simm.s32 $0x1BF5;
	[smem:$0x3FB3] =	sst s0  }
0x18: {  	s0 =	sld [smem:$0x3F96];
	_ =	swait.ge [sflag:s4], $0x0  }
0x19: {  	s7 =	sld [smem:$0x3F97]  }
0x1a: {  	s8 =	sadd.s32 $0xFFFFE003, lr  }
0x1b: {  	s9 =	sadd.s32 $0xFFFFFEF7, lr;
	s5 =	simm.s32 $0xFFFFFFFF;
	p2 =	slt.u32 s8, $0xFFFFF086  }
0x1c: {  	p1 =	slt.u32 s9, $0xF7A;
	s5 =	simm.s32 @!p2 $0x0  }
0x1d: {  	s5 =	simm.s32 @p1 $0x1;
	p0 =	seq.s32 s7, s2  }
0x1e: {  	s7 =	smul.u32 @!p0 $0xF7A, s2;
	p2 =	seq.s32 @!p0 s5, $0x0  }
0x1f: {  	s9 =	smul.u32 $0xF7A, s1;
	s8 =	simm.s32 @!p0 $0x1BF5;
	p2 =	por !p2, p0  }
0x20: {  	[sflag:s8] =	ssyncset.s32 @!p0 $0xFFFFF086;
	s6 =	sadd.s32 @!p0 s3, s7;
	s7 =	simm.s32 @!p0 $0x108  }
0x21: {  	s3 =	sadd.s32 s3, s9;
	s6 =	sadd.s32 @!p0 $0x88, s6;
	s7 =	simm.s32 @p2 $0x1082  }
0x22: {  	[simem:s7], [sflag:s8] =	dma.local @!p0 [hbm:s6], $0xF7A  }
0x23: {  	s9 =	sor.u32 $0xD0000000, s2;
	s6 =	simm.s32 $0x108;
	_ =	swait.ge @!p0 [sflag:s8], $0x0  }
0x24: {  	s3 =	sadd.s32 $0x88, s3;
	s6 =	simm.s32 @!p1 $0x1082;
	[sflag:s4] =	ssyncset.s32 $0xFFFFF086  }
0x25: {  	[simem:s6], [sflag:s4] =	dma.local [hbm:s3], $0xF7A  }
0x26: {  	[smem:$0x3F97] =	sst s1;
	(tag) =	ssettag s2;
	_ =	strace s9  }
0x27: {  	s1 =	sld [smem:$0x3FA7]  }
0x28: {  	s2 =	sld [smem:$0x3FA8]  }
0x29: {  	s4 =	sld [smem:$0x3FAA]  }
0x2a: {  	p0 =	seq.s32 s5, $0x0;
	s5 =	sld [smem:$0x3FAB]  }
0x2b: {  	s6 =	sld [smem:$0x3FAC]  }
0x2c: {  	s7 =	sld [smem:$0x3FAD]  }
0x2d: {  	s3 =	simm.s32 $0x108;
	s8 =	sld [smem:$0x3FAE]  }
0x2e: {  	s3 =	simm.s32 @!p0 $0x1082;
	s9 =	sld [smem:$0x3FAF]  }
0x2f: {  	lr =	sadd.s32 s0, s3;
	s0 =	sld [smem:$0x3FA6]  }
0x30: {  	s3 =	sld [smem:$0x3FA9]  }
0x31: {  	[smem:$0x3FB2] =	sst s10  }
0x32: {  	s10 =	sld [smem:$0x3FB0];
	_ =	sdelay $0x3  }
0x33: {  	p0 =	seq.s32 s10, $0x1;
	s10 =	sld [smem:$0x3FB2];
	_ =	sdelay $0x3  }
0x34: {  	[smem:$0x3FB2] =	sst s10  }
0x35: {  	s10 =	sld [smem:$0x3FB1];
	_ =	sdelay $0x3  }
0x36: {  	p1 =	seq.s32 s10, $0x1;
	s10 =	sld [smem:$0x3FB2];
	_ =	sdelay $0x3  }
0x37: {  	[smem:$0x3FB2] =	sst s10  }
0x38: {  	s10 =	sld [smem:$0x3FB3]  }
0x39: {  	_ = 	snop;
	(pc) =	sbr.ind lr, $3  }
0x3a: {  	_ = 	snop  }
0x3b: {  	_ = 	snop  }
0x3c: {  	p2 =	seq.s32 s10, $0x1;
	s10 =	sld [smem:$0x3FB2]  }
0x3d: {  	_ =	shalt  }
0x3e: {  	_ =	shalt  }
0x3f: {  	_ =	shalt  }
0x40: {  	_ =	shalt  }
0x41: {  	_ =	shalt  }
0x42: {  	_ =	shalt  }
0x43: {  	_ =	shalt  }
0x44: {  	_ =	shalt  }
0x45: {  	_ =	shalt  }
0x46: {  	_ =	shalt  }
0x47: {  	_ =	shalt  }
0x48: {  	_ =	shalt  }
0x49: {  	_ =	shalt  }
0x4a: {  	_ =	shalt  }
0x4b: {  	_ =	shalt  }
0x4c: {  	_ =	shalt  }
0x4d: {  	_ =	shalt  }
0x4e: {  	_ =	shalt  }
0x4f: {  	_ =	shalt  }
0x50: {  	_ =	shalt  }
0x51: {  	_ =	shalt  }
0x52: {  	_ =	shalt  }
0x53: {  	_ =	shalt  }
0x54: {  	_ =	shalt  }
0x55: {  	_ =	shalt  }
0x56: {  	_ =	shalt  }
0x57: {  	_ =	shalt  }
0x58: {  	_ =	shalt  }
0x59: {  	_ =	shalt  }
0x5a: {  	_ =	shalt  }
0x5b: {  	_ =	shalt  }
0x5c: {  	_ =	shalt  }
0x5d: {  	_ =	shalt  }
0x5e: {  	_ =	shalt  }
0x5f: {  	_ =	shalt  }
0x60: {  	_ =	shalt  }
0x61: {  	_ =	shalt  }
0x62: {  	_ =	shalt  }
0x63: {  	_ =	shalt  }
0x64: {  	_ =	shalt  }
0x65: {  	_ =	shalt  }
0x66: {  	_ =	shalt  }
0x67: {  	_ =	shalt  }
0x68: {  	_ =	shalt  }
0x69: {  	_ =	shalt  }
0x6a: {  	_ =	shalt  }
0x6b: {  	_ =	shalt  }
0x6c: {  	_ =	shalt  }
0x6d: {  	_ =	shalt  }
0x6e: {  	_ =	shalt  }
0x6f: {  	_ =	shalt  }
0x70: {  	_ =	shalt  }
0x71: {  	_ =	shalt  }
0x72: {  	_ =	shalt  }
0x73: {  	_ =	shalt  }
0x74: {  	_ =	shalt  }
0x75: {  	_ =	shalt  }
0x76: {  	_ =	shalt  }
0x77: {  	_ =	shalt  }
0x78: {  	_ =	shalt  }
0x79: {  	_ =	shalt  }
0x7a: {  	_ =	shalt  }
0x7b: {  	_ =	shalt  }
0x7c: {  	_ =	shalt  }
0x7d: {  	_ =	shalt  }
0x7e: {  	_ =	shalt  }
0x7f: {  	_ =	shalt  }
0x80: {  	_ =	shalt  }
0x81: {  	_ =	shalt  }
0x82: {  	_ =	shalt  }
0x83: {  	_ =	shalt  }
0x84: {  	_ =	shalt  }
0x85: {  	_ =	shalt  }
0x86: {  	_ =	shalt  }
0x87: {  	_ =	shalt  }
.Lfunc_end0:
.L_simem_size_0:
called_computation.1_lowered:
.L_overlay_start_0:
0x88: {  	s2 =	sld [smem:$0x3FD9]  }
0x89: {  	s3 =	sld [smem:$0x3FFE];
	_ =	sdelay $0x1  }
0x8a: {  	s1 =	srdreg.scid  }
0x8b: {  	s0 =	sand.u32 $0x1, s1  }
0x8c: {  	s16 =	sshll.u32 s0, $0xA;
	s2 =	sadd.s32 s3, s2  }
0x8d: {  	s2 =	sadd.s32 s2, s16  }
0x8e: {  	[smem:$0x3FBE] =	sst s2  }
0x8f: {  	_ = 	snop  }
0x90: {  	(tm) =	ssettm $0x1  }
0x91: {  	s17 =	sld [smem:$0x3FFB];
	_ =	sdelay $0x3  }
0x92: {  	_ =	strace s17  }
0x93: {  	s2 =	sld [smem:$0x3FFC];
	_ =	sdelay $0x3  }
0x94: {  	_ =	strace s2  }
0x95: {  	s2 =	sld [smem:$0x3FFD];
	_ =	sdelay $0x3  }
0x96: {  	_ =	strace s2  }
0x97: {  	_ =	strace $0x8FFFFFFF  }
0x98: {  	s18 =	sld [smem:$0x3FDB];
	_ =	sdelay $0x1  }
0x99: {  	s19 =	simm.s32 $_scs_section_size  }
0x9a: {  	s4 =	simm.s32 $_size__tile_overlayer_lowered;
	s5 =	simm.s32 $_tile_overlayer_lowered  }
0x9b: {  	s22 =	simm.s32 $0x1BFF;
	s21 =	sshll.u32 s5, $0x1;
	s2 =	sadd.s32 s19, s18  }
0x9c: {  	s6 =	simm.s32 $0x0;
	s20 =	sshll.u32 s4, $0x1;
	s4 =	sadd.s32 s21, s2  }
0x9d: {  	[timem:s6], [sflag:s22] =	dma.local [hbm:s4], s20  }
0x9e: {  	_ =	swait.ge [sflag:s22], s20  }
0x9f: {  	s3 =	ssub.s32 $0x0, s20;
	[sflag:s22] =	ssyncset.done $0x0  }
0xa0: {  	[sflag:s22] =	ssyncadd.s32 s3;
	_ =	sdelay $0x1  }
0xa1: {  	s23 =	simm.s32 $0x1B8B  }
0xa2: {  	_ =	swait.ge [sflag:s23], $0x1  }
0xa3: {  	[sflag:s23] =	ssyncset.done $0x0  }
0xa4: {  	s25 =	simm.s32 $0x1B8E;
	s24 =	sld [smem:$0x3FFE];
	[sflag:s23] =	ssyncadd.s32 $0xFFFFFFFF  }
0xa5: {  	s26 =	simm.s32 $execute0_lowered;
	[smem:$0x3FD2] =	sst s25  }
0xa6: {  	s4 =	sshll.u32 s26, $0x1;
	_ =	strace $0x80000049;
	[dreg:$0x1] =	wrdreg $0xFFFFFFFF  }
0xa7: {  	s28 =	simm.s32 $_size_execute0_lowered;
	s2 =	sadd.s32 s2, s4;
	[dreg:$0x0] =	wrdreg $0x0  }
0xa8: {  	s4 =	sshll.u32 s28, $0x1;
	[dreg:$0x2] =	wrdreg s2  }
0xa9: {  	[dreg:$0x3] =	wrdreg s4  }
0xaa: {  	[dreg:$0x4] =	wrdreg $0xC0  }
0xab: {  	_ =	task [dreg:s6], $0x5FFFF  }
0xac: {  	[dreg:$0x1] =	wrdreg $0xFFFFFFFF  }
0xad: {  	[dreg:$0x0] =	wrdreg $0x60  }
0xae: {  	[dreg:$0x2] =	wrdreg s24  }
0xaf: {  	[dreg:$0x3] =	wrdreg $0x43000  }
0xb0: {  	[dreg:$0x4] =	wrdreg $0xA  }
0xb1: {  	_ =	task.clear_ibuf [dreg:s6], $0x5FFFF;
	_ =	strace $0x90000049  }
0xb2: {  	s29 =	simm.s32 $0xA;
	_ =	strace $0x8000004B  }
0xb3: {  	_ =	swait.ge [sflag:s29], $0x1  }
0xb4: {  	[sflag:s29] =	ssyncadd.s32 $0xFFFFFFFF  }
0xb5: {  	_ =	strace $0x9000004B  }
0xb6: {  	_ =	sfence  }
0xb7: {  	s30 =	sld [smem:$0x0];
	_ =	sdelay $0x2  }
0xb8: {  	s31 =	sshll.u32 s1, $0xD;
	s1 =	sshrl.u32 s1, $0x2  }
0xb9: {  	s3 =	sand.u32 $0x4000, s31;
	s1 =	sadd.s32 s1, s30  }
0xba: {  	s0 =	sor.u32 s3, s0;
	s1 =	sshll.u32 s1, $0x11  }
0xbb: {  	s0 =	sor.u32 s1, s0  }
0xbc: {  	s0 =	sadd.s32 $0x8F2B, s0  }
0xbd: {  	[sflag:s0] =	ssyncadd.remote.s32 $0x1  }
0xbe: {  	_ =	sfence.sel $0xFFFF  }
0xbf: {  	[dreg:$0x0] =	wrdreg $0xFFFFFFFF;
	(pc) =	sbr.abs _section_cstart, $3  }
0xc0: {  	[dreg:$0x1] =	wrdreg $0xFFFFFFFF  }
0xc1: {  	_ =	task.clear_ibuf [dreg:s6], $0x2FFFF;
	_ =	strace $0x9FFFFFFF  }
0xc2: {  	(tm) =	ssettm $0x7FFFFFFF  }
0xc3: {  	_ =	shalt  }
tec
execute0_lowered:
.L_overlay_start_1:
0x0: {  	(tag) =	ssettag $0x1  }
0x1: {  	v0 =	vimm.s32 $0x3210;
	v1 =	vimm.s32 $0x383;
	vm14 =	vcmask $0x300  }
0x2: {  	vm13 =	vcmask $0x704;
	vm0 =	vcmask $0xF00;
	vm12 =	vcmask $0xB08  }
0x3: {  	v2 =	vimm.s32 $0x83828180;
	vm11 =	vcmask $0xF0C;
	vm10 =	vcmask $0x1310  }
0x4: {  	vm9 =	vcmask $0x1714;
	vm8 =	vcmask $0x1B18;
	vm15 =	vcmask $0x1F10  }
0x5: {  	vm7 =	vcmask $0x1F1C;
	vm6 =	vcmask $0x2320;
	vm5 =	vcmask $0x2724  }
0x6: {  	vm4 =	vcmask $0x2B28;
	vm3 =	vcmask $0x2F2C;
	vm2 =	vcmask $0x3330  }
0x7: {  	vm1 =	vcmask $0x3734;
	v3 =	vimm.s32 $0x783;
	v4 =	vimm.s32 $0x983  }
0x8: {  	v5 =	vimm.s32 $0xB83;
	v6 =	vimm.s32 $0xD83;
	v7 =	vimm.s32 $0xF83  }
0x9: {  	v8 =	vimm.s32 $0x1183;
	v9 =	vimm.s32 $0x1383;
	v10 =	vimm.s32 $0x1583  }
0xa: {  	v11 =	vimm.s32 $0x1783;
	v12 =	vimm.s32 $0x1983;
	v13 =	vimm.s32 $0x1B83  }
0xb: {  	v14 =	vimm.s32 $0x1D83;
	v15 =	vimm.s32 $0x1F83;
	v16 =	vimm.s32 $0x2183  }
0xc: {  	v17 =	vimm.s32 $0x2383;
	v18 =	vimm.s32 $0x2583;
	v19 =	vimm.s32 $0x2783  }
0xd: {  	v20 =	vimm.s32 $0x2983;
	v21 =	vimm.s32 $0x2B83;
	v22 =	vimm.s32 $0x2D83  }
0xe: {  	v23 =	vimm.s32 $0x2F83;
	v24 =	vimm.s32 $0x3183;
	v25 =	vimm.s32 $0x3383  }
0xf: {  	v26 =	vimm.s32 $0x3583;
	v27 =	vimm.s32 $0x3783;
	v28 =	vimm.s32 $0x3983  }
0x10: {  	v29 =	vimm.s32 $0x3B83;
	v30 =	vimm.s32 $0x3D83;
	v31 =	vimm.s32 $0x3F83  }
0x11: {  	v0 =	vunpack.c.l.s4.s8 v0;
	v1 =	vsel vm14, $0x200, v1;
	v2 =	vunpack.c.0.s8.s32 v2  }
0x12: {  	v3 =	vsel vm14, $0x600, v3;
	v4 =	vsel vm14, $0x800, v4;
	v5 =	vsel vm14, $0xA00, v5  }
0x13: {  	v6 =	vsel vm14, $0xC00, v6;
	v7 =	vsel vm14, $0xE00, v7;
	v8 =	vsel vm14, $0x1000, v8  }
0x14: {  	v9 =	vsel vm14, $0x1200, v9;
	v10 =	vsel vm14, $0x1400, v10;
	v11 =	vsel vm14, $0x1600, v11  }
0x15: {  	v12 =	vsel vm14, $0x1800, v12;
	v13 =	vsel vm14, $0x1A00, v13;
	v14 =	vsel vm14, $0x1C00, v14  }
0x16: {  	v15 =	vsel vm14, $0x1E00, v15;
	v16 =	vsel vm14, $0x2000, v16;
	v17 =	vsel vm14, $0x2200, v17  }
0x17: {  	v18 =	vsel vm14, $0x2400, v18;
	v19 =	vsel vm14, $0x2600, v19;
	v20 =	vsel vm14, $0x2800, v20  }
0x18: {  	v21 =	vsel vm14, $0x2A00, v21;
	v22 =	vsel vm14, $0x2C00, v22;
	v23 =	vsel vm14, $0x2E00, v23  }
0x19: {  	v24 =	vsel vm14, $0x3000, v24;
	v25 =	vsel vm14, $0x3200, v25;
	v26 =	vsel vm14, $0x3400, v26  }
0x1a: {  	v27 =	vsel vm14, $0x3600, v27;
	v28 =	vsel vm14, $0x3800, v28;
	v29 =	vsel vm14, $0x3A00, v29  }
0x1b: {  	v30 =	vsel vm14, $0x3C00, v30;
	v31 =	vsel vm14, $0x3E00, v31;
	v1 =	vsel vm13, $0x201, v1  }
0x1c: {  	v3 =	vsel vm13, $0x601, v3;
	v4 =	vsel vm13, $0x801, v4;
	v5 =	vsel vm13, $0xA01, v5  }
0x1d: {  	v6 =	vsel vm13, $0xC01, v6;
	v7 =	vsel vm13, $0xE01, v7;
	v8 =	vsel vm13, $0x1001, v8  }
0x1e: {  	v9 =	vsel vm13, $0x1201, v9;
	v10 =	vsel vm13, $0x1401, v10;
	v11 =	vsel vm13, $0x1601, v11  }
0x1f: {  	v12 =	vsel vm13, $0x1801, v12;
	v13 =	vsel vm13, $0x1A01, v13;
	v14 =	vsel vm13, $0x1C01, v14  }
0x20: {  	v15 =	vsel vm13, $0x1E01, v15;
	v16 =	vsel vm13, $0x2001, v16;
	v17 =	vsel vm13, $0x2201, v17  }
0x21: {  	v18 =	vsel vm13, $0x2401, v18;
	v19 =	vsel vm13, $0x2601, v19;
	v20 =	vsel vm13, $0x2801, v20  }
0x22: {  	v21 =	vsel vm13, $0x2A01, v21;
	v22 =	vsel vm13, $0x2C01, v22;
	v23 =	vsel vm13, $0x2E01, v23  }
0x23: {  	v24 =	vsel vm13, $0x3001, v24;
	v25 =	vsel vm13, $0x3201, v25;
	v26 =	vsel vm13, $0x3401, v26  }
0x24: {  	v27 =	vsel vm13, $0x3601, v27;
	v28 =	vsel vm13, $0x3801, v28;
	v29 =	vsel vm13, $0x3A01, v29  }
0x25: {  	v30 =	vsel vm13, $0x3C01, v30;
	v31 =	vsel vm13, $0x3E01, v31;
	v0 =	vunpack.c.0.s8.s32 v0  }
0x26: {  	v1 =	vsel vm12, $0x202, v1;
	v2 =	vand.u32 $0xFF, v2;
	v3 =	vsel vm12, $0x602, v3  }
0x27: {  	v4 =	vsel vm12, $0x802, v4;
	v5 =	vsel vm12, $0xA02, v5;
	v6 =	vsel vm12, $0xC02, v6  }
0x28: {  	v7 =	vsel vm12, $0xE02, v7;
	v8 =	vsel vm12, $0x1002, v8;
	v9 =	vsel vm12, $0x1202, v9  }
0x29: {  	v10 =	vsel vm12, $0x1402, v10;
	v11 =	vsel vm12, $0x1602, v11;
	v12 =	vsel vm12, $0x1802, v12  }
0x2a: {  	v13 =	vsel vm12, $0x1A02, v13;
	v14 =	vsel vm12, $0x1C02, v14;
	v15 =	vsel vm12, $0x1E02, v15  }
0x2b: {  	v16 =	vsel vm12, $0x2002, v16;
	v17 =	vsel vm12, $0x2202, v17;
	v18 =	vsel vm12, $0x2402, v18  }
0x2c: {  	v19 =	vsel vm12, $0x2602, v19;
	v20 =	vsel vm12, $0x2802, v20;
	v21 =	vsel vm12, $0x2A02, v21  }
0x2d: {  	v22 =	vsel vm12, $0x2C02, v22;
	v23 =	vsel vm12, $0x2E02, v23;
	v24 =	vsel vm12, $0x3002, v24  }
0x2e: {  	v25 =	vsel vm12, $0x3202, v25;
	v26 =	vsel vm12, $0x3402, v26;
	v27 =	vsel vm12, $0x3602, v27  }
0x2f: {  	v28 =	vsel vm12, $0x3802, v28;
	v29 =	vsel vm12, $0x3A02, v29;
	v30 =	vsel vm12, $0x3C02, v30  }
0x30: {  	v31 =	vsel vm12, $0x3E02, v31;
	v1 =	vsel vm11, $0x203, v1;
	v3 =	vsel vm11, $0x603, v3  }
0x31: {  	v4 =	vsel vm11, $0x803, v4;
	v5 =	vsel vm11, $0xA03, v5;
	v6 =	vsel vm11, $0xC03, v6  }
0x32: {  	v7 =	vsel vm11, $0xE03, v7;
	v8 =	vsel vm11, $0x1003, v8;
	v9 =	vsel vm11, $0x1203, v9  }
0x33: {  	v10 =	vsel vm11, $0x1403, v10;
	v11 =	vsel vm11, $0x1603, v11;
	v12 =	vsel vm11, $0x1803, v12  }
0x34: {  	v13 =	vsel vm11, $0x1A03, v13;
	v14 =	vsel vm11, $0x1C03, v14;
	v15 =	vsel vm11, $0x1E03, v15  }
0x35: {  	v16 =	vsel vm11, $0x2003, v16;
	v17 =	vsel vm11, $0x2203, v17;
	v18 =	vsel vm11, $0x2403, v18  }
0x36: {  	v19 =	vsel vm11, $0x2603, v19;
	v20 =	vsel vm11, $0x2803, v20;
	v21 =	vsel vm11, $0x2A03, v21  }
0x37: {  	v22 =	vsel vm11, $0x2C03, v22;
	v23 =	vsel vm11, $0x2E03, v23;
	v24 =	vsel vm11, $0x3003, v24  }
0x38: {  	v25 =	vsel vm11, $0x3203, v25;
	v26 =	vsel vm11, $0x3403, v26;
	v27 =	vsel vm11, $0x3603, v27  }
0x39: {  	v28 =	vsel vm11, $0x3803, v28;
	v29 =	vsel vm11, $0x3A03, v29;
	v30 =	vsel vm11, $0x3C03, v30  }
0x3a: {  	v31 =	vsel vm11, $0x3E03, v31;
	v0 =	vnsel vm0, $0x183, v0;
	v1 =	vsel vm10, $0x280, v1  }
0x3b: {  	v3 =	vsel vm10, $0x680, v3;
	v4 =	vsel vm10, $0x880, v4;
	v5 =	vsel vm10, $0xA80, v5  }
0x3c: {  	v6 =	vsel vm10, $0xC80, v6;
	v7 =	vsel vm10, $0xE80, v7;
	v8 =	vsel vm10, $0x1080, v8  }
0x3d: {  	v9 =	vsel vm10, $0x1280, v9;
	v10 =	vsel vm10, $0x1480, v10;
	v11 =	vsel vm10, $0x1680, v11  }
0x3e: {  	v12 =	vsel vm10, $0x1880, v12;
	v13 =	vsel vm10, $0x1A80, v13;
	v14 =	vsel vm10, $0x1C80, v14  }
0x3f: {  	v15 =	vsel vm10, $0x1E80, v15;
	v16 =	vsel vm10, $0x2080, v16;
	v17 =	vsel vm10, $0x2280, v17  }
0x40: {  	v18 =	vsel vm10, $0x2480, v18;
	v19 =	vsel vm10, $0x2680, v19;
	v20 =	vsel vm10, $0x2880, v20  }
0x41: {  	v21 =	vsel vm10, $0x2A80, v21;
	v22 =	vsel vm10, $0x2C80, v22;
	v23 =	vsel vm10, $0x2E80, v23  }
0x42: {  	v24 =	vsel vm10, $0x3080, v24;
	v25 =	vsel vm10, $0x3280, v25;
	v26 =	vsel vm10, $0x3480, v26  }
0x43: {  	v27 =	vsel vm10, $0x3680, v27;
	v28 =	vsel vm10, $0x3880, v28;
	v29 =	vsel vm10, $0x3A80, v29  }
0x44: {  	v30 =	vsel vm10, $0x3C80, v30;
	v31 =	vsel vm10, $0x3E80, v31;
	v1 =	vsel vm9, $0x281, v1  }
0x45: {  	v0 =	vsel vm15, v2, v0;
	vm15 =	vcmask $0x3B38;
	v2 =	vimm.s32 $0x583  }
0x46: {  	v3 =	vsel vm9, $0x681, v3;
	v4 =	vsel vm9, $0x881, v4;
	v5 =	vsel vm9, $0xA81, v5  }
0x47: {  	v6 =	vsel vm9, $0xC81, v6;
	v7 =	vsel vm9, $0xE81, v7;
	v8 =	vsel vm9, $0x1081, v8  }
0x48: {  	v9 =	vsel vm9, $0x1281, v9;
	v10 =	vsel vm9, $0x1481, v10;
	v11 =	vsel vm9, $0x1681, v11  }
0x49: {  	v12 =	vsel vm9, $0x1881, v12;
	v13 =	vsel vm9, $0x1A81, v13;
	v14 =	vsel vm9, $0x1C81, v14  }
0x4a: {  	v15 =	vsel vm9, $0x1E81, v15;
	v16 =	vsel vm9, $0x2081, v16;
	v17 =	vsel vm9, $0x2281, v17  }
0x4b: {  	v18 =	vsel vm9, $0x2481, v18;
	v19 =	vsel vm9, $0x2681, v19;
	v20 =	vsel vm9, $0x2881, v20  }
0x4c: {  	v21 =	vsel vm9, $0x2A81, v21;
	v22 =	vsel vm9, $0x2C81, v22;
	v23 =	vsel vm9, $0x2E81, v23  }
0x4d: {  	v24 =	vsel vm9, $0x3081, v24;
	v25 =	vsel vm9, $0x3281, v25;
	v26 =	vsel vm9, $0x3481, v26  }
0x4e: {  	v27 =	vsel vm9, $0x3681, v27;
	v28 =	vsel vm9, $0x3881, v28;
	v29 =	vsel vm9, $0x3A81, v29  }
0x4f: {  	v30 =	vsel vm9, $0x3C81, v30;
	v31 =	vsel vm9, $0x3E81, v31;
	v1 =	vsel vm8, $0x282, v1  }
0x50: {  	v0 =	vsel vm6, $0x100, v0;
	v2 =	vsel vm14, $0x400, v2;
	v3 =	vsel vm8, $0x682, v3  }
0x51: {  	v4 =	vsel vm8, $0x882, v4;
	v5 =	vsel vm8, $0xA82, v5;
	v6 =	vsel vm8, $0xC82, v6  }
0x52: {  	v7 =	vsel vm8, $0xE82, v7;
	v8 =	vsel vm8, $0x1082, v8;
	v9 =	vsel vm8, $0x1282, v9  }
0x53: {  	v10 =	vsel vm8, $0x1482, v10;
	v11 =	vsel vm8, $0x1682, v11;
	v12 =	vsel vm8, $0x1882, v12  }
0x54: {  	v13 =	vsel vm8, $0x1A82, v13;
	v14 =	vsel vm8, $0x1C82, v14;
	v15 =	vsel vm8, $0x1E82, v15  }
0x55: {  	v16 =	vsel vm8, $0x2082, v16;
	v17 =	vsel vm8, $0x2282, v17;
	v18 =	vsel vm8, $0x2482, v18  }
0x56: {  	v19 =	vsel vm8, $0x2682, v19;
	v20 =	vsel vm8, $0x2882, v20;
	v21 =	vsel vm8, $0x2A82, v21  }
0x57: {  	v22 =	vsel vm8, $0x2C82, v22;
	v23 =	vsel vm8, $0x2E82, v23;
	v24 =	vsel vm8, $0x3082, v24  }
0x58: {  	v25 =	vsel vm8, $0x3282, v25;
	v26 =	vsel vm8, $0x3482, v26;
	v27 =	vsel vm8, $0x3682, v27  }
0x59: {  	v28 =	vsel vm8, $0x3882, v28;
	v29 =	vsel vm8, $0x3A82, v29;
	v30 =	vsel vm8, $0x3C82, v30  }
0x5a: {  	v31 =	vsel vm8, $0x3E82, v31;
	v1 =	vsel vm7, $0x283, v1;
	v0 =	vsel vm5, $0x101, v0  }
0x5b: {  	v2 =	vsel vm13, $0x401, v2;
	v3 =	vsel vm7, $0x683, v3;
	v4 =	vsel vm7, $0x883, v4  }
0x5c: {  	v5 =	vsel vm7, $0xA83, v5;
	v6 =	vsel vm7, $0xC83, v6;
	v7 =	vsel vm7, $0xE83, v7  }
0x5d: {  	v8 =	vsel vm7, $0x1083, v8;
	v9 =	vsel vm7, $0x1283, v9;
	v10 =	vsel vm7, $0x1483, v10  }
0x5e: {  	v11 =	vsel vm7, $0x1683, v11;
	v12 =	vsel vm7, $0x1883, v12;
	v13 =	vsel vm7, $0x1A83, v13  }
0x5f: {  	v14 =	vsel vm7, $0x1C83, v14;
	v15 =	vsel vm7, $0x1E83, v15;
	v16 =	vsel vm7, $0x2083, v16  }
0x60: {  	v17 =	vsel vm7, $0x2283, v17;
	v18 =	vsel vm7, $0x2483, v18;
	v19 =	vsel vm7, $0x2683, v19  }
0x61: {  	v20 =	vsel vm7, $0x2883, v20;
	v21 =	vsel vm7, $0x2A83, v21;
	v22 =	vsel vm7, $0x2C83, v22  }
0x62: {  	v23 =	vsel vm7, $0x2E83, v23;
	v24 =	vsel vm7, $0x3083, v24;
	v25 =	vsel vm7, $0x3283, v25  }
0x63: {  	v26 =	vsel vm7, $0x3483, v26;
	v27 =	vsel vm7, $0x3683, v27;
	v28 =	vsel vm7, $0x3883, v28  }
0x64: {  	v29 =	vsel vm7, $0x3A83, v29;
	v30 =	vsel vm7, $0x3C83, v30;
	v31 =	vsel vm7, $0x3E83, v31  }
0x65: {  	v1 =	vsel vm6, $0x300, v1;
	v0 =	vsel vm4, $0x102, v0;
	v2 =	vsel vm12, $0x402, v2  }
0x66: {  	v3 =	vsel vm6, $0x700, v3;
	v4 =	vsel vm6, $0x900, v4;
	v5 =	vsel vm6, $0xB00, v5  }
0x67: {  	v6 =	vsel vm6, $0xD00, v6;
	v7 =	vsel vm6, $0xF00, v7;
	v8 =	vsel vm6, $0x1100, v8  }
0x68: {  	v9 =	vsel vm6, $0x1300, v9;
	v10 =	vsel vm6, $0x1500, v10;
	v11 =	vsel vm6, $0x1700, v11  }
0x69: {  	v12 =	vsel vm6, $0x1900, v12;
	v13 =	vsel vm6, $0x1B00, v13;
	v14 =	vsel vm6, $0x1D00, v14  }
0x6a: {  	v15 =	vsel vm6, $0x1F00, v15;
	v16 =	vsel vm6, $0x2100, v16;
	v17 =	vsel vm6, $0x2300, v17  }
0x6b: {  	v18 =	vsel vm6, $0x2500, v18;
	v19 =	vsel vm6, $0x2700, v19;
	v20 =	vsel vm6, $0x2900, v20  }
0x6c: {  	v21 =	vsel vm6, $0x2B00, v21;
	v22 =	vsel vm6, $0x2D00, v22;
	v23 =	vsel vm6, $0x2F00, v23  }
0x6d: {  	v24 =	vsel vm6, $0x3100, v24;
	v25 =	vsel vm6, $0x3300, v25;
	v26 =	vsel vm6, $0x3500, v26  }
0x6e: {  	v27 =	vsel vm6, $0x3700, v27;
	v28 =	vsel vm6, $0x3900, v28;
	v29 =	vsel vm6, $0x3B00, v29  }
0x6f: {  	v30 =	vsel vm6, $0x3D00, v30;
	v31 =	vsel vm6, $0x3F00, v31;
	v1 =	vsel vm5, $0x301, v1  }
0x70: {  	v0 =	vsel vm3, $0x103, v0;
	v2 =	vsel vm11, $0x403, v2;
	v3 =	vsel vm5, $0x701, v3  }
0x71: {  	v4 =	vsel vm5, $0x901, v4;
	v5 =	vsel vm5, $0xB01, v5;
	v6 =	vsel vm5, $0xD01, v6  }
0x72: {  	v7 =	vsel vm5, $0xF01, v7;
	v8 =	vsel vm5, $0x1101, v8;
	v9 =	vsel vm5, $0x1301, v9  }
0x73: {  	v10 =	vsel vm5, $0x1501, v10;
	v11 =	vsel vm5, $0x1701, v11;
	v12 =	vsel vm5, $0x1901, v12  }
0x74: {  	v13 =	vsel vm5, $0x1B01, v13;
	v14 =	vsel vm5, $0x1D01, v14;
	v15 =	vsel vm5, $0x1F01, v15  }
0x75: {  	v16 =	vsel vm5, $0x2101, v16;
	v17 =	vsel vm5, $0x2301, v17;
	v18 =	vsel vm5, $0x2501, v18  }
0x76: {  	v19 =	vsel vm5, $0x2701, v19;
	v20 =	vsel vm5, $0x2901, v20;
	v21 =	vsel vm5, $0x2B01, v21  }
0x77: {  	v22 =	vsel vm5, $0x2D01, v22;
	v23 =	vsel vm5, $0x2F01, v23;
	v24 =	vsel vm5, $0x3101, v24  }
0x78: {  	v25 =	vsel vm5, $0x3301, v25;
	v26 =	vsel vm5, $0x3501, v26;
	v27 =	vsel vm5, $0x3701, v27  }
0x79: {  	v28 =	vsel vm5, $0x3901, v28;
	v29 =	vsel vm5, $0x3B01, v29;
	v30 =	vsel vm5, $0x3D01, v30  }
0x7a: {  	v31 =	vsel vm5, $0x3F01, v31;
	v1 =	vsel vm4, $0x302, v1;
	v0 =	vsel vm2, $0x180, v0  }
0x7b: {  	v2 =	vsel vm10, $0x480, v2;
	v3 =	vsel vm4, $0x702, v3;
	v4 =	vsel vm4, $0x902, v4  }
0x7c: {  	v5 =	vsel vm4, $0xB02, v5;
	v6 =	vsel vm4, $0xD02, v6;
	v7 =	vsel vm4, $0xF02, v7  }
0x7d: {  	v8 =	vsel vm4, $0x1102, v8;
	v9 =	vsel vm4, $0x1302, v9;
	v10 =	vsel vm4, $0x1502, v10  }
0x7e: {  	v11 =	vsel vm4, $0x1702, v11;
	v12 =	vsel vm4, $0x1902, v12;
	v13 =	vsel vm4, $0x1B02, v13  }
0x7f: {  	v14 =	vsel vm4, $0x1D02, v14;
	v15 =	vsel vm4, $0x1F02, v15;
	v16 =	vsel vm4, $0x2102, v16  }
0x80: {  	v17 =	vsel vm4, $0x2302, v17;
	v18 =	vsel vm4, $0x2502, v18;
	v19 =	vsel vm4, $0x2702, v19  }
0x81: {  	v20 =	vsel vm4, $0x2902, v20;
	v21 =	vsel vm4, $0x2B02, v21;
	v22 =	vsel vm4, $0x2D02, v22  }
0x82: {  	v23 =	vsel vm4, $0x2F02, v23;
	v24 =	vsel vm4, $0x3102, v24;
	v25 =	vsel vm4, $0x3302, v25  }
0x83: {  	v26 =	vsel vm4, $0x3502, v26;
	v27 =	vsel vm4, $0x3702, v27;
	v28 =	vsel vm4, $0x3902, v28  }
0x84: {  	v29 =	vsel vm4, $0x3B02, v29;
	v30 =	vsel vm4, $0x3D02, v30;
	v31 =	vsel vm4, $0x3F02, v31  }
0x85: {  	v1 =	vsel vm3, $0x303, v1;
	v0 =	vsel vm1, $0x181, v0;
	v2 =	vsel vm9, $0x481, v2  }
0x86: {  	v3 =	vsel vm3, $0x703, v3;
	v4 =	vsel vm3, $0x903, v4;
	v5 =	vsel vm3, $0xB03, v5  }
0x87: {  	v6 =	vsel vm3, $0xD03, v6;
	v7 =	vsel vm3, $0xF03, v7;
	v8 =	vsel vm3, $0x1103, v8  }
0x88: {  	v9 =	vsel vm3, $0x1303, v9;
	v10 =	vsel vm3, $0x1503, v10;
	v11 =	vsel vm3, $0x1703, v11  }
0x89: {  	v12 =	vsel vm3, $0x1903, v12;
	v13 =	vsel vm3, $0x1B03, v13;
	v14 =	vsel vm3, $0x1D03, v14  }
0x8a: {  	v15 =	vsel vm3, $0x1F03, v15;
	v16 =	vsel vm3, $0x2103, v16;
	v17 =	vsel vm3, $0x2303, v17  }
0x8b: {  	v18 =	vsel vm3, $0x2503, v18;
	v19 =	vsel vm3, $0x2703, v19;
	v20 =	vsel vm3, $0x2903, v20  }
0x8c: {  	v21 =	vsel vm3, $0x2B03, v21;
	v22 =	vsel vm3, $0x2D03, v22;
	v23 =	vsel vm3, $0x2F03, v23  }
0x8d: {  	v24 =	vsel vm3, $0x3103, v24;
	v25 =	vsel vm3, $0x3303, v25;
	v26 =	vsel vm3, $0x3503, v26  }
0x8e: {  	v27 =	vsel vm3, $0x3703, v27;
	v28 =	vsel vm3, $0x3903, v28;
	v29 =	vsel vm3, $0x3B03, v29  }
0x8f: {  	v30 =	vsel vm3, $0x3D03, v30;
	v31 =	vsel vm3, $0x3F03, v31;
	v1 =	vsel vm2, $0x380, v1  }
0x90: {  	v0 =	vsel vm15, $0x182, v0;
	v2 =	vsel vm8, $0x482, v2;
	v3 =	vsel vm2, $0x780, v3  }
0x91: {  	v4 =	vsel vm2, $0x980, v4;
	v5 =	vsel vm2, $0xB80, v5;
	v6 =	vsel vm2, $0xD80, v6  }
0x92: {  	v7 =	vsel vm2, $0xF80, v7;
	v8 =	vsel vm2, $0x1180, v8;
	v9 =	vsel vm2, $0x1380, v9  }
0x93: {  	v10 =	vsel vm2, $0x1580, v10;
	v11 =	vsel vm2, $0x1780, v11;
	v12 =	vsel vm2, $0x1980, v12  }
0x94: {  	v13 =	vsel vm2, $0x1B80, v13;
	v14 =	vsel vm2, $0x1D80, v14;
	v15 =	vsel vm2, $0x1F80, v15  }
0x95: {  	v16 =	vsel vm2, $0x2180, v16;
	v17 =	vsel vm2, $0x2380, v17;
	v18 =	vsel vm2, $0x2580, v18  }
0x96: {  	v19 =	vsel vm2, $0x2780, v19;
	v20 =	vsel vm2, $0x2980, v20;
	v21 =	vsel vm2, $0x2B80, v21  }
0x97: {  	v22 =	vsel vm2, $0x2D80, v22;
	v23 =	vsel vm2, $0x2F80, v23;
	v24 =	vsel vm2, $0x3180, v24  }
0x98: {  	v25 =	vsel vm2, $0x3380, v25;
	v26 =	vsel vm2, $0x3580, v26;
	v27 =	vsel vm2, $0x3780, v27  }
0x99: {  	v28 =	vsel vm2, $0x3980, v28;
	v29 =	vsel vm2, $0x3B80, v29;
	v30 =	vsel vm2, $0x3D80, v30  }
0x9a: {  	v31 =	vsel vm2, $0x3F80, v31;
	v1 =	vsel vm1, $0x381, v1;
	v2 =	vsel vm7, $0x483, v2  }
0x9b: {  	v3 =	vsel vm1, $0x781, v3;
	v4 =	vsel vm1, $0x981, v4;
	v5 =	vsel vm1, $0xB81, v5  }
0x9c: {  	v6 =	vsel vm1, $0xD81, v6;
	v7 =	vsel vm1, $0xF81, v7;
	v8 =	vsel vm1, $0x1181, v8  }
0x9d: {  	v9 =	vsel vm1, $0x1381, v9;
	v10 =	vsel vm1, $0x1581, v10;
	v11 =	vsel vm1, $0x1781, v11  }
0x9e: {  	v12 =	vsel vm1, $0x1981, v12;
	v13 =	vsel vm1, $0x1B81, v13;
	v14 =	vsel vm1, $0x1D81, v14  }
0x9f: {  	v15 =	vsel vm1, $0x1F81, v15;
	v16 =	vsel vm1, $0x2181, v16;
	v17 =	vsel vm1, $0x2381, v17  }
0xa0: {  	v18 =	vsel vm1, $0x2581, v18;
	v19 =	vsel vm1, $0x2781, v19;
	v20 =	vsel vm1, $0x2981, v20  }
0xa1: {  	s7 =	rddreg [dreg:$0x0];
	v21 =	vsel vm1, $0x2B81, v21;
	v22 =	vsel vm1, $0x2D81, v22;
	v23 =	vsel vm1, $0x2F81, v23  }
0xa2: {  	s1 =	rddreg [dreg:$0x1];
	s2 =	stileid.u32;
	v24 =	vsel vm1, $0x3181, v24;
	v25 =	vsel vm1, $0x3381, v25;
	v26 =	vsel vm1, $0x3581, v26  }
0xa3: {  	s0 =	rddreg [dreg:$0x2];
	s4 =	smul.u32 $0xA20, s2;
	v27 =	vsel vm1, $0x3781, v27;
	v28 =	vsel vm1, $0x3981, v28;
	v29 =	vsel vm1, $0x3B81, v29  }
0xa4: {  	s5 =	srdreg.scid;
	s6 =	smul.u32 $0x2880, s2;
	v30 =	vsel vm1, $0x3D81, v30;
	v31 =	vsel vm1, $0x3F81, v31;
	v1 =	vsel vm15, $0x382, v1  }
0xa5: {  	s3 =	simm.s32 $0x0;
	s16 =	simm.s32 $0x100;
	s10 =	smul.u32 $0x14000, s2;
	v2 =	vsel vm6, $0x500, v2;
	v3 =	vsel vm15, $0x782, v3;
	v4 =	vsel vm15, $0x982, v4  }
0xa6: {  	s17 =	simm.s32 $0x0;
	s8 =	sand.u32 $0x1, s5;
	s13 =	smul.u32 $0x50000, s2;
	v5 =	vsel vm15, $0xB82, v5;
	v6 =	vsel vm15, $0xD82, v6;
	v7 =	vsel vm15, $0xF82, v7  }
0xa7: {  	[smem:$0x7FF] =	sst s3;
	s5 =	sadd.s32 $0x16200, s7;
	s9 =	smul.u32 $0x140000, s8;
	v8 =	vsel vm15, $0x1182, v8;
	v9 =	vsel vm15, $0x1382, v9;
	v10 =	vsel vm15, $0x1582, v10  }
0xa8: {  	s31 =	sshll.u32 s2, $0x6;
	_ =	strace $0x8000004A;
	s14 =	smul.u32 $0x1440, s8;
	v11 =	vsel vm15, $0x1782, v11;
	v12 =	vsel vm15, $0x1982, v12;
	v13 =	vsel vm15, $0x1B82, v13  }
0xa9: {  	s24 =	ssub.s32 $0x2, s8;
	s28 =	smul.u32 $0x510, s8;
	s11 =	sadd.s32 s4, s7;
	v14 =	vsel vm15, $0x1D82, v14;
	v15 =	vsel vm15, $0x1F82, v15;
	v16 =	vsel vm15, $0x2182, v16  }
0xaa: {  	s12 =	sadd.s32 s6, s7;
	s4 =	sadd.s32 $0x16A00, s7;
	s6 =	sadd.s32 $0x16C00, s7;
	v17 =	vsel vm15, $0x2382, v17;
	v18 =	vsel vm15, $0x2582, v18;
	v19 =	vsel vm15, $0x2782, v19  }
0xab: {  	s25 =	sshrl.u32 s24, $0x1;
	s26 =	sshrl.u32 s13, $0x2;
	s13 =	sor.u32 $0x1C01, s31;
	v20 =	vsel vm15, $0x2982, v20;
	v21 =	vsel vm15, $0x2B82, v21;
	v2 =	vsel vm5, $0x501, v2  }
0xac: {  	s9 =	sadd.s32 s10, s9;
	s15 =	sadd.s32 s26, s1;
	s29 =	sadd.s32 s14, s12;
	v22 =	vsel vm15, $0x2D82, v22;
	v23 =	vsel vm15, $0x2F82, v23;
	v2 =	vsel vm4, $0x502, v2  }
0xad: {  	s30 =	sadd.s32 s28, s11;
	s11 =	simm.s32 $0x1;
	s12 =	simm.s32 $0x300;
	v24 =	vsel vm15, $0x3182, v24;
	v25 =	vsel vm15, $0x3382, v25;
	v2 =	vsel vm3, $0x503, v2  }
0xae: {  	s9 =	sshrl.u32 s9, $0x3;
	s10 =	sadd.s32 $0x1E00, s30;
	s14 =	sshrl.u32 s15, $0x3;
	v26 =	vsel vm15, $0x3582, v26;
	v27 =	vsel vm15, $0x3782, v27;
	v2 =	vsel vm2, $0x580, v2  }
0xaf: {  	s15 =	simm.s32 $0x80;
	s7 =	sadd.s32 s9, s7;
	s9 =	ssub.s32 s24, s25;
	v28 =	vsel vm15, $0x3982, v28;
	v29 =	vsel vm15, $0x3B82, v29;
	v2 =	vsel vm1, $0x581, v2  }
0xb0: {  	s7 =	sadd.s32 $0x65E00, s7;
	s8 =	smax.u32 s9, $0x1;
	s9 =	sadd.s32 $0x3D600, s29;
	v30 =	vsel vm15, $0x3D82, v30;
	v31 =	vsel vm15, $0x3F82, v31;
	v2 =	vsel vm15, $0x582, v2  }
.LBB2_1:
0xb1: {  	[tilespmem:s3], [sflag:$0x1] =	stream.linear.gather [hbm4b:s4+s3], $0x80, $0x38;
	[tilespmem:$0x18300] =	vst v63  }
0xb2: {  	_ =	swait.ge [sflag:s11], $0x80  }
0xb3: {  	[sflag:s11] =	ssyncset.done $0x0  }
0xb4: {  	[sflag:s11] =	ssyncadd.s32 $0xFFFFFF80  }
0xb5: {  	[tilespmem:s12], [sflag:$0x1] =	stream.linear.gather [hbm4b:s5+s3], $0x4000, $0x38;
	[tilespmem:$0x18300] =	vst v63  }
0xb6: {  	_ =	swait.ge [sflag:s11], $0x4000  }
0xb7: {  	[sflag:s11] =	ssyncset.done $0x0  }
0xb8: {  	[sflag:s11] =	ssyncadd.s32 $0xFFFFC000  }
0xb9: {  	[spmem:s14], [sflag:s13] =	dma.local [hbm:s6], $0x2800  }
0xba: {  	_ =	swait.ge [sflag:s11], $0x2800  }
0xbb: {  	[sflag:s11] =	ssyncset.done $0x0  }
0xbc: {  	[sflag:s11] =	ssyncadd.s32 $0xFFFFD800  }
0xbd: {  	[bflag:$0x0] =	sbarrier.arrive $0xFFFF  }
0xbe: {  	s18 =	smov.u32 s9;
	s19 =	simm.s32 $0x0;
	v32 =	vld [tilespmem:$0x0]  }
.LBB2_2:
0xbf: {  	s20 =	sadd.s32 s19, s10  }
0xc0: {  	[tilespmem:s15], [sflag:$0x1] =	stream.linear.gather [hbm4b:s20+s3], $0x80, $0x38;
	[tilespmem:$0x18300] =	vst v63  }
0xc1: {  	_ =	swait.ge [sflag:s11], $0x80  }
0xc2: {  	[sflag:s11] =	ssyncset.done $0x0  }
0xc3: {  	[sflag:s11] =	ssyncadd.s32 $0xFFFFFF80  }
0xc4: {  	[tilespmem:s16], [sflag:$0x1] =	stream.linear.gather [hbm4b:s18+s3], $0x200, $0x38;
	[tilespmem:$0x18300] =	vst v63  }
0xc5: {  	_ =	swait.ge [sflag:s11], $0x200  }
0xc6: {  	[sflag:s11] =	ssyncset.done $0x0  }
0xc7: {  	[sflag:s11] =	ssyncadd.s32 $0xFFFFFE00  }
0xc8: {  	v33 =	vld [tilespmem:$0x100];
	_ =	sdelay $0x4  }
0xc9: {  	v33 =	vsub.f32 v33, v32;
	_ =	sdelay $0x1  }
0xca: {  	v33 =	vmul.f32 $1.442695020e+00, v33;
	_ =	sdelay $0x1  }
0xcb: {  	(erf) = vpow2.f32 v33;
	_ =	sdelay $0x8  }
0xcc: {  	v33 =	vpop (erf)  }
0xcd: {  	[tilespmem:v0+s12+$0x0] =	vst.idx.msk $0xffff, v33  }
0xce: {  	v33 =	vld [tilespmem:$0x110];
	_ =	sdelay $0x4  }
0xcf: {  	v33 =	vsub.f32 v33, v32;
	_ =	sdelay $0x1  }
0xd0: {  	v33 =	vmul.f32 $1.442695020e+00, v33;
	_ =	sdelay $0x1  }
0xd1: {  	(erf) = vpow2.f32 v33;
	_ =	sdelay $0x8  }
0xd2: {  	v33 =	vpop (erf)  }
0xd3: {  	[tilespmem:v1+s12+$0x0] =	vst.idx.msk $0xffff, v33  }
0xd4: {  	v33 =	vld [tilespmem:$0x120];
	_ =	sdelay $0x4  }
0xd5: {  	v33 =	vsub.f32 v33, v32;
	_ =	sdelay $0x1  }
0xd6: {  	v33 =	vmul.f32 $1.442695020e+00, v33;
	_ =	sdelay $0x1  }
0xd7: {  	(erf) = vpow2.f32 v33;
	_ =	sdelay $0x8  }
0xd8: {  	v33 =	vpop (erf)  }
0xd9: {  	[tilespmem:v2+s12+$0x0] =	vst.idx.msk $0xffff, v33  }
0xda: {  	v33 =	vld [tilespmem:$0x130];
	_ =	sdelay $0x4  }
0xdb: {  	v33 =	vsub.f32 v33, v32;
	_ =	sdelay $0x1  }
0xdc: {  	v33 =	vmul.f32 $1.442695020e+00, v33;
	_ =	sdelay $0x1  }
0xdd: {  	(erf) = vpow2.f32 v33;
	_ =	sdelay $0x8  }
0xde: {  	v33 =	vpop (erf)  }
0xdf: {  	[tilespmem:v3+s12+$0x0] =	vst.idx.msk $0xffff, v33  }
0xe0: {  	v33 =	vld [tilespmem:$0x140];
	_ =	sdelay $0x4  }
0xe1: {  	v33 =	vsub.f32 v33, v32;
	_ =	sdelay $0x1  }
0xe2: {  	v33 =	vmul.f32 $1.442695020e+00, v33;
	_ =	sdelay $0x1  }
0xe3: {  	(erf) = vpow2.f32 v33;
	_ =	sdelay $0x8  }
0xe4: {  	v33 =	vpop (erf)  }
0xe5: {  	[tilespmem:v4+s12+$0x0] =	vst.idx.msk $0xffff, v33  }
0xe6: {  	v33 =	vld [tilespmem:$0x150];
	_ =	sdelay $0x4  }
0xe7: {  	v33 =	vsub.f32 v33, v32;
	_ =	sdelay $0x1  }
0xe8: {  	v33 =	vmul.f32 $1.442695020e+00, v33;
	_ =	sdelay $0x1  }
0xe9: {  	(erf) = vpow2.f32 v33;
	_ =	sdelay $0x8  }
0xea: {  	v33 =	vpop (erf)  }
0xeb: {  	[tilespmem:v5+s12+$0x0] =	vst.idx.msk $0xffff, v33  }
0xec: {  	v33 =	vld [tilespmem:$0x160];
	_ =	sdelay $0x4  }
0xed: {  	v33 =	vsub.f32 v33, v32;
	_ =	sdelay $0x1  }
0xee: {  	v33 =	vmul.f32 $1.442695020e+00, v33;
	_ =	sdelay $0x1  }
0xef: {  	(erf) = vpow2.f32 v33;
	_ =	sdelay $0x8  }
0xf0: {  	v33 =	vpop (erf)  }
0xf1: {  	[tilespmem:v6+s12+$0x0] =	vst.idx.msk $0xffff, v33  }
0xf2: {  	v33 =	vld [tilespmem:$0x170];
	_ =	sdelay $0x4  }
0xf3: {  	v33 =	vsub.f32 v33, v32;
	_ =	sdelay $0x1  }
0xf4: {  	v33 =	vmul.f32 $1.442695020e+00, v33;
	_ =	sdelay $0x1  }
0xf5: {  	(erf) = vpow2.f32 v33;
	_ =	sdelay $0x8  }
0xf6: {  	v33 =	vpop (erf)  }
0xf7: {  	[tilespmem:v7+s12+$0x0] =	vst.idx.msk $0xffff, v33  }
0xf8: {  	v33 =	vld [tilespmem:$0x180];
	_ =	sdelay $0x4  }
0xf9: {  	v33 =	vsub.f32 v33, v32;
	_ =	sdelay $0x1  }
0xfa: {  	v33 =	vmul.f32 $1.442695020e+00, v33;
	_ =	sdelay $0x1  }
0xfb: {  	(erf) = vpow2.f32 v33;
	_ =	sdelay $0x8  }
0xfc: {  	v33 =	vpop (erf)  }
0xfd: {  	[tilespmem:v8+s12+$0x0] =	vst.idx.msk $0xffff, v33  }
0xfe: {  	v33 =	vld [tilespmem:$0x190];
	_ =	sdelay $0x4  }
0xff: {  	v33 =	vsub.f32 v33, v32;
	_ =	sdelay $0x1  }
0x100: {  	v33 =	vmul.f32 $1.442695020e+00, v33;
	_ =	sdelay $0x1  }
0x101: {  	(erf) = vpow2.f32 v33;
	_ =	sdelay $0x8  }
0x102: {  	v33 =	vpop (erf)  }
0x103: {  	[tilespmem:v9+s12+$0x0] =	vst.idx.msk $0xffff, v33  }
0x104: {  	v33 =	vld [tilespmem:$0x1A0];
	_ =	sdelay $0x4  }
0x105: {  	v33 =	vsub.f32 v33, v32;
	_ =	sdelay $0x1  }
0x106: {  	v33 =	vmul.f32 $1.442695020e+00, v33;
	_ =	sdelay $0x1  }
0x107: {  	(erf) = vpow2.f32 v33;
	_ =	sdelay $0x8  }
0x108: {  	v33 =	vpop (erf)  }
0x109: {  	[tilespmem:v10+s12+$0x0] =	vst.idx.msk $0xffff, v33  }
0x10a: {  	v33 =	vld [tilespmem:$0x1B0];
	_ =	sdelay $0x4  }
0x10b: {  	v33 =	vsub.f32 v33, v32;
	_ =	sdelay $0x1  }
0x10c: {  	v33 =	vmul.f32 $1.442695020e+00, v33;
	_ =	sdelay $0x1  }
0x10d: {  	(erf) = vpow2.f32 v33;
	_ =	sdelay $0x8  }
0x10e: {  	v33 =	vpop (erf)  }
0x10f: {  	[tilespmem:v11+s12+$0x0] =	vst.idx.msk $0xffff, v33  }
0x110: {  	v33 =	vld [tilespmem:$0x1C0];
	_ =	sdelay $0x4  }
0x111: {  	v33 =	vsub.f32 v33, v32;
	_ =	sdelay $0x1  }
0x112: {  	v33 =	vmul.f32 $1.442695020e+00, v33;
	_ =	sdelay $0x1  }
0x113: {  	(erf) = vpow2.f32 v33;
	_ =	sdelay $0x8  }
0x114: {  	v33 =	vpop (erf)  }
0x115: {  	[tilespmem:v12+s12+$0x0] =	vst.idx.msk $0xffff, v33  }
0x116: {  	v33 =	vld [tilespmem:$0x1D0];
	_ =	sdelay $0x4  }
0x117: {  	v33 =	vsub.f32 v33, v32;
	_ =	sdelay $0x1  }
0x118: {  	v33 =	vmul.f32 $1.442695020e+00, v33;
	_ =	sdelay $0x1  }
0x119: {  	(erf) = vpow2.f32 v33;
	_ =	sdelay $0x8  }
0x11a: {  	v33 =	vpop (erf)  }
0x11b: {  	[tilespmem:v13+s12+$0x0] =	vst.idx.msk $0xffff, v33  }
0x11c: {  	v33 =	vld [tilespmem:$0x1E0];
	_ =	sdelay $0x4  }
0x11d: {  	v33 =	vsub.f32 v33, v32;
	_ =	sdelay $0x1  }
0x11e: {  	v33 =	vmul.f32 $1.442695020e+00, v33;
	_ =	sdelay $0x1  }
0x11f: {  	(erf) = vpow2.f32 v33;
	_ =	sdelay $0x8  }
0x120: {  	v33 =	vpop (erf)  }
0x121: {  	[tilespmem:v14+s12+$0x0] =	vst.idx.msk $0xffff, v33  }
0x122: {  	v33 =	vld [tilespmem:$0x1F0];
	_ =	sdelay $0x4  }
0x123: {  	v33 =	vsub.f32 v33, v32;
	_ =	sdelay $0x1  }
0x124: {  	v33 =	vmul.f32 $1.442695020e+00, v33;
	_ =	sdelay $0x1  }
0x125: {  	(erf) = vpow2.f32 v33;
	_ =	sdelay $0x8  }
0x126: {  	v33 =	vpop (erf)  }
0x127: {  	[tilespmem:v15+s12+$0x0] =	vst.idx.msk $0xffff, v33  }
0x128: {  	v33 =	vld [tilespmem:$0x200];
	_ =	sdelay $0x4  }
0x129: {  	v33 =	vsub.f32 v33, v32;
	_ =	sdelay $0x1  }
0x12a: {  	v33 =	vmul.f32 $1.442695020e+00, v33;
	_ =	sdelay $0x1  }
0x12b: {  	(erf) = vpow2.f32 v33;
	_ =	sdelay $0x8  }
0x12c: {  	v33 =	vpop (erf)  }
0x12d: {  	[tilespmem:v16+s12+$0x0] =	vst.idx.msk $0xffff, v33  }
0x12e: {  	v33 =	vld [tilespmem:$0x210];
	_ =	sdelay $0x4  }
0x12f: {  	v33 =	vsub.f32 v33, v32;
	_ =	sdelay $0x1  }
0x130: {  	v33 =	vmul.f32 $1.442695020e+00, v33;
	_ =	sdelay $0x1  }
0x131: {  	(erf) = vpow2.f32 v33;
	_ =	sdelay $0x8  }
0x132: {  	v33 =	vpop (erf)  }
0x133: {  	[tilespmem:v17+s12+$0x0] =	vst.idx.msk $0xffff, v33  }
0x134: {  	v33 =	vld [tilespmem:$0x220];
	_ =	sdelay $0x4  }
0x135: {  	v33 =	vsub.f32 v33, v32;
	_ =	sdelay $0x1  }
0x136: {  	v33 =	vmul.f32 $1.442695020e+00, v33;
	_ =	sdelay $0x1  }
0x137: {  	(erf) = vpow2.f32 v33;
	_ =	sdelay $0x8  }
0x138: {  	v33 =	vpop (erf)  }
0x139: {  	[tilespmem:v18+s12+$0x0] =	vst.idx.msk $0xffff, v33  }
0x13a: {  	v33 =	vld [tilespmem:$0x230];
	_ =	sdelay $0x4  }
0x13b: {  	v33 =	vsub.f32 v33, v32;
	_ =	sdelay $0x1  }
0x13c: {  	v33 =	vmul.f32 $1.442695020e+00, v33;
	_ =	sdelay $0x1  }
0x13d: {  	(erf) = vpow2.f32 v33;
	_ =	sdelay $0x8  }
0x13e: {  	v33 =	vpop (erf)  }
0x13f: {  	[tilespmem:v19+s12+$0x0] =	vst.idx.msk $0xffff, v33  }
0x140: {  	v33 =	vld [tilespmem:$0x240];
	_ =	sdelay $0x4  }
0x141: {  	v33 =	vsub.f32 v33, v32;
	_ =	sdelay $0x1  }
0x142: {  	v33 =	vmul.f32 $1.442695020e+00, v33;
	_ =	sdelay $0x1  }
0x143: {  	(erf) = vpow2.f32 v33;
	_ =	sdelay $0x8  }
0x144: {  	v33 =	vpop (erf)  }
0x145: {  	[tilespmem:v20+s12+$0x0] =	vst.idx.msk $0xffff, v33  }
0x146: {  	v33 =	vld [tilespmem:$0x250];
	_ =	sdelay $0x4  }
0x147: {  	v33 =	vsub.f32 v33, v32;
	_ =	sdelay $0x1  }
0x148: {  	v33 =	vmul.f32 $1.442695020e+00, v33;
	_ =	sdelay $0x1  }
0x149: {  	(erf) = vpow2.f32 v33;
	_ =	sdelay $0x8  }
0x14a: {  	v33 =	vpop (erf)  }
0x14b: {  	[tilespmem:v21+s12+$0x0] =	vst.idx.msk $0xffff, v33  }
0x14c: {  	v33 =	vld [tilespmem:$0x260];
	_ =	sdelay $0x4  }
0x14d: {  	v33 =	vsub.f32 v33, v32;
	_ =	sdelay $0x1  }
0x14e: {  	v33 =	vmul.f32 $1.442695020e+00, v33;
	_ =	sdelay $0x1  }
0x14f: {  	(erf) = vpow2.f32 v33;
	_ =	sdelay $0x8  }
0x150: {  	v33 =	vpop (erf)  }
0x151: {  	[tilespmem:v22+s12+$0x0] =	vst.idx.msk $0xffff, v33  }
0x152: {  	v33 =	vld [tilespmem:$0x270];
	_ =	sdelay $0x4  }
0x153: {  	v33 =	vsub.f32 v33, v32;
	_ =	sdelay $0x1  }
0x154: {  	v33 =	vmul.f32 $1.442695020e+00, v33;
	_ =	sdelay $0x1  }
0x155: {  	(erf) = vpow2.f32 v33;
	_ =	sdelay $0x8  }
0x156: {  	v33 =	vpop (erf)  }
0x157: {  	[tilespmem:v23+s12+$0x0] =	vst.idx.msk $0xffff, v33  }
0x158: {  	v33 =	vld [tilespmem:$0x280];
	_ =	sdelay $0x4  }
0x159: {  	v33 =	vsub.f32 v33, v32;
	_ =	sdelay $0x1  }
0x15a: {  	v33 =	vmul.f32 $1.442695020e+00, v33;
	_ =	sdelay $0x1  }
0x15b: {  	(erf) = vpow2.f32 v33;
	_ =	sdelay $0x8  }
0x15c: {  	v33 =	vpop (erf)  }
0x15d: {  	[tilespmem:v24+s12+$0x0] =	vst.idx.msk $0xffff, v33  }
0x15e: {  	v33 =	vld [tilespmem:$0x290];
	_ =	sdelay $0x4  }
0x15f: {  	v33 =	vsub.f32 v33, v32;
	_ =	sdelay $0x1  }
0x160: {  	v33 =	vmul.f32 $1.442695020e+00, v33;
	_ =	sdelay $0x1  }
0x161: {  	(erf) = vpow2.f32 v33;
	_ =	sdelay $0x8  }
0x162: {  	v33 =	vpop (erf)  }
0x163: {  	[tilespmem:v25+s12+$0x0] =	vst.idx.msk $0xffff, v33  }
0x164: {  	v33 =	vld [tilespmem:$0x2A0];
	_ =	sdelay $0x4  }
0x165: {  	v33 =	vsub.f32 v33, v32;
	_ =	sdelay $0x1  }
0x166: {  	v33 =	vmul.f32 $1.442695020e+00, v33;
	_ =	sdelay $0x1  }
0x167: {  	(erf) = vpow2.f32 v33;
	_ =	sdelay $0x8  }
0x168: {  	v33 =	vpop (erf)  }
0x169: {  	[tilespmem:v26+s12+$0x0] =	vst.idx.msk $0xffff, v33  }
0x16a: {  	v33 =	vld [tilespmem:$0x2B0];
	_ =	sdelay $0x4  }
0x16b: {  	v33 =	vsub.f32 v33, v32;
	_ =	sdelay $0x1  }
0x16c: {  	v33 =	vmul.f32 $1.442695020e+00, v33;
	_ =	sdelay $0x1  }
0x16d: {  	(erf) = vpow2.f32 v33;
	_ =	sdelay $0x8  }
0x16e: {  	v33 =	vpop (erf)  }
0x16f: {  	[tilespmem:v27+s12+$0x0] =	vst.idx.msk $0xffff, v33  }
0x170: {  	v33 =	vld [tilespmem:$0x2C0];
	_ =	sdelay $0x4  }
0x171: {  	v33 =	vsub.f32 v33, v32;
	_ =	sdelay $0x1  }
0x172: {  	v33 =	vmul.f32 $1.442695020e+00, v33;
	_ =	sdelay $0x1  }
0x173: {  	(erf) = vpow2.f32 v33;
	_ =	sdelay $0x8  }
0x174: {  	v33 =	vpop (erf)  }
0x175: {  	[tilespmem:v28+s12+$0x0] =	vst.idx.msk $0xffff, v33  }
0x176: {  	v33 =	vld [tilespmem:$0x2D0];
	_ =	sdelay $0x4  }
0x177: {  	v33 =	vsub.f32 v33, v32;
	_ =	sdelay $0x1  }
0x178: {  	v33 =	vmul.f32 $1.442695020e+00, v33;
	_ =	sdelay $0x1  }
0x179: {  	(erf) = vpow2.f32 v33;
	_ =	sdelay $0x8  }
0x17a: {  	v33 =	vpop (erf)  }
0x17b: {  	[tilespmem:v29+s12+$0x0] =	vst.idx.msk $0xffff, v33  }
0x17c: {  	v33 =	vld [tilespmem:$0x2E0];
	_ =	sdelay $0x4  }
0x17d: {  	v33 =	vsub.f32 v33, v32;
	_ =	sdelay $0x1  }
0x17e: {  	v33 =	vmul.f32 $1.442695020e+00, v33;
	_ =	sdelay $0x1  }
0x17f: {  	(erf) = vpow2.f32 v33;
	_ =	sdelay $0x8  }
0x180: {  	v33 =	vpop (erf)  }
0x181: {  	[tilespmem:v30+s12+$0x0] =	vst.idx.msk $0xffff, v33  }
0x182: {  	v33 =	vld [tilespmem:$0x2F0];
	_ =	sdelay $0x4  }
0x183: {  	v33 =	vsub.f32 v33, v32;
	_ =	sdelay $0x1  }
0x184: {  	v33 =	vmul.f32 $1.442695020e+00, v33;
	_ =	sdelay $0x1  }
0x185: {  	(erf) = vpow2.f32 v33;
	_ =	sdelay $0x8  }
0x186: {  	p0 =	sne.s32 s19, $0x500;
	v33 =	vpop (erf)  }
.Ltmp0:
0x187: {  	[tilespmem:v31+s12+$0x0] =	vst.idx.msk $0xffff, v33;
	(pc) =	sbr.rel @p0 .LBB2_2-.Ltmp0, $4  }
0x188: {  	[spmem:s1] =	stream.indirect.scatter.add.f32 [tilespmem:s12], [sflag:$0x1], $0x80, s15, s15, $0xb8;
	[tilespmem:$0x18300] =	vst v63  }
0x189: {  	_ =	swait.ge [sflag:s11], $0x4000  }
0x18a: {  	[sflag:s11] =	ssyncset.done $0x0  }
0x18b: {  	s19 =	sadd.s32 $0x10, s19;
	s18 =	sadd.s32 $0x40, s18;
	[sflag:s11] =	ssyncadd.s32 $0xFFFFC000  }
0x18c: {  	s17 =	sadd.s32 $0x1, s17  }
0x18d: {  	p0 =	sne.s32 s17, s8  }
.Ltmp1:
0x18e: {  	[bflag:$0x0] =	sbarrier.arrive $0xFFFF;
	(pc) =	sbr.rel @p0 .LBB2_1-.Ltmp1, $4  }
0x18f: {  	[hbm:s7], [sflag:s13] =	dma.local [spmem:s14], $0x2800  }
0x190: {  	_ =	swait.ge [sflag:s11], $0x2800  }
0x191: {  	[sflag:s11] =	ssyncset.done $0x0  }
0x192: {  	[sflag:s11] =	ssyncadd.s32 $0xFFFFD800  }
0x193: {  	_ =	sfence.sel $0x180000  }
0x194: {  	[bflag:$0x0] =	sbarrier.arrive $0xFFFF  }
0x195: {  	p0 =	sne.s32 s2, $0x0;
	_ =	strace $0x9000004A  }
0x196: {  	s0 =	sadd.s32 @!p0 $0x100000, s0;
	[bflag:$0x2] =	sbarrier.arrive $0xFFFF  }
0x197: {  	[sflag:s0] =	ssyncadd.tile.s32 @!p0 $0x1;
	_ =	shalt  }
.Lfunc_end2:
_tile_overlayer_lowered:
.L_overlay_start_2:
0x198: {  	(tag) =	ssettag $0x2  }
0x199: {  	s0 =	rddreg [dreg:$0x0];
	s2 =	stileid.u32  }
0x19a: {  	s1 =	rddreg [dreg:$0x1];
	p0 =	sne.s32 s2, $0x0  }
0x19b: {  	s3 =	rddreg [dreg:$0x2];
	[bflag:$0x3] =	sbarrier.arrive $0xFFFF;
	s2 =	simm.s32 @!p0 $0x1C01  }
0x19c: {  	[timem:s3], [sflag:s2] =	dma.local @!p0 [hbm:s0], s1  }
0x19d: {  	s0 =	simm.s32 @!p0 $0x1  }
0x19e: {  	_ =	swait.ge @!p0 [sflag:s0], s1  }
0x19f: {  	s1 =	ssub.s32 @!p0 $0x0, s1;
	[sflag:s0] =	ssyncset.done @!p0 $0x0  }
0x1a0: {  	[sflag:s0] =	ssyncadd.s32 @!p0 s1  }
0x1a1: {  	[bflag:$0x3] =	sbarrier.arrive $0xFFFF  }
0x1a2: {  	_ =	shalt  }

// kernel: kernel.15.cloned.1.call-start
scs
__scs_entry_jumppad:
0x0: {  	(pc) =	sbr.rel $0x88, $3  }
0x1: {  	(tag) =	ssettag $0x0;
	lr =	simm.s32 $0x1  }
0x2: {  	[smem:$0x3F97] =	sst lr;
	_ =	strace $0xD0000000  }
0x3: {  	_ = 	snop  }
0x4: {  	_ = 	snop  }
0x5: {  	_ = 	snop  }
0x6: {  	_ = 	snop  }
0x7: {  	_ = 	snop  }
__scs_overlays_trampoline_lowered:
0x8: {  	[smem:$0x3FA6] =	sst s0  }
0x9: {  	[smem:$0x3FA7] =	sst s1  }
0xa: {  	[smem:$0x3FA8] =	sst s2  }
0xb: {  	[smem:$0x3FA9] =	sst s3  }
0xc: {  	[smem:$0x3FAA] =	sst s4  }
0xd: {  	[smem:$0x3FAB] =	sst s5  }
0xe: {  	[smem:$0x3FAC] =	sst s6  }
0xf: {  	[smem:$0x3FAD] =	sst s7  }
0x10: {  	[smem:$0x3FAE] =	sst s8  }
0x11: {  	[smem:$0x3FAF] =	sst s9;
	s0 =	simm.s32 @!p0 $0x0  }
0x12: {  	s1 =	sld [smem:$0x3F95];
	s0 =	simm.s32 @p0 $0x1  }
0x13: {  	[smem:$0x3FB0] =	sst s0;
	s0 =	simm.s32 @!p1 $0x0  }
0x14: {  	s2 =	sld [smem:$0x3F94];
	s0 =	simm.s32 @p1 $0x1  }
0x15: {  	[smem:$0x3FB1] =	sst s0;
	s0 =	simm.s32 @!p2 $0x0  }
0x16: {  	s3 =	sld [smem:$0x3FDB];
	s0 =	simm.s32 @p2 $0x1  }
0x17: {  	s4 =	simm.s32 $0x1BF5;
	[smem:$0x3FB3] =	sst s0  }
0x18: {  	s0 =	sld [smem:$0x3F96];
	_ =	swait.ge [sflag:s4], $0x0  }
0x19: {  	s7 =	sld [smem:$0x3F97]  }
0x1a: {  	s8 =	sadd.s32 $0xFFFFE003, lr  }
0x1b: {  	s9 =	sadd.s32 $0xFFFFFEF7, lr;
	s5 =	simm.s32 $0xFFFFFFFF;
	p2 =	slt.u32 s8, $0xFFFFF086  }
0x1c: {  	p1 =	slt.u32 s9, $0xF7A;
	s5 =	simm.s32 @!p2 $0x0  }
0x1d: {  	s5 =	simm.s32 @p1 $0x1;
	p0 =	seq.s32 s7, s2  }
0x1e: {  	s7 =	smul.u32 @!p0 $0xF7A, s2;
	p2 =	seq.s32 @!p0 s5, $0x0  }
0x1f: {  	s9 =	smul.u32 $0xF7A, s1;
	s8 =	simm.s32 @!p0 $0x1BF5;
	p2 =	por !p2, p0  }
0x20: {  	[sflag:s8] =	ssyncset.s32 @!p0 $0xFFFFF086;
	s6 =	sadd.s32 @!p0 s3, s7;
	s7 =	simm.s32 @!p0 $0x108  }
0x21: {  	s3 =	sadd.s32 s3, s9;
	s6 =	sadd.s32 @!p0 $0x88, s6;
	s7 =	simm.s32 @p2 $0x1082  }
0x22: {  	[simem:s7], [sflag:s8] =	dma.local @!p0 [hbm:s6], $0xF7A  }
0x23: {  	s9 =	sor.u32 $0xD0000000, s2;
	s6 =	simm.s32 $0x108;
	_ =	swait.ge @!p0 [sflag:s8], $0x0  }
0x24: {  	s3 =	sadd.s32 $0x88, s3;
	s6 =	simm.s32 @!p1 $0x1082;
	[sflag:s4] =	ssyncset.s32 $0xFFFFF086  }
0x25: {  	[simem:s6], [sflag:s4] =	dma.local [hbm:s3], $0xF7A  }
0x26: {  	[smem:$0x3F97] =	sst s1;
	(tag) =	ssettag s2;
	_ =	strace s9  }
0x27: {  	s1 =	sld [smem:$0x3FA7]  }
0x28: {  	s2 =	sld [smem:$0x3FA8]  }
0x29: {  	s4 =	sld [smem:$0x3FAA]  }
0x2a: {  	p0 =	seq.s32 s5, $0x0;
	s5 =	sld [smem:$0x3FAB]  }
0x2b: {  	s6 =	sld [smem:$0x3FAC]  }
0x2c: {  	s7 =	sld [smem:$0x3FAD]  }
0x2d: {  	s3 =	simm.s32 $0x108;
	s8 =	sld [smem:$0x3FAE]  }
0x2e: {  	s3 =	simm.s32 @!p0 $0x1082;
	s9 =	sld [smem:$0x3FAF]  }
0x2f: {  	lr =	sadd.s32 s0, s3;
	s0 =	sld [smem:$0x3FA6]  }
0x30: {  	s3 =	sld [smem:$0x3FA9]  }
0x31: {  	[smem:$0x3FB2] =	sst s10  }
0x32: {  	s10 =	sld [smem:$0x3FB0];
	_ =	sdelay $0x3  }
0x33: {  	p0 =	seq.s32 s10, $0x1;
	s10 =	sld [smem:$0x3FB2];
	_ =	sdelay $0x3  }
0x34: {  	[smem:$0x3FB2] =	sst s10  }
0x35: {  	s10 =	sld [smem:$0x3FB1];
	_ =	sdelay $0x3  }
0x36: {  	p1 =	seq.s32 s10, $0x1;
	s10 =	sld [smem:$0x3FB2];
	_ =	sdelay $0x3  }
0x37: {  	[smem:$0x3FB2] =	sst s10  }
0x38: {  	s10 =	sld [smem:$0x3FB3]  }
0x39: {  	_ = 	snop;
	(pc) =	sbr.ind lr, $3  }
0x3a: {  	_ = 	snop  }
0x3b: {  	_ = 	snop  }
0x3c: {  	p2 =	seq.s32 s10, $0x1;
	s10 =	sld [smem:$0x3FB2]  }
0x3d: {  	_ =	shalt  }
0x3e: {  	_ =	shalt  }
0x3f: {  	_ =	shalt  }
0x40: {  	_ =	shalt  }
0x41: {  	_ =	shalt  }
0x42: {  	_ =	shalt  }
0x43: {  	_ =	shalt  }
0x44: {  	_ =	shalt  }
0x45: {  	_ =	shalt  }
0x46: {  	_ =	shalt  }
0x47: {  	_ =	shalt  }
0x48: {  	_ =	shalt  }
0x49: {  	_ =	shalt  }
0x4a: {  	_ =	shalt  }
0x4b: {  	_ =	shalt  }
0x4c: {  	_ =	shalt  }
0x4d: {  	_ =	shalt  }
0x4e: {  	_ =	shalt  }
0x4f: {  	_ =	shalt  }
0x50: {  	_ =	shalt  }
0x51: {  	_ =	shalt  }
0x52: {  	_ =	shalt  }
0x53: {  	_ =	shalt  }
0x54: {  	_ =	shalt  }
0x55: {  	_ =	shalt  }
0x56: {  	_ =	shalt  }
0x57: {  	_ =	shalt  }
0x58: {  	_ =	shalt  }
0x59: {  	_ =	shalt  }
0x5a: {  	_ =	shalt  }
0x5b: {  	_ =	shalt  }
0x5c: {  	_ =	shalt  }
0x5d: {  	_ =	shalt  }
0x5e: {  	_ =	shalt  }
0x5f: {  	_ =	shalt  }
0x60: {  	_ =	shalt  }
0x61: {  	_ =	shalt  }
0x62: {  	_ =	shalt  }
0x63: {  	_ =	shalt  }
0x64: {  	_ =	shalt  }
0x65: {  	_ =	shalt  }
0x66: {  	_ =	shalt  }
0x67: {  	_ =	shalt  }
0x68: {  	_ =	shalt  }
0x69: {  	_ =	shalt  }
0x6a: {  	_ =	shalt  }
0x6b: {  	_ =	shalt  }
0x6c: {  	_ =	shalt  }
0x6d: {  	_ =	shalt  }
0x6e: {  	_ =	shalt  }
0x6f: {  	_ =	shalt  }
0x70: {  	_ =	shalt  }
0x71: {  	_ =	shalt  }
0x72: {  	_ =	shalt  }
0x73: {  	_ =	shalt  }
0x74: {  	_ =	shalt  }
0x75: {  	_ =	shalt  }
0x76: {  	_ =	shalt  }
0x77: {  	_ =	shalt  }
0x78: {  	_ =	shalt  }
0x79: {  	_ =	shalt  }
0x7a: {  	_ =	shalt  }
0x7b: {  	_ =	shalt  }
0x7c: {  	_ =	shalt  }
0x7d: {  	_ =	shalt  }
0x7e: {  	_ =	shalt  }
0x7f: {  	_ =	shalt  }
0x80: {  	_ =	shalt  }
0x81: {  	_ =	shalt  }
0x82: {  	_ =	shalt  }
0x83: {  	_ =	shalt  }
0x84: {  	_ =	shalt  }
0x85: {  	_ =	shalt  }
0x86: {  	_ =	shalt  }
0x87: {  	_ =	shalt  }
.Lfunc_end0:
.L_simem_size_0:
called_computation.2_lowered:
.L_overlay_start_0:
0x88: {  	s2 =	sld [smem:$0x3FD9]  }
0x89: {  	s3 =	sld [smem:$0x3FFE];
	_ =	sdelay $0x1  }
0x8a: {  	s1 =	srdreg.scid  }
0x8b: {  	s0 =	sand.u32 $0x1, s1  }
0x8c: {  	s17 =	sshll.u32 s0, $0xA;
	s2 =	sadd.s32 s3, s2  }
0x8d: {  	s2 =	sadd.s32 s2, s17  }
0x8e: {  	[smem:$0x3FBE] =	sst s2  }
0x8f: {  	_ = 	snop  }
0x90: {  	s18 =	sld [smem:$0x3FD0];
	(tm) =	ssettm $0x1  }
0x91: {  	s19 =	sld [smem:$0x3FFB];
	_ =	sdelay $0x3  }
0x92: {  	_ =	strace s19  }
0x93: {  	s2 =	sld [smem:$0x3FFC];
	_ =	sdelay $0x3  }
0x94: {  	_ =	strace s2  }
0x95: {  	s2 =	sld [smem:$0x3FFD];
	_ =	sdelay $0x3  }
0x96: {  	_ =	strace s2  }
0x97: {  	_ =	strace $0x8FFFFFFF  }
0x98: {  	s20 =	sld [smem:$0x3FDB];
	_ =	sdelay $0x1  }
0x99: {  	s4 =	simm.s32 $_scs_section_size  }
0x9a: {  	s5 =	simm.s32 $_size__tile_overlayer_lowered;
	s6 =	simm.s32 $_tile_overlayer_lowered  }
0x9b: {  	s7 =	simm.s32 $0x1BFF;
	s21 =	sshll.u32 s6, $0x1;
	s4 =	sadd.s32 s4, s20  }
0x9c: {  	s22 =	simm.s32 $0x0;
	s5 =	sshll.u32 s5, $0x1;
	s6 =	sadd.s32 s21, s4  }
0x9d: {  	[timem:s22], [sflag:s7] =	dma.local [hbm:s6], s5  }
0x9e: {  	_ =	swait.ge [sflag:s7], s5  }
0x9f: {  	s5 =	ssub.s32 $0x0, s5;
	[sflag:s7] =	ssyncset.done $0x0  }
0xa0: {  	[sflag:s7] =	ssyncadd.s32 s5;
	_ =	sdelay $0x1  }
0xa1: {  	s23 =	simm.s32 $0x1B8B  }
0xa2: {  	_ =	swait.ge [sflag:s23], $0x1  }
0xa3: {  	[sflag:s23] =	ssyncset.done $0x0  }
0xa4: {  	[sflag:s23] =	ssyncadd.s32 $0xFFFFFFFF  }
0xa5: {  	s5 =	sld [smem:$0x0]  }
0xa6: {  	s6 =	sand.u32 $0xFFFFFFFE, s1  }
0xa7: {  	p0 =	sne.s32 s1, s6  }
0xa8: {  	s6 =	sshll.u32 @p0 s6, $0xE  }
0xa9: {  	s6 =	sadd.s32 @p0 $0x11B8D, s6;
	s7 =	sshll.u32 @p0 s5, $0x11  }
0xaa: {  	s6 =	sor.u32 @p0 s7, s6  }
0xab: {  	[sflag:s6] =	ssyncadd.remote.s32 @p0 $0x1;
	_ =	sdelay $0x1  }
0xac: {  	s6 =	simm.s32 @p0 $0x1B8D  }
0xad: {  	_ =	swait.eq @p0 [sflag:s6], $0x1  }
0xae: {  	[sflag:s6] =	ssyncadd.s32 @p0 $0xFFFFFFFF  }
0xaf: {  	s7 =	sshll.u32 @!p0 s1, $0xE  }
0xb0: {  	s7 =	sor.u32 @!p0 $0x4000, s7;
	s6 =	simm.s32 @!p0 $0x1B8D  }
0xb1: {  	s5 =	sshll.u32 @!p0 s5, $0x11;
	s7 =	sadd.s32 @!p0 $0x11B8D, s7;
	_ =	swait.eq @!p0 [sflag:s6], $0x1  }
0xb2: {  	s5 =	sor.u32 @!p0 s5, s7;
	[sflag:s6] =	ssyncadd.s32 @!p0 $0xFFFFFFFF  }
0xb3: {  	s25 =	simm.s32 $0x1B8E;
	s24 =	sld [smem:$0x3FFE];
	[sflag:s5] =	ssyncadd.remote.s32 @!p0 $0x1  }
0xb4: {  	s26 =	simm.s32 $execute0_lowered;
	[smem:$0x3FD2] =	sst s25  }
0xb5: {  	s6 =	sshll.u32 s26, $0x1;
	_ =	strace $0x8000004C;
	[dreg:$0x1] =	wrdreg $0xFFFFFFFF  }
0xb6: {  	s28 =	simm.s32 $_size_execute0_lowered;
	s4 =	sadd.s32 s4, s6;
	[dreg:$0x0] =	wrdreg $0x0  }
0xb7: {  	s6 =	sshll.u32 s28, $0x1;
	[dreg:$0x2] =	wrdreg s4  }
0xb8: {  	[dreg:$0x3] =	wrdreg s6  }
0xb9: {  	[dreg:$0x4] =	wrdreg $0xC0  }
0xba: {  	_ =	task [dreg:s22], $0x5FFFF  }
0xbb: {  	[dreg:$0x1] =	wrdreg $0xFFFFFFFF  }
0xbc: {  	[dreg:$0x0] =	wrdreg $0x60  }
0xbd: {  	[dreg:$0x2] =	wrdreg s24  }
0xbe: {  	[dreg:$0x3] =	wrdreg s18  }
0xbf: {  	[dreg:$0x4] =	wrdreg $0x85800  }
0xc0: {  	[dreg:$0x5] =	wrdreg $0x9  }
0xc1: {  	_ =	task.clear_ibuf [dreg:s22], $0x6FFFF;
	_ =	strace $0x9000004C  }
0xc2: {  	s29 =	simm.s32 $0x9;
	_ =	strace $0x8000004E  }
0xc3: {  	_ =	swait.ge [sflag:s29], $0x1  }
0xc4: {  	[sflag:s29] =	ssyncadd.s32 $0xFFFFFFFF  }
0xc5: {  	_ =	strace $0x9000004E  }
0xc6: {  	_ =	sfence  }
0xc7: {  	s30 =	sld [smem:$0x0];
	_ =	sdelay $0x2  }
0xc8: {  	s31 =	sshll.u32 s1, $0xD;
	s1 =	sshrl.u32 s1, $0x2  }
0xc9: {  	s4 =	sand.u32 $0x4000, s31;
	s1 =	sadd.s32 s1, s30  }
0xca: {  	s0 =	sor.u32 s4, s0;
	s1 =	sshll.u32 s1, $0x11  }
0xcb: {  	s0 =	sor.u32 s1, s0  }
0xcc: {  	s0 =	sadd.s32 $0x8F2B, s0  }
0xcd: {  	[sflag:s0] =	ssyncadd.remote.s32 $0x1  }
0xce: {  	_ =	sfence.sel $0xFFFF  }
0xcf: {  	[dreg:$0x0] =	wrdreg $0xFFFFFFFF;
	(pc) =	sbr.abs _section_cstart, $3  }
0xd0: {  	[dreg:$0x1] =	wrdreg $0xFFFFFFFF  }
0xd1: {  	_ =	task.clear_ibuf [dreg:s22], $0x2FFFF;
	_ =	strace $0x9FFFFFFF  }
0xd2: {  	(tm) =	ssettm $0x7FFFFFFF  }
0xd3: {  	_ =	shalt  }
tec
execute0_lowered:
.L_overlay_start_1:
0x0: {  	(tag) =	ssettag $0x1  }
0x1: {  	s10 =	rddreg [dreg:$0x0]  }
0x2: {  	s1 =	rddreg [dreg:$0x1]  }
0x3: {  	s2 =	rddreg [dreg:$0x2];
	s3 =	srdreg.scid  }
0x4: {  	s0 =	rddreg [dreg:$0x3];
	s4 =	simm.s32 $0x0;
	s17 =	simm.s32 $0x100  }
0x5: {  	s18 =	simm.s32 $0x180;
	s19 =	simm.s32 $0x580;
	s20 =	simm.s32 $0x1  }
0x6: {  	s21 =	simm.s32 $0x380;
	s22 =	simm.s32 $0x4580;
	s23 =	simm.s32 $0x0  }
0x7: {  	s11 =	sand.u32 $0x1, s3;
	s3 =	stileid.u32;
	[smem:$0x7FF] =	sst s4  }
0x8: {  	s5 =	sadd.s32 $0xC000, s10;
	s6 =	sadd.s32 $0x1E00, s10;
	s8 =	smul.u32 $0x140000, s11  }
0x9: {  	s7 =	sadd.s32 $0x3D600, s10;
	s9 =	smul.u32 $0x14000, s3;
	_ =	strace $0x8000004D  }
0xa: {  	s13 =	smul.u32 $0x50000, s3;
	s29 =	ssub.s32 $0x2, s11;
	s15 =	sshll.u32 s3, $0x1  }
0xb: {  	s16 =	sshll.u32 s3, $0x6;
	s14 =	sshrl.u32 s29, $0x1;
	s30 =	sor.u32 s11, s15  }
0xc: {  	s9 =	sadd.s32 s9, s8;
	s8 =	sadd.s32 $0x16A00, s10;
	s13 =	sshrl.u32 s13, $0x2  }
0xd: {  	s14 =	ssub.s32 s29, s14;
	s12 =	sshrl.u32 s9, $0x3;
	s9 =	sadd.s32 $0x16C00, s10  }
0xe: {  	s31 =	sadd.s32 s13, s2;
	s13 =	simm.s32 $0x2;
	s12 =	sadd.s32 s12, s10  }
0xf: {  	s10 =	smul.u32 $0x51, s30;
	s15 =	sshrl.u32 s31, $0x3;
	s11 =	sadd.s32 $0xB5E00, s12  }
0x10: {  	s12 =	smax.u32 s14, $0x1;
	s14 =	sor.u32 $0x1C02, s16;
	s16 =	simm.s32 $0x80  }
.LBB2_1:
0x11: {  	[tilespmem:s4], [sflag:$0x2] =	stream.linear.gather [hbm4b:s8+s4], $0x80, $0x38;
	[tilespmem:$0x1C580] =	vst v63  }
0x12: {  	_ =	swait.ge [sflag:s13], $0x80  }
0x13: {  	[sflag:s13] =	ssyncset.done $0x0  }
0x14: {  	[sflag:s13] =	ssyncadd.s32 $0xFFFFFF80  }
0x15: {  	[spmem:s15], [sflag:s14] =	dma.local [hbm:s9], $0x2800  }
0x16: {  	_ =	swait.ge [sflag:s13], $0x2800  }
0x17: {  	[sflag:s13] =	ssyncset.done $0x0  }
0x18: {  	[sflag:s13] =	ssyncadd.s32 $0xFFFFD800  }
0x19: {  	[bflag:$0x0] =	sbarrier.arrive $0xFFFF  }
0x1a: {  	s24 =	simm.s32 $0x0;
	v0 =	vld [tilespmem:$0x0]  }
.LBB2_2:
0x1b: {  	s26 =	sadd.s32 s10, s24  }
0x1c: {  	s28 =	sshll.u32 s26, $0x4  }
0x1d: {  	s25 =	simm.s32 $0x0;
	s29 =	sadd.s32 s5, s28  }
0x1e: {  	[tilespmem:s16], [sflag:$0x2] =	stream.linear.gather [hbm4b:s29+s25], $0x80, $0x38;
	[tilespmem:$0x1C580] =	vst v63  }
0x1f: {  	_ =	swait.ge [sflag:s13], $0x80  }
0x20: {  	[sflag:s13] =	ssyncset.done $0x0  }
0x21: {  	s28 =	sadd.s32 s6, s28;
	[sflag:s13] =	ssyncadd.s32 $0xFFFFFF80  }
0x22: {  	[tilespmem:s17], [sflag:$0x2] =	stream.linear.gather [hbm4b:s28+s25], $0x80, $0x38;
	[tilespmem:$0x1C580] =	vst v63  }
0x23: {  	_ =	swait.ge [sflag:s13], $0x80  }
0x24: {  	s26 =	sshll.u32 s26, $0x6;
	[sflag:s13] =	ssyncset.done $0x0  }
0x25: {  	s26 =	sadd.s32 s7, s26;
	[sflag:s13] =	ssyncadd.s32 $0xFFFFFF80  }
0x26: {  	[tilespmem:s18], [sflag:$0x2] =	stream.linear.gather [hbm4b:s26+s25], $0x200, $0x38;
	[tilespmem:$0x1C580] =	vst v63  }
0x27: {  	_ =	swait.ge [sflag:s13], $0x200  }
0x28: {  	[sflag:s13] =	ssyncset.done $0x0  }
0x29: {  	[sflag:s13] =	ssyncadd.s32 $0xFFFFFE00  }
0x2a: {  	[tilespmem:s19], [sflag:$0x1] =	stream.indirect.gather [hbm4b:s1+s16], $0x80, s16, s16, $0xb8;
	[tilespmem:$0x1C580] =	vst v63  }
0x2b: {  	v1 =	vld [tilespmem:$0x180]  }
0x2c: {  	v2 =	vld [tilespmem:$0x190]  }
0x2d: {  	v3 =	vld [tilespmem:$0x1A0]  }
0x2e: {  	v4 =	vld [tilespmem:$0x1B0]  }
0x2f: {  	v5 =	vld [tilespmem:$0x1C0]  }
0x30: {  	v6 =	vld [tilespmem:$0x1D0];
	v1 =	vsub.f32 v1, v0  }
0x31: {  	v7 =	vld [tilespmem:$0x1E0];
	v2 =	vsub.f32 v2, v0  }
0x32: {  	v8 =	vld [tilespmem:$0x1F0];
	v3 =	vsub.f32 v3, v0;
	v1 =	vmul.f32 $1.442695020e+00, v1  }
0x33: {  	v9 =	vld [tilespmem:$0x200];
	v4 =	vsub.f32 v4, v0;
	v2 =	vmul.f32 $1.442695020e+00, v2  }
0x34: {  	(erf) = vpow2.f32 v1;
	v1 =	vmul.f32 $1.442695020e+00, v3;
	v3 =	vsub.f32 v5, v0;
	v5 =	vld [tilespmem:$0x210]  }
0x35: {  	v30 =	vld [tilespmem:$0x220];
	(erf) = vpow2.f32 v2;
	v2 =	vmul.f32 $1.442695020e+00, v4;
	v4 =	vsub.f32 v6, v0  }
0x36: {  	v31 =	vld [tilespmem:$0x230];
	(erf) = vpow2.f32 v1;
	v1 =	vmul.f32 $1.442695020e+00, v3;
	v3 =	vsub.f32 v7, v0  }
0x37: {  	v32 =	vld [tilespmem:$0x240];
	(erf) = vpow2.f32 v2;
	v2 =	vmul.f32 $1.442695020e+00, v4;
	v4 =	vsub.f32 v8, v0  }
0x38: {  	v33 =	vld [tilespmem:$0x250];
	(erf) = vpow2.f32 v1;
	v1 =	vmul.f32 $1.442695020e+00, v3;
	v3 =	vsub.f32 v9, v0  }
0x39: {  	(erf) = vpow2.f32 v2;
	v2 =	vmul.f32 $1.442695020e+00, v4;
	v4 =	vsub.f32 v5, v0;
	v5 =	vld [tilespmem:$0x260]  }
0x3a: {  	v34 =	vld [tilespmem:$0x270];
	(erf) = vpow2.f32 v1;
	v1 =	vmul.f32 $1.442695020e+00, v3;
	v3 =	vsub.f32 v30, v0  }
0x3b: {  	v35 =	vld [tilespmem:$0x280];
	(erf) = vpow2.f32 v2;
	v2 =	vmul.f32 $1.442695020e+00, v4;
	v4 =	vsub.f32 v31, v0  }
0x3c: {  	v36 =	vld [tilespmem:$0x290];
	(erf) = vpow2.f32 v1;
	v1 =	vmul.f32 $1.442695020e+00, v3;
	v3 =	vsub.f32 v32, v0  }
0x3d: {  	v37 =	vld [tilespmem:$0x2A0];
	v10 =	vpop (erf);
	(erf) = vpow2.f32 v2;
	v2 =	vmul.f32 $1.442695020e+00, v4;
	v4 =	vsub.f32 v33, v0  }
0x3e: {  	v38 =	vpop (erf);
	(erf) = vpow2.f32 v1;
	v1 =	vmul.f32 $1.442695020e+00, v3;
	v3 =	vsub.f32 v5, v0;
	v5 =	vld [tilespmem:$0x2B0]  }
0x3f: {  	v40 =	vld [tilespmem:$0x2C0];
	v39 =	vpop (erf);
	(erf) = vpow2.f32 v2;
	v2 =	vmul.f32 $1.442695020e+00, v4;
	v4 =	vsub.f32 v34, v0  }
0x40: {  	v42 =	vld [tilespmem:$0x2D0];
	v41 =	vpop (erf);
	(erf) = vpow2.f32 v1;
	v1 =	vmul.f32 $1.442695020e+00, v3;
	v3 =	vsub.f32 v35, v0  }
0x41: {  	v44 =	vld [tilespmem:$0x2E0];
	[tilespmem:$0x380] =	vst v10;
	v43 =	vpop (erf);
	(erf) = vpow2.f32 v2;
	v2 =	vmul.f32 $1.442695020e+00, v4;
	v4 =	vsub.f32 v36, v0  }
0x42: {  	v46 =	vld [tilespmem:$0x2F0];
	[tilespmem:$0x390] =	vst v38;
	v45 =	vpop (erf);
	(erf) = vpow2.f32 v1;
	v1 =	vmul.f32 $1.442695020e+00, v3;
	v3 =	vsub.f32 v37, v0  }
0x43: {  	[tilespmem:$0x3A0] =	vst v39;
	v47 =	vpop (erf);
	(erf) = vpow2.f32 v2;
	v2 =	vmul.f32 $1.442695020e+00, v4;
	v4 =	vsub.f32 v5, v0;
	v5 =	vld [tilespmem:$0x300]  }
0x44: {  	v49 =	vld [tilespmem:$0x310];
	[tilespmem:$0x3B0] =	vst v41;
	v48 =	vpop (erf);
	(erf) = vpow2.f32 v1;
	v1 =	vmul.f32 $1.442695020e+00, v3;
	v3 =	vsub.f32 v40, v0  }
0x45: {  	v51 =	vld [tilespmem:$0x320];
	[tilespmem:$0x3C0] =	vst v43;
	v50 =	vpop (erf);
	(erf) = vpow2.f32 v2;
	v2 =	vmul.f32 $1.442695020e+00, v4;
	v4 =	vsub.f32 v42, v0  }
0x46: {  	v53 =	vld [tilespmem:$0x330];
	[tilespmem:$0x3D0] =	vst v45;
	v52 =	vpop (erf);
	(erf) = vpow2.f32 v1;
	v1 =	vmul.f32 $1.442695020e+00, v3;
	v3 =	vsub.f32 v44, v0  }
0x47: {  	v55 =	vld [tilespmem:$0x340];
	[tilespmem:$0x3E0] =	vst v47;
	v54 =	vpop (erf);
	(erf) = vpow2.f32 v2;
	v2 =	vmul.f32 $1.442695020e+00, v4;
	v4 =	vsub.f32 v46, v0  }
0x48: {  	[tilespmem:$0x3F0] =	vst v48;
	v56 =	vpop (erf);
	(erf) = vpow2.f32 v1;
	v1 =	vmul.f32 $1.442695020e+00, v3;
	v3 =	vsub.f32 v5, v0;
	v5 =	vld [tilespmem:$0x350]  }
0x49: {  	v58 =	vld [tilespmem:$0x360];
	[tilespmem:$0x400] =	vst v50;
	v57 =	vpop (erf);
	(erf) = vpow2.f32 v2;
	v2 =	vmul.f32 $1.442695020e+00, v4;
	v4 =	vsub.f32 v49, v0  }
0x4a: {  	[tilespmem:$0x410] =	vst v52;
	v59 =	vpop (erf);
	(erf) = vpow2.f32 v1;
	v1 =	vmul.f32 $1.442695020e+00, v3;
	v3 =	vsub.f32 v51, v0  }
0x4b: {  	v60 =	vld [tilespmem:$0x370];
	[tilespmem:$0x420] =	vst v54;
	v61 =	vpop (erf);
	(erf) = vpow2.f32 v2;
	v2 =	vmul.f32 $1.442695020e+00, v4;
	v4 =	vsub.f32 v53, v0  }
0x4c: {  	[tilespmem:$0x430] =	vst v56;
	v62 =	vpop (erf);
	(erf) = vpow2.f32 v1;
	v1 =	vmul.f32 $1.442695020e+00, v3;
	v3 =	vsub.f32 v55, v0  }
0x4d: {  	[tilespmem:$0x440] =	vst v57;
	v63 =	vpop (erf);
	(erf) = vpow2.f32 v2;
	v2 =	vmul.f32 $1.442695020e+00, v4;
	v4 =	vsub.f32 v5, v0  }
0x4e: {  	[tilespmem:$0x450] =	vst v59;
	v5 =	vpop (erf);
	(erf) = vpow2.f32 v1;
	v1 =	vmul.f32 $1.442695020e+00, v3;
	v3 =	vsub.f32 v58, v0  }
0x4f: {  	[tilespmem:$0x460] =	vst v61  }
0x50: {  	[tilespmem:$0x490] =	vst v5;
	v5 =	vpop (erf);
	(erf) = vpow2.f32 v2;
	v2 =	vmul.f32 $1.442695020e+00, v4;
	v4 =	vsub.f32 v60, v0  }
0x51: {  	[tilespmem:$0x4A0] =	vst v5;
	v5 =	vpop (erf);
	(erf) = vpow2.f32 v1;
	v1 =	vmul.f32 $1.442695020e+00, v3  }
0x52: {  	[tilespmem:$0x470] =	vst v62;
	v3 =	vpop (erf);
	(erf) = vpow2.f32 v2;
	v2 =	vmul.f32 $1.442695020e+00, v4  }
0x53: {  	[tilespmem:$0x480] =	vst v63  }
0x54: {  	[tilespmem:$0x4C0] =	vst v3;
	v3 =	vpop (erf)  }
0x55: {  	[tilespmem:$0x4B0] =	vst v5;
	(erf) = vpow2.f32 v1;
	v1 =	vpop (erf)  }
0x56: {  	[tilespmem:$0x4D0] =	vst v3;
	(erf) = vpow2.f32 v2;
	v2 =	vpop (erf)  }
0x57: {  	[tilespmem:$0x4E0] =	vst v1;
	v1 =	vpop (erf)  }
0x58: {  	[tilespmem:$0x4F0] =	vst v2;
	v2 =	vpop (erf)  }
0x59: {  	[tilespmem:$0x500] =	vst v1;
	v1 =	vpop (erf)  }
0x5a: {  	[tilespmem:$0x510] =	vst v2;
	v2 =	vpop (erf)  }
0x5b: {  	[tilespmem:$0x530] =	vst v2;
	v2 =	vmov s25  }
0x5c: {  	[tilespmem:$0x520] =	vst v1;
	v1 =	vpop (erf)  }
0x5d: {  	v3 =	vpop (erf);
	[tilespmem:$0x540] =	vst v1;
	v1 =	vand.u32 $0xFFFFFFFC, v2  }
0x5e: {  	[tilespmem:$0x550] =	vst v3;
	v1 =	vbroadcast v1, $0x0;
	v2 =	vpop (erf)  }
0x5f: {  	[tilespmem:$0x560] =	vst v2;
	v2 =	vpop (erf)  }
0x60: {  	[tilespmem:$0x570] =	vst v2  }
0x61: {  	_ =	swait.ge [sflag:s20], $0x4000  }
0x62: {  	[sflag:s20] =	ssyncset.done $0x0  }
0x63: {  	[sflag:s20] =	ssyncadd.s32 $0xFFFFC000  }
0x64: {  	s25 =	simm.s32 $0x5C0;
	v1 =	vld.idx.msk [tilespmem:v1+s21+$0x0], $0xffff  }
0x65: {  	v2 =	vld [tilespmem:s25+$0xFFFFFFC0];
	_ =	sdelay $0x4  }
0x66: {  	v2 =	vmul.f32 v2, v1  }
0x67: {  	s26 =	simm.s32 $0x45C0  }
0x68: {  	s28 =	simm.s32 $0x1;
	[tilespmem:s26+$0xFFFFFFC0] =	vst v2  }
0x69: {  	v3 =	vmov s28;
	v2 =	vld [tilespmem:s25+$0xFFFFFFD0]  }
0x6a: {  	v3 =	vand.u32 $0xFFFFFFFD, v3  }
0x6b: {  	v3 =	vbroadcast v3, $0x0;
	_ =	sdelay $0x2  }
0x6c: {  	v1 =	vmul.f32 v2, v1;
	_ =	sdelay $0x1  }
0x6d: {  	[tilespmem:s26+$0xFFFFFFD0] =	vst v1  }
0x6e: {  	v1 =	vld.idx.msk [tilespmem:v3+s21+$0x0], $0xffff  }
0x6f: {  	v2 =	vld [tilespmem:s25+$0xFFFFFFE0];
	_ =	sdelay $0x4  }
0x70: {  	v2 =	vmul.f32 v2, v1;
	_ =	sdelay $0x1  }
0x71: {  	s28 =	simm.s32 $0x2;
	[tilespmem:s26+$0xFFFFFFE0] =	vst v2  }
0x72: {  	v3 =	vmov s28;
	v2 =	vld [tilespmem:s25+$0xFFFFFFF0]  }
0x73: {  	v3 =	vand.u32 $0xFFFFFFFE, v3  }
0x74: {  	v3 =	vbroadcast v3, $0x0;
	_ =	sdelay $0x2  }
0x75: {  	v1 =	vmul.f32 v2, v1;
	_ =	sdelay $0x1  }
0x76: {  	[tilespmem:s26+$0xFFFFFFF0] =	vst v1  }
0x77: {  	v1 =	vld.idx.msk [tilespmem:v3+s21+$0x0], $0xffff  }
0x78: {  	v2 =	vld [tilespmem:s25+$0x0];
	_ =	sdelay $0x4  }
0x79: {  	v2 =	vmul.f32 v2, v1;
	_ =	sdelay $0x1  }
0x7a: {  	[tilespmem:s26+$0x0] =	vst v2  }
0x7b: {  	v2 =	vld [tilespmem:s25+$0x10];
	_ =	sdelay $0x1  }
0x7c: {  	s28 =	simm.s32 $0x3  }
0x7d: {  	v3 =	vmov s28;
	_ =	sdelay $0x1  }
0x7e: {  	v1 =	vmul.f32 v2, v1;
	_ =	sdelay $0x1  }
0x7f: {  	[tilespmem:s26+$0x10] =	vst v1  }
0x80: {  	v1 =	vld.idx.msk [tilespmem:v3+s21+$0x0], $0xffff  }
0x81: {  	v2 =	vld [tilespmem:s25+$0x20];
	_ =	sdelay $0x4  }
0x82: {  	v2 =	vmul.f32 v2, v1;
	_ =	sdelay $0x1  }
0x83: {  	s28 =	simm.s32 $0x4;
	[tilespmem:s26+$0x20] =	vst v2  }
0x84: {  	s29 =	simm.s32 $0x8;
	v3 =	vmov s28;
	v2 =	vld [tilespmem:s25+$0x30]  }
.LBB2_3:
0x85: {  	p0 =	sne.s32 s29, $0x1FC;
	v3 =	vand.u32 $0xFFFFFFFC, v3  }
0x86: {  	v3 =	vbroadcast v3, $0x0;
	_ =	sdelay $0x2  }
0x87: {  	v1 =	vmul.f32 v2, v1;
	_ =	sdelay $0x1  }
0x88: {  	[tilespmem:s26+$0x30] =	vst v1  }
0x89: {  	s25 =	sadd.s32 $0x80, s25;
	v1 =	vld.idx.msk [tilespmem:v3+s21+$0x0], $0xffff  }
0x8a: {  	v2 =	vld [tilespmem:s25+$0xFFFFFFC0];
	_ =	sdelay $0x4  }
0x8b: {  	v2 =	vmul.f32 v2, v1  }
0x8c: {  	s26 =	sadd.s32 $0x80, s26  }
0x8d: {  	s30 =	sadd.s32 $0x1, s28;
	[tilespmem:s26+$0xFFFFFFC0] =	vst v2  }
0x8e: {  	v3 =	vmov s30;
	v2 =	vld [tilespmem:s25+$0xFFFFFFD0]  }
0x8f: {  	v3 =	vand.u32 $0xFFFFFFFD, v3  }
0x90: {  	v3 =	vbroadcast v3, $0x0;
	_ =	sdelay $0x2  }
0x91: {  	v1 =	vmul.f32 v2, v1;
	_ =	sdelay $0x1  }
0x92: {  	[tilespmem:s26+$0xFFFFFFD0] =	vst v1  }
0x93: {  	v1 =	vld.idx.msk [tilespmem:v3+s21+$0x0], $0xffff  }
0x94: {  	v2 =	vld [tilespmem:s25+$0xFFFFFFE0];
	_ =	sdelay $0x4  }
0x95: {  	v2 =	vmul.f32 v2, v1;
	_ =	sdelay $0x1  }
0x96: {  	s30 =	sadd.s32 $0x2, s28;
	[tilespmem:s26+$0xFFFFFFE0] =	vst v2  }
0x97: {  	v3 =	vmov s30;
	v2 =	vld [tilespmem:s25+$0xFFFFFFF0]  }
0x98: {  	v3 =	vand.u32 $0xFFFFFFFE, v3  }
0x99: {  	v3 =	vbroadcast v3, $0x0;
	_ =	sdelay $0x2  }
0x9a: {  	v1 =	vmul.f32 v2, v1;
	_ =	sdelay $0x1  }
0x9b: {  	[tilespmem:s26+$0xFFFFFFF0] =	vst v1  }
0x9c: {  	v1 =	vld.idx.msk [tilespmem:v3+s21+$0x0], $0xffff  }
0x9d: {  	v2 =	vld [tilespmem:s25+$0x0];
	_ =	sdelay $0x4  }
0x9e: {  	v2 =	vmul.f32 v2, v1;
	_ =	sdelay $0x1  }
0x9f: {  	[tilespmem:s26+$0x0] =	vst v2  }
0xa0: {  	v2 =	vld [tilespmem:s25+$0x10];
	_ =	sdelay $0x1  }
0xa1: {  	s30 =	sadd.s32 $0x3, s28;
	s28 =	smov.u32 s29  }
0xa2: {  	v3 =	vmov s30;
	_ =	sdelay $0x1  }
0xa3: {  	v1 =	vmul.f32 v2, v1;
	_ =	sdelay $0x1  }
0xa4: {  	[tilespmem:s26+$0x10] =	vst v1  }
0xa5: {  	v1 =	vld.idx.msk [tilespmem:v3+s21+$0x0], $0xffff  }
0xa6: {  	v2 =	vld [tilespmem:s25+$0x20];
	_ =	sdelay $0x3  }
.Ltmp0:
0xa7: {  	(pc) =	sbr.rel @p0 .LBB2_3-.Ltmp0, $3  }
0xa8: {  	v2 =	vmul.f32 v2, v1;
	_ =	sdelay $0x1  }
0xa9: {  	[tilespmem:s26+$0x20] =	vst v2  }
0xaa: {  	s29 =	sadd.s32 $0x4, s29;
	v3 =	vmov s28;
	v2 =	vld [tilespmem:s25+$0x30]  }
0xab: {  	v3 =	vand.u32 $0xFFFFFFFC, v3  }
0xac: {  	v3 =	vbroadcast v3, $0x0;
	_ =	sdelay $0x2  }
0xad: {  	v1 =	vmul.f32 v2, v1;
	_ =	sdelay $0x1  }
0xae: {  	[tilespmem:s26+$0x30] =	vst v1  }
0xaf: {  	s25 =	sadd.s32 $0x80, s25;
	v1 =	vld.idx.msk [tilespmem:v3+s21+$0x0], $0xffff  }
0xb0: {  	v2 =	vld [tilespmem:s25+$0xFFFFFFC0];
	_ =	sdelay $0x4  }
0xb1: {  	v2 =	vmul.f32 v2, v1  }
0xb2: {  	s26 =	sadd.s32 $0x80, s26  }
0xb3: {  	s29 =	sadd.s32 $0x1, s28;
	[tilespmem:s26+$0xFFFFFFC0] =	vst v2  }
0xb4: {  	v3 =	vmov s29;
	v2 =	vld [tilespmem:s25+$0xFFFFFFD0]  }
0xb5: {  	v3 =	vand.u32 $0xFFFFFFFD, v3  }
0xb6: {  	v3 =	vbroadcast v3, $0x0;
	_ =	sdelay $0x2  }
0xb7: {  	v1 =	vmul.f32 v2, v1;
	_ =	sdelay $0x1  }
0xb8: {  	[tilespmem:s26+$0xFFFFFFD0] =	vst v1  }
0xb9: {  	v1 =	vld.idx.msk [tilespmem:v3+s21+$0x0], $0xffff  }
0xba: {  	v2 =	vld [tilespmem:s25+$0xFFFFFFE0];
	_ =	sdelay $0x4  }
0xbb: {  	v2 =	vmul.f32 v2, v1;
	_ =	sdelay $0x1  }
0xbc: {  	s30 =	sadd.s32 $0x2, s28;
	[tilespmem:s26+$0xFFFFFFE0] =	vst v2  }
0xbd: {  	v3 =	vmov s30;
	v2 =	vld [tilespmem:s25+$0xFFFFFFF0]  }
0xbe: {  	v3 =	vand.u32 $0xFFFFFFFE, v3  }
0xbf: {  	v3 =	vbroadcast v3, $0x0;
	_ =	sdelay $0x2  }
0xc0: {  	v1 =	vmul.f32 v2, v1;
	_ =	sdelay $0x1  }
0xc1: {  	[tilespmem:s26+$0xFFFFFFF0] =	vst v1  }
0xc2: {  	v1 =	vld.idx.msk [tilespmem:v3+s21+$0x0], $0xffff  }
0xc3: {  	v2 =	vld [tilespmem:s25+$0x0];
	_ =	sdelay $0x4  }
0xc4: {  	v2 =	vmul.f32 v2, v1;
	_ =	sdelay $0x1  }
0xc5: {  	[tilespmem:s26+$0x0] =	vst v2  }
0xc6: {  	v2 =	vld [tilespmem:s25+$0x10];
	_ =	sdelay $0x1  }
0xc7: {  	s31 =	sadd.s32 $0x3, s28  }
0xc8: {  	v3 =	vmov s31;
	_ =	sdelay $0x1  }
0xc9: {  	v1 =	vmul.f32 v2, v1;
	_ =	sdelay $0x1  }
0xca: {  	[tilespmem:s26+$0x10] =	vst v1  }
0xcb: {  	v1 =	vld.idx.msk [tilespmem:v3+s21+$0x0], $0xffff  }
0xcc: {  	v2 =	vld [tilespmem:s25+$0x20];
	_ =	sdelay $0x4  }
0xcd: {  	v2 =	vmul.f32 v2, v1;
	_ =	sdelay $0x1  }
0xce: {  	[tilespmem:s26+$0x20] =	vst v2  }
0xcf: {  	v2 =	vld [tilespmem:s25+$0x30];
	_ =	sdelay $0x4  }
0xd0: {  	s24 =	sadd.s32 $0x1, s24;
	v1 =	vmul.f32 v2, v1  }
0xd1: {  	p0 =	sne.s32 s24, $0x51  }
.Ltmp1:
0xd2: {  	[tilespmem:s26+$0x30] =	vst v1;
	(pc) =	sbr.rel @p0 .LBB2_2-.Ltmp1, $4  }
0xd3: {  	[spmem:s2] =	stream.indirect.scatter.add.f32 [tilespmem:s22], [sflag:$0x2], $0x80, s17, s16, $0xb8;
	[tilespmem:$0x1C580] =	vst v63  }
0xd4: {  	_ =	swait.ge [sflag:s13], $0x4000  }
0xd5: {  	[sflag:s13] =	ssyncset.done $0x0  }
0xd6: {  	[sflag:s13] =	ssyncadd.s32 $0xFFFFC000  }
0xd7: {  	s23 =	sadd.s32 $0x1, s23  }
0xd8: {  	p0 =	sne.s32 s23, s12  }
.Ltmp2:
0xd9: {  	[bflag:$0x0] =	sbarrier.arrive $0xFFFF;
	(pc) =	sbr.rel @p0 .LBB2_1-.Ltmp2, $4  }
0xda: {  	[hbm:s11], [sflag:s14] =	dma.local [spmem:s15], $0x2800  }
0xdb: {  	_ =	swait.ge [sflag:s13], $0x2800  }
0xdc: {  	[sflag:s13] =	ssyncset.done $0x0  }
0xdd: {  	[sflag:s13] =	ssyncadd.s32 $0xFFFFD800  }
0xde: {  	_ =	sfence.sel $0x180000  }
0xdf: {  	[bflag:$0x0] =	sbarrier.arrive $0xFFFF  }
0xe0: {  	p0 =	sne.s32 s3, $0x0;
	_ =	strace $0x9000004D  }
0xe1: {  	s0 =	sadd.s32 @!p0 $0x100000, s0;
	[bflag:$0x2] =	sbarrier.arrive $0xFFFF  }
0xe2: {  	[sflag:s0] =	ssyncadd.tile.s32 @!p0 $0x1;
	_ =	shalt  }
.Lfunc_end2:
_tile_overlayer_lowered:
.L_overlay_start_2:
0xe3: {  	(tag) =	ssettag $0x2  }
0xe4: {  	s0 =	rddreg [dreg:$0x0];
	s2 =	stileid.u32  }
0xe5: {  	s1 =	rddreg [dreg:$0x1];
	p0 =	sne.s32 s2, $0x0  }
0xe6: {  	s3 =	rddreg [dreg:$0x2];
	[bflag:$0x3] =	sbarrier.arrive $0xFFFF;
	s2 =	simm.s32 @!p0 $0x1C02  }
0xe7: {  	[timem:s3], [sflag:s2] =	dma.local @!p0 [hbm:s0], s1  }
0xe8: {  	s0 =	simm.s32 @!p0 $0x2  }
0xe9: {  	_ =	swait.ge @!p0 [sflag:s0], s1  }
0xea: {  	s1 =	ssub.s32 @!p0 $0x0, s1;
	[sflag:s0] =	ssyncset.done @!p0 $0x0  }
0xeb: {  	[sflag:s0] =	ssyncadd.s32 @!p0 s1  }
0xec: {  	[bflag:$0x3] =	sbarrier.arrive $0xFFFF  }
0xed: {  	_ =	shalt  }

// kernel: kernel.18.cloned.1.call-start
scs
__scs_entry_jumppad:
0x0: {  	(pc) =	sbr.rel $0x88, $3  }
0x1: {  	(tag) =	ssettag $0x0;
	lr =	simm.s32 $0x1  }
0x2: {  	[smem:$0x3F97] =	sst lr;
	_ =	strace $0xD0000000  }
0x3: {  	_ = 	snop  }
0x4: {  	_ = 	snop  }
0x5: {  	_ = 	snop  }
0x6: {  	_ = 	snop  }
0x7: {  	_ = 	snop  }
__scs_overlays_trampoline_lowered:
0x8: {  	[smem:$0x3FA6] =	sst s0  }
0x9: {  	[smem:$0x3FA7] =	sst s1  }
0xa: {  	[smem:$0x3FA8] =	sst s2  }
0xb: {  	[smem:$0x3FA9] =	sst s3  }
0xc: {  	[smem:$0x3FAA] =	sst s4  }
0xd: {  	[smem:$0x3FAB] =	sst s5  }
0xe: {  	[smem:$0x3FAC] =	sst s6  }
0xf: {  	[smem:$0x3FAD] =	sst s7  }
0x10: {  	[smem:$0x3FAE] =	sst s8  }
0x11: {  	[smem:$0x3FAF] =	sst s9;
	s0 =	simm.s32 @!p0 $0x0  }
0x12: {  	s1 =	sld [smem:$0x3F95];
	s0 =	simm.s32 @p0 $0x1  }
0x13: {  	[smem:$0x3FB0] =	sst s0;
	s0 =	simm.s32 @!p1 $0x0  }
0x14: {  	s2 =	sld [smem:$0x3F94];
	s0 =	simm.s32 @p1 $0x1  }
0x15: {  	[smem:$0x3FB1] =	sst s0;
	s0 =	simm.s32 @!p2 $0x0  }
0x16: {  	s3 =	sld [smem:$0x3FDB];
	s0 =	simm.s32 @p2 $0x1  }
0x17: {  	s4 =	simm.s32 $0x1BF5;
	[smem:$0x3FB3] =	sst s0  }
0x18: {  	s0 =	sld [smem:$0x3F96];
	_ =	swait.ge [sflag:s4], $0x0  }
0x19: {  	s7 =	sld [smem:$0x3F97]  }
0x1a: {  	s8 =	sadd.s32 $0xFFFFE003, lr  }
0x1b: {  	s9 =	sadd.s32 $0xFFFFFEF7, lr;
	s5 =	simm.s32 $0xFFFFFFFF;
	p2 =	slt.u32 s8, $0xFFFFF086  }
0x1c: {  	p1 =	slt.u32 s9, $0xF7A;
	s5 =	simm.s32 @!p2 $0x0  }
0x1d: {  	s5 =	simm.s32 @p1 $0x1;
	p0 =	seq.s32 s7, s2  }
0x1e: {  	s7 =	smul.u32 @!p0 $0xF7A, s2;
	p2 =	seq.s32 @!p0 s5, $0x0  }
0x1f: {  	s9 =	smul.u32 $0xF7A, s1;
	s8 =	simm.s32 @!p0 $0x1BF5;
	p2 =	por !p2, p0  }
0x20: {  	[sflag:s8] =	ssyncset.s32 @!p0 $0xFFFFF086;
	s6 =	sadd.s32 @!p0 s3, s7;
	s7 =	simm.s32 @!p0 $0x108  }
0x21: {  	s3 =	sadd.s32 s3, s9;
	s6 =	sadd.s32 @!p0 $0x88, s6;
	s7 =	simm.s32 @p2 $0x1082  }
0x22: {  	[simem:s7], [sflag:s8] =	dma.local @!p0 [hbm:s6], $0xF7A  }
0x23: {  	s9 =	sor.u32 $0xD0000000, s2;
	s6 =	simm.s32 $0x108;
	_ =	swait.ge @!p0 [sflag:s8], $0x0  }
0x24: {  	s3 =	sadd.s32 $0x88, s3;
	s6 =	simm.s32 @!p1 $0x1082;
	[sflag:s4] =	ssyncset.s32 $0xFFFFF086  }
0x25: {  	[simem:s6], [sflag:s4] =	dma.local [hbm:s3], $0xF7A  }
0x26: {  	[smem:$0x3F97] =	sst s1;
	(tag) =	ssettag s2;
	_ =	strace s9  }
0x27: {  	s1 =	sld [smem:$0x3FA7]  }
0x28: {  	s2 =	sld [smem:$0x3FA8]  }
0x29: {  	s4 =	sld [smem:$0x3FAA]  }
0x2a: {  	p0 =	seq.s32 s5, $0x0;
	s5 =	sld [smem:$0x3FAB]  }
0x2b: {  	s6 =	sld [smem:$0x3FAC]  }
0x2c: {  	s7 =	sld [smem:$0x3FAD]  }
0x2d: {  	s3 =	simm.s32 $0x108;
	s8 =	sld [smem:$0x3FAE]  }
0x2e: {  	s3 =	simm.s32 @!p0 $0x1082;
	s9 =	sld [smem:$0x3FAF]  }
0x2f: {  	lr =	sadd.s32 s0, s3;
	s0 =	sld [smem:$0x3FA6]  }
0x30: {  	s3 =	sld [smem:$0x3FA9]  }
0x31: {  	[smem:$0x3FB2] =	sst s10  }
0x32: {  	s10 =	sld [smem:$0x3FB0];
	_ =	sdelay $0x3  }
0x33: {  	p0 =	seq.s32 s10, $0x1;
	s10 =	sld [smem:$0x3FB2];
	_ =	sdelay $0x3  }
0x34: {  	[smem:$0x3FB2] =	sst s10  }
0x35: {  	s10 =	sld [smem:$0x3FB1];
	_ =	sdelay $0x3  }
0x36: {  	p1 =	seq.s32 s10, $0x1;
	s10 =	sld [smem:$0x3FB2];
	_ =	sdelay $0x3  }
0x37: {  	[smem:$0x3FB2] =	sst s10  }
0x38: {  	s10 =	sld [smem:$0x3FB3]  }
0x39: {  	_ = 	snop;
	(pc) =	sbr.ind lr, $3  }
0x3a: {  	_ = 	snop  }
0x3b: {  	_ = 	snop  }
0x3c: {  	p2 =	seq.s32 s10, $0x1;
	s10 =	sld [smem:$0x3FB2]  }
0x3d: {  	_ =	shalt  }
0x3e: {  	_ =	shalt  }
0x3f: {  	_ =	shalt  }
0x40: {  	_ =	shalt  }
0x41: {  	_ =	shalt  }
0x42: {  	_ =	shalt  }
0x43: {  	_ =	shalt  }
0x44: {  	_ =	shalt  }
0x45: {  	_ =	shalt  }
0x46: {  	_ =	shalt  }
0x47: {  	_ =	shalt  }
0x48: {  	_ =	shalt  }
0x49: {  	_ =	shalt  }
0x4a: {  	_ =	shalt  }
0x4b: {  	_ =	shalt  }
0x4c: {  	_ =	shalt  }
0x4d: {  	_ =	shalt  }
0x4e: {  	_ =	shalt  }
0x4f: {  	_ =	shalt  }
0x50: {  	_ =	shalt  }
0x51: {  	_ =	shalt  }
0x52: {  	_ =	shalt  }
0x53: {  	_ =	shalt  }
0x54: {  	_ =	shalt  }
0x55: {  	_ =	shalt  }
0x56: {  	_ =	shalt  }
0x57: {  	_ =	shalt  }
0x58: {  	_ =	shalt  }
0x59: {  	_ =	shalt  }
0x5a: {  	_ =	shalt  }
0x5b: {  	_ =	shalt  }
0x5c: {  	_ =	shalt  }
0x5d: {  	_ =	shalt  }
0x5e: {  	_ =	shalt  }
0x5f: {  	_ =	shalt  }
0x60: {  	_ =	shalt  }
0x61: {  	_ =	shalt  }
0x62: {  	_ =	shalt  }
0x63: {  	_ =	shalt  }
0x64: {  	_ =	shalt  }
0x65: {  	_ =	shalt  }
0x66: {  	_ =	shalt  }
0x67: {  	_ =	shalt  }
0x68: {  	_ =	shalt  }
0x69: {  	_ =	shalt  }
0x6a: {  	_ =	shalt  }
0x6b: {  	_ =	shalt  }
0x6c: {  	_ =	shalt  }
0x6d: {  	_ =	shalt  }
0x6e: {  	_ =	shalt  }
0x6f: {  	_ =	shalt  }
0x70: {  	_ =	shalt  }
0x71: {  	_ =	shalt  }
0x72: {  	_ =	shalt  }
0x73: {  	_ =	shalt  }
0x74: {  	_ =	shalt  }
0x75: {  	_ =	shalt  }
0x76: {  	_ =	shalt  }
0x77: {  	_ =	shalt  }
0x78: {  	_ =	shalt  }
0x79: {  	_ =	shalt  }
0x7a: {  	_ =	shalt  }
0x7b: {  	_ =	shalt  }
0x7c: {  	_ =	shalt  }
0x7d: {  	_ =	shalt  }
0x7e: {  	_ =	shalt  }
0x7f: {  	_ =	shalt  }
0x80: {  	_ =	shalt  }
0x81: {  	_ =	shalt  }
0x82: {  	_ =	shalt  }
0x83: {  	_ =	shalt  }
0x84: {  	_ =	shalt  }
0x85: {  	_ =	shalt  }
0x86: {  	_ =	shalt  }
0x87: {  	_ =	shalt  }
.Lfunc_end0:
.L_simem_size_0:
called_computation.3_lowered:
.L_overlay_start_0:
0x88: {  	s2 =	sld [smem:$0x3FD9]  }
0x89: {  	s3 =	sld [smem:$0x3FFE];
	_ =	sdelay $0x1  }
0x8a: {  	s1 =	srdreg.scid  }
0x8b: {  	s0 =	sand.u32 $0x1, s1  }
0x8c: {  	s17 =	sshll.u32 s0, $0xA;
	s2 =	sadd.s32 s3, s2  }
0x8d: {  	s2 =	sadd.s32 s2, s17  }
0x8e: {  	[smem:$0x3FBE] =	sst s2  }
0x8f: {  	_ = 	snop  }
0x90: {  	(tm) =	ssettm $0x1  }
0x91: {  	s18 =	sld [smem:$0x3FFB];
	_ =	sdelay $0x3  }
0x92: {  	_ =	strace s18  }
0x93: {  	s2 =	sld [smem:$0x3FFC];
	_ =	sdelay $0x3  }
0x94: {  	_ =	strace s2  }
0x95: {  	s2 =	sld [smem:$0x3FFD];
	_ =	sdelay $0x3  }
0x96: {  	_ =	strace s2  }
0x97: {  	_ =	strace $0x8FFFFFFF  }
0x98: {  	s19 =	sld [smem:$0x3FDB];
	_ =	sdelay $0x1  }
0x99: {  	s20 =	simm.s32 $_scs_section_size  }
0x9a: {  	s4 =	simm.s32 $_size__tile_overlayer_lowered;
	s5 =	simm.s32 $_tile_overlayer_lowered  }
0x9b: {  	s6 =	simm.s32 $0x1BFF;
	s21 =	sshll.u32 s5, $0x1;
	s3 =	sadd.s32 s20, s19  }
0x9c: {  	s22 =	simm.s32 $0x0;
	s4 =	sshll.u32 s4, $0x1;
	s5 =	sadd.s32 s21, s3  }
0x9d: {  	[timem:s22], [sflag:s6] =	dma.local [hbm:s5], s4  }
0x9e: {  	_ =	swait.ge [sflag:s6], s4  }
0x9f: {  	s4 =	ssub.s32 $0x0, s4;
	[sflag:s6] =	ssyncset.done $0x0  }
0xa0: {  	[sflag:s6] =	ssyncadd.s32 s4;
	_ =	sdelay $0x1  }
0xa1: {  	s23 =	simm.s32 $0x1B8B  }
0xa2: {  	_ =	swait.ge [sflag:s23], $0x1  }
0xa3: {  	[sflag:s23] =	ssyncset.done $0x0  }
0xa4: {  	[sflag:s23] =	ssyncadd.s32 $0xFFFFFFFF  }
0xa5: {  	s4 =	sld [smem:$0x0]  }
0xa6: {  	s5 =	sand.u32 $0xFFFFFFFE, s1  }
0xa7: {  	p0 =	sne.s32 s1, s5  }
0xa8: {  	s5 =	sshll.u32 @p0 s5, $0xE  }
0xa9: {  	s5 =	sadd.s32 @p0 $0x11B8D, s5;
	s6 =	sshll.u32 @p0 s4, $0x11  }
0xaa: {  	s5 =	sor.u32 @p0 s6, s5  }
0xab: {  	[sflag:s5] =	ssyncadd.remote.s32 @p0 $0x1;
	_ =	sdelay $0x1  }
0xac: {  	s5 =	simm.s32 @p0 $0x1B8D  }
0xad: {  	_ =	swait.eq @p0 [sflag:s5], $0x1  }
0xae: {  	[sflag:s5] =	ssyncadd.s32 @p0 $0xFFFFFFFF  }
0xaf: {  	s6 =	sshll.u32 @!p0 s1, $0xE  }
0xb0: {  	s6 =	sor.u32 @!p0 $0x4000, s6;
	s5 =	simm.s32 @!p0 $0x1B8D  }
0xb1: {  	s4 =	sshll.u32 @!p0 s4, $0x11;
	s6 =	sadd.s32 @!p0 $0x11B8D, s6;
	_ =	swait.eq @!p0 [sflag:s5], $0x1  }
0xb2: {  	s4 =	sor.u32 @!p0 s4, s6;
	[sflag:s5] =	ssyncadd.s32 @!p0 $0xFFFFFFFF  }
0xb3: {  	s25 =	simm.s32 $0x1B8E;
	s24 =	sld [smem:$0x3FFE];
	[sflag:s4] =	ssyncadd.remote.s32 @!p0 $0x1  }
0xb4: {  	s26 =	simm.s32 $execute0_lowered;
	[smem:$0x3FD2] =	sst s25  }
0xb5: {  	s5 =	sshll.u32 s26, $0x1;
	_ =	strace $0x8000004F;
	[dreg:$0x1] =	wrdreg $0xFFFFFFFF  }
0xb6: {  	s28 =	simm.s32 $_size_execute0_lowered;
	s3 =	sadd.s32 s3, s5;
	[dreg:$0x0] =	wrdreg $0x0  }
0xb7: {  	s5 =	sshll.u32 s28, $0x1;
	[dreg:$0x2] =	wrdreg s3  }
0xb8: {  	[dreg:$0x3] =	wrdreg s5  }
0xb9: {  	[dreg:$0x4] =	wrdreg $0xC0  }
0xba: {  	_ =	task [dreg:s22], $0x5FFFF  }
0xbb: {  	[dreg:$0x1] =	wrdreg $0xFFFFFFFF  }
0xbc: {  	[dreg:$0x0] =	wrdreg $0x60  }
0xbd: {  	[dreg:$0x2] =	wrdreg s24  }
0xbe: {  	[dreg:$0x3] =	wrdreg $0x82000  }
0xbf: {  	[dreg:$0x4] =	wrdreg $0xA  }
0xc0: {  	_ =	task.clear_ibuf [dreg:s22], $0x5FFFF;
	_ =	strace $0x9000004F  }
0xc1: {  	s29 =	simm.s32 $0xA;
	_ =	strace $0x80000051  }
0xc2: {  	_ =	swait.ge [sflag:s29], $0x1  }
0xc3: {  	[sflag:s29] =	ssyncadd.s32 $0xFFFFFFFF  }
0xc4: {  	_ =	strace $0x90000051  }
0xc5: {  	_ =	sfence  }
0xc6: {  	s30 =	sld [smem:$0x0];
	_ =	sdelay $0x2  }
0xc7: {  	s31 =	sshll.u32 s1, $0xD;
	s1 =	sshrl.u32 s1, $0x2  }
0xc8: {  	s4 =	sand.u32 $0x4000, s31;
	s1 =	sadd.s32 s1, s30  }
0xc9: {  	s0 =	sor.u32 s4, s0;
	s1 =	sshll.u32 s1, $0x11  }
0xca: {  	s0 =	sor.u32 s1, s0  }
0xcb: {  	s0 =	sadd.s32 $0x8F2B, s0  }
0xcc: {  	[sflag:s0] =	ssyncadd.remote.s32 $0x1  }
0xcd: {  	_ =	sfence.sel $0xFFFF  }
0xce: {  	[dreg:$0x0] =	wrdreg $0xFFFFFFFF;
	(pc) =	sbr.abs _section_cstart, $3  }
0xcf: {  	[dreg:$0x1] =	wrdreg $0xFFFFFFFF  }
0xd0: {  	_ =	task.clear_ibuf [dreg:s22], $0x2FFFF;
	_ =	strace $0x9FFFFFFF  }
0xd1: {  	(tm) =	ssettm $0x7FFFFFFF  }
tec
execute0_lowered:
.L_overlay_start_1:
0x0: {  	(tag) =	ssettag $0x1  }
0x1: {  	s6 =	rddreg [dreg:$0x0]  }
0x2: {  	s1 =	rddreg [dreg:$0x1]  }
0x3: {  	s0 =	rddreg [dreg:$0x2]  }
0x4: {  	s3 =	simm.s32 $0x0;
	s2 =	srdreg.scid;
	s17 =	simm.s32 $0x80  }
0x5: {  	s18 =	simm.s32 $0x200;
	s19 =	simm.s32 $0x100;
	s20 =	simm.s32 $0x180  }
0x6: {  	s21 =	simm.s32 $0x4200;
	s22 =	simm.s32 $0x1;
	s7 =	sand.u32 $0x1, s2  }
0x7: {  	s23 =	simm.s32 $0x2;
	s2 =	stileid.u32;
	s5 =	smul.u32 $0x140000, s7  }
0x8: {  	s24 =	simm.s32 $0x0;
	[smem:$0x7FF] =	sst s3;
	s8 =	smul.u32 $0x14000, s2  }
0x9: {  	s13 =	sadd.s32 $0xC000, s6;
	s14 =	sadd.s32 $0x1E00, s6;
	s10 =	smul.u32 $0x50000, s2  }
0xa: {  	s4 =	sadd.s32 $0x65E00, s6;
	_ =	strace $0x80000050;
	s26 =	smul.u32 $0xA2, s2  }
0xb: {  	s9 =	sshll.u32 s2, $0x1;
	s25 =	ssub.s32 $0x2, s7;
	s15 =	smul.u32 $0x51, s7  }
0xc: {  	s28 =	sshll.u32 s2, $0x6;
	s9 =	sor.u32 s7, s9;
	s12 =	sshrl.u32 s25, $0x1  }
0xd: {  	s8 =	sadd.s32 s8, s5;
	s5 =	sadd.s32 $0x16C00, s6;
	s9 =	smul.u32 $0x510, s9  }
0xe: {  	s10 =	sshrl.u32 s10, $0x2;
	s12 =	ssub.s32 s25, s12;
	s29 =	sadd.s32 s15, s26  }
0xf: {  	s8 =	sshrl.u32 s8, $0x3;
	s16 =	sadd.s32 s10, s1;
	s15 =	sshll.u32 s29, $0x4  }
0x10: {  	s10 =	smax.u32 s12, $0x1;
	s11 =	sadd.s32 s8, s6;
	s6 =	sor.u32 $0x1C03, s28  }
0x11: {  	s7 =	sadd.s32 s13, s9;
	s8 =	sadd.s32 s14, s9;
	s30 =	sadd.s32 s15, s13  }
0x12: {  	s31 =	sadd.s32 s15, s14;
	s15 =	sadd.s32 $0x10, s15;
	s9 =	sadd.s32 $0x105E00, s11  }
0x13: {  	s11 =	sadd.s32 $0x20, s30;
	s12 =	sadd.s32 $0x20, s31;
	s13 =	sadd.s32 s15, s13  }
0x14: {  	s14 =	sadd.s32 s15, s14;
	s15 =	sshrl.u32 s16, $0x3;
	s16 =	simm.s32 $0x3  }
.LBB2_1:
0x15: {  	[spmem:s15], [sflag:s6] =	dma.local [hbm:s5], $0x2800  }
0x16: {  	_ =	swait.ge [sflag:s16], $0x2800  }
0x17: {  	[sflag:s16] =	ssyncset.done $0x0  }
0x18: {  	[sflag:s16] =	ssyncadd.s32 $0xFFFFD800  }
0x19: {  	[bflag:$0x0] =	sbarrier.arrive $0xFFFF  }
0x1a: {  	[tilespmem:s3], [sflag:$0x3] =	stream.linear.gather [hbm4b:s7+s3], $0x80, $0x38;
	[tilespmem:$0x1C200] =	vst v63  }
0x1b: {  	_ =	swait.ge [sflag:s16], $0x80  }
0x1c: {  	[sflag:s16] =	ssyncset.done $0x0  }
0x1d: {  	[sflag:s16] =	ssyncadd.s32 $0xFFFFFF80  }
0x1e: {  	[tilespmem:s17], [sflag:$0x3] =	stream.linear.gather [hbm4b:s8+s3], $0x80, $0x38;
	[tilespmem:$0x1C200] =	vst v63  }
0x1f: {  	_ =	swait.ge [sflag:s16], $0x80  }
0x20: {  	[sflag:s16] =	ssyncset.done $0x0  }
0x21: {  	[sflag:s16] =	ssyncadd.s32 $0xFFFFFF80  }
0x22: {  	[tilespmem:s18], [sflag:$0x1] =	stream.indirect.gather [hbm4b:s4+s17], $0x80, s3, s17, $0xb8;
	[tilespmem:$0x1C200] =	vst v63  }
0x23: {  	s25 =	sadd.s32 $0x0, s13  }
0x24: {  	[tilespmem:s19], [sflag:$0x3] =	stream.linear.gather [hbm4b:s25+s3], $0x80, $0x38;
	[tilespmem:$0x1C200] =	vst v63  }
0x25: {  	_ =	swait.ge [sflag:s16], $0x80  }
0x26: {  	[sflag:s16] =	ssyncset.done $0x0  }
0x27: {  	s29 =	sadd.s32 $0x0, s14;
	[sflag:s16] =	ssyncadd.s32 $0xFFFFFF80  }
0x28: {  	[tilespmem:s20], [sflag:$0x3] =	stream.linear.gather [hbm4b:s29+s3], $0x80, $0x38;
	[tilespmem:$0x1C200] =	vst v63  }
0x29: {  	_ =	swait.ge [sflag:s16], $0x80  }
0x2a: {  	[sflag:s16] =	ssyncset.done $0x0  }
0x2b: {  	[sflag:s16] =	ssyncadd.s32 $0xFFFFFF80  }
0x2c: {  	[tilespmem:s21], [sflag:$0x2] =	stream.indirect.gather [hbm4b:s4+s17], $0x80, s19, s17, $0xb8;
	[tilespmem:$0x1C200] =	vst v63  }
0x2d: {  	_ =	swait.ge [sflag:s22], $0x4000  }
0x2e: {  	[sflag:s22] =	ssyncset.done $0x0  }
0x2f: {  	[sflag:s22] =	ssyncadd.s32 $0xFFFFC000  }
0x30: {  	[spmem:s1] =	stream.indirect.scatter.add.f32 [tilespmem:s18], [sflag:$0x3], $0x80, s17, s17, $0xb8;
	[tilespmem:$0x1C200] =	vst v63  }
0x31: {  	_ =	swait.ge [sflag:s16], $0x4000  }
0x32: {  	[sflag:s16] =	ssyncset.done $0x0  }
0x33: {  	s30 =	sadd.s32 $0x0, s11;
	[sflag:s16] =	ssyncadd.s32 $0xFFFFC000  }
0x34: {  	[tilespmem:s3], [sflag:$0x3] =	stream.linear.gather [hbm4b:s30+s3], $0x80, $0x38;
	[tilespmem:$0x1C200] =	vst v63  }
0x35: {  	_ =	swait.ge [sflag:s16], $0x80  }
0x36: {  	[sflag:s16] =	ssyncset.done $0x0  }
0x37: {  	s31 =	sadd.s32 $0x0, s12;
	[sflag:s16] =	ssyncadd.s32 $0xFFFFFF80  }
0x38: {  	[tilespmem:s17], [sflag:$0x3] =	stream.linear.gather [hbm4b:s31+s3], $0x80, $0x38;
	[tilespmem:$0x1C200] =	vst v63  }
0x39: {  	_ =	swait.ge [sflag:s16], $0x80  }
0x3a: {  	[sflag:s16] =	ssyncset.done $0x0  }
0x3b: {  	[sflag:s16] =	ssyncadd.s32 $0xFFFFFF80  }
0x3c: {  	[tilespmem:s18], [sflag:$0x1] =	stream.indirect.gather [hbm4b:s4+s17], $0x80, s3, s17, $0xb8;
	[tilespmem:$0x1C200] =	vst v63  }
0x3d: {  	_ =	swait.ge [sflag:s23], $0x4000  }
0x3e: {  	[sflag:s23] =	ssyncset.done $0x0  }
0x3f: {  	[sflag:s23] =	ssyncadd.s32 $0xFFFFC000  }
0x40: {  	[spmem:s1] =	stream.indirect.scatter.add.f32 [tilespmem:s21], [sflag:$0x3], $0x80, s20, s17, $0xb8;
	[tilespmem:$0x1C200] =	vst v63  }
0x41: {  	_ =	swait.ge [sflag:s16], $0x4000  }
0x42: {  	s28 =	simm.s32 $0x40;
	s25 =	simm.s32 $0x20;
	[sflag:s16] =	ssyncset.done $0x0  }
.LBB2_2:
0x43: {  	s29 =	sadd.s32 s25, s13  }
0x44: {  	[sflag:s16] =	ssyncadd.s32 $0xFFFFC000;
	s30 =	smov.u32 s28;
	s26 =	sadd.s32 $0x20, s28  }
0x45: {  	[tilespmem:s19], [sflag:$0x3] =	stream.linear.gather [hbm4b:s29+s3], $0x80, $0x38;
	[tilespmem:$0x1C200] =	vst v63  }
0x46: {  	p0 =	sne.s32 s28, $0x4E0;
	_ =	swait.ge [sflag:s16], $0x80  }
0x47: {  	[sflag:s16] =	ssyncset.done $0x0  }
0x48: {  	s28 =	sadd.s32 s25, s14;
	[sflag:s16] =	ssyncadd.s32 $0xFFFFFF80  }
0x49: {  	[tilespmem:s20], [sflag:$0x3] =	stream.linear.gather [hbm4b:s28+s3], $0x80, $0x38;
	[tilespmem:$0x1C200] =	vst v63  }
0x4a: {  	_ =	swait.ge [sflag:s16], $0x80  }
0x4b: {  	[sflag:s16] =	ssyncset.done $0x0  }
0x4c: {  	[sflag:s16] =	ssyncadd.s32 $0xFFFFFF80  }
0x4d: {  	[tilespmem:s21], [sflag:$0x2] =	stream.indirect.gather [hbm4b:s4+s17], $0x80, s19, s17, $0xb8;
	[tilespmem:$0x1C200] =	vst v63  }
0x4e: {  	_ =	swait.ge [sflag:s22], $0x4000  }
0x4f: {  	[sflag:s22] =	ssyncset.done $0x0  }
0x50: {  	[sflag:s22] =	ssyncadd.s32 $0xFFFFC000  }
0x51: {  	[spmem:s1] =	stream.indirect.scatter.add.f32 [tilespmem:s18], [sflag:$0x3], $0x80, s17, s17, $0xb8;
	[tilespmem:$0x1C200] =	vst v63  }
0x52: {  	_ =	swait.ge [sflag:s16], $0x4000  }
0x53: {  	[sflag:s16] =	ssyncset.done $0x0  }
0x54: {  	s28 =	sadd.s32 s25, s11;
	[sflag:s16] =	ssyncadd.s32 $0xFFFFC000  }
0x55: {  	[tilespmem:s3], [sflag:$0x3] =	stream.linear.gather [hbm4b:s28+s3], $0x80, $0x38;
	[tilespmem:$0x1C200] =	vst v63  }
0x56: {  	_ =	swait.ge [sflag:s16], $0x80  }
0x57: {  	[sflag:s16] =	ssyncset.done $0x0  }
0x58: {  	s28 =	sadd.s32 s25, s12;
	s25 =	smov.u32 s30;
	[sflag:s16] =	ssyncadd.s32 $0xFFFFFF80  }
0x59: {  	[tilespmem:s17], [sflag:$0x3] =	stream.linear.gather [hbm4b:s28+s3], $0x80, $0x38;
	[tilespmem:$0x1C200] =	vst v63  }
0x5a: {  	_ =	swait.ge [sflag:s16], $0x80  }
0x5b: {  	[sflag:s16] =	ssyncset.done $0x0  }
0x5c: {  	[sflag:s16] =	ssyncadd.s32 $0xFFFFFF80  }
0x5d: {  	[tilespmem:s18], [sflag:$0x1] =	stream.indirect.gather [hbm4b:s4+s17], $0x80, s3, s17, $0xb8;
	[tilespmem:$0x1C200] =	vst v63  }
0x5e: {  	_ =	swait.ge [sflag:s23], $0x4000  }
.Ltmp0:
0x5f: {  	[sflag:s23] =	ssyncset.done $0x0;
	(pc) =	sbr.rel @p0 .LBB2_2-.Ltmp0, $4  }
0x60: {  	[sflag:s23] =	ssyncadd.s32 $0xFFFFC000  }
0x61: {  	[spmem:s1] =	stream.indirect.scatter.add.f32 [tilespmem:s21], [sflag:$0x3], $0x80, s20, s17, $0xb8;
	[tilespmem:$0x1C200] =	vst v63  }
0x62: {  	_ =	swait.ge [sflag:s16], $0x4000  }
0x63: {  	s28 =	smov.u32 s26;
	[sflag:s16] =	ssyncset.done $0x0  }
0x64: {  	s26 =	sadd.s32 s25, s13;
	[sflag:s16] =	ssyncadd.s32 $0xFFFFC000  }
0x65: {  	[tilespmem:s19], [sflag:$0x3] =	stream.linear.gather [hbm4b:s26+s3], $0x80, $0x38;
	[tilespmem:$0x1C200] =	vst v63  }
0x66: {  	_ =	swait.ge [sflag:s16], $0x80  }
0x67: {  	[sflag:s16] =	ssyncset.done $0x0  }
0x68: {  	s29 =	sadd.s32 s25, s14;
	[sflag:s16] =	ssyncadd.s32 $0xFFFFFF80  }
0x69: {  	[tilespmem:s20], [sflag:$0x3] =	stream.linear.gather [hbm4b:s29+s3], $0x80, $0x38;
	[tilespmem:$0x1C200] =	vst v63  }
0x6a: {  	_ =	swait.ge [sflag:s16], $0x80  }
0x6b: {  	[sflag:s16] =	ssyncset.done $0x0  }
0x6c: {  	[sflag:s16] =	ssyncadd.s32 $0xFFFFFF80  }
0x6d: {  	[tilespmem:s21], [sflag:$0x2] =	stream.indirect.gather [hbm4b:s4+s17], $0x80, s19, s17, $0xb8;
	[tilespmem:$0x1C200] =	vst v63  }
0x6e: {  	_ =	swait.ge [sflag:s22], $0x4000  }
0x6f: {  	[sflag:s22] =	ssyncset.done $0x0  }
0x70: {  	[sflag:s22] =	ssyncadd.s32 $0xFFFFC000  }
0x71: {  	[spmem:s1] =	stream.indirect.scatter.add.f32 [tilespmem:s18], [sflag:$0x3], $0x80, s17, s17, $0xb8;
	[tilespmem:$0x1C200] =	vst v63  }
0x72: {  	_ =	swait.ge [sflag:s16], $0x4000  }
0x73: {  	[sflag:s16] =	ssyncset.done $0x0  }
0x74: {  	s30 =	sadd.s32 s25, s11;
	[sflag:s16] =	ssyncadd.s32 $0xFFFFC000  }
0x75: {  	[tilespmem:s3], [sflag:$0x3] =	stream.linear.gather [hbm4b:s30+s3], $0x80, $0x38;
	[tilespmem:$0x1C200] =	vst v63  }
0x76: {  	_ =	swait.ge [sflag:s16], $0x80  }
0x77: {  	[sflag:s16] =	ssyncset.done $0x0  }
0x78: {  	s31 =	sadd.s32 s25, s12;
	[sflag:s16] =	ssyncadd.s32 $0xFFFFFF80  }
0x79: {  	[tilespmem:s17], [sflag:$0x3] =	stream.linear.gather [hbm4b:s31+s3], $0x80, $0x38;
	[tilespmem:$0x1C200] =	vst v63  }
0x7a: {  	_ =	swait.ge [sflag:s16], $0x80  }
0x7b: {  	[sflag:s16] =	ssyncset.done $0x0  }
0x7c: {  	[sflag:s16] =	ssyncadd.s32 $0xFFFFFF80  }
0x7d: {  	[tilespmem:s18], [sflag:$0x1] =	stream.indirect.gather [hbm4b:s4+s17], $0x80, s3, s17, $0xb8;
	[tilespmem:$0x1C200] =	vst v63  }
0x7e: {  	_ =	swait.ge [sflag:s23], $0x4000  }
0x7f: {  	[sflag:s23] =	ssyncset.done $0x0  }
0x80: {  	[sflag:s23] =	ssyncadd.s32 $0xFFFFC000  }
0x81: {  	[spmem:s1] =	stream.indirect.scatter.add.f32 [tilespmem:s21], [sflag:$0x3], $0x80, s20, s17, $0xb8;
	[tilespmem:$0x1C200] =	vst v63  }
0x82: {  	_ =	swait.ge [sflag:s16], $0x4000  }
0x83: {  	[sflag:s16] =	ssyncset.done $0x0  }
0x84: {  	[sflag:s16] =	ssyncadd.s32 $0xFFFFC000  }
0x85: {  	_ =	swait.ge [sflag:s22], $0x4000  }
0x86: {  	[sflag:s22] =	ssyncset.done $0x0  }
0x87: {  	[sflag:s22] =	ssyncadd.s32 $0xFFFFC000  }
0x88: {  	[spmem:s1] =	stream.indirect.scatter.add.f32 [tilespmem:s18], [sflag:$0x3], $0x80, s17, s17, $0xb8;
	[tilespmem:$0x1C200] =	vst v63  }
0x89: {  	_ =	swait.ge [sflag:s16], $0x4000  }
0x8a: {  	s24 =	sadd.s32 $0x1, s24;
	[sflag:s16] =	ssyncset.done $0x0  }
0x8b: {  	p0 =	sne.s32 s24, s10;
	[sflag:s16] =	ssyncadd.s32 $0xFFFFC000  }
.Ltmp1:
0x8c: {  	[bflag:$0x0] =	sbarrier.arrive $0xFFFF;
	(pc) =	sbr.rel @p0 .LBB2_1-.Ltmp1, $4  }
0x8d: {  	[hbm:s9], [sflag:s6] =	dma.local [spmem:s15], $0x2800  }
0x8e: {  	_ =	swait.ge [sflag:s16], $0x2800  }
0x8f: {  	[sflag:s16] =	ssyncset.done $0x0  }
0x90: {  	[sflag:s16] =	ssyncadd.s32 $0xFFFFD800  }
0x91: {  	_ =	sfence.sel $0x180000  }
0x92: {  	[bflag:$0x0] =	sbarrier.arrive $0xFFFF  }
0x93: {  	p0 =	sne.s32 s2, $0x0;
	_ =	strace $0x90000050  }
0x94: {  	s0 =	sadd.s32 @!p0 $0x100000, s0;
	[bflag:$0x2] =	sbarrier.arrive $0xFFFF  }
0x95: {  	[sflag:s0] =	ssyncadd.tile.s32 @!p0 $0x1;
	_ =	shalt  }
.Lfunc_end2:
_tile_overlayer_lowered:
.L_overlay_start_2:
0x96: {  	(tag) =	ssettag $0x2  }
0x97: {  	s0 =	rddreg [dreg:$0x0];
	s2 =	stileid.u32  }
0x98: {  	s1 =	rddreg [dreg:$0x1];
	p0 =	sne.s32 s2, $0x0  }
0x99: {  	s3 =	rddreg [dreg:$0x2];
	[bflag:$0x3] =	sbarrier.arrive $0xFFFF;
	s2 =	simm.s32 @!p0 $0x1C03  }
0x9a: {  	[timem:s3], [sflag:s2] =	dma.local @!p0 [hbm:s0], s1  }
0x9b: {  	s0 =	simm.s32 @!p0 $0x3  }
0x9c: {  	_ =	swait.ge @!p0 [sflag:s0], s1  }
0x9d: {  	s1 =	ssub.s32 @!p0 $0x0, s1;
	[sflag:s0] =	ssyncset.done @!p0 $0x0  }
0x9e: {  	[sflag:s0] =	ssyncadd.s32 @!p0 s1  }
0x9f: {  	[bflag:$0x3] =	sbarrier.arrive $0xFFFF  }
0xa0: {  	_ =	shalt  }

// kernel: kernel.9.cloned.1.call-start
scs
__scs_entry_jumppad:
0x0: {  	(pc) =	sbr.rel $0x88, $3  }
0x1: {  	(tag) =	ssettag $0x0;
	lr =	simm.s32 $0x1  }
0x2: {  	[smem:$0x3F97] =	sst lr;
	_ =	strace $0xD0000000  }
0x3: {  	_ = 	snop  }
0x4: {  	_ = 	snop  }
0x5: {  	_ = 	snop  }
0x6: {  	_ = 	snop  }
0x7: {  	_ = 	snop  }
__scs_overlays_trampoline_lowered:
0x8: {  	[smem:$0x3FA6] =	sst s0  }
0x9: {  	[smem:$0x3FA7] =	sst s1  }
0xa: {  	[smem:$0x3FA8] =	sst s2  }
0xb: {  	[smem:$0x3FA9] =	sst s3  }
0xc: {  	[smem:$0x3FAA] =	sst s4  }
0xd: {  	[smem:$0x3FAB] =	sst s5  }
0xe: {  	[smem:$0x3FAC] =	sst s6  }
0xf: {  	[smem:$0x3FAD] =	sst s7  }
0x10: {  	[smem:$0x3FAE] =	sst s8  }
0x11: {  	[smem:$0x3FAF] =	sst s9;
	s0 =	simm.s32 @!p0 $0x0  }
0x12: {  	s1 =	sld [smem:$0x3F95];
	s0 =	simm.s32 @p0 $0x1  }
0x13: {  	[smem:$0x3FB0] =	sst s0;
	s0 =	simm.s32 @!p1 $0x0  }
0x14: {  	s2 =	sld [smem:$0x3F94];
	s0 =	simm.s32 @p1 $0x1  }
0x15: {  	[smem:$0x3FB1] =	sst s0;
	s0 =	simm.s32 @!p2 $0x0  }
0x16: {  	s3 =	sld [smem:$0x3FDB];
	s0 =	simm.s32 @p2 $0x1  }
0x17: {  	s4 =	simm.s32 $0x1BF5;
	[smem:$0x3FB3] =	sst s0  }
0x18: {  	s0 =	sld [smem:$0x3F96];
	_ =	swait.ge [sflag:s4], $0x0  }
0x19: {  	s7 =	sld [smem:$0x3F97]  }
0x1a: {  	s8 =	sadd.s32 $0xFFFFE003, lr  }
0x1b: {  	s9 =	sadd.s32 $0xFFFFFEF7, lr;
	s5 =	simm.s32 $0xFFFFFFFF;
	p2 =	slt.u32 s8, $0xFFFFF086  }
0x1c: {  	p1 =	slt.u32 s9, $0xF7A;
	s5 =	simm.s32 @!p2 $0x0  }
0x1d: {  	s5 =	simm.s32 @p1 $0x1;
	p0 =	seq.s32 s7, s2  }
0x1e: {  	s7 =	smul.u32 @!p0 $0xF7A, s2;
	p2 =	seq.s32 @!p0 s5, $0x0  }
0x1f: {  	s9 =	smul.u32 $0xF7A, s1;
	s8 =	simm.s32 @!p0 $0x1BF5;
	p2 =	por !p2, p0  }
0x20: {  	[sflag:s8] =	ssyncset.s32 @!p0 $0xFFFFF086;
	s6 =	sadd.s32 @!p0 s3, s7;
	s7 =	simm.s32 @!p0 $0x108  }
0x21: {  	s3 =	sadd.s32 s3, s9;
	s6 =	sadd.s32 @!p0 $0x88, s6;
	s7 =	simm.s32 @p2 $0x1082  }
0x22: {  	[simem:s7], [sflag:s8] =	dma.local @!p0 [hbm:s6], $0xF7A  }
0x23: {  	s9 =	sor.u32 $0xD0000000, s2;
	s6 =	simm.s32 $0x108;
	_ =	swait.ge @!p0 [sflag:s8], $0x0  }
0x24: {  	s3 =	sadd.s32 $0x88, s3;
	s6 =	simm.s32 @!p1 $0x1082;
	[sflag:s4] =	ssyncset.s32 $0xFFFFF086  }
0x25: {  	[simem:s6], [sflag:s4] =	dma.local [hbm:s3], $0xF7A  }
0x26: {  	[smem:$0x3F97] =	sst s1;
	(tag) =	ssettag s2;
	_ =	strace s9  }
0x27: {  	s1 =	sld [smem:$0x3FA7]  }
0x28: {  	s2 =	sld [smem:$0x3FA8]  }
0x29: {  	s4 =	sld [smem:$0x3FAA]  }
0x2a: {  	p0 =	seq.s32 s5, $0x0;
	s5 =	sld [smem:$0x3FAB]  }
0x2b: {  	s6 =	sld [smem:$0x3FAC]  }
0x2c: {  	s7 =	sld [smem:$0x3FAD]  }
0x2d: {  	s3 =	simm.s32 $0x108;
	s8 =	sld [smem:$0x3FAE]  }
0x2e: {  	s3 =	simm.s32 @!p0 $0x1082;
	s9 =	sld [smem:$0x3FAF]  }
0x2f: {  	lr =	sadd.s32 s0, s3;
	s0 =	sld [smem:$0x3FA6]  }
0x30: {  	s3 =	sld [smem:$0x3FA9]  }
0x31: {  	[smem:$0x3FB2] =	sst s10  }
0x32: {  	s10 =	sld [smem:$0x3FB0];
	_ =	sdelay $0x3  }
0x33: {  	p0 =	seq.s32 s10, $0x1;
	s10 =	sld [smem:$0x3FB2];
	_ =	sdelay $0x3  }
0x34: {  	[smem:$0x3FB2] =	sst s10  }
0x35: {  	s10 =	sld [smem:$0x3FB1];
	_ =	sdelay $0x3  }
0x36: {  	p1 =	seq.s32 s10, $0x1;
	s10 =	sld [smem:$0x3FB2];
	_ =	sdelay $0x3  }
0x37: {  	[smem:$0x3FB2] =	sst s10  }
0x38: {  	s10 =	sld [smem:$0x3FB3]  }
0x39: {  	_ = 	snop;
	(pc) =	sbr.ind lr, $3  }
0x3a: {  	_ = 	snop  }
0x3b: {  	_ = 	snop  }
0x3c: {  	p2 =	seq.s32 s10, $0x1;
	s10 =	sld [smem:$0x3FB2]  }
0x3d: {  	_ =	shalt  }
0x3e: {  	_ =	shalt  }
0x3f: {  	_ =	shalt  }
0x40: {  	_ =	shalt  }
0x41: {  	_ =	shalt  }
0x42: {  	_ =	shalt  }
0x43: {  	_ =	shalt  }
0x44: {  	_ =	shalt  }
0x45: {  	_ =	shalt  }
0x46: {  	_ =	shalt  }
0x47: {  	_ =	shalt  }
0x48: {  	_ =	shalt  }
0x49: {  	_ =	shalt  }
0x4a: {  	_ =	shalt  }
0x4b: {  	_ =	shalt  }
0x4c: {  	_ =	shalt  }
0x4d: {  	_ =	shalt  }
0x4e: {  	_ =	shalt  }
0x4f: {  	_ =	shalt  }
0x50: {  	_ =	shalt  }
0x51: {  	_ =	shalt  }
0x52: {  	_ =	shalt  }
0x53: {  	_ =	shalt  }
0x54: {  	_ =	shalt  }
0x55: {  	_ =	shalt  }
0x56: {  	_ =	shalt  }
0x57: {  	_ =	shalt  }
0x58: {  	_ =	shalt  }
0x59: {  	_ =	shalt  }
0x5a: {  	_ =	shalt  }
0x5b: {  	_ =	shalt  }
0x5c: {  	_ =	shalt  }
0x5d: {  	_ =	shalt  }
0x5e: {  	_ =	shalt  }
0x5f: {  	_ =	shalt  }
0x60: {  	_ =	shalt  }
0x61: {  	_ =	shalt  }
0x62: {  	_ =	shalt  }
0x63: {  	_ =	shalt  }
0x64: {  	_ =	shalt  }
0x65: {  	_ =	shalt  }
0x66: {  	_ =	shalt  }
0x67: {  	_ =	shalt  }
0x68: {  	_ =	shalt  }
0x69: {  	_ =	shalt  }
0x6a: {  	_ =	shalt  }
0x6b: {  	_ =	shalt  }
0x6c: {  	_ =	shalt  }
0x6d: {  	_ =	shalt  }
0x6e: {  	_ =	shalt  }
0x6f: {  	_ =	shalt  }
0x70: {  	_ =	shalt  }
0x71: {  	_ =	shalt  }
0x72: {  	_ =	shalt  }
0x73: {  	_ =	shalt  }
0x74: {  	_ =	shalt  }
0x75: {  	_ =	shalt  }
0x76: {  	_ =	shalt  }
0x77: {  	_ =	shalt  }
0x78: {  	_ =	shalt  }
0x79: {  	_ =	shalt  }
0x7a: {  	_ =	shalt  }
0x7b: {  	_ =	shalt  }
0x7c: {  	_ =	shalt  }
0x7d: {  	_ =	shalt  }
0x7e: {  	_ =	shalt  }
0x7f: {  	_ =	shalt  }
0x80: {  	_ =	shalt  }
0x81: {  	_ =	shalt  }
0x82: {  	_ =	shalt  }
0x83: {  	_ =	shalt  }
0x84: {  	_ =	shalt  }
0x85: {  	_ =	shalt  }
0x86: {  	_ =	shalt  }
0x87: {  	_ =	shalt  }
.Lfunc_end0:
.L_simem_size_0:
called_computation_lowered:
.L_overlay_start_0:
0x88: {  	s2 =	sld [smem:$0x3FD9]  }
0x89: {  	s3 =	sld [smem:$0x3FFE];
	_ =	sdelay $0x1  }
0x8a: {  	s1 =	srdreg.scid  }
0x8b: {  	s0 =	sand.u32 $0x1, s1  }
0x8c: {  	s17 =	sshll.u32 s0, $0xA;
	s2 =	sadd.s32 s3, s2  }
0x8d: {  	s2 =	sadd.s32 s2, s17  }
0x8e: {  	[smem:$0x3FBE] =	sst s2  }
0x8f: {  	_ = 	snop  }
0x90: {  	s2 =	sld [smem:$0x3FD0];
	(tm) =	ssettm $0x1  }
0x91: {  	s18 =	sld [smem:$0x3FFB];
	_ =	sdelay $0x3  }
0x92: {  	_ =	strace s18  }
0x93: {  	s3 =	sld [smem:$0x3FFC];
	_ =	sdelay $0x3  }
0x94: {  	_ =	strace s3  }
0x95: {  	s3 =	sld [smem:$0x3FFD];
	_ =	sdelay $0x3  }
0x96: {  	_ =	strace s3  }
0x97: {  	_ =	strace $0x8FFFFFFF  }
0x98: {  	s19 =	sld [smem:$0x3FDB];
	_ =	sdelay $0x1  }
0x99: {  	s4 =	simm.s32 $_scs_section_size  }
0x9a: {  	s5 =	simm.s32 $_size__tile_overlayer_lowered;
	s6 =	simm.s32 $_tile_overlayer_lowered  }
0x9b: {  	s22 =	simm.s32 $0x1BFF;
	s21 =	sshll.u32 s6, $0x1;
	s3 =	sadd.s32 s4, s19  }
0x9c: {  	s7 =	simm.s32 $0x0;
	s20 =	sshll.u32 s5, $0x1;
	s5 =	sadd.s32 s21, s3  }
0x9d: {  	[timem:s7], [sflag:s22] =	dma.local [hbm:s5], s20  }
0x9e: {  	_ =	swait.ge [sflag:s22], s20  }
0x9f: {  	s4 =	ssub.s32 $0x0, s20;
	[sflag:s22] =	ssyncset.done $0x0  }
0xa0: {  	[sflag:s22] =	ssyncadd.s32 s4;
	_ =	sdelay $0x1  }
0xa1: {  	s23 =	simm.s32 $0x1B8B  }
0xa2: {  	_ =	swait.ge [sflag:s23], $0x1  }
0xa3: {  	[sflag:s23] =	ssyncset.done $0x0  }
0xa4: {  	s25 =	simm.s32 $0x1B8E;
	s24 =	sld [smem:$0x3FFE];
	[sflag:s23] =	ssyncadd.s32 $0xFFFFFFFF  }
0xa5: {  	s26 =	simm.s32 $execute0_lowered;
	[smem:$0x3FD2] =	sst s25  }
0xa6: {  	s5 =	sshll.u32 s26, $0x1;
	_ =	strace $0x80000046;
	[dreg:$0x1] =	wrdreg $0xFFFFFFFF  }
0xa7: {  	s28 =	simm.s32 $_size_execute0_lowered;
	s3 =	sadd.s32 s3, s5;
	[dreg:$0x0] =	wrdreg $0x0  }
0xa8: {  	s5 =	sshll.u32 s28, $0x1;
	[dreg:$0x2] =	wrdreg s3  }
0xa9: {  	[dreg:$0x3] =	wrdreg s5  }
0xaa: {  	[dreg:$0x4] =	wrdreg $0xC0  }
0xab: {  	_ =	task [dreg:s7], $0x5FFFF  }
0xac: {  	[dreg:$0x1] =	wrdreg $0xFFFFFFFF  }
0xad: {  	[dreg:$0x0] =	wrdreg $0x60  }
0xae: {  	[dreg:$0x2] =	wrdreg s24  }
0xaf: {  	[dreg:$0x3] =	wrdreg s2  }
0xb0: {  	[dreg:$0x4] =	wrdreg $0x9  }
0xb1: {  	_ =	task.clear_ibuf [dreg:s7], $0x5FFFF;
	_ =	strace $0x90000046  }
0xb2: {  	s29 =	simm.s32 $0x9;
	_ =	strace $0x80000048  }
0xb3: {  	_ =	swait.ge [sflag:s29], $0x1  }
0xb4: {  	[sflag:s29] =	ssyncadd.s32 $0xFFFFFFFF  }
0xb5: {  	_ =	strace $0x90000048  }
0xb6: {  	_ =	sfence  }
0xb7: {  	s30 =	sld [smem:$0x0];
	_ =	sdelay $0x2  }
0xb8: {  	s31 =	sshll.u32 s1, $0xD;
	s1 =	sshrl.u32 s1, $0x2  }
0xb9: {  	s3 =	sand.u32 $0x4000, s31;
	s1 =	sadd.s32 s1, s30  }
0xba: {  	s0 =	sor.u32 s3, s0;
	s1 =	sshll.u32 s1, $0x11  }
0xbb: {  	s0 =	sor.u32 s1, s0  }
0xbc: {  	s0 =	sadd.s32 $0x8F2B, s0  }
0xbd: {  	[sflag:s0] =	ssyncadd.remote.s32 $0x1  }
0xbe: {  	_ =	sfence.sel $0xFFFF  }
0xbf: {  	[dreg:$0x0] =	wrdreg $0xFFFFFFFF;
	(pc) =	sbr.abs _section_cstart, $3  }
0xc0: {  	[dreg:$0x1] =	wrdreg $0xFFFFFFFF  }
0xc1: {  	_ =	task.clear_ibuf [dreg:s7], $0x2FFFF;
	_ =	strace $0x9FFFFFFF  }
0xc2: {  	(tm) =	ssettm $0x7FFFFFFF  }
0xc3: {  	_ =	shalt  }
tec
execute0_lowered:
.L_overlay_start_1:
0x0: {  	(tag) =	ssettag $0x1  }
0x1: {  	v0 =	vlaneseq.u32  }
0x2: {  	v1 =	vand.u32 $0x3, v0  }
0x3: {  	s9 =	rddreg [dreg:$0x0];
	v17 =	vmul.u32 $0x20, v1  }
0x4: {  	s1 =	rddreg [dreg:$0x1];
	s2 =	simm.s32 $0x0  }
0x5: {  	[smem:$0x7FF] =	sst s2;
	v1 =	vor.u32 $0x14, v17  }
0x6: {  	s0 =	rddreg [dreg:$0x2];
	_ =	strace $0x80000047;
	v29 =	vor.u32 $0xA, v17;
	[tilespmem:$0x1FF30] =	vst v1  }
0x7: {  	v30 =	vor.u32 $0xB, v17;
	[tilespmem:$0x1FF40] =	vst v29  }
0x8: {  	v32 =	vor.u32 $0xD, v17;
	[tilespmem:$0x1FF50] =	vst v30  }
0x9: {  	s6 =	srdreg.scid;
	v0 =	vshrl.u32 v0, $0x2;
	v34 =	vor.u32 $0xF, v17;
	[tilespmem:$0x1FF60] =	vst v32  }
0xa: {  	s3 =	stileid.u32;
	s14 =	simm.s32 $0x100;
	s15 =	simm.s32 $0x180;
	v27 =	vmul.u32 $0x80, v0;
	v18 =	vor.u32 $0x1, v17;
	v36 =	vor.u32 $0x11, v17;
	[tilespmem:$0x1FF70] =	vst v34  }
0xb: {  	s16 =	simm.s32 $0x4180;
	s17 =	simm.s32 $0x1;
	s18 =	simm.s32 $0x2;
	v19 =	vor.u32 $0x2, v17;
	v20 =	vor.u32 $0x3, v17;
	v8 =	vor.u32 $0x15, v17;
	[tilespmem:$0x1FF80] =	vst v36  }
0xc: {  	s19 =	simm.s32 $0x8180;
	s20 =	simm.s32 $0x0;
	s25 =	simm.s32 $0x0;
	v21 =	vor.u32 $0x4, v17;
	v22 =	vor.u32 $0x5, v17;
	v9 =	vor.u32 $0x16, v17;
	[tilespmem:$0x1FF90] =	vst v8  }
0xd: {  	s4 =	sadd.s32 $0xC000, s9;
	s7 =	sand.u32 $0x1, s6;
	s8 =	sshll.u32 s3, $0x1;
	v23 =	vor.u32 $0x6, v17;
	v24 =	vor.u32 $0x7, v17;
	v10 =	vor.u32 $0x17, v17;
	[tilespmem:$0x1FFA0] =	vst v9  }
0xe: {  	s5 =	sadd.s32 $0x1E00, s9;
	s6 =	sadd.s32 $0x16200, s9;
	s10 =	sor.u32 s7, s8;
	v25 =	vor.u32 $0x8, v17;
	v26 =	vor.u32 $0x9, v17;
	v43 =	vor.u32 $0x18, v17;
	[tilespmem:$0x1FFB0] =	vst v10  }
0xf: {  	s11 =	ssub.s32 $0x2, s7;
	s7 =	sadd.s32 $0x1C00, s9;
	s12 =	sshll.u32 s10, $0x1;
	v31 =	vor.u32 $0xC, v17;
	v33 =	vor.u32 $0xE, v17;
	v44 =	vor.u32 $0x19, v17;
	[tilespmem:$0x1FFC0] =	vst v43  }
0x10: {  	s8 =	sadd.s32 $0x3D600, s9;
	s13 =	sshrl.u32 s11, $0x1;
	v35 =	vor.u32 $0x10, v17;
	v37 =	vor.u32 $0x12, v17;
	s12 =	sadd.s32 s12, s9;
	v45 =	vor.u32 $0x1A, v17;
	[tilespmem:$0x1FFD0] =	vst v44  }
0x11: {  	s11 =	ssub.s32 s11, s13;
	v38 =	vor.u32 $0x13, v17;
	s9 =	smul.u32 $0x51, s10;
	v46 =	vor.u32 $0x1B, v17;
	s13 =	simm.s32 $0x80;
	v47 =	vor.u32 $0x1C, v17;
	[tilespmem:$0x1FFE0] =	vst v45  }
0x12: {  	v48 =	vor.u32 $0x1D, v17;
	v49 =	vor.u32 $0x1E, v17;
	v50 =	vor.u32 $0x1F, v17;
	s10 =	sadd.s32 $0x3D400, s12;
	s11 =	smax.u32 s11, $0x1;
	s12 =	simm.s32 $0x3;
	[tilespmem:$0x1FFF0] =	vst v46  }
.LBB2_1:
0x13: {  	[tilespmem:s2], [sflag:$0x3] =	stream.linear.gather [hbm4b:s7+s2], $0x80, $0x38;
	[tilespmem:$0x8380] =	vst v63  }
0x14: {  	_ =	swait.ge [sflag:s12], $0x80  }
0x15: {  	[sflag:s12] =	ssyncset.done $0x0  }
0x16: {  	[sflag:s12] =	ssyncadd.s32 $0xFFFFFF80  }
0x17: {  	v0 =	vld.idx.msk [tilespmem:v17+s2+$0x0], $0xffff;
	_ =	sdelay $0x4  }
0x18: {  	[tilespmem:$0x1FE00] =	vst v0;
	v0 =	vld.idx.msk [tilespmem:v18+s2+$0x0], $0xffff;
	_ =	sdelay $0x4  }
0x19: {  	[tilespmem:$0x1FE10] =	vst v0;
	v0 =	vld.idx.msk [tilespmem:v19+s2+$0x0], $0xffff;
	_ =	sdelay $0x4  }
0x1a: {  	[tilespmem:$0x1FE20] =	vst v0;
	v0 =	vld.idx.msk [tilespmem:v20+s2+$0x0], $0xffff;
	_ =	sdelay $0x4  }
0x1b: {  	[tilespmem:$0x1FE30] =	vst v0;
	v0 =	vld.idx.msk [tilespmem:v21+s2+$0x0], $0xffff;
	_ =	sdelay $0x4  }
0x1c: {  	[tilespmem:$0x1FE40] =	vst v0;
	v0 =	vld.idx.msk [tilespmem:v22+s2+$0x0], $0xffff;
	_ =	sdelay $0x4  }
0x1d: {  	[tilespmem:$0x1FE50] =	vst v0;
	v0 =	vld.idx.msk [tilespmem:v23+s2+$0x0], $0xffff;
	_ =	sdelay $0x4  }
0x1e: {  	[tilespmem:$0x1FE60] =	vst v0;
	v0 =	vld.idx.msk [tilespmem:v24+s2+$0x0], $0xffff;
	_ =	sdelay $0x4  }
0x1f: {  	[tilespmem:$0x1FE70] =	vst v0;
	v0 =	vld.idx.msk [tilespmem:v25+s2+$0x0], $0xffff;
	_ =	sdelay $0x4  }
0x20: {  	[tilespmem:$0x1FE80] =	vst v0;
	v0 =	vld.idx.msk [tilespmem:v26+s2+$0x0], $0xffff;
	_ =	sdelay $0x4  }
0x21: {  	[tilespmem:$0x1FE90] =	vst v0;
	v0 =	vld.idx.msk [tilespmem:v29+s2+$0x0], $0xffff;
	_ =	sdelay $0x4  }
0x22: {  	[tilespmem:$0x1FEA0] =	vst v0;
	v0 =	vld.idx.msk [tilespmem:v30+s2+$0x0], $0xffff;
	_ =	sdelay $0x4  }
0x23: {  	[tilespmem:$0x1FEB0] =	vst v0;
	v0 =	vld.idx.msk [tilespmem:v31+s2+$0x0], $0xffff;
	_ =	sdelay $0x4  }
0x24: {  	[tilespmem:$0x1FEC0] =	vst v0;
	v0 =	vld.idx.msk [tilespmem:v32+s2+$0x0], $0xffff;
	_ =	sdelay $0x4  }
0x25: {  	[tilespmem:$0x1FED0] =	vst v0;
	v0 =	vld.idx.msk [tilespmem:v33+s2+$0x0], $0xffff;
	_ =	sdelay $0x4  }
0x26: {  	[tilespmem:$0x1FEE0] =	vst v0;
	v0 =	vld.idx.msk [tilespmem:v34+s2+$0x0], $0xffff;
	_ =	sdelay $0x4  }
0x27: {  	[tilespmem:$0x1FEF0] =	vst v0;
	v0 =	vld.idx.msk [tilespmem:v35+s2+$0x0], $0xffff;
	_ =	sdelay $0x4  }
0x28: {  	[tilespmem:$0x1FF00] =	vst v0;
	v0 =	vld.idx.msk [tilespmem:v36+s2+$0x0], $0xffff;
	_ =	sdelay $0x4  }
0x29: {  	[tilespmem:$0x1FF10] =	vst v0;
	v0 =	vld.idx.msk [tilespmem:v37+s2+$0x0], $0xffff;
	_ =	sdelay $0x2  }
0x2a: {  	v54 =	vld.idx.msk [tilespmem:v38+s2+$0x0], $0xffff  }
0x2b: {  	v55 =	vld.idx.msk [tilespmem:v8+s2+$0x0], $0xffff  }
0x2c: {  	[tilespmem:$0x1FF20] =	vst v0;
	v0 =	vld [tilespmem:$0x1FF30]  }
0x2d: {  	v52 =	vld.idx.msk [tilespmem:v9+s2+$0x0], $0xffff  }
0x2e: {  	v56 =	vld.idx.msk [tilespmem:v10+s2+$0x0], $0xffff  }
0x2f: {  	v57 =	vld.idx.msk [tilespmem:v43+s2+$0x0], $0xffff  }
0x30: {  	v58 =	vld.idx.msk [tilespmem:v44+s2+$0x0], $0xffff  }
0x31: {  	v59 =	vld.idx.msk [tilespmem:v45+s2+$0x0], $0xffff  }
0x32: {  	v60 =	vld.idx.msk [tilespmem:v46+s2+$0x0], $0xffff  }
0x33: {  	v61 =	vld.idx.msk [tilespmem:v47+s2+$0x0], $0xffff  }
0x34: {  	v53 =	vld.idx.msk [tilespmem:v0+s2+$0x0], $0xffff  }
0x35: {  	v0 =	vld.idx.msk [tilespmem:v50+s2+$0x0], $0xffff  }
0x36: {  	v62 =	vld.idx.msk [tilespmem:v48+s2+$0x0], $0xffff  }
0x37: {  	v1 =	vimm.f32 $-3.000000010e+38;
	s21 =	simm.s32 $0x0;
	v63 =	vld.idx.msk [tilespmem:v49+s2+$0x0], $0xffff  }
.LBB2_2:
0x38: {  	s22 =	sadd.s32 s9, s21  }
0x39: {  	s23 =	sshll.u32 s22, $0x4  }
0x3a: {  	[tilespmem:$0x1FDE0] =	vst v1;
	s24 =	sadd.s32 s4, s23  }
0x3b: {  	[tilespmem:s13], [sflag:$0x3] =	stream.linear.gather [hbm4b:s24+s25], $0x80, $0x38;
	[tilespmem:$0x8380] =	vst v63  }
0x3c: {  	_ =	swait.ge [sflag:s12], $0x80  }
0x3d: {  	[sflag:s12] =	ssyncset.done $0x0  }
0x3e: {  	s23 =	sadd.s32 s5, s23;
	[sflag:s12] =	ssyncadd.s32 $0xFFFFFF80  }
0x3f: {  	[tilespmem:s14], [sflag:$0x3] =	stream.linear.gather [hbm4b:s23+s25], $0x80, $0x38;
	[tilespmem:$0x8380] =	vst v63  }
0x40: {  	_ =	swait.ge [sflag:s12], $0x80  }
0x41: {  	[sflag:s12] =	ssyncset.done $0x0  }
0x42: {  	[sflag:s12] =	ssyncadd.s32 $0xFFFFFF80  }
0x43: {  	[tilespmem:s15], [sflag:$0x1] =	stream.indirect.gather [hbm4b:s1+s13], $0x80, s13, s13, $0xb8;
	[tilespmem:$0x8380] =	vst v63  }
0x44: {  	v1 =	vmov s25  }
0x45: {  	v1 =	vshll.u32 v1, $0x7;
	[tilespmem:s16], [sflag:$0x2] =	stream.indirect.gather [hbm4b:s6+s13], $0x80, s14, s13, $0xb8;
	[tilespmem:$0x8380] =	vst v63  }
0x46: {  	v1 =	vor.u32 v27, v1;
	_ =	swait.ge [sflag:s17], $0x4000  }
0x47: {  	v3 =	vor.u32 v18, v1;
	[sflag:s17] =	ssyncset.done $0x0  }
0x48: {  	[sflag:s17] =	ssyncadd.s32 $0xFFFFC000  }
0x49: {  	v4 =	vor.u32 v19, v1;
	_ =	swait.ge [sflag:s18], $0x4000  }
0x4a: {  	[sflag:s18] =	ssyncset.done $0x0  }
0x4b: {  	v2 =	vor.u32 v17, v1;
	[sflag:s18] =	ssyncadd.s32 $0xFFFFC000  }
0x4c: {  	v14 =	vld.idx.msk [tilespmem:v3+s15+$0x0], $0xffff  }
0x4d: {  	v3 =	vld.idx.msk [tilespmem:v3+s16+$0x0], $0xffff  }
0x4e: {  	v7 =	vld.idx.msk [tilespmem:v4+s15+$0x0], $0xffff  }
0x4f: {  	v11 =	vld.idx.msk [tilespmem:v4+s16+$0x0], $0xffff;
	v4 =	vor.u32 v22, v1  }
0x50: {  	v13 =	vld.idx.msk [tilespmem:v2+s16+$0x0], $0xffff  }
0x51: {  	v5 =	vld.idx.msk [tilespmem:v2+s15+$0x0], $0xffff;
	_ =	sdelay $0x2  }
0x52: {  	v3 =	vadd.f32 v3, v14;
	v14 =	vld.idx.msk [tilespmem:v4+s15+$0x0], $0xffff  }
0x53: {  	v6 =	vor.u32 v20, v1;
	v39 =	vld.idx.msk [tilespmem:v4+s16+$0x0], $0xffff  }
0x54: {  	v5 =	vadd.f32 v13, v5;
	v4 =	vld [tilespmem:$0x1FE00]  }
0x55: {  	v2 =	vor.u32 v21, v1  }
0x56: {  	v16 =	vmul.f32 $2.000000030e-01, v5;
	_ =	sdelay $0x1  }
0x57: {  	v12 =	vld.idx.msk [tilespmem:v6+s15+$0x0], $0xffff;
	v5 =	vmax.f32 v5, v16  }
0x58: {  	v15 =	vld.idx.msk [tilespmem:v6+s16+$0x0], $0xffff;
	v6 =	vor.u32 v23, v1;
	v5 =	vmul.f32 v5, v4  }
0x59: {  	v51 =	vld.idx.msk [tilespmem:v2+s15+$0x0], $0xffff  }
0x5a: {  	v42 =	vadd.f32 $0.0e+00, v5;
	v5 =	vld [tilespmem:$0x1FE10]  }
0x5b: {  	v40 =	vld.idx.msk [tilespmem:v2+s16+$0x0], $0xffff;
	v2 =	vadd.f32 v11, v7  }
0x5c: {  	v16 =	vmul.f32 $2.000000030e-01, v3  }
0x5d: {  	v7 =	vld.idx.msk [tilespmem:v6+s15+$0x0], $0xffff;
	v41 =	vmul.f32 $2.000000030e-01, v2  }
0x5e: {  	v11 =	vor.u32 v25, v1;
	v4 =	vmax.f32 v3, v16;
	v16 =	vld.idx.msk [tilespmem:v6+s16+$0x0], $0xffff  }
0x5f: {  	v6 =	vmul.f32 v4, v5;
	v4 =	vmax.f32 v2, v41;
	v41 =	vor.u32 v29, v1;
	v29 =	vld [tilespmem:$0x1FE20]  }
0x60: {  	v28 =	vor.u32 v24, v1;
	v3 =	vadd.f32 v15, v12  }
0x61: {  	v2 =	vadd.f32 v40, v51;
	v51 =	vadd.f32 v6, v42;
	v42 =	vor.u32 v30, v1;
	v30 =	vld [tilespmem:$0x1FE30]  }
0x62: {  	v15 =	vor.u32 v26, v1  }
0x63: {  	v5 =	vmul.f32 $2.000000030e-01, v3  }
0x64: {  	v13 =	vld.idx.msk [tilespmem:v11+s15+$0x0], $0xffff;
	v6 =	vmul.f32 v4, v29  }
0x65: {  	v12 =	vld.idx.msk [tilespmem:v28+s15+$0x0], $0xffff;
	v4 =	vmax.f32 v3, v5  }
0x66: {  	v28 =	vld.idx.msk [tilespmem:v28+s16+$0x0], $0xffff;
	v51 =	vadd.f32 v6, v51;
	v6 =	vmul.f32 v4, v30  }
0x67: {  	v5 =	vmul.f32 $2.000000030e-01, v2;
	v3 =	vadd.f32 v39, v14;
	v14 =	vld.idx.msk [tilespmem:v15+s15+$0x0], $0xffff  }
0x68: {  	v39 =	vadd.f32 v6, v51;
	v6 =	vld [tilespmem:$0x1FE40]  }
0x69: {  	v4 =	vmax.f32 v2, v5;
	v2 =	vadd.f32 v16, v7;
	v16 =	vld.idx.msk [tilespmem:v15+s16+$0x0], $0xffff  }
0x6a: {  	v15 =	vor.u32 v32, v1;
	v32 =	vld [tilespmem:$0x1FE50]  }
0x6b: {  	v11 =	vld.idx.msk [tilespmem:v11+s16+$0x0], $0xffff;
	v5 =	vmul.f32 $2.000000030e-01, v3  }
0x6c: {  	v7 =	vld.idx.msk [tilespmem:v41+s15+$0x0], $0xffff  }
0x6d: {  	v6 =	vmul.f32 v4, v6;
	v4 =	vmax.f32 v3, v5;
	v3 =	vadd.f32 v28, v12;
	v28 =	vld.idx.msk [tilespmem:v41+s16+$0x0], $0xffff  }
0x6e: {  	v5 =	vmul.f32 $2.000000030e-01, v2;
	v41 =	vld [tilespmem:$0x1FE60]  }
0x6f: {  	v40 =	vadd.f32 v6, v39;
	v6 =	vmul.f32 v4, v32  }
0x70: {  	v4 =	vmax.f32 v2, v5;
	v2 =	vadd.f32 v11, v13;
	v11 =	vor.u32 v34, v1;
	v34 =	vld [tilespmem:$0x1FE70];
	_ =	sdelay $0x1  }
0x71: {  	v12 =	vld.idx.msk [tilespmem:v42+s15+$0x0], $0xffff;
	v5 =	vmul.f32 $2.000000030e-01, v3  }
0x72: {  	v39 =	vld.idx.msk [tilespmem:v42+s16+$0x0], $0xffff;
	v42 =	vadd.f32 v6, v40;
	v6 =	vmul.f32 v4, v41  }
0x73: {  	v43 =	vor.u32 v31, v1;
	v4 =	vmax.f32 v3, v5  }
0x74: {  	v5 =	vmul.f32 $2.000000030e-01, v2;
	v42 =	vadd.f32 v6, v42;
	v6 =	vmul.f32 v4, v34;
	_ =	sdelay $0x1  }
0x75: {  	v4 =	vmax.f32 v2, v5;
	v2 =	vadd.f32 v28, v7;
	v28 =	vadd.f32 v6, v42;
	v42 =	vld [tilespmem:$0x1FE80]  }
0x76: {  	v51 =	vor.u32 v33, v1;
	v7 =	vld.idx.msk [tilespmem:v15+s16+$0x0], $0xffff  }
0x77: {  	v13 =	vld.idx.msk [tilespmem:v43+s15+$0x0], $0xffff  }
0x78: {  	v3 =	vadd.f32 v16, v14;
	v14 =	vld.idx.msk [tilespmem:v15+s15+$0x0], $0xffff  }
0x79: {  	v15 =	vor.u32 v36, v1;
	v36 =	vld [tilespmem:$0x1FE90]  }
0x7a: {  	v40 =	vld.idx.msk [tilespmem:v43+s16+$0x0], $0xffff;
	v5 =	vmul.f32 $2.000000030e-01, v3;
	v6 =	vmul.f32 v4, v42  }
0x7b: {  	[tilespmem:$0x1FC40] =	vst v7;
	v7 =	vld.idx.msk [tilespmem:v51+s15+$0x0], $0xffff  }
0x7c: {  	v4 =	vmax.f32 v3, v5;
	v3 =	vadd.f32 v39, v12;
	v39 =	vld.idx.msk [tilespmem:v51+s16+$0x0], $0xffff;
	v51 =	vadd.f32 v6, v28;
	_ =	sdelay $0x1  }
0x7d: {  	v5 =	vmul.f32 $2.000000030e-01, v2;
	v12 =	vld.idx.msk [tilespmem:v11+s15+$0x0], $0xffff;
	v6 =	vmul.f32 v4, v36  }
0x7e: {  	v16 =	vor.u32 v35, v1;
	v11 =	vld.idx.msk [tilespmem:v11+s16+$0x0], $0xffff  }
0x7f: {  	v4 =	vmax.f32 v2, v5;
	v2 =	vadd.f32 v40, v13;
	v40 =	vadd.f32 v6, v51;
	v51 =	vmovc v16;
	_ =	sdelay $0x2  }
0x80: {  	v43 =	vld [tilespmem:$0x1FEA0];
	_ =	sdelay $0x1  }
0x81: {  	[tilespmem:$0x1FC50] =	vst v11;
	v11 =	vld.idx.msk [tilespmem:v51+s16+$0x0], $0xffff  }
0x82: {  	v51 =	vld [tilespmem:$0x1FEB0]  }
0x83: {  	v5 =	vmul.f32 $2.000000030e-01, v3  }
0x84: {  	v6 =	vmul.f32 v4, v43  }
0x85: {  	v4 =	vmax.f32 v3, v5;
	v5 =	vmul.f32 $2.000000030e-01, v2  }
0x86: {  	[tilespmem:$0x1FC60] =	vst v11;
	v11 =	vadd.f32 v6, v40  }
0x87: {  	v6 =	vmul.f32 v4, v51;
	v4 =	vmax.f32 v2, v5;
	v2 =	vadd.f32 v39, v7;
	v7 =	vld.idx.msk [tilespmem:v15+s16+$0x0], $0xffff  }
0x88: {  	v3 =	vld [tilespmem:$0x1FC40];
	_ =	sdelay $0x2  }
0x89: {  	v28 =	vor.u32 v37, v1  }
0x8a: {  	[tilespmem:$0x1FC70] =	vst v7;
	v7 =	vadd.f32 v6, v11;
	v6 =	vld [tilespmem:$0x1FEC0]  }
0x8b: {  	v3 =	vadd.f32 v3, v14;
	v11 =	vmov v28  }
0x8c: {  	v13 =	vld.idx.msk [tilespmem:v16+s15+$0x0], $0xffff  }
0x8d: {  	v14 =	vld.idx.msk [tilespmem:v15+s15+$0x0], $0xffff;
	v5 =	vmul.f32 $2.000000030e-01, v3  }
0x8e: {  	v15 =	vld.idx.msk [tilespmem:v28+s15+$0x0], $0xffff  }
0x8f: {  	v6 =	vmul.f32 v4, v6;
	v4 =	vmax.f32 v3, v5;
	v3 =	vld [tilespmem:$0x1FC50]  }
0x90: {  	v16 =	vor.u32 v38, v1;
	v28 =	vor.u32 v8, v1;
	v8 =	vld.idx.msk [tilespmem:v11+s16+$0x0], $0xffff  }
0x91: {  	v11 =	vadd.f32 v6, v7;
	v6 =	vld [tilespmem:$0x1FED0];
	_ =	sdelay $0x1  }
0x92: {  	v39 =	vld [tilespmem:$0x1FF30];
	_ =	sdelay $0x1  }
0x93: {  	v5 =	vmul.f32 $2.000000030e-01, v2;
	v7 =	vor.u32 v9, v1;
	v9 =	vld.idx.msk [tilespmem:v16+s16+$0x0], $0xffff  }
0x94: {  	v3 =	vadd.f32 v3, v12;
	v12 =	vld.idx.msk [tilespmem:v16+s15+$0x0], $0xffff;
	v6 =	vmul.f32 v4, v6  }
0x95: {  	v4 =	vmax.f32 v2, v5;
	v2 =	vld [tilespmem:$0x1FC60]  }
0x96: {  	v40 =	vor.u32 v39, v1;
	v16 =	vadd.f32 v6, v11;
	v6 =	vld [tilespmem:$0x1FEE0]  }
0x97: {  	v11 =	vmov v40;
	_ =	sdelay $0x3  }
0x98: {  	v2 =	vadd.f32 v2, v13;
	v13 =	vld.idx.msk [tilespmem:v40+s15+$0x0], $0xffff;
	v6 =	vmul.f32 v4, v6  }
0x99: {  	v40 =	vor.u32 v10, v1;
	v10 =	vld.idx.msk [tilespmem:v11+s16+$0x0], $0xffff  }
0x9a: {  	v16 =	vadd.f32 v6, v16;
	v6 =	vld [tilespmem:$0x1FEF0]  }
0x9b: {  	v11 =	vld [tilespmem:$0x1FFC0]  }
0x9c: {  	v5 =	vmul.f32 $2.000000030e-01, v3;
	_ =	sdelay $0x1  }
0x9d: {  	v4 =	vmax.f32 v3, v5;
	v5 =	vmul.f32 $2.000000030e-01, v2  }
0x9e: {  	v6 =	vmul.f32 v4, v6  }
0x9f: {  	v4 =	vmax.f32 v2, v5;
	v2 =	vadd.f32 v8, v15;
	v8 =	vor.u32 v11, v1;
	v11 =	vld.idx.msk [tilespmem:v28+s16+$0x0], $0xffff  }
0xa0: {  	v3 =	vld [tilespmem:$0x1FC70];
	_ =	sdelay $0x3  }
0xa1: {  	[tilespmem:$0x1FC90] =	vst v11;
	v11 =	vld [tilespmem:$0x1FF00]  }
0xa2: {  	v3 =	vadd.f32 v3, v14  }
0xa3: {  	v6 =	vadd.f32 v6, v16  }
0xa4: {  	v5 =	vmul.f32 $2.000000030e-01, v3  }
0xa5: {  	v15 =	vld.idx.msk [tilespmem:v7+s15+$0x0], $0xffff;
	[tilespmem:$0x1FC80] =	vst v6  }
0xa6: {  	v6 =	vmul.f32 v4, v11;
	v4 =	vmax.f32 v3, v5;
	v3 =	vadd.f32 v9, v12;
	v9 =	vld.idx.msk [tilespmem:v7+s16+$0x0], $0xffff  }
0xa7: {  	v7 =	vld [tilespmem:$0x1FC80];
	_ =	sdelay $0x4  }
0xa8: {  	v7 =	vadd.f32 v6, v7;
	v6 =	vld [tilespmem:$0x1FF10];
	_ =	sdelay $0x2  }
0xa9: {  	v5 =	vmul.f32 $2.000000030e-01, v2;
	_ =	sdelay $0x1  }
0xaa: {  	v6 =	vmul.f32 v4, v6;
	v4 =	vmax.f32 v2, v5;
	v2 =	vadd.f32 v10, v13;
	v13 =	vld [tilespmem:$0x1FF20];
	_ =	sdelay $0x1  }
0xab: {  	v14 =	vld.idx.msk [tilespmem:v28+s15+$0x0], $0xffff;
	v28 =	vor.u32 v44, v1;
	_ =	sdelay $0x1  }
0xac: {  	v44 =	vld.idx.msk [tilespmem:v40+s15+$0x0], $0xffff;
	v5 =	vmul.f32 $2.000000030e-01, v3  }
0xad: {  	v10 =	vld.idx.msk [tilespmem:v40+s16+$0x0], $0xffff;
	v40 =	vadd.f32 v6, v7;
	v6 =	vmul.f32 v4, v13  }
0xae: {  	v4 =	vmax.f32 v3, v5  }
0xaf: {  	v40 =	vadd.f32 v6, v40;
	v6 =	vmul.f32 v4, v54;
	v4 =	vld.idx.msk [tilespmem:v28+s15+$0x0], $0xffff  }
0xb0: {  	v16 =	vor.u32 v45, v1  }
0xb1: {  	v3 =	vld [tilespmem:$0x1FC90]  }
0xb2: {  	v5 =	vmul.f32 $2.000000030e-01, v2;
	_ =	sdelay $0x1  }
0xb3: {  	[tilespmem:$0x1FCA0] =	vst v4;
	v4 =	vmax.f32 v2, v5  }
0xb4: {  	v40 =	vadd.f32 v6, v40;
	v6 =	vmul.f32 v4, v53;
	v4 =	vld.idx.msk [tilespmem:v16+s15+$0x0], $0xffff  }
0xb5: {  	v7 =	vmov v8;
	v3 =	vadd.f32 v3, v14  }
0xb6: {  	v45 =	vld.idx.msk [tilespmem:v8+s15+$0x0], $0xffff;
	v8 =	vor.u32 v46, v1  }
0xb7: {  	v5 =	vmul.f32 $2.000000030e-01, v3;
	v2 =	vadd.f32 v9, v15;
	_ =	sdelay $0x1  }
0xb8: {  	[tilespmem:$0x1FCB0] =	vst v4;
	v4 =	vmax.f32 v3, v5;
	v5 =	vmul.f32 $2.000000030e-01, v2;
	v3 =	vadd.f32 v10, v44  }
0xb9: {  	v12 =	vld.idx.msk [tilespmem:v7+s16+$0x0], $0xffff;
	v40 =	vadd.f32 v6, v40  }
0xba: {  	v6 =	vmul.f32 v4, v55;
	v4 =	vld.idx.msk [tilespmem:v8+s15+$0x0], $0xffff;
	v2 =	vmax.f32 v2, v5;
	v5 =	vmul.f32 $2.000000030e-01, v3  }
0xbb: {  	v28 =	vld.idx.msk [tilespmem:v28+s16+$0x0], $0xffff  }
0xbc: {  	v14 =	vmul.f32 v2, v52;
	v2 =	vmax.f32 v3, v5;
	v3 =	vld [tilespmem:$0x1FCA0];
	_ =	sdelay $0x2  }
0xbd: {  	[tilespmem:$0x1FCC0] =	vst v4;
	v4 =	vadd.f32 v12, v45;
	_ =	sdelay $0x1  }
0xbe: {  	v7 =	vor.u32 v47, v1;
	v5 =	vmul.f32 $2.000000030e-01, v4;
	v3 =	vadd.f32 v28, v3  }
0xbf: {  	v9 =	vor.u32 v48, v1;
	v16 =	vld.idx.msk [tilespmem:v16+s16+$0x0], $0xffff;
	v10 =	vor.u32 v49, v1;
	v40 =	vadd.f32 v6, v40  }
0xc0: {  	v6 =	vor.u32 v50, v1;
	v1 =	vld [tilespmem:$0x1FCB0];
	v4 =	vmax.f32 v4, v5;
	v5 =	vmul.f32 $2.000000030e-01, v3  }
0xc1: {  	v12 =	vld.idx.msk [tilespmem:v8+s16+$0x0], $0xffff  }
0xc2: {  	v3 =	vmax.f32 v3, v5;
	v5 =	vld [tilespmem:$0x1FCC0]  }
0xc3: {  	v8 =	vld.idx.msk [tilespmem:v7+s15+$0x0], $0xffff  }
0xc4: {  	v40 =	vadd.f32 v14, v40;
	v2 =	vmul.f32 v2, v56;
	v28 =	vld.idx.msk [tilespmem:v7+s16+$0x0], $0xffff  }
0xc5: {  	v1 =	vadd.f32 v16, v1;
	v16 =	vld.idx.msk [tilespmem:v9+s16+$0x0], $0xffff  }
0xc6: {  	v40 =	vadd.f32 v2, v40;
	v7 =	vld.idx.msk [tilespmem:v9+s15+$0x0], $0xffff;
	v4 =	vmul.f32 v4, v57  }
0xc7: {  	v45 =	vld.idx.msk [tilespmem:v10+s16+$0x0], $0xffff;
	v2 =	vmul.f32 $2.000000030e-01, v1;
	v5 =	vadd.f32 v12, v5  }
0xc8: {  	v9 =	vld.idx.msk [tilespmem:v10+s15+$0x0], $0xffff;
	v40 =	vadd.f32 v4, v40;
	v4 =	vmul.f32 v3, v58  }
0xc9: {  	v46 =	vld.idx.msk [tilespmem:v6+s15+$0x0], $0xffff;
	v3 =	vmax.f32 v1, v2;
	v2 =	vadd.f32 v28, v8;
	v1 =	vmul.f32 $2.000000030e-01, v5  }
0xca: {  	v8 =	vld.idx.msk [tilespmem:v6+s16+$0x0], $0xffff;
	v3 =	vmul.f32 v3, v59;
	v6 =	vadd.f32 v4, v40  }
0xcb: {  	v4 =	vmax.f32 v5, v1;
	v5 =	vmul.f32 $2.000000030e-01, v2;
	v1 =	vadd.f32 v16, v7  }
0xcc: {  	v3 =	vadd.f32 v3, v6;
	v4 =	vmul.f32 v4, v60  }
0xcd: {  	v6 =	vadd.f32 v45, v9;
	v2 =	vmax.f32 v2, v5;
	v5 =	vmul.f32 $2.000000030e-01, v1  }
0xce: {  	v3 =	vadd.f32 v4, v3;
	v2 =	vmul.f32 v2, v61  }
0xcf: {  	v4 =	vmul.f32 $2.000000030e-01, v6;
	v1 =	vmax.f32 v1, v5;
	v5 =	vadd.f32 v8, v46  }
0xd0: {  	s30 =	simm.s32 $0x4;
	v2 =	vadd.f32 v2, v3;
	v1 =	vmul.f32 v1, v62  }
0xd1: {  	v3 =	vmov s30;
	v4 =	vmax.f32 v6, v4;
	v6 =	vmul.f32 $2.000000030e-01, v5  }
0xd2: {  	v3 =	vshll.u32 v3, $0x7;
	v4 =	vmul.f32 v4, v63;
	v2 =	vadd.f32 v1, v2  }
0xd3: {  	v1 =	vor.u32 v27, v3;
	v3 =	vmax.f32 v5, v6  }
0xd4: {  	v2 =	vadd.f32 v4, v2;
	v3 =	vmul.f32 v3, v0;
	v4 =	vor.u32 v18, v1;
	_ =	sdelay $0x1  }
0xd5: {  	v2 =	vadd.f32 v3, v2  }
0xd6: {  	s23 =	simm.s32 $0x8180;
	v5 =	vor.u32 v17, v1  }
0xd7: {  	v3 =	vor.u32 v19, v1;
	[tilespmem:s23+$0x0] =	vst v2  }
0xd8: {  	v9 =	vld.idx.msk [tilespmem:v4+s15+$0x0], $0xffff  }
0xd9: {  	v28 =	vld.idx.msk [tilespmem:v4+s16+$0x0], $0xffff;
	v4 =	vor.u32 v21, v1;
	_ =	sdelay $0x1  }
0xda: {  	[tilespmem:$0x1FDF0] =	vst v2;
	v2 =	vor.u32 v20, v1;
	v8 =	vld.idx.msk [tilespmem:v5+s16+$0x0], $0xffff  }
0xdb: {  	v12 =	vld.idx.msk [tilespmem:v3+s15+$0x0], $0xffff  }
0xdc: {  	v6 =	vor.u32 v22, v1;
	v40 =	vld.idx.msk [tilespmem:v3+s16+$0x0], $0xffff  }
0xdd: {  	v3 =	vld.idx.msk [tilespmem:v4+s16+$0x0], $0xffff  }
0xde: {  	v5 =	vld.idx.msk [tilespmem:v5+s15+$0x0], $0xffff  }
0xdf: {  	v7 =	vld.idx.msk [tilespmem:v2+s15+$0x0], $0xffff  }
0xe0: {  	v16 =	vld.idx.msk [tilespmem:v2+s16+$0x0], $0xffff  }
0xe1: {  	v2 =	vadd.f32 v28, v9;
	v28 =	vld.idx.msk [tilespmem:v6+s15+$0x0], $0xffff  }
0xe2: {  	[tilespmem:$0x1FCD0] =	vst v3;
	v3 =	vadd.f32 v40, v12;
	v12 =	vld.idx.msk [tilespmem:v6+s16+$0x0], $0xffff  }
0xe3: {  	v10 =	vor.u32 v23, v1;
	v5 =	vadd.f32 v8, v5;
	v6 =	vld [tilespmem:$0x1FE00];
	_ =	sdelay $0x1  }
0xe4: {  	v14 =	vmul.f32 $2.000000030e-01, v5;
	_ =	sdelay $0x1  }
0xe5: {  	v5 =	vmax.f32 v5, v14  }
0xe6: {  	v6 =	vmul.f32 v5, v6;
	v5 =	vld.idx.msk [tilespmem:v10+s15+$0x0], $0xffff;
	_ =	sdelay $0x2  }
0xe7: {  	v8 =	vld.idx.msk [tilespmem:v4+s15+$0x0], $0xffff;
	v4 =	vmul.f32 $2.000000030e-01, v2;
	_ =	sdelay $0x1  }
0xe8: {  	[tilespmem:$0x1FD00] =	vst v5;
	v5 =	vmax.f32 v2, v4;
	v2 =	vadd.f32 v16, v7;
	v16 =	vld [tilespmem:$0x1FE10];
	_ =	sdelay $0x3  }
0xe9: {  	v9 =	vor.u32 v24, v1  }
0xea: {  	v6 =	vadd.f32 $0.0e+00, v6;
	v5 =	vmul.f32 v5, v16;
	_ =	sdelay $0x1  }
0xeb: {  	v5 =	vadd.f32 v5, v6;
	_ =	sdelay $0x1  }
0xec: {  	[tilespmem:$0x1FCF0] =	vst v5;
	v5 =	vld.idx.msk [tilespmem:v9+s16+$0x0], $0xffff  }
0xed: {  	v4 =	vmul.f32 $2.000000030e-01, v3;
	_ =	sdelay $0x1  }
0xee: {  	v3 =	vmax.f32 v3, v4  }
0xef: {  	[tilespmem:$0x1FCE0] =	vst v3  }
0xf0: {  	[tilespmem:$0x1FD10] =	vst v5;
	v5 =	vld [tilespmem:$0x1FCE0];
	_ =	sdelay $0x1  }
0xf1: {  	v14 =	vld [tilespmem:$0x1FCF0];
	_ =	sdelay $0x1  }
0xf2: {  	v7 =	vor.u32 v26, v1;
	v4 =	vmul.f32 $2.000000030e-01, v2  }
0xf3: {  	v5 =	vmul.f32 v5, v29  }
0xf4: {  	v6 =	vmax.f32 v2, v4  }
0xf5: {  	v6 =	vmul.f32 v6, v30;
	v45 =	vadd.f32 v5, v14  }
0xf6: {  	v3 =	vld [tilespmem:$0x1FCD0]  }
0xf7: {  	v2 =	vadd.f32 v12, v28;
	v12 =	vadd.f32 v6, v45;
	v6 =	vld.idx.msk [tilespmem:v7+s16+$0x0], $0xffff;
	_ =	sdelay $0x2  }
0xf8: {  	v16 =	vld [tilespmem:$0x1FF40];
	_ =	sdelay $0x1  }
0xf9: {  	v3 =	vadd.f32 v3, v8;
	[tilespmem:$0x1FD30] =	vst v6;
	v6 =	vld [tilespmem:$0x1FE40];
	_ =	sdelay $0x1  }
0xfa: {  	v40 =	vor.u32 v25, v1;
	v10 =	vld.idx.msk [tilespmem:v10+s16+$0x0], $0xffff;
	v4 =	vmul.f32 $2.000000030e-01, v3  }
0xfb: {  	v28 =	vld [tilespmem:$0x1FF50];
	v8 =	vor.u32 v16, v1  }
0xfc: {  	v30 =	vld.idx.msk [tilespmem:v7+s15+$0x0], $0xffff;
	v5 =	vmax.f32 v3, v4;
	v7 =	vmov v8  }
0xfd: {  	v3 =	vld [tilespmem:$0x1FD00];
	v5 =	vmul.f32 v5, v6;
	_ =	sdelay $0x1  }
0xfe: {  	v29 =	vld.idx.msk [tilespmem:v40+s15+$0x0], $0xffff;
	v5 =	vadd.f32 v5, v12  }
0xff: {  	v40 =	vld.idx.msk [tilespmem:v40+s16+$0x0], $0xffff  }
0x100: {  	[tilespmem:$0x1FD20] =	vst v5;
	v5 =	vld.idx.msk [tilespmem:v7+s16+$0x0], $0xffff  }
0x101: {  	v46 =	vld.idx.msk [tilespmem:v9+s15+$0x0], $0xffff;
	v9 =	vor.u32 v28, v1;
	v4 =	vmul.f32 $2.000000030e-01, v2;
	v3 =	vadd.f32 v10, v3  }
0x102: {  	v7 =	vmov v9  }
0x103: {  	v6 =	vmax.f32 v2, v4;
	v4 =	vmul.f32 $2.000000030e-01, v3  }
0x104: {  	v2 =	vld [tilespmem:$0x1FD10]  }
0x105: {  	[tilespmem:$0x1FD40] =	vst v5;
	v5 =	vmax.f32 v3, v4;
	v3 =	vadd.f32 v40, v29;
	v29 =	vld [tilespmem:$0x1FD20]  }
0x106: {  	v10 =	vor.u32 v31, v1  }
0x107: {  	v45 =	vld.idx.msk [tilespmem:v7+s16+$0x0], $0xffff;
	v7 =	vmov v10  }
0x108: {  	v6 =	vmul.f32 v6, v32;
	_ =	sdelay $0x1  }
0x109: {  	v2 =	vadd.f32 v2, v46;
	v5 =	vmul.f32 v5, v41;
	v32 =	vadd.f32 v6, v29  }
0x10a: {  	v12 =	vld [tilespmem:$0x1FF60]  }
0x10b: {  	v4 =	vmul.f32 $2.000000030e-01, v2;
	v32 =	vadd.f32 v5, v32;
	v5 =	vld.idx.msk [tilespmem:v7+s16+$0x0], $0xffff;
	_ =	sdelay $0x1  }
0x10c: {  	v6 =	vmax.f32 v2, v4;
	v2 =	vld [tilespmem:$0x1FD30]  }
0x10d: {  	v8 =	vld.idx.msk [tilespmem:v8+s15+$0x0], $0xffff;
	v4 =	vmul.f32 $2.000000030e-01, v3;
	v6 =	vmul.f32 v6, v34  }
0x10e: {  	v41 =	vld [tilespmem:$0x1FF70]  }
0x10f: {  	v14 =	vor.u32 v12, v1;
	v6 =	vadd.f32 v6, v32;
	[tilespmem:$0x1FD60] =	vst v5;
	v5 =	vmax.f32 v3, v4;
	v3 =	vld [tilespmem:$0x1FD40];
	_ =	sdelay $0x1  }
0x110: {  	v9 =	vld.idx.msk [tilespmem:v9+s15+$0x0], $0xffff;
	v29 =	vor.u32 v33, v1;
	v2 =	vadd.f32 v2, v30;
	[tilespmem:$0x1FD50] =	vst v6  }
0x111: {  	v46 =	vld [tilespmem:$0x1FD50]  }
0x112: {  	v10 =	vld.idx.msk [tilespmem:v10+s15+$0x0], $0xffff;
	v4 =	vmul.f32 $2.000000030e-01, v2  }
0x113: {  	v34 =	vld.idx.msk [tilespmem:v14+s16+$0x0], $0xffff;
	v30 =	vor.u32 v41, v1;
	v3 =	vadd.f32 v3, v8  }
0x114: {  	v7 =	vld.idx.msk [tilespmem:v14+s15+$0x0], $0xffff;
	v5 =	vmul.f32 v5, v42;
	v6 =	vmax.f32 v2, v4  }
0x115: {  	v32 =	vld.idx.msk [tilespmem:v29+s15+$0x0], $0xffff;
	v2 =	vadd.f32 v45, v9;
	v8 =	vor.u32 v35, v1;
	v4 =	vmul.f32 $2.000000030e-01, v3  }
0x116: {  	v40 =	vld.idx.msk [tilespmem:v29+s16+$0x0], $0xffff;
	v6 =	vmul.f32 v6, v36;
	v14 =	vadd.f32 v5, v46  }
0x117: {  	v5 =	vmax.f32 v3, v4;
	v3 =	vld [tilespmem:$0x1FD60];
	v4 =	vmul.f32 $2.000000030e-01, v2  }
0x118: {  	v29 =	vld.idx.msk [tilespmem:v30+s15+$0x0], $0xffff;
	v36 =	vadd.f32 v6, v14;
	v5 =	vmul.f32 v5, v43  }
0x119: {  	v46 =	vld.idx.msk [tilespmem:v30+s16+$0x0], $0xffff;
	v6 =	vmax.f32 v2, v4  }
0x11a: {  	v30 =	vld.idx.msk [tilespmem:v8+s15+$0x0], $0xffff;
	v43 =	vadd.f32 v5, v36;
	v6 =	vmul.f32 v6, v51  }
0x11b: {  	v2 =	vadd.f32 v34, v7;
	v7 =	vld.idx.msk [tilespmem:v8+s16+$0x0], $0xffff  }
0x11c: {  	v3 =	vadd.f32 v3, v10;
	v8 =	vadd.f32 v6, v43;
	v6 =	vld [tilespmem:$0x1FEC0];
	_ =	sdelay $0x1  }
0x11d: {  	v4 =	vmul.f32 $2.000000030e-01, v3;
	_ =	sdelay $0x1  }
0x11e: {  	v5 =	vmax.f32 v3, v4  }
0x11f: {  	v5 =	vmul.f32 v5, v6;
	_ =	sdelay $0x1  }
0x120: {  	v8 =	vadd.f32 v5, v8;
	v5 =	vld [tilespmem:$0x1FED0];
	_ =	sdelay $0x1  }
0x121: {  	v4 =	vmul.f32 $2.000000030e-01, v2;
	_ =	sdelay $0x1  }
0x122: {  	v6 =	vmax.f32 v2, v4  }
0x123: {  	v6 =	vmul.f32 v6, v5  }
0x124: {  	v42 =	vld [tilespmem:$0x1FF80]  }
0x125: {  	v3 =	vadd.f32 v40, v32;
	v45 =	vadd.f32 v6, v8;
	v6 =	vld [tilespmem:$0x1FEE0];
	_ =	sdelay $0x1  }
0x126: {  	v32 =	vor.u32 v39, v1;
	v4 =	vmul.f32 $2.000000030e-01, v3;
	_ =	sdelay $0x1  }
0x127: {  	v5 =	vmax.f32 v3, v4  }
0x128: {  	v9 =	vor.u32 v42, v1;
	v5 =	vmul.f32 v5, v6;
	_ =	sdelay $0x1  }
0x129: {  	v51 =	vadd.f32 v5, v45;
	v5 =	vld.idx.msk [tilespmem:v32+s16+$0x0], $0xffff  }
0x12a: {  	v10 =	vor.u32 v37, v1;
	_ =	sdelay $0x1  }
0x12b: {  	v34 =	vor.u32 v38, v1;
	v14 =	vld.idx.msk [tilespmem:v9+s15+$0x0], $0xffff  }
0x12c: {  	v9 =	vld.idx.msk [tilespmem:v9+s16+$0x0], $0xffff  }
0x12d: {  	v2 =	vadd.f32 v46, v29;
	[tilespmem:$0x1FD80] =	vst v5;
	v5 =	vld [tilespmem:$0x1FEF0]  }
0x12e: {  	v43 =	vld.idx.msk [tilespmem:v10+s15+$0x0], $0xffff  }
0x12f: {  	v46 =	vld.idx.msk [tilespmem:v10+s16+$0x0], $0xffff;
	v4 =	vmul.f32 $2.000000030e-01, v2  }
0x130: {  	v10 =	vld.idx.msk [tilespmem:v34+s15+$0x0], $0xffff  }
0x131: {  	v3 =	vadd.f32 v7, v30;
	v7 =	vld.idx.msk [tilespmem:v34+s16+$0x0], $0xffff;
	v6 =	vmax.f32 v2, v4  }
0x132: {  	v8 =	vld [tilespmem:$0x1FFA0];
	v6 =	vmul.f32 v6, v5  }
0x133: {  	v2 =	vadd.f32 v9, v14;
	v4 =	vmul.f32 $2.000000030e-01, v3  }
0x134: {  	v6 =	vadd.f32 v6, v51  }
0x135: {  	v5 =	vmax.f32 v3, v4;
	v4 =	vmul.f32 $2.000000030e-01, v2  }
0x136: {  	[tilespmem:$0x1FD70] =	vst v6  }
0x137: {  	v30 =	vor.u32 v8, v1;
	v6 =	vmax.f32 v2, v4;
	v2 =	vadd.f32 v7, v10;
	v7 =	vld [tilespmem:$0x1FD70];
	_ =	sdelay $0x2  }
0x138: {  	v5 =	vmul.f32 v5, v11  }
0x139: {  	v40 =	vld [tilespmem:$0x1FF90]  }
0x13a: {  	v11 =	vadd.f32 v5, v7;
	v5 =	vld.idx.msk [tilespmem:v30+s16+$0x0], $0xffff;
	_ =	sdelay $0x3  }
0x13b: {  	v29 =	vor.u32 v40, v1  }
0x13c: {  	[tilespmem:$0x1FDA0] =	vst v5;
	v5 =	vld [tilespmem:$0x1FF10];
	_ =	sdelay $0x2  }
0x13d: {  	v34 =	vld.idx.msk [tilespmem:v32+s15+$0x0], $0xffff  }
0x13e: {  	v32 =	vld.idx.msk [tilespmem:v29+s15+$0x0], $0xffff;
	v3 =	vadd.f32 v46, v43  }
0x13f: {  	v46 =	vld.idx.msk [tilespmem:v29+s16+$0x0], $0xffff;
	v6 =	vmul.f32 v6, v5  }
0x140: {  	v4 =	vmul.f32 $2.000000030e-01, v3  }
0x141: {  	v6 =	vadd.f32 v6, v11  }
0x142: {  	v5 =	vmax.f32 v3, v4;
	v3 =	vld [tilespmem:$0x1FD80];
	v4 =	vmul.f32 $2.000000030e-01, v2  }
0x143: {  	[tilespmem:$0x1FD90] =	vst v6  }
0x144: {  	v6 =	vmax.f32 v2, v4;
	v2 =	vadd.f32 v46, v32;
	v46 =	vld [tilespmem:$0x1FD90];
	_ =	sdelay $0x2  }
0x145: {  	v5 =	vmul.f32 v5, v13;
	v3 =	vadd.f32 v3, v34  }
0x146: {  	v9 =	vld [tilespmem:$0x1FFB0]  }
0x147: {  	v29 =	vld.idx.msk [tilespmem:v30+s15+$0x0], $0xffff;
	v4 =	vmul.f32 $2.000000030e-01, v3;
	v5 =	vadd.f32 v5, v46  }
0x148: {  	v10 =	vld [tilespmem:$0x1FFD0]  }
0x149: {  	[tilespmem:$0x1FDB0] =	vst v5;
	v5 =	vmax.f32 v3, v4;
	v3 =	vld [tilespmem:$0x1FDA0];
	_ =	sdelay $0x2  }
0x14a: {  	v14 =	vor.u32 v9, v1  }
0x14b: {  	v43 =	vld [tilespmem:$0x1FFC0]  }
0x14c: {  	v7 =	vor.u32 v10, v1;
	v3 =	vadd.f32 v3, v29;
	v29 =	vld [tilespmem:$0x1FDB0];
	_ =	sdelay $0x1  }
0x14d: {  	v45 =	vld [tilespmem:$0x1FFE0]  }
0x14e: {  	v36 =	vld.idx.msk [tilespmem:v14+s16+$0x0], $0xffff;
	v6 =	vmul.f32 v6, v54  }
0x14f: {  	v30 =	vld.idx.msk [tilespmem:v14+s15+$0x0], $0xffff  }
0x150: {  	v51 =	vor.u32 v43, v1;
	v11 =	vld.idx.msk [tilespmem:v7+s15+$0x0], $0xffff;
	v6 =	vadd.f32 v6, v29  }
0x151: {  	v46 =	vld [tilespmem:$0x1FFF0]  }
0x152: {  	[tilespmem:$0x1FDC0] =	vst v6;
	v6 =	vld.idx.msk [tilespmem:v7+s16+$0x0], $0xffff  }
0x153: {  	v7 =	vld [tilespmem:$0x1FDC0];
	_ =	sdelay $0x1  }
0x154: {  	v13 =	vld.idx.msk [tilespmem:v51+s15+$0x0], $0xffff;
	v4 =	vmul.f32 $2.000000030e-01, v2  }
0x155: {  	v51 =	vld.idx.msk [tilespmem:v51+s16+$0x0], $0xffff;
	v34 =	vor.u32 v45, v1;
	v5 =	vmul.f32 v5, v53  }
0x156: {  	[tilespmem:$0x1FDD0] =	vst v6;
	v6 =	vmax.f32 v2, v4;
	v4 =	vadd.f32 v36, v30;
	v2 =	vmul.f32 $2.000000030e-01, v3  }
0x157: {  	v32 =	vor.u32 v46, v1;
	v7 =	vadd.f32 v5, v7  }
0x158: {  	v6 =	vmul.f32 v6, v55;
	v5 =	vmax.f32 v3, v2;
	v3 =	vmul.f32 $2.000000030e-01, v4  }
0x159: {  	v29 =	vor.u32 v47, v1  }
0x15a: {  	v2 =	vadd.f32 v51, v13;
	v51 =	vadd.f32 v6, v7;
	v6 =	vmax.f32 v4, v3;
	v3 =	vld [tilespmem:$0x1FDD0]  }
0x15b: {  	v15 =	vld.idx.msk [tilespmem:v34+s15+$0x0], $0xffff  }
0x15c: {  	v30 =	vor.u32 v48, v1;
	v36 =	vld.idx.msk [tilespmem:v34+s16+$0x0], $0xffff  }
0x15d: {  	v34 =	vld.idx.msk [tilespmem:v32+s15+$0x0], $0xffff  }
0x15e: {  	v32 =	vld.idx.msk [tilespmem:v32+s16+$0x0], $0xffff;
	v5 =	vmul.f32 v5, v52  }
0x15f: {  	v13 =	vld.idx.msk [tilespmem:v29+s15+$0x0], $0xffff;
	v4 =	vmul.f32 $2.000000030e-01, v2;
	v3 =	vadd.f32 v3, v11  }
0x160: {  	v29 =	vld.idx.msk [tilespmem:v29+s16+$0x0], $0xffff;
	v7 =	vor.u32 v49, v1;
	v5 =	vadd.f32 v5, v51;
	v6 =	vmul.f32 v6, v56  }
0x161: {  	v51 =	vld.idx.msk [tilespmem:v30+s15+$0x0], $0xffff;
	v11 =	vmax.f32 v2, v4;
	v2 =	vadd.f32 v36, v15;
	v4 =	vmul.f32 $2.000000030e-01, v3  }
0x162: {  	v30 =	vld.idx.msk [tilespmem:v30+s16+$0x0], $0xffff;
	v15 =	vadd.f32 v6, v5;
	v5 =	vor.u32 v50, v1;
	v1 =	vmul.f32 v11, v57  }
0x163: {  	v6 =	vmax.f32 v3, v4;
	v4 =	vadd.f32 v32, v34;
	v3 =	vmul.f32 $2.000000030e-01, v2  }
0x164: {  	v11 =	vadd.f32 v1, v15;
	v6 =	vmul.f32 v6, v58  }
0x165: {  	v3 =	vmax.f32 v2, v3;
	v2 =	vadd.f32 v29, v13;
	v1 =	vmul.f32 $2.000000030e-01, v4  }
0x166: {  	v44 =	vmov v38;
	v36 =	vld.idx.msk [tilespmem:v7+s16+$0x0], $0xffff;
	v38 =	vadd.f32 v6, v11;
	v6 =	vmul.f32 v3, v59  }
0x167: {  	v15 =	vld.idx.msk [tilespmem:v7+s15+$0x0], $0xffff;
	v4 =	vmax.f32 v4, v1;
	v1 =	vadd.f32 v30, v51;
	v3 =	vmul.f32 $2.000000030e-01, v2  }
0x168: {  	v7 =	vld.idx.msk [tilespmem:v5+s15+$0x0], $0xffff  }
0x169: {  	v51 =	vld.idx.msk [tilespmem:v5+s16+$0x0], $0xffff;
	v5 =	vmax.f32 v2, v3;
	v3 =	vmul.f32 $2.000000030e-01, v1  }
0x16a: {  	v6 =	vadd.f32 v6, v38;
	v4 =	vmul.f32 v4, v60  }
0x16b: {  	v1 =	vmax.f32 v1, v3;
	v3 =	vld [tilespmem:$0x1FDF0]  }
0x16c: {  	v4 =	vadd.f32 v4, v6;
	v6 =	vmul.f32 v1, v62;
	v1 =	vld [tilespmem:$0x1FDE0];
	_ =	sdelay $0x1  }
0x16d: {  	v2 =	vadd.f32 v36, v15;
	v5 =	vmul.f32 v5, v61;
	_ =	sdelay $0x1  }
0x16e: {  	v32 =	vmovc v12;
	v34 =	vmov v41;
	v4 =	vadd.f32 v5, v4;
	v5 =	vmul.f32 $2.000000030e-01, v2  }
0x16f: {  	s31 =	simm.s32 $0x8;
	v41 =	vmovc v8;
	v29 =	vmovc v16;
	v30 =	vmov v28;
	v1 =	vmax.f32 v1, v3;
	v3 =	vadd.f32 v51, v7  }
0x170: {  	v36 =	vmovc v42;
	v42 =	vmovc v9;
	v4 =	vadd.f32 v6, v4;
	v7 =	vmax.f32 v2, v5;
	v2 =	vmov s31  }
0x171: {  	s24 =	simm.s32 $0xC;
	v38 =	vmovc v44;
	v44 =	vmovc v10;
	v2 =	vshll.u32 v2, $0x7;
	v6 =	vmul.f32 v7, v63;
	v5 =	vmul.f32 $2.000000030e-01, v3  }
.LBB2_3:
0x172: {  	_ = 	snop  }
0x173: {  	v2 =	vor.u32 v27, v2;
	v3 =	vmax.f32 v3, v5  }
0x174: {  	v5 =	vor.u32 v17, v2;
	v4 =	vadd.f32 v6, v4;
	v3 =	vmul.f32 v3, v0;
	_ =	sdelay $0x1  }
0x175: {  	v3 =	vadd.f32 v3, v4  }
0x176: {  	s23 =	sadd.s32 $0x10, s23;
	v6 =	vor.u32 v18, v2  }
0x177: {  	[tilespmem:s23+$0x0] =	vst v3  }
0x178: {  	v7 =	vor.u32 v20, v2;
	v1 =	vmax.f32 v1, v3;
	v3 =	vld.idx.msk [tilespmem:v5+s16+$0x0], $0xffff  }
0x179: {  	v5 =	vld.idx.msk [tilespmem:v5+s15+$0x0], $0xffff;
	_ =	sdelay $0x1  }
0x17a: {  	v8 =	vld.idx.msk [tilespmem:v6+s15+$0x0], $0xffff  }
0x17b: {  	v6 =	vld.idx.msk [tilespmem:v6+s16+$0x0], $0xffff  }
0x17c: {  	v12 =	vld.idx.msk [tilespmem:v7+s15+$0x0], $0xffff  }
0x17d: {  	v3 =	vadd.f32 v3, v5;
	v5 =	vld.idx.msk [tilespmem:v7+s16+$0x0], $0xffff  }
0x17e: {  	v4 =	vor.u32 v19, v2;
	_ =	sdelay $0x1  }
0x17f: {  	v51 =	vld [tilespmem:$0x1FE00];
	_ =	sdelay $0x1  }
0x180: {  	v6 =	vadd.f32 v6, v8;
	v14 =	vmul.f32 $2.000000030e-01, v3;
	v5 =	vadd.f32 v5, v12;
	v12 =	vld [tilespmem:$0x1FE10]  }
0x181: {  	v10 =	vld.idx.msk [tilespmem:v4+s15+$0x0], $0xffff  }
0x182: {  	v4 =	vld.idx.msk [tilespmem:v4+s16+$0x0], $0xffff;
	v3 =	vmax.f32 v3, v14;
	v14 =	vmul.f32 $2.000000030e-01, v6  }
0x183: {  	v3 =	vmul.f32 v3, v51  }
0x184: {  	v6 =	vmax.f32 v6, v14  }
0x185: {  	v3 =	vadd.f32 $0.0e+00, v3;
	v6 =	vmul.f32 v6, v12;
	_ =	sdelay $0x1  }
0x186: {  	v4 =	vadd.f32 v4, v10;
	v3 =	vadd.f32 v6, v3;
	v6 =	vld [tilespmem:$0x1FE20];
	_ =	sdelay $0x1  }
0x187: {  	v14 =	vmul.f32 $2.000000030e-01, v4  }
0x188: {  	v9 =	vor.u32 v21, v2  }
0x189: {  	v4 =	vmax.f32 v4, v14  }
0x18a: {  	v4 =	vmul.f32 v4, v6;
	_ =	sdelay $0x1  }
0x18b: {  	v3 =	vadd.f32 v4, v3;
	v4 =	vld [tilespmem:$0x1FE30]  }
0x18c: {  	v13 =	vld.idx.msk [tilespmem:v9+s15+$0x0], $0xffff  }
0x18d: {  	v8 =	vld.idx.msk [tilespmem:v9+s16+$0x0], $0xffff;
	v14 =	vmul.f32 $2.000000030e-01, v5  }
0x18e: {  	v11 =	vor.u32 v22, v2  }
0x18f: {  	v5 =	vmax.f32 v5, v14  }
0x190: {  	v4 =	vmul.f32 v5, v4;
	_ =	sdelay $0x1  }
0x191: {  	v8 =	vadd.f32 v8, v13;
	v3 =	vadd.f32 v4, v3;
	v4 =	vld [tilespmem:$0x1FE40]  }
0x192: {  	v15 =	vld.idx.msk [tilespmem:v11+s15+$0x0], $0xffff  }
0x193: {  	v10 =	vld.idx.msk [tilespmem:v11+s16+$0x0], $0xffff;
	v14 =	vmul.f32 $2.000000030e-01, v8  }
0x194: {  	v7 =	vor.u32 v23, v2  }
0x195: {  	v8 =	vmax.f32 v8, v14  }
0x196: {  	v4 =	vmul.f32 v8, v4;
	_ =	sdelay $0x1  }
0x197: {  	v10 =	vadd.f32 v10, v15;
	v3 =	vadd.f32 v4, v3;
	v4 =	vld [tilespmem:$0x1FE50]  }
0x198: {  	v11 =	vld.idx.msk [tilespmem:v7+s15+$0x0], $0xffff  }
0x199: {  	v7 =	vld.idx.msk [tilespmem:v7+s16+$0x0], $0xffff;
	v14 =	vmul.f32 $2.000000030e-01, v10  }
0x19a: {  	v9 =	vor.u32 v24, v2  }
0x19b: {  	v10 =	vmax.f32 v10, v14  }
0x19c: {  	v4 =	vmul.f32 v10, v4;
	_ =	sdelay $0x1  }
0x19d: {  	v7 =	vadd.f32 v7, v11;
	v3 =	vadd.f32 v4, v3;
	v4 =	vld [tilespmem:$0x1FE60]  }
0x19e: {  	v12 =	vld.idx.msk [tilespmem:v9+s15+$0x0], $0xffff  }
0x19f: {  	v9 =	vld.idx.msk [tilespmem:v9+s16+$0x0], $0xffff;
	v14 =	vmul.f32 $2.000000030e-01, v7  }
0x1a0: {  	v16 =	vor.u32 v25, v2  }
0x1a1: {  	v7 =	vmax.f32 v7, v14  }
0x1a2: {  	v4 =	vmul.f32 v7, v4;
	_ =	sdelay $0x1  }
0x1a3: {  	v9 =	vadd.f32 v9, v12;
	v3 =	vadd.f32 v4, v3;
	v4 =	vld [tilespmem:$0x1FE70]  }
0x1a4: {  	v15 =	vld.idx.msk [tilespmem:v16+s16+$0x0], $0xffff  }
0x1a5: {  	v51 =	vmov v27;
	v27 =	vmov v25;
	v6 =	vld.idx.msk [tilespmem:v16+s15+$0x0], $0xffff;
	v14 =	vmul.f32 $2.000000030e-01, v9  }
0x1a6: {  	v25 =	vmovc v23;
	v23 =	vmovc v21;
	v21 =	vmov v19;
	v19 =	vmov v17;
	v17 =	vor.u32 v26, v2  }
0x1a7: {  	v9 =	vmax.f32 v9, v14  }
0x1a8: {  	v4 =	vmul.f32 v9, v4;
	_ =	sdelay $0x1  }
0x1a9: {  	v6 =	vadd.f32 v15, v6;
	v3 =	vadd.f32 v4, v3;
	v4 =	vld [tilespmem:$0x1FE80]  }
0x1aa: {  	v11 =	vld.idx.msk [tilespmem:v17+s16+$0x0], $0xffff  }
0x1ab: {  	v28 =	vmov v26;
	v5 =	vld.idx.msk [tilespmem:v17+s15+$0x0], $0xffff;
	v14 =	vmul.f32 $2.000000030e-01, v6  }
0x1ac: {  	v26 =	vmovc v24;
	v24 =	vmovc v22;
	v22 =	vmov v20;
	v20 =	vmov v18;
	v18 =	vor.u32 v29, v2  }
0x1ad: {  	v6 =	vmax.f32 v6, v14  }
0x1ae: {  	v4 =	vmul.f32 v6, v4;
	_ =	sdelay $0x1  }
0x1af: {  	v5 =	vadd.f32 v11, v5;
	v3 =	vadd.f32 v4, v3;
	v4 =	vld [tilespmem:$0x1FE90]  }
0x1b0: {  	v12 =	vld.idx.msk [tilespmem:v18+s16+$0x0], $0xffff  }
0x1b1: {  	v8 =	vld.idx.msk [tilespmem:v18+s15+$0x0], $0xffff;
	v14 =	vmul.f32 $2.000000030e-01, v5  }
0x1b2: {  	v13 =	vor.u32 v30, v2  }
0x1b3: {  	v5 =	vmax.f32 v5, v14  }
0x1b4: {  	v4 =	vmul.f32 v5, v4;
	_ =	sdelay $0x1  }
0x1b5: {  	v8 =	vadd.f32 v12, v8;
	v3 =	vadd.f32 v4, v3;
	v4 =	vld [tilespmem:$0x1FEA0]  }
0x1b6: {  	v10 =	vld.idx.msk [tilespmem:v13+s15+$0x0], $0xffff  }
0x1b7: {  	v13 =	vld.idx.msk [tilespmem:v13+s16+$0x0], $0xffff;
	v14 =	vmul.f32 $2.000000030e-01, v8  }
0x1b8: {  	v16 =	vor.u32 v31, v2  }
0x1b9: {  	v8 =	vmax.f32 v8, v14  }
0x1ba: {  	v4 =	vmul.f32 v8, v4;
	_ =	sdelay $0x1  }
0x1bb: {  	v10 =	vadd.f32 v13, v10;
	v3 =	vadd.f32 v4, v3;
	v4 =	vld [tilespmem:$0x1FEB0]  }
0x1bc: {  	v11 =	vld.idx.msk [tilespmem:v16+s16+$0x0], $0xffff  }
0x1bd: {  	v7 =	vld.idx.msk [tilespmem:v16+s15+$0x0], $0xffff;
	v14 =	vmul.f32 $2.000000030e-01, v10  }
0x1be: {  	v17 =	vor.u32 v32, v2  }
0x1bf: {  	v10 =	vmax.f32 v10, v14  }
0x1c0: {  	v4 =	vmul.f32 v10, v4;
	_ =	sdelay $0x1  }
0x1c1: {  	v7 =	vadd.f32 v11, v7;
	v3 =	vadd.f32 v4, v3;
	v4 =	vld [tilespmem:$0x1FEC0]  }
0x1c2: {  	v12 =	vld.idx.msk [tilespmem:v17+s16+$0x0], $0xffff  }
0x1c3: {  	v9 =	vld.idx.msk [tilespmem:v17+s15+$0x0], $0xffff;
	v14 =	vmul.f32 $2.000000030e-01, v7  }
0x1c4: {  	v18 =	vor.u32 v33, v2  }
0x1c5: {  	v7 =	vmax.f32 v7, v14  }
0x1c6: {  	v4 =	vmul.f32 v7, v4;
	_ =	sdelay $0x1  }
0x1c7: {  	v9 =	vadd.f32 v12, v9;
	v3 =	vadd.f32 v4, v3;
	v4 =	vld [tilespmem:$0x1FED0]  }
0x1c8: {  	v13 =	vld.idx.msk [tilespmem:v18+s16+$0x0], $0xffff  }
0x1c9: {  	v6 =	vld.idx.msk [tilespmem:v18+s15+$0x0], $0xffff;
	v14 =	vmul.f32 $2.000000030e-01, v9  }
0x1ca: {  	v15 =	vor.u32 v34, v2  }
0x1cb: {  	v9 =	vmax.f32 v9, v14  }
0x1cc: {  	v4 =	vmul.f32 v9, v4;
	_ =	sdelay $0x1  }
0x1cd: {  	v6 =	vadd.f32 v13, v6;
	v3 =	vadd.f32 v4, v3;
	v4 =	vld [tilespmem:$0x1FEE0]  }
0x1ce: {  	v11 =	vld.idx.msk [tilespmem:v15+s16+$0x0], $0xffff  }
0x1cf: {  	v5 =	vld.idx.msk [tilespmem:v15+s15+$0x0], $0xffff;
	v14 =	vmul.f32 $2.000000030e-01, v6  }
0x1d0: {  	v16 =	vor.u32 v35, v2  }
0x1d1: {  	v6 =	vmax.f32 v6, v14  }
0x1d2: {  	v4 =	vmul.f32 v6, v4;
	_ =	sdelay $0x1  }
0x1d3: {  	v5 =	vadd.f32 v11, v5;
	v3 =	vadd.f32 v4, v3;
	v4 =	vld [tilespmem:$0x1FEF0]  }
0x1d4: {  	v12 =	vld.idx.msk [tilespmem:v16+s16+$0x0], $0xffff  }
0x1d5: {  	v8 =	vld.idx.msk [tilespmem:v16+s15+$0x0], $0xffff;
	v14 =	vmul.f32 $2.000000030e-01, v5  }
0x1d6: {  	v17 =	vor.u32 v36, v2  }
0x1d7: {  	v5 =	vmax.f32 v5, v14  }
0x1d8: {  	v4 =	vmul.f32 v5, v4;
	_ =	sdelay $0x1  }
0x1d9: {  	v18 =	vor.u32 v37, v2;
	v8 =	vadd.f32 v12, v8;
	v3 =	vadd.f32 v4, v3;
	v4 =	vld [tilespmem:$0x1FF00]  }
0x1da: {  	v13 =	vld.idx.msk [tilespmem:v17+s16+$0x0], $0xffff  }
0x1db: {  	v10 =	vld.idx.msk [tilespmem:v17+s15+$0x0], $0xffff;
	v14 =	vmul.f32 $2.000000030e-01, v8  }
0x1dc: {  	v15 =	vor.u32 v38, v2  }
0x1dd: {  	v16 =	vor.u32 v39, v2;
	v8 =	vmax.f32 v8, v14  }
0x1de: {  	v11 =	vld.idx.msk [tilespmem:v18+s16+$0x0], $0xffff;
	v4 =	vmul.f32 v8, v4  }
0x1df: {  	v17 =	vor.u32 v40, v2;
	v7 =	vld.idx.msk [tilespmem:v18+s15+$0x0], $0xffff  }
0x1e0: {  	v10 =	vadd.f32 v13, v10;
	v3 =	vadd.f32 v4, v3;
	v4 =	vld [tilespmem:$0x1FF10]  }
0x1e1: {  	v12 =	vld.idx.msk [tilespmem:v15+s16+$0x0], $0xffff  }
0x1e2: {  	v13 =	vld.idx.msk [tilespmem:v16+s16+$0x0], $0xffff;
	v14 =	vmul.f32 $2.000000030e-01, v10  }
0x1e3: {  	v18 =	vor.u32 v41, v2;
	v9 =	vld.idx.msk [tilespmem:v15+s15+$0x0], $0xffff  }
0x1e4: {  	v10 =	vmax.f32 v10, v14;
	v7 =	vadd.f32 v11, v7;
	v11 =	vld.idx.msk [tilespmem:v17+s16+$0x0], $0xffff  }
0x1e5: {  	v15 =	vor.u32 v42, v2;
	v6 =	vld.idx.msk [tilespmem:v16+s15+$0x0], $0xffff;
	v4 =	vmul.f32 v10, v4  }
0x1e6: {  	v5 =	vld.idx.msk [tilespmem:v17+s15+$0x0], $0xffff  }
0x1e7: {  	v16 =	vor.u32 v43, v2;
	v3 =	vadd.f32 v4, v3;
	v4 =	vld [tilespmem:$0x1FF20]  }
0x1e8: {  	v9 =	vadd.f32 v12, v9;
	v12 =	vld.idx.msk [tilespmem:v18+s16+$0x0], $0xffff  }
0x1e9: {  	v14 =	vmul.f32 $2.000000030e-01, v7;
	v17 =	vor.u32 v44, v2;
	v8 =	vld.idx.msk [tilespmem:v18+s15+$0x0], $0xffff  }
0x1ea: {  	v6 =	vadd.f32 v13, v6;
	v13 =	vld.idx.msk [tilespmem:v15+s16+$0x0], $0xffff  }
0x1eb: {  	v7 =	vmax.f32 v7, v14;
	v14 =	vmul.f32 $2.000000030e-01, v9;
	v18 =	vor.u32 v45, v2;
	v10 =	vld.idx.msk [tilespmem:v15+s15+$0x0], $0xffff  }
0x1ec: {  	v5 =	vadd.f32 v11, v5;
	v11 =	vld.idx.msk [tilespmem:v16+s16+$0x0], $0xffff;
	v4 =	vmul.f32 v7, v4  }
0x1ed: {  	v9 =	vmax.f32 v9, v14;
	v14 =	vmul.f32 $2.000000030e-01, v6;
	v15 =	vor.u32 v46, v2;
	v7 =	vld.idx.msk [tilespmem:v16+s15+$0x0], $0xffff  }
0x1ee: {  	v8 =	vadd.f32 v12, v8;
	v12 =	vld.idx.msk [tilespmem:v17+s16+$0x0], $0xffff;
	v3 =	vadd.f32 v4, v3;
	v4 =	vmul.f32 v9, v54  }
0x1ef: {  	v6 =	vmax.f32 v6, v14;
	v14 =	vmul.f32 $2.000000030e-01, v5;
	v16 =	vor.u32 v47, v2;
	v9 =	vld.idx.msk [tilespmem:v17+s15+$0x0], $0xffff  }
0x1f0: {  	v10 =	vadd.f32 v13, v10;
	v13 =	vld.idx.msk [tilespmem:v18+s16+$0x0], $0xffff;
	v3 =	vadd.f32 v4, v3;
	v4 =	vmul.f32 v6, v53  }
0x1f1: {  	v5 =	vmax.f32 v5, v14;
	v14 =	vmul.f32 $2.000000030e-01, v8;
	v17 =	vor.u32 v48, v2;
	v6 =	vld.idx.msk [tilespmem:v18+s15+$0x0], $0xffff  }
0x1f2: {  	v7 =	vadd.f32 v11, v7;
	v11 =	vld.idx.msk [tilespmem:v15+s16+$0x0], $0xffff;
	v3 =	vadd.f32 v4, v3;
	v4 =	vmul.f32 v5, v55  }
0x1f3: {  	v8 =	vmax.f32 v8, v14;
	v14 =	vmul.f32 $2.000000030e-01, v10;
	v18 =	vor.u32 v49, v2;
	v5 =	vld.idx.msk [tilespmem:v15+s15+$0x0], $0xffff  }
0x1f4: {  	v9 =	vadd.f32 v12, v9;
	v12 =	vld.idx.msk [tilespmem:v16+s16+$0x0], $0xffff;
	v3 =	vadd.f32 v4, v3;
	v4 =	vmul.f32 v8, v52  }
0x1f5: {  	v10 =	vmax.f32 v10, v14;
	v2 =	vor.u32 v50, v2;
	v14 =	vmul.f32 $2.000000030e-01, v7;
	v8 =	vld.idx.msk [tilespmem:v16+s15+$0x0], $0xffff  }
0x1f6: {  	v6 =	vadd.f32 v13, v6;
	v13 =	vld.idx.msk [tilespmem:v17+s16+$0x0], $0xffff;
	v3 =	vadd.f32 v4, v3;
	v4 =	vmul.f32 v10, v56  }
0x1f7: {  	v7 =	vmax.f32 v7, v14;
	v14 =	vmul.f32 $2.000000030e-01, v9;
	v10 =	vld.idx.msk [tilespmem:v17+s15+$0x0], $0xffff;
	v17 =	vmovc v19;
	v19 =	vmov v21  }
0x1f8: {  	v21 =	vmovc v23;
	v23 =	vmovc v25;
	v25 =	vmov v27;
	v3 =	vadd.f32 v4, v3;
	v4 =	vmul.f32 v7, v57  }
0x1f9: {  	v27 =	vmovc v51;
	v9 =	vmax.f32 v9, v14;
	v51 =	vmul.f32 $2.000000030e-01, v6;
	v5 =	vadd.f32 v11, v5;
	v11 =	vld.idx.msk [tilespmem:v18+s16+$0x0], $0xffff  }
0x1fa: {  	v7 =	vld.idx.msk [tilespmem:v18+s15+$0x0], $0xffff;
	v3 =	vadd.f32 v4, v3;
	v4 =	vmul.f32 v9, v58  }
0x1fb: {  	v6 =	vmax.f32 v6, v51;
	v51 =	vmul.f32 $2.000000030e-01, v5;
	v8 =	vadd.f32 v12, v8;
	v9 =	vld.idx.msk [tilespmem:v2+s15+$0x0], $0xffff  }
0x1fc: {  	v2 =	vld.idx.msk [tilespmem:v2+s16+$0x0], $0xffff;
	v3 =	vadd.f32 v4, v3;
	v4 =	vmul.f32 v6, v59  }
0x1fd: {  	v5 =	vmax.f32 v5, v51;
	v10 =	vadd.f32 v13, v10;
	v6 =	vmul.f32 $2.000000030e-01, v8  }
0x1fe: {  	v3 =	vadd.f32 v4, v3;
	v4 =	vmul.f32 v5, v60  }
0x1ff: {  	p0 =	sne.s32 s24, $0x7C;
	v7 =	vadd.f32 v11, v7;
	v5 =	vmax.f32 v8, v6;
	v6 =	vmul.f32 $2.000000030e-01, v10  }
.Ltmp0:
0x200: {  	v5 =	vmul.f32 v5, v61;
	v4 =	vadd.f32 v4, v3;
	(pc) =	sbr.rel @p0 .LBB2_3-.Ltmp0, $4  }
0x201: {  	v8 =	vmul.f32 $2.000000030e-01, v7;
	v6 =	vmax.f32 v10, v6;
	v3 =	vadd.f32 v2, v9  }
0x202: {  	v2 =	vmov s24;
	v6 =	vmul.f32 v6, v62;
	v4 =	vadd.f32 v5, v4  }
0x203: {  	v18 =	vmovc v20;
	v20 =	vmovc v22;
	v22 =	vmov v24;
	v7 =	vmax.f32 v7, v8;
	v2 =	vshll.u32 v2, $0x7  }
0x204: {  	v24 =	vmovc v26;
	v26 =	vmovc v28;
	s24 =	sadd.s32 $0x4, s24;
	v5 =	vmul.f32 $2.000000030e-01, v3;
	v4 =	vadd.f32 v6, v4;
	v6 =	vmul.f32 v7, v63  }
0x205: {  	_ = 	snop  }
0x206: {  	v2 =	vor.u32 v27, v2;
	v3 =	vmax.f32 v3, v5  }
0x207: {  	v14 =	vor.u32 v17, v2;
	v4 =	vadd.f32 v6, v4;
	v3 =	vmul.f32 v3, v0;
	_ =	sdelay $0x1  }
0x208: {  	v6 =	vor.u32 v18, v2;
	v51 =	vadd.f32 v3, v4  }
0x209: {  	s23 =	sadd.s32 $0x10, s23  }
0x20a: {  	[tilespmem:s23+$0x0] =	vst v51  }
0x20b: {  	v4 =	vld.idx.msk [tilespmem:v14+s16+$0x0], $0xffff  }
0x20c: {  	v5 =	vld.idx.msk [tilespmem:v14+s15+$0x0], $0xffff  }
0x20d: {  	v3 =	vor.u32 v19, v2;
	v8 =	vld.idx.msk [tilespmem:v6+s15+$0x0], $0xffff  }
0x20e: {  	v6 =	vld.idx.msk [tilespmem:v6+s16+$0x0], $0xffff;
	_ =	sdelay $0x2  }
0x20f: {  	v28 =	vld [tilespmem:$0x1FE10];
	v7 =	vor.u32 v20, v2;
	v4 =	vadd.f32 v4, v5  }
0x210: {  	v10 =	vld.idx.msk [tilespmem:v3+s15+$0x0], $0xffff  }
0x211: {  	v3 =	vld.idx.msk [tilespmem:v3+s16+$0x0], $0xffff;
	v6 =	vadd.f32 v6, v8;
	v14 =	vmul.f32 $2.000000030e-01, v4  }
0x212: {  	v9 =	vor.u32 v21, v2  }
0x213: {  	v4 =	vmax.f32 v4, v14;
	v14 =	vmul.f32 $2.000000030e-01, v6  }
0x214: {  	v12 =	vld.idx.msk [tilespmem:v7+s15+$0x0], $0xffff  }
0x215: {  	v5 =	vld.idx.msk [tilespmem:v7+s16+$0x0], $0xffff;
	v6 =	vmax.f32 v6, v14  }
0x216: {  	v3 =	vadd.f32 v3, v10;
	v6 =	vmul.f32 v6, v28;
	v28 =	vld [tilespmem:$0x1FE20]  }
0x217: {  	v11 =	vor.u32 v22, v2;
	v13 =	vld.idx.msk [tilespmem:v9+s15+$0x0], $0xffff  }
0x218: {  	v8 =	vld.idx.msk [tilespmem:v9+s16+$0x0], $0xffff;
	v14 =	vmul.f32 $2.000000030e-01, v3;
	_ =	sdelay $0x1  }
0x219: {  	v16 =	vld [tilespmem:$0x1FE00];
	v3 =	vmax.f32 v3, v14  }
0x21a: {  	v5 =	vadd.f32 v5, v12;
	v3 =	vmul.f32 v3, v28;
	v28 =	vld [tilespmem:$0x1FE30]  }
0x21b: {  	v15 =	vld.idx.msk [tilespmem:v11+s15+$0x0], $0xffff;
	v7 =	vor.u32 v23, v2  }
0x21c: {  	v11 =	vld.idx.msk [tilespmem:v11+s16+$0x0], $0xffff;
	v8 =	vadd.f32 v8, v13;
	v13 =	vmul.f32 $2.000000030e-01, v5;
	_ =	sdelay $0x1  }
0x21d: {  	v5 =	vmax.f32 v5, v13  }
0x21e: {  	v5 =	vmul.f32 v5, v28;
	v28 =	vld [tilespmem:$0x1FE40]  }
0x21f: {  	v9 =	vor.u32 v24, v2;
	v4 =	vmul.f32 v4, v16;
	v16 =	vld.idx.msk [tilespmem:v7+s15+$0x0], $0xffff  }
0x220: {  	v11 =	vadd.f32 v11, v15;
	v7 =	vld.idx.msk [tilespmem:v7+s16+$0x0], $0xffff;
	v15 =	vmul.f32 $2.000000030e-01, v8;
	_ =	sdelay $0x1  }
0x221: {  	v8 =	vmax.f32 v8, v15  }
0x222: {  	v8 =	vmul.f32 v8, v28;
	v28 =	vld [tilespmem:$0x1FE50]  }
0x223: {  	v10 =	vor.u32 v25, v2;
	v14 =	vld.idx.msk [tilespmem:v9+s15+$0x0], $0xffff  }
0x224: {  	v9 =	vld.idx.msk [tilespmem:v9+s16+$0x0], $0xffff;
	v7 =	vadd.f32 v7, v16;
	v16 =	vmul.f32 $2.000000030e-01, v11;
	_ =	sdelay $0x1  }
0x225: {  	v11 =	vmax.f32 v11, v16  }
0x226: {  	v11 =	vmul.f32 v11, v28;
	v28 =	vld [tilespmem:$0x1FE60]  }
0x227: {  	v12 =	vor.u32 v26, v2;
	v13 =	vld.idx.msk [tilespmem:v10+s15+$0x0], $0xffff  }
0x228: {  	v10 =	vld.idx.msk [tilespmem:v10+s16+$0x0], $0xffff;
	v9 =	vadd.f32 v9, v14;
	v14 =	vmul.f32 $2.000000030e-01, v7;
	_ =	sdelay $0x1  }
0x229: {  	v4 =	vadd.f32 $0.0e+00, v4;
	v7 =	vmax.f32 v7, v14  }
0x22a: {  	v7 =	vmul.f32 v7, v28;
	v28 =	vld [tilespmem:$0x1FE70]  }
0x22b: {  	v4 =	vadd.f32 v6, v4;
	v6 =	vor.u32 v29, v2;
	v15 =	vld.idx.msk [tilespmem:v12+s15+$0x0], $0xffff  }
0x22c: {  	v12 =	vld.idx.msk [tilespmem:v12+s16+$0x0], $0xffff;
	v10 =	vadd.f32 v10, v13;
	v13 =	vmul.f32 $2.000000030e-01, v9;
	_ =	sdelay $0x1  }
0x22d: {  	v9 =	vmax.f32 v9, v13  }
0x22e: {  	v9 =	vmul.f32 v9, v28;
	v28 =	vld [tilespmem:$0x1FE80]  }
0x22f: {  	v3 =	vadd.f32 v3, v4;
	v4 =	vor.u32 v30, v2;
	v16 =	vld.idx.msk [tilespmem:v6+s15+$0x0], $0xffff  }
0x230: {  	v6 =	vld.idx.msk [tilespmem:v6+s16+$0x0], $0xffff;
	v12 =	vadd.f32 v12, v15;
	v15 =	vmul.f32 $2.000000030e-01, v10;
	_ =	sdelay $0x1  }
0x231: {  	v10 =	vmax.f32 v10, v15  }
0x232: {  	v10 =	vmul.f32 v10, v28;
	v28 =	vld [tilespmem:$0x1FE90]  }
0x233: {  	v3 =	vadd.f32 v5, v3;
	v5 =	vor.u32 v31, v2;
	v14 =	vld.idx.msk [tilespmem:v4+s15+$0x0], $0xffff  }
0x234: {  	v4 =	vld.idx.msk [tilespmem:v4+s16+$0x0], $0xffff;
	v6 =	vadd.f32 v6, v16;
	v16 =	vmul.f32 $2.000000030e-01, v12;
	_ =	sdelay $0x1  }
0x235: {  	v12 =	vmax.f32 v12, v16  }
0x236: {  	v12 =	vmul.f32 v12, v28;
	v28 =	vld [tilespmem:$0x1FEA0]  }
0x237: {  	v3 =	vadd.f32 v8, v3;
	v8 =	vor.u32 v32, v2;
	v13 =	vld.idx.msk [tilespmem:v5+s15+$0x0], $0xffff  }
0x238: {  	v5 =	vld.idx.msk [tilespmem:v5+s16+$0x0], $0xffff;
	v4 =	vadd.f32 v4, v14;
	v14 =	vmul.f32 $2.000000030e-01, v6;
	_ =	sdelay $0x1  }
0x239: {  	v6 =	vmax.f32 v6, v14  }
0x23a: {  	v6 =	vmul.f32 v6, v28;
	v28 =	vld [tilespmem:$0x1FEB0]  }
0x23b: {  	v3 =	vadd.f32 v11, v3;
	v11 =	vor.u32 v33, v2;
	v15 =	vld.idx.msk [tilespmem:v8+s15+$0x0], $0xffff  }
0x23c: {  	v8 =	vld.idx.msk [tilespmem:v8+s16+$0x0], $0xffff;
	v5 =	vadd.f32 v5, v13;
	v13 =	vmul.f32 $2.000000030e-01, v4;
	_ =	sdelay $0x1  }
0x23d: {  	v4 =	vmax.f32 v4, v13  }
0x23e: {  	v4 =	vmul.f32 v4, v28;
	v28 =	vld [tilespmem:$0x1FEC0]  }
0x23f: {  	v16 =	vld.idx.msk [tilespmem:v11+s15+$0x0], $0xffff  }
0x240: {  	v3 =	vadd.f32 v7, v3;
	v11 =	vld.idx.msk [tilespmem:v11+s16+$0x0], $0xffff;
	v8 =	vadd.f32 v8, v15;
	v15 =	vmul.f32 $2.000000030e-01, v5  }
0x241: {  	v7 =	vor.u32 v34, v2  }
0x242: {  	v5 =	vmax.f32 v5, v15;
	v3 =	vadd.f32 v9, v3  }
0x243: {  	v5 =	vmul.f32 v5, v28;
	v28 =	vld [tilespmem:$0x1FED0]  }
0x244: {  	v3 =	vadd.f32 v10, v3  }
0x245: {  	v11 =	vadd.f32 v11, v16;
	v16 =	vmul.f32 $2.000000030e-01, v8  }
0x246: {  	v9 =	vor.u32 v35, v2;
	v14 =	vld.idx.msk [tilespmem:v7+s15+$0x0], $0xffff;
	v3 =	vadd.f32 v12, v3  }
0x247: {  	v7 =	vld.idx.msk [tilespmem:v7+s16+$0x0], $0xffff;
	v8 =	vmax.f32 v8, v16  }
0x248: {  	v3 =	vadd.f32 v6, v3;
	v8 =	vmul.f32 v8, v28;
	v28 =	vld [tilespmem:$0x1FEE0]  }
0x249: {  	v10 =	vor.u32 v36, v2  }
0x24a: {  	v3 =	vadd.f32 v4, v3;
	v4 =	vor.u32 v39, v2;
	v39 =	vmul.f32 $2.000000030e-01, v11  }
0x24b: {  	v13 =	vld.idx.msk [tilespmem:v9+s15+$0x0], $0xffff  }
0x24c: {  	v9 =	vld.idx.msk [tilespmem:v9+s16+$0x0], $0xffff;
	v12 =	vor.u32 v37, v2;
	v11 =	vmax.f32 v11, v39  }
0x24d: {  	v7 =	vadd.f32 v7, v14;
	v11 =	vmul.f32 v11, v28;
	v28 =	vld [tilespmem:$0x1FEF0]  }
0x24e: {  	v15 =	vld.idx.msk [tilespmem:v10+s15+$0x0], $0xffff  }
0x24f: {  	v10 =	vld.idx.msk [tilespmem:v10+s16+$0x0], $0xffff;
	v39 =	vmul.f32 $2.000000030e-01, v7;
	_ =	sdelay $0x1  }
0x250: {  	v6 =	vor.u32 v38, v2;
	v16 =	vld.idx.msk [tilespmem:v12+s15+$0x0], $0xffff;
	v7 =	vmax.f32 v7, v39  }
0x251: {  	v9 =	vadd.f32 v9, v13;
	v7 =	vmul.f32 v7, v28;
	v28 =	vld [tilespmem:$0x1FF00]  }
0x252: {  	v12 =	vld.idx.msk [tilespmem:v12+s16+$0x0], $0xffff  }
0x253: {  	v10 =	vadd.f32 v10, v15;
	v15 =	vmul.f32 $2.000000030e-01, v9;
	_ =	sdelay $0x1  }
0x254: {  	v9 =	vmax.f32 v9, v15;
	v14 =	vld.idx.msk [tilespmem:v6+s15+$0x0], $0xffff;
	v3 =	vadd.f32 v5, v3;
	v5 =	vor.u32 v40, v2  }
0x255: {  	v9 =	vmul.f32 v9, v28;
	v28 =	vld [tilespmem:$0x1FF10]  }
0x256: {  	v6 =	vld.idx.msk [tilespmem:v6+s16+$0x0], $0xffff;
	v12 =	vadd.f32 v12, v16  }
0x257: {  	v16 =	vmul.f32 $2.000000030e-01, v10;
	v13 =	vld.idx.msk [tilespmem:v4+s15+$0x0], $0xffff;
	v3 =	vadd.f32 v8, v3;
	v8 =	vor.u32 v41, v2  }
0x258: {  	v4 =	vld.idx.msk [tilespmem:v4+s16+$0x0], $0xffff  }
0x259: {  	v10 =	vmax.f32 v10, v16;
	v15 =	vld.idx.msk [tilespmem:v5+s15+$0x0], $0xffff;
	v3 =	vadd.f32 v11, v3;
	v11 =	vor.u32 v42, v2  }
0x25a: {  	v10 =	vmul.f32 v10, v28;
	v28 =	vld [tilespmem:$0x1FF20]  }
0x25b: {  	v5 =	vld.idx.msk [tilespmem:v5+s16+$0x0], $0xffff;
	v3 =	vadd.f32 v7, v3;
	v7 =	vor.u32 v43, v2  }
0x25c: {  	v39 =	vmul.f32 $2.000000030e-01, v12;
	v6 =	vadd.f32 v6, v14;
	v16 =	vld.idx.msk [tilespmem:v8+s15+$0x0], $0xffff  }
0x25d: {  	v8 =	vld.idx.msk [tilespmem:v8+s16+$0x0], $0xffff;
	v3 =	vadd.f32 v9, v3;
	v9 =	vor.u32 v44, v2  }
0x25e: {  	v12 =	vmax.f32 v12, v39;
	v39 =	vmul.f32 $2.000000030e-01, v6;
	v4 =	vadd.f32 v4, v13;
	v14 =	vld.idx.msk [tilespmem:v11+s15+$0x0], $0xffff  }
0x25f: {  	v11 =	vld.idx.msk [tilespmem:v11+s16+$0x0], $0xffff;
	v3 =	vadd.f32 v10, v3;
	v10 =	vor.u32 v45, v2;
	v12 =	vmul.f32 v12, v28  }
0x260: {  	v6 =	vmax.f32 v6, v39;
	v5 =	vadd.f32 v5, v15;
	v15 =	vmul.f32 $2.000000030e-01, v4;
	v13 =	vld.idx.msk [tilespmem:v7+s15+$0x0], $0xffff  }
0x261: {  	v6 =	vmul.f32 v6, v54;
	v7 =	vld.idx.msk [tilespmem:v7+s16+$0x0], $0xffff;
	v3 =	vadd.f32 v12, v3;
	v12 =	vor.u32 v46, v2  }
0x262: {  	v4 =	vmax.f32 v4, v15;
	v8 =	vadd.f32 v8, v16;
	v16 =	vmul.f32 $2.000000030e-01, v5;
	v15 =	vld.idx.msk [tilespmem:v9+s15+$0x0], $0xffff  }
0x263: {  	v4 =	vmul.f32 v4, v53;
	v9 =	vld.idx.msk [tilespmem:v9+s16+$0x0], $0xffff;
	v3 =	vadd.f32 v6, v3;
	v6 =	vor.u32 v47, v2  }
0x264: {  	v5 =	vmax.f32 v5, v16;
	v39 =	vmul.f32 $2.000000030e-01, v8;
	v11 =	vadd.f32 v11, v14;
	v16 =	vld.idx.msk [tilespmem:v10+s15+$0x0], $0xffff  }
0x265: {  	v5 =	vmul.f32 v5, v55;
	v10 =	vld.idx.msk [tilespmem:v10+s16+$0x0], $0xffff;
	v3 =	vadd.f32 v4, v3;
	v4 =	vor.u32 v48, v2  }
0x266: {  	v8 =	vmax.f32 v8, v39;
	v39 =	vmul.f32 $2.000000030e-01, v11;
	v7 =	vadd.f32 v7, v13;
	v14 =	vld.idx.msk [tilespmem:v12+s15+$0x0], $0xffff  }
0x267: {  	v8 =	vmul.f32 v8, v52;
	v12 =	vld.idx.msk [tilespmem:v12+s16+$0x0], $0xffff;
	v3 =	vadd.f32 v5, v3;
	v5 =	vor.u32 v49, v2  }
0x268: {  	v11 =	vmax.f32 v11, v39;
	v9 =	vadd.f32 v9, v15;
	v15 =	vmul.f32 $2.000000030e-01, v7;
	v13 =	vld.idx.msk [tilespmem:v6+s15+$0x0], $0xffff  }
0x269: {  	v2 =	vor.u32 v50, v2;
	v6 =	vld.idx.msk [tilespmem:v6+s16+$0x0], $0xffff;
	v3 =	vadd.f32 v8, v3;
	v8 =	vmul.f32 v11, v56  }
0x26a: {  	v7 =	vmax.f32 v7, v15;
	v15 =	vmul.f32 $2.000000030e-01, v9;
	v10 =	vadd.f32 v10, v16;
	v11 =	vld.idx.msk [tilespmem:v4+s15+$0x0], $0xffff  }
0x26b: {  	v7 =	vmul.f32 v7, v57;
	v4 =	vld.idx.msk [tilespmem:v4+s16+$0x0], $0xffff;
	v3 =	vadd.f32 v8, v3  }
0x26c: {  	v39 =	vmul.f32 $2.000000030e-01, v10;
	v8 =	vmax.f32 v9, v15;
	v12 =	vadd.f32 v12, v14;
	v9 =	vld.idx.msk [tilespmem:v5+s15+$0x0], $0xffff  }
0x26d: {  	v5 =	vld.idx.msk [tilespmem:v5+s16+$0x0], $0xffff;
	v3 =	vadd.f32 v7, v3;
	v7 =	vmul.f32 v8, v58  }
0x26e: {  	v8 =	vmax.f32 v10, v39;
	v10 =	vld.idx.msk [tilespmem:v2+s15+$0x0], $0xffff;
	v6 =	vadd.f32 v6, v13;
	v39 =	vmul.f32 $2.000000030e-01, v12  }
0x26f: {  	v2 =	vld.idx.msk [tilespmem:v2+s16+$0x0], $0xffff;
	v3 =	vadd.f32 v7, v3;
	v7 =	vmul.f32 v8, v59  }
0x270: {  	v8 =	vmax.f32 v12, v39;
	v4 =	vadd.f32 v4, v11;
	v11 =	vmul.f32 $2.000000030e-01, v6  }
0x271: {  	v3 =	vadd.f32 v7, v3;
	v7 =	vmul.f32 v8, v60  }
0x272: {  	v6 =	vmax.f32 v6, v11;
	v5 =	vadd.f32 v5, v9;
	v8 =	vmul.f32 $2.000000030e-01, v4  }
0x273: {  	v6 =	vmul.f32 v6, v61;
	v3 =	vadd.f32 v7, v3  }
0x274: {  	v2 =	vadd.f32 v2, v10;
	v4 =	vmax.f32 v4, v8;
	v7 =	vmul.f32 $2.000000030e-01, v5  }
0x275: {  	v4 =	vmul.f32 v4, v62;
	v3 =	vadd.f32 v6, v3  }
0x276: {  	v5 =	vmax.f32 v5, v7;
	v6 =	vmul.f32 $2.000000030e-01, v2  }
0x277: {  	v39 =	vmul.f32 v5, v63;
	v3 =	vadd.f32 v4, v3  }
0x278: {  	v2 =	vmax.f32 v2, v6  }
0x279: {  	v2 =	vmul.f32 v2, v0;
	v3 =	vadd.f32 v39, v3;
	_ =	sdelay $0x1  }
0x27a: {  	s21 =	sadd.s32 $0x1, s21;
	v2 =	vadd.f32 v2, v3  }
0x27b: {  	s22 =	sshll.u32 s22, $0x6;
	p0 =	sne.s32 s21, $0x51;
	s23 =	sadd.s32 $0x10, s23  }
.Ltmp1:
0x27c: {  	s22 =	sadd.s32 s8, s22;
	[tilespmem:s23+$0x0] =	vst v2;
	(pc) =	sbr.rel @p0 .LBB2_2-.Ltmp1, $4  }
0x27d: {  	[hbm4b:s22+s2] =	stream.linear.scatter [tilespmem:s19], [sflag:$0x3], $0x200, $0x38;
	[tilespmem:$0x8380] =	vst v63  }
0x27e: {  	_ =	swait.ge [sflag:s12], $0x200  }
0x27f: {  	v1 =	vmax.f32 v1, v51;
	[sflag:s12] =	ssyncset.done $0x0  }
0x280: {  	v9 =	vmovc v41;
	v10 =	vmov v42;
	v8 =	vmov v40;
	v1 =	vmax.f32 v1, v2;
	[sflag:s12] =	ssyncadd.s32 $0xFFFFFE00  }
0x281: {  	s20 =	sadd.s32 $0x1, s20  }
0x282: {  	p0 =	sne.s32 s20, s11  }
.Ltmp2:
0x283: {  	[tilespmem:$0x8180] =	vst v1;
	(pc) =	sbr.rel @p0 .LBB2_1-.Ltmp2, $4  }
0x284: {  	[hbm4b:s10+s2] =	stream.linear.scatter [tilespmem:s19], [sflag:$0x3], $0x10, $0x38;
	[tilespmem:$0x8380] =	vst v63  }
0x285: {  	_ =	swait.ge [sflag:s12], $0x10  }
0x286: {  	[sflag:s12] =	ssyncset.done $0x0  }
0x287: {  	[sflag:s12] =	ssyncadd.s32 $0xFFFFFFF0  }
0x288: {  	_ =	sfence.sel $0x180000  }
0x289: {  	[bflag:$0x0] =	sbarrier.arrive $0xFFFF  }
0x28a: {  	p0 =	sne.s32 s3, $0x0;
	_ =	strace $0x90000047  }
0x28b: {  	s0 =	sadd.s32 @!p0 $0x100000, s0;
	[bflag:$0x2] =	sbarrier.arrive $0xFFFF  }
0x28c: {  	[sflag:s0] =	ssyncadd.tile.s32 @!p0 $0x1;
	_ =	shalt  }
.Lfunc_end2:
_tile_overlayer_lowered:
.L_overlay_start_2:
0x28d: {  	(tag) =	ssettag $0x2  }
0x28e: {  	s0 =	rddreg [dreg:$0x0];
	s2 =	stileid.u32  }
0x28f: {  	s1 =	rddreg [dreg:$0x1];
	p0 =	sne.s32 s2, $0x0  }
0x290: {  	s3 =	rddreg [dreg:$0x2];
	[bflag:$0x3] =	sbarrier.arrive $0xFFFF;
	s2 =	simm.s32 @!p0 $0x1C03  }
0x291: {  	[timem:s3], [sflag:s2] =	dma.local @!p0 [hbm:s0], s1  }
0x292: {  	s0 =	simm.s32 @!p0 $0x3  }
0x293: {  	_ =	swait.ge @!p0 [sflag:s0], s1  }
0x294: {  	s1 =	ssub.s32 @!p0 $0x0, s1;
	[sflag:s0] =	ssyncset.done @!p0 $0x0  }
0x295: {  	[sflag:s0] =	ssyncadd.s32 @!p0 s1  }
0x296: {  	[bflag:$0x3] =	sbarrier.arrive $0xFFFF  }
0x297: {  	_ =	shalt  }

</sc_bundles>
